<compile_context>
chip_gen: v7x
topology: tpu7x:2x2x1
jax: 0.10.2.dev20260603
libtpu: 0.0.44.dev20260713+nightly
codegen_flags: <defaults>
</compile_context>

<pallas_src>
import functools

import jax
import jax.numpy as jnp
from jax import lax
from jax.experimental import pallas as pl
from jax.experimental.pallas import tpu as pltpu
from jax.experimental.pallas import tpu_sc as plsc

N = 10000
IN = 128
H1, C1 = 8, 128
D1A = C1 + 16
D2 = 64
D2A = 80

NC, NS = 2, 16
NW = NC * NS
CH = 688
NCH = 15
EW = CH * NCH
EP = NW * EW
SR = N // NS
NCH_E = 2 * NCH
NE = 5120
SRE = NE // NS
W80 = 80
CHC = 480
NCHC = 20640 // CHC

_i32 = jnp.int32
_f32 = jnp.float32


def _iota16():
    return jax.lax.iota(_i32, 16)


def _tc_a_body(x_ref, w1_ref, as_ref, ad_ref, *out_refs):
    x = x_ref[...]
    s_parts = []
    d_parts = []
    l_parts = []
    r_parts = []
    for h in range(H1):
        w = w1_ref[:, h * C1:(h + 1) * C1]
        ph = jnp.dot(x, w, preferred_element_type=_f32)
        ones = jnp.ones((ph.shape[0], 1), _f32)
        zpad = jnp.zeros((ph.shape[0], 31), _f32)
        l_parts.append(ph[:, :W80][None])
        r_parts.append(jnp.concatenate([ph[:, W80:], ones, zpad], axis=1)[None])
        s_parts.append((ph * as_ref[h][None, :]).sum(axis=1, keepdims=True))
        d_parts.append((ph * ad_ref[h][None, :]).sum(axis=1, keepdims=True))
    out_refs[0][...] = jnp.concatenate(l_parts, axis=0)
    out_refs[1][...] = jnp.concatenate(r_parts, axis=0)
    out_refs[2][...] = jnp.concatenate(s_parts + d_parts, axis=1)


def _tc_a(x, W1, att_src1, att_dst1):
    R = 1000
    grid = (N // R,)
    outs = [jax.ShapeDtypeStruct((H1, N, W80), _f32) for _ in range(2)]
    outs.append(jax.ShapeDtypeStruct((N, 16), _f32))
    out_specs = [pl.BlockSpec((H1, R, W80), lambda i: (0, i, 0))
                 for _ in range(2)]
    out_specs.append(pl.BlockSpec((R, 16), lambda i: (i, 0)))
    return pl.pallas_call(
        _tc_a_body,
        grid=grid,
        in_specs=[
            pl.BlockSpec((R, IN), lambda i: (i, 0)),
            pl.BlockSpec((IN, H1 * C1), lambda i: (0, 0)),
            pl.BlockSpec((H1, C1), lambda i: (0, 0)),
            pl.BlockSpec((H1, C1), lambda i: (0, 0)),
        ],
        out_specs=out_specs,
        out_shape=outs,
    )(x, W1, att_src1, att_dst1)


def _sc_b_body(src_ref, dst_ref, asd_ref, et_ref,
               srcc, dstc, asr, adr, ehv):
    c = lax.axis_index("c")
    s = lax.axis_index("s")
    wid = s * NC + c
    gbase = wid * EW
    iota = _iota16()

    def chunk(k, carry):
        off = gbase + k * CH
        pltpu.sync_copy(src_ref.at[pl.ds(off, CH)], srcc)
        pltpu.sync_copy(dst_ref.at[pl.ds(off, CH)], dstc)
        pltpu.sync_copy(asd_ref.at[srcc], asr)
        pltpu.sync_copy(asd_ref.at[dstc], adr)
        for h in range(H1):
            def body(g, carry2, h=h):
                rows = g * 16 + iota
                a_s = plsc.load_gather(asr, [rows, jnp.full((16,), h, _i32)])
                a_d = plsc.load_gather(adr, [rows, jnp.full((16,), 8 + h, _i32)])
                a = a_s + a_d
                a = jnp.where(a >= 0, a, 0.2 * a)
                e = jnp.exp(a)
                gid = off + rows
                e = jnp.where(gid < (320000 + N), e, jnp.zeros((16,), _f32))
                ehv[pl.ds(g * 16, 16)] = e
                return carry2
            lax.fori_loop(0, CH // 16, body, 0)
            pltpu.sync_copy(ehv, et_ref.at[h, pl.ds(off, CH)])
        return carry

    lax.fori_loop(0, NCH, chunk, 0)


def _sc_b(srcP, dstP, asd1):
    mesh = plsc.VectorSubcoreMesh(core_axis_name="c", subcore_axis_name="s")
    kern = pl.kernel(
        _sc_b_body,
        out_type=jax.ShapeDtypeStruct((H1, EP), _f32),
        mesh=mesh,
        compiler_params=pltpu.CompilerParams(use_tc_tiling_on_sc=False, needs_layout_passes=False),
        scratch_types=[
            pltpu.VMEM((CH,), _i32),
            pltpu.VMEM((CH,), _i32),
            pltpu.VMEM((CH, 16), _f32),
            pltpu.VMEM((CH, 16), _f32),
            pltpu.VMEM((CH,), _f32),
        ],
    )
    return kern(srcP, dstP, asd1)


def _scale_rows(rows, ev, width, count=CH):
    nv = width // 16
    iota = _iota16()

    def body(g, carry):
        evec = ev[pl.ds(g * 16, 16)]
        for lane in range(16):
            e = jnp.full((16,), evec[lane], _f32)
            j = g * 16 + lane
            for cblk in range(nv):
                rows[j, pl.ds(cblk * 16, 16)] = rows[j, pl.ds(cblk * 16, 16)] * e
        return carry

    lax.fori_loop(0, count // 16, body, 0)


def _drain(dummy_hbm, vbuf, sem):
    pltpu.make_async_copy(dummy_hbm, vbuf, sem).wait()


def _sc_c_body(src_ref, dst_ref, et_ref, zeros_ref, dummy_ref, tl_ref, tr_ref,
               u0_ref, u1_ref,
               srcc0, srcc1, dstc0, dstc1, ev0, ev1, rows0, rows1, ush,
               gsem0, gsem1):
    c = lax.axis_index("c")
    s = lax.axis_index("s")
    gbase = s * (NCHC * CHC)
    iota = _iota16()
    srcc = (srcc0, srcc1)
    dstc = (dstc0, dstc1)
    ev = (ev0, ev1)
    rows = (rows0, rows1)
    gsem = (gsem0, gsem1)
    dummy = dummy_ref
    TOT = H1 * NCHC

    def load_src_ev(t, b):
        h = t // NCHC
        off = gbase + (t % NCHC) * CHC
        pltpu.sync_copy(src_ref.at[pl.ds(off, CHC)], srcc[b])
        pltpu.sync_copy(et_ref.at[pl.ds(h * EP + off, CHC)], ev[b])
        hbase = h * N

        def shift(g, carry):
            srcc[b][pl.ds(g * 16, 16)] = srcc[b][pl.ds(g * 16, 16)] + hbase
            return carry

        lax.fori_loop(0, CHC // 16, shift, 0)

    def load_dst(t, b):
        off = gbase + (t % NCHC) * CHC
        pltpu.sync_copy(dst_ref.at[pl.ds(off, CHC)], dstc[b])

    def start_gather(b):
        @pl.when(c == 0)
        def _():
            pltpu.async_copy(tl_ref.at[srcc[b]], rows[b], gsem[b])
        @pl.when(c == 1)
        def _():
            pltpu.async_copy(tr_ref.at[srcc[b]], rows[b], gsem[b])

    pltpu.sync_copy(zeros_ref.at[pl.ds(s * SR, SR)],
                    ush.at[pl.ds(s * SR, SR)])
    plsc.subcore_barrier()
    load_src_ev(0, 0)
    load_dst(0, 0)
    start_gather(0)

    def step(t, carry):
        for b in range(2):
            @pl.when(t % 2 == b)
            def _(b=b):
                nb = 1 - b
                @pl.when(t + 1 < TOT)
                def _():
                    load_src_ev(t + 1, nb)
                    load_dst(t + 1, nb)
                _drain(dummy, rows[b], gsem[b])
                @pl.when(t + 1 < TOT)
                def _():
                    start_gather(nb)
                _scale_rows(rows[b], ev[b], W80, CHC)
                pltpu.sync_copy(rows[b], ush.at[dstc[b]], add=True)
                @pl.when(t % NCHC == NCHC - 1)
                def _():
                    h = t // NCHC
                    plsc.subcore_barrier()
                    @pl.when(c == 0)
                    def _():
                        pltpu.sync_copy(ush.at[pl.ds(s * SR, SR)],
                                        u0_ref.at[pl.ds(h * N + s * SR, SR)])
                    @pl.when(c == 1)
                    def _():
                        pltpu.sync_copy(ush.at[pl.ds(s * SR, SR)],
                                        u1_ref.at[pl.ds(h * N + s * SR, SR)])
                    pltpu.sync_copy(zeros_ref.at[pl.ds(s * SR, SR)],
                                    ush.at[pl.ds(s * SR, SR)])
                    plsc.subcore_barrier()
        return carry

    lax.fori_loop(0, TOT, step, 0)


def _sc_c(srcP, dstP, eT, TL, TR, zerosC, dummyC):
    mesh = plsc.VectorSubcoreMesh(core_axis_name="c", subcore_axis_name="s")
    kern = pl.kernel(
        _sc_c_body,
        out_type=[jax.ShapeDtypeStruct((H1 * N, W80), _f32),
                  jax.ShapeDtypeStruct((H1 * N, W80), _f32)],
        mesh=mesh,
        compiler_params=pltpu.CompilerParams(use_tc_tiling_on_sc=False, needs_layout_passes=False),
        scratch_types=[
            pltpu.VMEM((CHC,), _i32),
            pltpu.VMEM((CHC,), _i32),
            pltpu.VMEM((CHC,), _i32),
            pltpu.VMEM((CHC,), _i32),
            pltpu.VMEM((CHC,), _f32),
            pltpu.VMEM((CHC,), _f32),
            pltpu.VMEM((CHC, W80), _f32),
            pltpu.VMEM((CHC, W80), _f32),
            pltpu.VMEM_SHARED((N, W80), _f32),
            pltpu.SemaphoreType.DMA,
            pltpu.SemaphoreType.DMA,
        ],
    )
    return kern(srcP, dstP, eT, zerosC, dummyC, TL, TR)


def _tc_d_body(ul_ref, ur_ref, w2_ref, as2_ref, ad2_ref, b1_ref,
               h2_ref, asd2_ref):
    parts = []
    for h in range(H1):
        ul = ul_ref[h]
        ur = ur_ref[h]
        den = ur[:, 48:49] + 1e-16
        xh = jnp.concatenate([ul, ur[:, :48]], axis=1) / den + b1_ref[h][None, :]
        parts.append(jnp.maximum(xh, 0.0))
    x1 = jnp.concatenate(parts, axis=1)
    h2 = jnp.dot(x1, w2_ref[...], preferred_element_type=_f32)
    s2 = (h2 * as2_ref[...]).sum(axis=1, keepdims=True)
    d2 = (h2 * ad2_ref[...]).sum(axis=1, keepdims=True)
    ones = jnp.ones((h2.shape[0], 1), _f32)
    zp = jnp.zeros((h2.shape[0], 15), _f32)
    h2_ref[...] = jnp.concatenate([h2, ones, zp], axis=1)
    asd2_ref[...] = jnp.concatenate([s2, d2, jnp.zeros((h2.shape[0], 14), _f32)],
                                    axis=1)


def _tc_d(UL, UR, W2, att_src2, att_dst2, bias1):
    R = 1000
    grid = (N // R,)
    return pl.pallas_call(
        _tc_d_body,
        grid=grid,
        in_specs=[
            pl.BlockSpec((H1, R, W80), lambda i: (0, i, 0)),
            pl.BlockSpec((H1, R, W80), lambda i: (0, i, 0)),
            pl.BlockSpec((H1 * C1, D2), lambda i: (0, 0)),
            pl.BlockSpec((1, D2), lambda i: (0, 0)),
            pl.BlockSpec((1, D2), lambda i: (0, 0)),
            pl.BlockSpec((H1, C1), lambda i: (0, 0)),
        ],
        out_specs=[
            pl.BlockSpec((R, D2A), lambda i: (i, 0)),
            pl.BlockSpec((R, 16), lambda i: (i, 0)),
        ],
        out_shape=[
            jax.ShapeDtypeStruct((N, D2A), _f32),
            jax.ShapeDtypeStruct((N, 16), _f32),
        ],
    )(UL, UR, W2, att_src2, att_dst2, bias1)


def _sc_e_body(src_ref, dst_ref, asd_ref, h2_ref, zeros_ref, u_ref,
               srcc, dstc, asr, adr, ev, rows, ush):
    c = lax.axis_index("c")
    s = lax.axis_index("s")
    gbase = s * (NCH_E * CH)
    iota = _iota16()
    pltpu.sync_copy(zeros_ref.at[pl.ds(s * SRE, SRE)],
                    ush.at[pl.ds(s * SRE, SRE)])
    plsc.subcore_barrier()
    def chunk(k, carry):
        off = gbase + k * CH
        pltpu.sync_copy(src_ref.at[pl.ds(off, CH)], srcc)
        pltpu.sync_copy(dst_ref.at[pl.ds(off, CH)], dstc)
        pltpu.sync_copy(asd_ref.at[srcc], asr)
        pltpu.sync_copy(asd_ref.at[dstc], adr)

        def body(g, carry2):
            rws = g * 16 + iota
            a_s = plsc.load_gather(asr, [rws, jnp.zeros((16,), _i32)])
            a_d = plsc.load_gather(adr, [rws, jnp.ones((16,), _i32)])
            a = a_s + a_d
            a = jnp.where(a >= 0, a, 0.2 * a)
            e = jnp.exp(a)
            gid = off + rws
            e = jnp.where(gid < (320000 + N), e, jnp.zeros((16,), _f32))
            ev[pl.ds(g * 16, 16)] = e
            d = dstc[pl.ds(g * 16, 16)] - c * 5000
            d = jnp.where((d >= 0) & (d < 5000), d,
                          jnp.full((16,), 5000, _i32))
            dstc[pl.ds(g * 16, 16)] = d
            return carry2

        lax.fori_loop(0, CH // 16, body, 0)
        pltpu.sync_copy(h2_ref.at[srcc], rows)
        _scale_rows(rows, ev, D2A)
        pltpu.sync_copy(rows, ush.at[dstc], add=True)
        return carry

    lax.fori_loop(0, NCH_E, chunk, 0)
    plsc.subcore_barrier()
    pltpu.sync_copy(ush.at[pl.ds(s * SRE, SRE)],
                    u_ref.at[c, pl.ds(s * SRE, SRE)])


def _sc_e(srcP, dstP, asd2, h2aug, zerosB):
    mesh = plsc.VectorSubcoreMesh(core_axis_name="c", subcore_axis_name="s")
    kern = pl.kernel(
        _sc_e_body,
        out_type=jax.ShapeDtypeStruct((NC, NE, D2A), _f32),
        mesh=mesh,
        compiler_params=pltpu.CompilerParams(use_tc_tiling_on_sc=False, needs_layout_passes=False),
        scratch_types=[
            pltpu.VMEM((CH,), _i32),
            pltpu.VMEM((CH,), _i32),
            pltpu.VMEM((CH, 16), _f32),
            pltpu.VMEM((CH, 16), _f32),
            pltpu.VMEM((CH,), _f32),
            pltpu.VMEM((CH, D2A), _f32),
            pltpu.VMEM_SHARED((NE, D2A), _f32),
        ],
    )
    return kern(srcP, dstP, asd2, h2aug, zerosB)


def _tc_f_body(u0_ref, b2_ref, out_ref):
    u = u0_ref[...]
    den = u[:, D2:D2 + 1] + 1e-16
    out_ref[...] = u[:, :D2] / den + b2_ref[...]


def _tc_f(V0, bias2):
    R = 1000
    return pl.pallas_call(
        _tc_f_body,
        grid=(N // R,),
        in_specs=[
            pl.BlockSpec((R, D2A), lambda i: (i, 0)),
            pl.BlockSpec((1, D2), lambda i: (0, 0)),
        ],
        out_specs=pl.BlockSpec((R, D2), lambda i: (i, 0)),
        out_shape=jax.ShapeDtypeStruct((N, D2), _f32),
    )(V0, bias2)


@jax.jit
def _run1(x, edge_index, W1, att_src1, att_dst1):
    loop = jnp.arange(N, dtype=edge_index.dtype)
    pad = jnp.zeros((EP - 320000 - N,), dtype=edge_index.dtype)
    srcP = jnp.concatenate([edge_index[0], loop, pad])
    dstP = jnp.concatenate([edge_index[1], loop, pad])

    TL3, TR3, asd1 = _tc_a(x, W1, att_src1, att_dst1)

    eT = _sc_b(srcP, dstP, asd1)

    zerosC = jnp.zeros((N, W80), _f32)
    TL = TL3.reshape(H1 * N, W80)
    TR = TR3.reshape(H1 * N, W80)
    dummyC = jnp.zeros((CHC, W80), _f32)
    UL, UR = _sc_c(srcP, dstP, eT.reshape(H1 * EP), TL, TR, zerosC, dummyC)
    UL = UL.reshape(H1, N, W80)
    UR = UR.reshape(H1, N, W80)
    return srcP, dstP, zerosC, UL, UR


@jax.jit
def _run2(srcP, dstP, zerosC, UL, UR, bias1, W2, att_src2, att_dst2, bias2):
    h2aug, asd2 = _tc_d(UL, UR, W2, att_src2, att_dst2,
                        bias1.reshape(H1, C1))

    V = _sc_e(srcP, dstP, asd2, h2aug, zerosC)
    Vcat = jnp.concatenate([V[0, :5000], V[1, :5000]], axis=0)

    out2 = _tc_f(Vcat, bias2.reshape(1, D2))
    return out2[:, :D2 // 2], out2[:, D2 // 2:]


def kernel(x, edge_index, W1, att_src1, att_dst1, bias1,
           W2, att_src2, att_dst2, bias2):
    srcP, dstP, zerosC, UL, UR = _run1(x, edge_index, W1, att_src1, att_dst1)
    return _run2(srcP, dstP, zerosC, UL, UR, bias1, W2,
                 att_src2, att_dst2, bias2)

# --- scband reference (transcript-rebuilt; emitter-appended) ---
"""Pipeline reference for scband-gatencoder-59957743452469 (READ-ONLY COPY).

The authoritative reference and input builder live on the scoring server;
editing this copy changes nothing except your own understanding.
"""

import jax, jax.numpy as jnp
import numpy as np

N = 10000
E = 320000
IN = 128
OUT = 32
H1, C1 = 8, 4 * OUT      # conv1: heads=8, per-head out = 4*out_channels = 128
D1 = H1 * C1             # 1024 = 32*out_channels (concat)
H2, C2 = 1, 2 * OUT      # conv2: heads=1, out = 2*out_channels = 64


def gat_conv(x, src, dst, W, att_src, att_dst, bias):
    n = x.shape[0]
    H, C = att_src.shape
    h = (x @ W).reshape(n, H, C)
    a_s = (h * att_src[None]).sum(-1)            # [n, H]
    a_d = (h * att_dst[None]).sum(-1)            # [n, H]
    alpha = jax.nn.leaky_relu(a_s[src] + a_d[dst], 0.2)   # [Etot, H]
    m = jax.lax.stop_gradient(jax.ops.segment_max(alpha, dst, num_segments=n))
    m = jnp.where(jnp.isfinite(m), m, 0.0)
    e = jnp.exp(alpha - m[dst])
    denom = jax.ops.segment_sum(e, dst, num_segments=n)
    coef = e / (denom[dst] + 1e-16)              # softmax over incoming edges
    out = jax.ops.segment_sum(h[src] * coef[:, :, None], dst, num_segments=n)
    return out.reshape(n, H * C) + bias


def setup_inputs(seed: int = 0) -> dict:
    key = jax.random.key(seed)
    ks = jax.random.split(key, 12)
    x = jax.random.normal(ks[0], (N, IN), dtype=jnp.float32)
    edge_index = jax.random.randint(ks[1], (2, E), 0, N, dtype=jnp.int32)
    W1 = jax.random.normal(ks[2], (IN, H1 * C1), dtype=jnp.float32) / np.sqrt(IN)
    att_src1 = jax.random.normal(ks[3], (H1, C1), dtype=jnp.float32) * 0.1
    att_dst1 = jax.random.normal(ks[4], (H1, C1), dtype=jnp.float32) * 0.1
    bias1 = jnp.zeros((H1 * C1,), dtype=jnp.float32)
    W2 = jax.random.normal(ks[5], (D1, H2 * C2), dtype=jnp.float32) / np.sqrt(D1)
    att_src2 = jax.random.normal(ks[6], (H2, C2), dtype=jnp.float32) * 0.1
    att_dst2 = jax.random.normal(ks[7], (H2, C2), dtype=jnp.float32) * 0.1
    bias2 = jnp.zeros((H2 * C2,), dtype=jnp.float32)
    return {"x": x, "edge_index": edge_index,
            "W1": W1, "att_src1": att_src1, "att_dst1": att_dst1, "bias1": bias1,
            "W2": W2, "att_src2": att_src2, "att_dst2": att_dst2, "bias2": bias2}


def reference(x, edge_index, W1, att_src1, att_dst1, bias1, W2, att_src2, att_dst2, bias2):
    n = x.shape[0]
    loop = jnp.arange(n, dtype=edge_index.dtype)
    src = jnp.concatenate([edge_index[0], loop])   # PyG GATConv adds self-loops
    dst = jnp.concatenate([edge_index[1], loop])
    x1 = jax.nn.relu(gat_conv(x, src, dst, W1, att_src1, att_dst1, bias1))
    x2 = gat_conv(x1, src, dst, W2, att_src2, att_dst2, bias2)
    half = x2.shape[1] // 2
    mu = x2[:, :half]
    logstd = x2[:, half:]
    return (mu, logstd)

if __name__ == "__main__":
    import jax
    _d = setup_inputs()
    print(jax.jit(kernel)(*tuple(_d.values())))

</pallas_src>

<mosaic_0001>
#map = affine_map<(d0, d1) -> (0)>
#map1 = affine_map<(d0, d1) -> (0, 0)>
module attributes {stable_mosaic.version = 14 : i64} {
  func.func @_sc_c_body(%arg0: i32, %arg1: i32, %arg2: memref<330240xi32, #tpu.memory_space<hbm>>, %arg3: memref<330240xi32, #tpu.memory_space<hbm>>, %arg4: memref<2641920xf32, #tpu.memory_space<hbm>>, %arg5: memref<10000x80xf32, #tpu.memory_space<hbm>>, %arg6: memref<480x80xf32, #tpu.memory_space<hbm>>, %arg7: memref<80000x80xf32, #tpu.memory_space<hbm>>, %arg8: memref<80000x80xf32, #tpu.memory_space<hbm>>, %arg9: memref<80000x80xf32, #tpu.memory_space<hbm>>, %arg10: memref<80000x80xf32, #tpu.memory_space<hbm>>, %arg11: memref<480xi32, #tpu.memory_space<vmem>>, %arg12: memref<480xi32, #tpu.memory_space<vmem>>, %arg13: memref<480xi32, #tpu.memory_space<vmem>>, %arg14: memref<480xi32, #tpu.memory_space<vmem>>, %arg15: memref<480xf32, #tpu.memory_space<vmem>>, %arg16: memref<480xf32, #tpu.memory_space<vmem>>, %arg17: memref<480x80xf32, #tpu.memory_space<vmem>>, %arg18: memref<480x80xf32, #tpu.memory_space<vmem>>, %arg19: memref<10000x80xf32, #tpu.memory_space<vmem_shared>>, %arg20: memref<!tpu.dma_semaphore, #tpu.memory_space<semaphore_mem>>, %arg21: memref<!tpu.dma_semaphore, #tpu.memory_space<semaphore_mem>>) attributes {dimension_semantics = [#tpu.dimension_semantics<core_parallel>, #tpu.dimension_semantics<subcore_parallel>], iteration_bounds = array<i64: 2, 16>, scalar_prefetch = 0 : i64, scratch_operands = 11 : i64, tpu.core_type = #tpu.core_type<sc_vector_subcore>, window_params = [{transform_indices = #map}, {transform_indices = #map}, {transform_indices = #map}, {transform_indices = #map1}, {transform_indices = #map1}, {transform_indices = #map1}, {transform_indices = #map1}, {transform_indices = #map1}, {transform_indices = #map1}]} {
    %mul3A = arith.constant 20640 : i32
    %mul3A_0 = arith.muli %arg1, %mul3A : i32
    %iota3A = tpu.iota {dimensions = array<i32: 0>} : vector<16xi32>
    %mul3A_1 = arith.constant 625 : i32
    %mul3A_2 = arith.muli %arg1, %mul3A_1 : i32
    %mul3A_3 = arith.constant 625 : i32
    %mul3A_4 = arith.muli %arg1, %mul3A_3 : i32
    "tpu.region"() ({
      %run_scoped3A = tpu.sem_alloc : memref<!tpu.dma_semaphore, #tpu.memory_space<semaphore_mem>>
      %dma_start3A = arith.constant 0 : i32
      %dma_start3A_28 = tpu.memref_slice %arg19[%mul3A_4, %dma_start3A] : memref<10000x80xf32, #tpu.memory_space<vmem_shared>> -> memref<625x80xf32, #tpu.memory_space<vmem_shared>>
      %dma_start3A_29 = arith.constant 0 : i32
      %dma_start3A_30 = tpu.memref_slice %arg5[%mul3A_2, %dma_start3A_29] : memref<10000x80xf32, #tpu.memory_space<hbm>> -> memref<625x80xf32, #tpu.memory_space<hbm>>
      tpu.enqueue_dma source(%dma_start3A_30 : memref<625x80xf32, #tpu.memory_space<hbm>>) target(%dma_start3A_28 : memref<625x80xf32, #tpu.memory_space<vmem_shared>>) target_semaphore(%run_scoped3A : memref<!tpu.dma_semaphore, #tpu.memory_space<semaphore_mem>>)
      %dma_wait3A = arith.constant 0 : i32
      %dma_wait3A_31 = tpu.memref_slice %arg19[%mul3A_4, %dma_wait3A] : memref<10000x80xf32, #tpu.memory_space<vmem_shared>> -> memref<625x80xf32, #tpu.memory_space<vmem_shared>>
      %dma_wait3A_32 = arith.constant 0 : i32
      %dma_wait3A_33 = tpu.memref_slice %arg5[%mul3A_2, %dma_wait3A_32] : memref<10000x80xf32, #tpu.memory_space<hbm>> -> memref<625x80xf32, #tpu.memory_space<hbm>>
      tpu.wait_dma2 semaphore(%run_scoped3A : memref<!tpu.dma_semaphore, #tpu.memory_space<semaphore_mem>>) src(%dma_wait3A_33 : memref<625x80xf32, #tpu.memory_space<hbm>>) dst(%dma_wait3A_31 : memref<625x80xf32, #tpu.memory_space<vmem_shared>>)
      tpu.yield
    }) : () -> ()
    %barrier3A = arith.constant 0 : index
    tpu.barrier barrier_id(%barrier3A)
    %add3A = arith.constant 0 : i32
    %add3A_5 = arith.addi %mul3A_0, %add3A : i32
    "tpu.region"() ({
      %run_scoped3A = tpu.sem_alloc : memref<!tpu.dma_semaphore, #tpu.memory_space<semaphore_mem>>
      %dma_start3A = tpu.memref_slice %arg2[%add3A_5] : memref<330240xi32, #tpu.memory_space<hbm>> -> memref<480xi32, #tpu.memory_space<hbm>>
      %dma_start3A_28 = tpu.memref_slice %arg2[%add3A_5] : memref<330240xi32, #tpu.memory_space<hbm>> -> memref<480xi32, #tpu.memory_space<hbm>>
      tpu.enqueue_dma source(%dma_start3A_28 : memref<480xi32, #tpu.memory_space<hbm>>) target(%arg11 : memref<480xi32, #tpu.memory_space<vmem>>) target_semaphore(%run_scoped3A : memref<!tpu.dma_semaphore, #tpu.memory_space<semaphore_mem>>)
      %dma_wait3A = tpu.memref_slice %arg2[%add3A_5] : memref<330240xi32, #tpu.memory_space<hbm>> -> memref<480xi32, #tpu.memory_space<hbm>>
      %dma_wait3A_29 = tpu.memref_slice %arg2[%add3A_5] : memref<330240xi32, #tpu.memory_space<hbm>> -> memref<480xi32, #tpu.memory_space<hbm>>
      tpu.wait_dma2 semaphore(%run_scoped3A : memref<!tpu.dma_semaphore, #tpu.memory_space<semaphore_mem>>) src(%dma_wait3A_29 : memref<480xi32, #tpu.memory_space<hbm>>) dst(%arg11 : memref<480xi32, #tpu.memory_space<vmem>>)
      tpu.yield
    }) : () -> ()
    %add3A_6 = arith.constant 0 : i32
    %add3A_7 = arith.addi %add3A_6, %add3A_5 : i32
    "tpu.region"() ({
      %run_scoped3A = tpu.sem_alloc : memref<!tpu.dma_semaphore, #tpu.memory_space<semaphore_mem>>
      %dma_start3A = tpu.memref_slice %arg4[%add3A_7] : memref<2641920xf32, #tpu.memory_space<hbm>> -> memref<480xf32, #tpu.memory_space<hbm>>
      %dma_start3A_28 = tpu.memref_slice %arg4[%add3A_7] : memref<2641920xf32, #tpu.memory_space<hbm>> -> memref<480xf32, #tpu.memory_space<hbm>>
      tpu.enqueue_dma source(%dma_start3A_28 : memref<480xf32, #tpu.memory_space<hbm>>) target(%arg15 : memref<480xf32, #tpu.memory_space<vmem>>) target_semaphore(%run_scoped3A : memref<!tpu.dma_semaphore, #tpu.memory_space<semaphore_mem>>)
      %dma_wait3A = tpu.memref_slice %arg4[%add3A_7] : memref<2641920xf32, #tpu.memory_space<hbm>> -> memref<480xf32, #tpu.memory_space<hbm>>
      %dma_wait3A_29 = tpu.memref_slice %arg4[%add3A_7] : memref<2641920xf32, #tpu.memory_space<hbm>> -> memref<480xf32, #tpu.memory_space<hbm>>
      tpu.wait_dma2 semaphore(%run_scoped3A : memref<!tpu.dma_semaphore, #tpu.memory_space<semaphore_mem>>) src(%dma_wait3A_29 : memref<480xf32, #tpu.memory_space<hbm>>) dst(%arg15 : memref<480xf32, #tpu.memory_space<vmem>>)
      tpu.yield
    }) : () -> ()
    %scan3A = arith.constant 0 : i32
    %scan3A_8 = arith.constant 0 : i32
    %scan3A_9 = arith.constant 30 : i32
    %scan3A_10 = arith.addi %scan3A_8, %scan3A_9 : i32
    %scan3A_11 = arith.constant 1 : i32
    scf.for %scan3A_28 = %scan3A_8 to %scan3A_10 step %scan3A_11  : i32 {
      %mul3A_29 = arith.constant 16 : i32
      %mul3A_30 = arith.muli %scan3A_28, %mul3A_29 : i32
      %get3A = arith.index_cast %mul3A_30 : i32 to index
      %get3A_31 = tpu.vector_load %arg11[%get3A] {strides = array<i32>} : memref<480xi32, #tpu.memory_space<vmem>>, vector<16xi32>,
      %add3A_32 = arith.constant 0 : i32
      %add3A_33 = vector.broadcast %add3A_32 : i32 to vector<16xi32>
      %add3A_34 = arith.addi %get3A_31, %add3A_33 : vector<16xi32>
      %mul3A_35 = arith.constant 16 : i32
      %mul3A_36 = arith.muli %scan3A_28, %mul3A_35 : i32
      %swap3A = arith.index_cast %mul3A_36 : i32 to index
      %swap3A_37 = tpu.vector_load %arg11[%swap3A] {strides = array<i32>} : memref<480xi32, #tpu.memory_space<vmem>>, vector<16xi32>,
      tpu.vector_store %arg11[%swap3A], %add3A_34 {strides = array<i32>} : memref<480xi32, #tpu.memory_space<vmem>>, vector<16xi32>,
    }
    %scan3A_12 = arith.constant 30 : i32
    %add3A_13 = arith.constant 0 : i32
    %add3A_14 = arith.addi %mul3A_0, %add3A_13 : i32
    "tpu.region"() ({
      %run_scoped3A = tpu.sem_alloc : memref<!tpu.dma_semaphore, #tpu.memory_space<semaphore_mem>>
      %dma_start3A = tpu.memref_slice %arg3[%add3A_14] : memref<330240xi32, #tpu.memory_space<hbm>> -> memref<480xi32, #tpu.memory_space<hbm>>
      %dma_start3A_28 = tpu.memref_slice %arg3[%add3A_14] : memref<330240xi32, #tpu.memory_space<hbm>> -> memref<480xi32, #tpu.memory_space<hbm>>
      tpu.enqueue_dma source(%dma_start3A_28 : memref<480xi32, #tpu.memory_space<hbm>>) target(%arg13 : memref<480xi32, #tpu.memory_space<vmem>>) target_semaphore(%run_scoped3A : memref<!tpu.dma_semaphore, #tpu.memory_space<semaphore_mem>>)
      %dma_wait3A = tpu.memref_slice %arg3[%add3A_14] : memref<330240xi32, #tpu.memory_space<hbm>> -> memref<480xi32, #tpu.memory_space<hbm>>
      %dma_wait3A_29 = tpu.memref_slice %arg3[%add3A_14] : memref<330240xi32, #tpu.memory_space<hbm>> -> memref<480xi32, #tpu.memory_space<hbm>>
      tpu.wait_dma2 semaphore(%run_scoped3A : memref<!tpu.dma_semaphore, #tpu.memory_space<semaphore_mem>>) src(%dma_wait3A_29 : memref<480xi32, #tpu.memory_space<hbm>>) dst(%arg13 : memref<480xi32, #tpu.memory_space<vmem>>)
      tpu.yield
    }) : () -> ()
    %eq3A = arith.constant 0 : i32
    %eq3A_15 = arith.cmpi eq, %arg0, %eq3A : i32
    %convert_element_type3A = arith.extui %eq3A_15 : i1 to i32
    %cond3A = arith.constant 0 : i32
    %cond3A_16 = arith.cmpi ne, %convert_element_type3A, %cond3A : i32
    scf.if %cond3A_16 {
      %dma_start3A = arith.constant 0 : i32
      %dma_start3A_28 = arith.constant 0 : i32
      %dma_start3A_29 = tpu.memref_slice %arg7[%dma_start3A, %dma_start3A_28] : memref<80000x80xf32, #tpu.memory_space<hbm>> -> memref<80000x80xf32, #tpu.memory_space<hbm>>
      tpu.enqueue_indirect_dma source(%dma_start3A_29 : memref<80000x80xf32, #tpu.memory_space<hbm>>) target(%arg17 : memref<480x80xf32, #tpu.memory_space<vmem>>) offsets(%arg11 : memref<480xi32, #tpu.memory_space<vmem>>) semaphore(%arg20 : memref<!tpu.dma_semaphore, #tpu.memory_space<semaphore_mem>>)
    } else {
    }
    %eq3A_17 = arith.constant 1 : i32
    %eq3A_18 = arith.cmpi eq, %arg0, %eq3A_17 : i32
    %convert_element_type3A_19 = arith.extui %eq3A_18 : i1 to i32
    %cond3A_20 = arith.constant 0 : i32
    %cond3A_21 = arith.cmpi ne, %convert_element_type3A_19, %cond3A_20 : i32
    scf.if %cond3A_21 {
      %dma_start3A = arith.constant 0 : i32
      %dma_start3A_28 = arith.constant 0 : i32
      %dma_start3A_29 = tpu.memref_slice %arg8[%dma_start3A, %dma_start3A_28] : memref<80000x80xf32, #tpu.memory_space<hbm>> -> memref<80000x80xf32, #tpu.memory_space<hbm>>
      tpu.enqueue_indirect_dma source(%dma_start3A_29 : memref<80000x80xf32, #tpu.memory_space<hbm>>) target(%arg17 : memref<480x80xf32, #tpu.memory_space<vmem>>) offsets(%arg11 : memref<480xi32, #tpu.memory_space<vmem>>) semaphore(%arg20 : memref<!tpu.dma_semaphore, #tpu.memory_space<semaphore_mem>>)
    } else {
    }
    %scan3A_22 = arith.constant 0 : i32
    %scan3A_23 = arith.constant 0 : i32
    %scan3A_24 = arith.constant 344 : i32
    %scan3A_25 = arith.addi %scan3A_23, %scan3A_24 : i32
    %scan3A_26 = arith.constant 1 : i32
    scf.for %scan3A_28 = %scan3A_23 to %scan3A_25 step %scan3A_26  : i32 {
      %jit3A = arith.constant 2 : i32
      %eq3A_29 = arith.constant 0 : i32
      %eq3A_30 = arith.cmpi eq, %jit3A, %eq3A_29 : i32
      %jit3A_31 = arith.constant 1 : i32
      %select_n3A = arith.select %eq3A_30, %jit3A_31, %jit3A : i32
      %rem3A = arith.remsi %scan3A_28, %select_n3A : i32
      %ne3A = arith.constant 0 : i32
      %ne3A_32 = arith.cmpi ne, %rem3A, %ne3A : i32
      %lt3A = arith.constant 0 : i32
      %lt3A_33 = arith.cmpi slt, %rem3A, %lt3A : i32
      %lt3A_34 = arith.constant 0 : i32
      %lt3A_35 = arith.cmpi slt, %select_n3A, %lt3A_34 : i32
      %ne3A_36 = arith.xori %lt3A_33, %lt3A_35 : i1
      %and3A = arith.andi %ne3A_36, %ne3A_32 : i1
      %add3A_37 = arith.addi %rem3A, %select_n3A : i32
      %select_n3A_38 = arith.select %and3A, %add3A_37, %rem3A : i32
      %eq3A_39 = arith.constant 0 : i32
      %eq3A_40 = arith.cmpi eq, %select_n3A_38, %eq3A_39 : i32
      %convert_element_type3A_41 = arith.extui %eq3A_40 : i1 to i32
      %cond3A_42 = arith.constant 0 : i32
      %cond3A_43 = arith.cmpi ne, %convert_element_type3A_41, %cond3A_42 : i32
      scf.if %cond3A_43 {
        %add3A_65 = arith.constant 1 : i32
        %add3A_66 = arith.addi %scan3A_28, %add3A_65 : i32
        %lt3A_67 = arith.constant 344 : i32
        %lt3A_68 = arith.cmpi slt, %add3A_66, %lt3A_67 : i32
        %convert_element_type3A_69 = arith.extui %lt3A_68 : i1 to i32
        %cond3A_70 = arith.constant 0 : i32
        %cond3A_71 = arith.cmpi ne, %convert_element_type3A_69, %cond3A_70 : i32
        scf.if %cond3A_71 {
          %add3A_107 = arith.constant 1 : i32
          %add3A_108 = arith.addi %scan3A_28, %add3A_107 : i32
          %jit3A_109 = arith.constant 43 : i32
          %div3A = arith.divsi %add3A_108, %jit3A_109 : i32
          %sign3A = arith.constant 0 : i32
          %sign3A_110 = arith.cmpi sgt, %add3A_108, %sign3A : i32
          %sign3A_111 = arith.extui %sign3A_110 : i1 to i32
          %sign3A_112 = arith.constant 0 : i32
          %sign3A_113 = arith.cmpi slt, %add3A_108, %sign3A_112 : i32
          %sign3A_114 = arith.extui %sign3A_113 : i1 to i32
          %sign3A_115 = arith.subi %sign3A_111, %sign3A_114 : i32
          %sign3A_116 = arith.constant 0 : i32
          %sign3A_117 = arith.cmpi sgt, %jit3A_109, %sign3A_116 : i32
          %sign3A_118 = arith.extui %sign3A_117 : i1 to i32
          %sign3A_119 = arith.constant 0 : i32
          %sign3A_120 = arith.cmpi slt, %jit3A_109, %sign3A_119 : i32
          %sign3A_121 = arith.extui %sign3A_120 : i1 to i32
          %sign3A_122 = arith.subi %sign3A_118, %sign3A_121 : i32
          %ne3A_123 = arith.cmpi ne, %sign3A_115, %sign3A_122 : i32
          %rem3A_124 = arith.remsi %add3A_108, %jit3A_109 : i32
          %ne3A_125 = arith.constant 0 : i32
          %ne3A_126 = arith.cmpi ne, %rem3A_124, %ne3A_125 : i32
          %and3A_127 = arith.andi %ne3A_123, %ne3A_126 : i1
          %sub3A = arith.constant 1 : i32
          %sub3A_128 = arith.subi %div3A, %sub3A : i32
          %select_n3A_129 = arith.select %and3A_127, %sub3A_128, %div3A : i32
          %jit3A_130 = arith.constant 43 : i32
          %eq3A_131 = arith.constant 0 : i32
          %eq3A_132 = arith.cmpi eq, %jit3A_130, %eq3A_131 : i32
          %jit3A_133 = arith.constant 1 : i32
          %select_n3A_134 = arith.select %eq3A_132, %jit3A_133, %jit3A_130 : i32
          %rem3A_135 = arith.remsi %add3A_108, %select_n3A_134 : i32
          %ne3A_136 = arith.constant 0 : i32
          %ne3A_137 = arith.cmpi ne, %rem3A_135, %ne3A_136 : i32
          %lt3A_138 = arith.constant 0 : i32
          %lt3A_139 = arith.cmpi slt, %rem3A_135, %lt3A_138 : i32
          %lt3A_140 = arith.constant 0 : i32
          %lt3A_141 = arith.cmpi slt, %select_n3A_134, %lt3A_140 : i32
          %ne3A_142 = arith.xori %lt3A_139, %lt3A_141 : i1
          %and3A_143 = arith.andi %ne3A_142, %ne3A_137 : i1
          %add3A_144 = arith.addi %rem3A_135, %select_n3A_134 : i32
          %select_n3A_145 = arith.select %and3A_143, %add3A_144, %rem3A_135 : i32
          %mul3A_146 = arith.constant 480 : i32
          %mul3A_147 = arith.muli %select_n3A_145, %mul3A_146 : i32
          %add3A_148 = arith.addi %mul3A_0, %mul3A_147 : i32
          "tpu.region"() ({
            %run_scoped3A = tpu.sem_alloc : memref<!tpu.dma_semaphore, #tpu.memory_space<semaphore_mem>>
            %dma_start3A = tpu.memref_slice %arg2[%add3A_148] : memref<330240xi32, #tpu.memory_space<hbm>> -> memref<480xi32, #tpu.memory_space<hbm>>
            %dma_start3A_181 = tpu.memref_slice %arg2[%add3A_148] : memref<330240xi32, #tpu.memory_space<hbm>> -> memref<480xi32, #tpu.memory_space<hbm>>
            tpu.enqueue_dma source(%dma_start3A_181 : memref<480xi32, #tpu.memory_space<hbm>>) target(%arg12 : memref<480xi32, #tpu.memory_space<vmem>>) target_semaphore(%run_scoped3A : memref<!tpu.dma_semaphore, #tpu.memory_space<semaphore_mem>>)
            %dma_wait3A = tpu.memref_slice %arg2[%add3A_148] : memref<330240xi32, #tpu.memory_space<hbm>> -> memref<480xi32, #tpu.memory_space<hbm>>
            %dma_wait3A_182 = tpu.memref_slice %arg2[%add3A_148] : memref<330240xi32, #tpu.memory_space<hbm>> -> memref<480xi32, #tpu.memory_space<hbm>>
            tpu.wait_dma2 semaphore(%run_scoped3A : memref<!tpu.dma_semaphore, #tpu.memory_space<semaphore_mem>>) src(%dma_wait3A_182 : memref<480xi32, #tpu.memory_space<hbm>>) dst(%arg12 : memref<480xi32, #tpu.memory_space<vmem>>)
            tpu.yield
          }) : () -> ()
          %mul3A_149 = arith.constant 330240 : i32
          %mul3A_150 = arith.muli %select_n3A_129, %mul3A_149 : i32
          %add3A_151 = arith.addi %mul3A_150, %add3A_148 : i32
          "tpu.region"() ({
            %run_scoped3A = tpu.sem_alloc : memref<!tpu.dma_semaphore, #tpu.memory_space<semaphore_mem>>
            %dma_start3A = tpu.memref_slice %arg4[%add3A_151] : memref<2641920xf32, #tpu.memory_space<hbm>> -> memref<480xf32, #tpu.memory_space<hbm>>
            %dma_start3A_181 = tpu.memref_slice %arg4[%add3A_151] : memref<2641920xf32, #tpu.memory_space<hbm>> -> memref<480xf32, #tpu.memory_space<hbm>>
            tpu.enqueue_dma source(%dma_start3A_181 : memref<480xf32, #tpu.memory_space<hbm>>) target(%arg16 : memref<480xf32, #tpu.memory_space<vmem>>) target_semaphore(%run_scoped3A : memref<!tpu.dma_semaphore, #tpu.memory_space<semaphore_mem>>)
            %dma_wait3A = tpu.memref_slice %arg4[%add3A_151] : memref<2641920xf32, #tpu.memory_space<hbm>> -> memref<480xf32, #tpu.memory_space<hbm>>
            %dma_wait3A_182 = tpu.memref_slice %arg4[%add3A_151] : memref<2641920xf32, #tpu.memory_space<hbm>> -> memref<480xf32, #tpu.memory_space<hbm>>
            tpu.wait_dma2 semaphore(%run_scoped3A : memref<!tpu.dma_semaphore, #tpu.memory_space<semaphore_mem>>) src(%dma_wait3A_182 : memref<480xf32, #tpu.memory_space<hbm>>) dst(%arg16 : memref<480xf32, #tpu.memory_space<vmem>>)
            tpu.yield
          }) : () -> ()
          %mul3A_152 = arith.constant 10000 : i32
          %mul3A_153 = arith.muli %select_n3A_129, %mul3A_152 : i32
          %scan3A_154 = arith.constant 0 : i32
          %scan3A_155 = arith.constant 0 : i32
          %scan3A_156 = arith.constant 30 : i32
          %scan3A_157 = arith.addi %scan3A_155, %scan3A_156 : i32
          %scan3A_158 = arith.constant 1 : i32
          scf.for %scan3A_181 = %scan3A_155 to %scan3A_157 step %scan3A_158  : i32 {
            %mul3A_182 = arith.constant 16 : i32
            %mul3A_183 = arith.muli %scan3A_181, %mul3A_182 : i32
            %get3A = arith.index_cast %mul3A_183 : i32 to index
            %get3A_184 = tpu.vector_load %arg12[%get3A] {strides = array<i32>} : memref<480xi32, #tpu.memory_space<vmem>>, vector<16xi32>,
            %add3A_185 = vector.broadcast %mul3A_153 : i32 to vector<16xi32>
            %add3A_186 = arith.addi %get3A_184, %add3A_185 : vector<16xi32>
            %mul3A_187 = arith.constant 16 : i32
            %mul3A_188 = arith.muli %scan3A_181, %mul3A_187 : i32
            %swap3A = arith.index_cast %mul3A_188 : i32 to index
            %swap3A_189 = tpu.vector_load %arg12[%swap3A] {strides = array<i32>} : memref<480xi32, #tpu.memory_space<vmem>>, vector<16xi32>,
            tpu.vector_store %arg12[%swap3A], %add3A_186 {strides = array<i32>} : memref<480xi32, #tpu.memory_space<vmem>>, vector<16xi32>,
          }
          %scan3A_159 = arith.constant 30 : i32
          %add3A_160 = arith.constant 1 : i32
          %add3A_161 = arith.addi %scan3A_28, %add3A_160 : i32
          %jit3A_162 = arith.constant 43 : i32
          %eq3A_163 = arith.constant 0 : i32
          %eq3A_164 = arith.cmpi eq, %jit3A_162, %eq3A_163 : i32
          %jit3A_165 = arith.constant 1 : i32
          %select_n3A_166 = arith.select %eq3A_164, %jit3A_165, %jit3A_162 : i32
          %rem3A_167 = arith.remsi %add3A_161, %select_n3A_166 : i32
          %ne3A_168 = arith.constant 0 : i32
          %ne3A_169 = arith.cmpi ne, %rem3A_167, %ne3A_168 : i32
          %lt3A_170 = arith.constant 0 : i32
          %lt3A_171 = arith.cmpi slt, %rem3A_167, %lt3A_170 : i32
          %lt3A_172 = arith.constant 0 : i32
          %lt3A_173 = arith.cmpi slt, %select_n3A_166, %lt3A_172 : i32
          %ne3A_174 = arith.xori %lt3A_171, %lt3A_173 : i1
          %and3A_175 = arith.andi %ne3A_174, %ne3A_169 : i1
          %add3A_176 = arith.addi %rem3A_167, %select_n3A_166 : i32
          %select_n3A_177 = arith.select %and3A_175, %add3A_176, %rem3A_167 : i32
          %mul3A_178 = arith.constant 480 : i32
          %mul3A_179 = arith.muli %select_n3A_177, %mul3A_178 : i32
          %add3A_180 = arith.addi %mul3A_0, %mul3A_179 : i32
          "tpu.region"() ({
            %run_scoped3A = tpu.sem_alloc : memref<!tpu.dma_semaphore, #tpu.memory_space<semaphore_mem>>
            %dma_start3A = tpu.memref_slice %arg3[%add3A_180] : memref<330240xi32, #tpu.memory_space<hbm>> -> memref<480xi32, #tpu.memory_space<hbm>>
            %dma_start3A_181 = tpu.memref_slice %arg3[%add3A_180] : memref<330240xi32, #tpu.memory_space<hbm>> -> memref<480xi32, #tpu.memory_space<hbm>>
            tpu.enqueue_dma source(%dma_start3A_181 : memref<480xi32, #tpu.memory_space<hbm>>) target(%arg14 : memref<480xi32, #tpu.memory_space<vmem>>) target_semaphore(%run_scoped3A : memref<!tpu.dma_semaphore, #tpu.memory_space<semaphore_mem>>)
            %dma_wait3A = tpu.memref_slice %arg3[%add3A_180] : memref<330240xi32, #tpu.memory_space<hbm>> -> memref<480xi32, #tpu.memory_space<hbm>>
            %dma_wait3A_182 = tpu.memref_slice %arg3[%add3A_180] : memref<330240xi32, #tpu.memory_space<hbm>> -> memref<480xi32, #tpu.memory_space<hbm>>
            tpu.wait_dma2 semaphore(%run_scoped3A : memref<!tpu.dma_semaphore, #tpu.memory_space<semaphore_mem>>) src(%dma_wait3A_182 : memref<480xi32, #tpu.memory_space<hbm>>) dst(%arg14 : memref<480xi32, #tpu.memory_space<vmem>>)
            tpu.yield
          }) : () -> ()
        } else {
        }
        tpu.wait_dma2 semaphore(%arg20 : memref<!tpu.dma_semaphore, #tpu.memory_space<semaphore_mem>>) src(%arg6 : memref<480x80xf32, #tpu.memory_space<hbm>>) dst(%arg17 : memref<480x80xf32, #tpu.memory_space<vmem>>)
        %add3A_72 = arith.constant 1 : i32
        %add3A_73 = arith.addi %scan3A_28, %add3A_72 : i32
        %lt3A_74 = arith.constant 344 : i32
        %lt3A_75 = arith.cmpi slt, %add3A_73, %lt3A_74 : i32
        %convert_element_type3A_76 = arith.extui %lt3A_75 : i1 to i32
        %cond3A_77 = arith.constant 0 : i32
        %cond3A_78 = arith.cmpi ne, %convert_element_type3A_76, %cond3A_77 : i32
        scf.if %cond3A_78 {
          %eq3A_107 = arith.constant 0 : i32
          %eq3A_108 = arith.cmpi eq, %arg0, %eq3A_107 : i32
          %convert_element_type3A_109 = arith.extui %eq3A_108 : i1 to i32
          %cond3A_110 = arith.constant 0 : i32
          %cond3A_111 = arith.cmpi ne, %convert_element_type3A_109, %cond3A_110 : i32
          scf.if %cond3A_111 {
            %dma_start3A = arith.constant 0 : i32
            %dma_start3A_117 = arith.constant 0 : i32
            %dma_start3A_118 = tpu.memref_slice %arg7[%dma_start3A, %dma_start3A_117] : memref<80000x80xf32, #tpu.memory_space<hbm>> -> memref<80000x80xf32, #tpu.memory_space<hbm>>
            tpu.enqueue_indirect_dma source(%dma_start3A_118 : memref<80000x80xf32, #tpu.memory_space<hbm>>) target(%arg18 : memref<480x80xf32, #tpu.memory_space<vmem>>) offsets(%arg12 : memref<480xi32, #tpu.memory_space<vmem>>) semaphore(%arg21 : memref<!tpu.dma_semaphore, #tpu.memory_space<semaphore_mem>>)
          } else {
          }
          %eq3A_112 = arith.constant 1 : i32
          %eq3A_113 = arith.cmpi eq, %arg0, %eq3A_112 : i32
          %convert_element_type3A_114 = arith.extui %eq3A_113 : i1 to i32
          %cond3A_115 = arith.constant 0 : i32
          %cond3A_116 = arith.cmpi ne, %convert_element_type3A_114, %cond3A_115 : i32
          scf.if %cond3A_116 {
            %dma_start3A = arith.constant 0 : i32
            %dma_start3A_117 = arith.constant 0 : i32
            %dma_start3A_118 = tpu.memref_slice %arg8[%dma_start3A, %dma_start3A_117] : memref<80000x80xf32, #tpu.memory_space<hbm>> -> memref<80000x80xf32, #tpu.memory_space<hbm>>
            tpu.enqueue_indirect_dma source(%dma_start3A_118 : memref<80000x80xf32, #tpu.memory_space<hbm>>) target(%arg18 : memref<480x80xf32, #tpu.memory_space<vmem>>) offsets(%arg12 : memref<480xi32, #tpu.memory_space<vmem>>) semaphore(%arg21 : memref<!tpu.dma_semaphore, #tpu.memory_space<semaphore_mem>>)
          } else {
          }
        } else {
        }
        %iota3A_79 = tpu.iota {dimensions = array<i32: 0>} : vector<16xi32>
        %scan3A_80 = arith.constant 0 : i32
        %scan3A_81 = arith.constant 0 : i32
        %scan3A_82 = arith.constant 30 : i32
        %scan3A_83 = arith.addi %scan3A_81, %scan3A_82 : i32
        %scan3A_84 = arith.constant 1 : i32
        scf.for %scan3A_107 = %scan3A_81 to %scan3A_83 step %scan3A_84  : i32 {
          %mul3A_108 = arith.constant 16 : i32
          %mul3A_109 = arith.muli %scan3A_107, %mul3A_108 : i32
          %get3A = arith.index_cast %mul3A_109 : i32 to index
          %get3A_110 = tpu.vector_load %arg15[%get3A] {strides = array<i32>} : memref<480xf32, #tpu.memory_space<vmem>>, vector<16xf32>,
          %slice3A = vector.extract_strided_slice %get3A_110 {offsets = [0], sizes = [1], strides = [1]} : vector<16xf32> to vector<1xf32>
          %squeeze3A = vector.extract %slice3A[0] : f32 from vector<1xf32>
          %broadcast_in_dim3A = vector.broadcast %squeeze3A : f32 to vector<16xf32>
          %mul3A_111 = arith.constant 16 : i32
          %mul3A_112 = arith.muli %scan3A_107, %mul3A_111 : i32
          %add3A_113 = arith.constant 0 : i32
          %add3A_114 = arith.addi %mul3A_112, %add3A_113 : i32
          %get3A_115 = arith.index_cast %add3A_114 : i32 to index
          %get3A_116 = arith.constant 0 : index
          %get3A_117 = tpu.vector_load %arg17[%get3A_115, %get3A_116] {strides = array<i32>} : memref<480x80xf32, #tpu.memory_space<vmem>>, vector<16xf32>,
          %mul3A_118 = arith.mulf %get3A_117, %broadcast_in_dim3A : vector<16xf32>
          %swap3A = arith.index_cast %add3A_114 : i32 to index
          %swap3A_119 = arith.constant 0 : index
          %swap3A_120 = tpu.vector_load %arg17[%swap3A, %swap3A_119] {strides = array<i32>} : memref<480x80xf32, #tpu.memory_space<vmem>>, vector<16xf32>,
          tpu.vector_store %arg17[%swap3A, %swap3A_119], %mul3A_118 {strides = array<i32>} : memref<480x80xf32, #tpu.memory_space<vmem>>, vector<16xf32>,
          %get3A_121 = arith.index_cast %add3A_114 : i32 to index
          %get3A_122 = arith.constant 16 : index
          %get3A_123 = tpu.vector_load %arg17[%get3A_121, %get3A_122] {strides = array<i32>} : memref<480x80xf32, #tpu.memory_space<vmem>>, vector<16xf32>,
          %mul3A_124 = arith.mulf %get3A_123, %broadcast_in_dim3A : vector<16xf32>
          %swap3A_125 = arith.index_cast %add3A_114 : i32 to index
          %swap3A_126 = arith.constant 16 : index
          %swap3A_127 = tpu.vector_load %arg17[%swap3A_125, %swap3A_126] {strides = array<i32>} : memref<480x80xf32, #tpu.memory_space<vmem>>, vector<16xf32>,
          tpu.vector_store %arg17[%swap3A_125, %swap3A_126], %mul3A_124 {strides = array<i32>} : memref<480x80xf32, #tpu.memory_space<vmem>>, vector<16xf32>,
          %get3A_128 = arith.index_cast %add3A_114 : i32 to index
          %get3A_129 = arith.constant 32 : index
          %get3A_130 = tpu.vector_load %arg17[%get3A_128, %get3A_129] {strides = array<i32>} : memref<480x80xf32, #tpu.memory_space<vmem>>, vector<16xf32>,
          %mul3A_131 = arith.mulf %get3A_130, %broadcast_in_dim3A : vector<16xf32>
          %swap3A_132 = arith.index_cast %add3A_114 : i32 to index
          %swap3A_133 = arith.constant 32 : index
          %swap3A_134 = tpu.vector_load %arg17[%swap3A_132, %swap3A_133] {strides = array<i32>} : memref<480x80xf32, #tpu.memory_space<vmem>>, vector<16xf32>,
          tpu.vector_store %arg17[%swap3A_132, %swap3A_133], %mul3A_131 {strides = array<i32>} : memref<480x80xf32, #tpu.memory_space<vmem>>, vector<16xf32>,
          %get3A_135 = arith.index_cast %add3A_114 : i32 to index
          %get3A_136 = arith.constant 48 : index
          %get3A_137 = tpu.vector_load %arg17[%get3A_135, %get3A_136] {strides = array<i32>} : memref<480x80xf32, #tpu.memory_space<vmem>>, vector<16xf32>,
          %mul3A_138 = arith.mulf %get3A_137, %broadcast_in_dim3A : vector<16xf32>
          %swap3A_139 = arith.index_cast %add3A_114 : i32 to index
          %swap3A_140 = arith.constant 48 : index
          %swap3A_141 = tpu.vector_load %arg17[%swap3A_139, %swap3A_140] {strides = array<i32>} : memref<480x80xf32, #tpu.memory_space<vmem>>, vector<16xf32>,
          tpu.vector_store %arg17[%swap3A_139, %swap3A_140], %mul3A_138 {strides = array<i32>} : memref<480x80xf32, #tpu.memory_space<vmem>>, vector<16xf32>,
          %get3A_142 = arith.index_cast %add3A_114 : i32 to index
          %get3A_143 = arith.constant 64 : index
          %get3A_144 = tpu.vector_load %arg17[%get3A_142, %get3A_143] {strides = array<i32>} : memref<480x80xf32, #tpu.memory_space<vmem>>, vector<16xf32>,
          %mul3A_145 = arith.mulf %get3A_144, %broadcast_in_dim3A : vector<16xf32>
          %swap3A_146 = arith.index_cast %add3A_114 : i32 to index
          %swap3A_147 = arith.constant 64 : index
          %swap3A_148 = tpu.vector_load %arg17[%swap3A_146, %swap3A_147] {strides = array<i32>} : memref<480x80xf32, #tpu.memory_space<vmem>>, vector<16xf32>,
          tpu.vector_store %arg17[%swap3A_146, %swap3A_147], %mul3A_145 {strides = array<i32>} : memref<480x80xf32, #tpu.memory_space<vmem>>, vector<16xf32>,
          %slice3A_149 = vector.extract_strided_slice %get3A_110 {offsets = [1], sizes = [1], strides = [1]} : vector<16xf32> to vector<1xf32>
          %squeeze3A_150 = vector.extract %slice3A_149[0] : f32 from vector<1xf32>
          %broadcast_in_dim3A_151 = vector.broadcast %squeeze3A_150 : f32 to vector<16xf32>
          %mul3A_152 = arith.constant 16 : i32
          %mul3A_153 = arith.muli %scan3A_107, %mul3A_152 : i32
          %add3A_154 = arith.constant 1 : i32
          %add3A_155 = arith.addi %mul3A_153, %add3A_154 : i32
          %get3A_156 = arith.index_cast %add3A_155 : i32 to index
          %get3A_157 = arith.constant 0 : index
          %get3A_158 = tpu.vector_load %arg17[%get3A_156, %get3A_157] {strides = array<i32>} : memref<480x80xf32, #tpu.memory_space<vmem>>, vector<16xf32>,
          %mul3A_159 = arith.mulf %get3A_158, %broadcast_in_dim3A_151 : vector<16xf32>
          %swap3A_160 = arith.index_cast %add3A_155 : i32 to index
          %swap3A_161 = arith.constant 0 : index
          %swap3A_162 = tpu.vector_load %arg17[%swap3A_160, %swap3A_161] {strides = array<i32>} : memref<480x80xf32, #tpu.memory_space<vmem>>, vector<16xf32>,
          tpu.vector_store %arg17[%swap3A_160, %swap3A_161], %mul3A_159 {strides = array<i32>} : memref<480x80xf32, #tpu.memory_space<vmem>>, vector<16xf32>,
          %get3A_163 = arith.index_cast %add3A_155 : i32 to index
          %get3A_164 = arith.constant 16 : index
          %get3A_165 = tpu.vector_load %arg17[%get3A_163, %get3A_164] {strides = array<i32>} : memref<480x80xf32, #tpu.memory_space<vmem>>, vector<16xf32>,
          %mul3A_166 = arith.mulf %get3A_165, %broadcast_in_dim3A_151 : vector<16xf32>
          %swap3A_167 = arith.index_cast %add3A_155 : i32 to index
          %swap3A_168 = arith.constant 16 : index
          %swap3A_169 = tpu.vector_load %arg17[%swap3A_167, %swap3A_168] {strides = array<i32>} : memref<480x80xf32, #tpu.memory_space<vmem>>, vector<16xf32>,
          tpu.vector_store %arg17[%swap3A_167, %swap3A_168], %mul3A_166 {strides = array<i32>} : memref<480x80xf32, #tpu.memory_space<vmem>>, vector<16xf32>,
          %get3A_170 = arith.index_cast %add3A_155 : i32 to index
          %get3A_171 = arith.constant 32 : index
          %get3A_172 = tpu.vector_load %arg17[%get3A_170, %get3A_171] {strides = array<i32>} : memref<480x80xf32, #tpu.memory_space<vmem>>, vector<16xf32>,
          %mul3A_173 = arith.mulf %get3A_172, %broadcast_in_dim3A_151 : vector<16xf32>
          %swap3A_174 = arith.index_cast %add3A_155 : i32 to index
          %swap3A_175 = arith.constant 32 : index
          %swap3A_176 = tpu.vector_load %arg17[%swap3A_174, %swap3A_175] {strides = array<i32>} : memref<480x80xf32, #tpu.memory_space<vmem>>, vector<16xf32>,
          tpu.vector_store %arg17[%swap3A_174, %swap3A_175], %mul3A_173 {strides = array<i32>} : memref<480x80xf32, #tpu.memory_space<vmem>>, vector<16xf32>,
          %get3A_177 = arith.index_cast %add3A_155 : i32 to index
          %get3A_178 = arith.constant 48 : index
          %get3A_179 = tpu.vector_load %arg17[%get3A_177, %get3A_178] {strides = array<i32>} : memref<480x80xf32, #tpu.memory_space<vmem>>, vector<16xf32>,
          %mul3A_180 = arith.mulf %get3A_179, %broadcast_in_dim3A_151 : vector<16xf32>
          %swap3A_181 = arith.index_cast %add3A_155 : i32 to index
          %swap3A_182 = arith.constant 48 : index
          %swap3A_183 = tpu.vector_load %arg17[%swap3A_181, %swap3A_182] {strides = array<i32>} : memref<480x80xf32, #tpu.memory_space<vmem>>, vector<16xf32>,
          tpu.vector_store %arg17[%swap3A_181, %swap3A_182], %mul3A_180 {strides = array<i32>} : memref<480x80xf32, #tpu.memory_space<vmem>>, vector<16xf32>,
          %get3A_184 = arith.index_cast %add3A_155 : i32 to index
          %get3A_185 = arith.constant 64 : index
          %get3A_186 = tpu.vector_load %arg17[%get3A_184, %get3A_185] {strides = array<i32>} : memref<480x80xf32, #tpu.memory_space<vmem>>, vector<16xf32>,
          %mul3A_187 = arith.mulf %get3A_186, %broadcast_in_dim3A_151 : vector<16xf32>
          %swap3A_188 = arith.index_cast %add3A_155 : i32 to index
          %swap3A_189 = arith.constant 64 : index
          %swap3A_190 = tpu.vector_load %arg17[%swap3A_188, %swap3A_189] {strides = array<i32>} : memref<480x80xf32, #tpu.memory_space<vmem>>, vector<16xf32>,
          tpu.vector_store %arg17[%swap3A_188, %swap3A_189], %mul3A_187 {strides = array<i32>} : memref<480x80xf32, #tpu.memory_space<vmem>>, vector<16xf32>,
          %slice3A_191 = vector.extract_strided_slice %get3A_110 {offsets = [2], sizes = [1], strides = [1]} : vector<16xf32> to vector<1xf32>
          %squeeze3A_192 = vector.extract %slice3A_191[0] : f32 from vector<1xf32>
          %broadcast_in_dim3A_193 = vector.broadcast %squeeze3A_192 : f32 to vector<16xf32>
          %mul3A_194 = arith.constant 16 : i32
          %mul3A_195 = arith.muli %scan3A_107, %mul3A_194 : i32
          %add3A_196 = arith.constant 2 : i32
          %add3A_197 = arith.addi %mul3A_195, %add3A_196 : i32
          %get3A_198 = arith.index_cast %add3A_197 : i32 to index
          %get3A_199 = arith.constant 0 : index
          %get3A_200 = tpu.vector_load %arg17[%get3A_198, %get3A_199] {strides = array<i32>} : memref<480x80xf32, #tpu.memory_space<vmem>>, vector<16xf32>,
          %mul3A_201 = arith.mulf %get3A_200, %broadcast_in_dim3A_193 : vector<16xf32>
          %swap3A_202 = arith.index_cast %add3A_197 : i32 to index
          %swap3A_203 = arith.constant 0 : index
          %swap3A_204 = tpu.vector_load %arg17[%swap3A_202, %swap3A_203] {strides = array<i32>} : memref<480x80xf32, #tpu.memory_space<vmem>>, vector<16xf32>,
          tpu.vector_store %arg17[%swap3A_202, %swap3A_203], %mul3A_201 {strides = array<i32>} : memref<480x80xf32, #tpu.memory_space<vmem>>, vector<16xf32>,
          %get3A_205 = arith.index_cast %add3A_197 : i32 to index
          %get3A_206 = arith.constant 16 : index
          %get3A_207 = tpu.vector_load %arg17[%get3A_205, %get3A_206] {strides = array<i32>} : memref<480x80xf32, #tpu.memory_space<vmem>>, vector<16xf32>,
          %mul3A_208 = arith.mulf %get3A_207, %broadcast_in_dim3A_193 : vector<16xf32>
          %swap3A_209 = arith.index_cast %add3A_197 : i32 to index
          %swap3A_210 = arith.constant 16 : index
          %swap3A_211 = tpu.vector_load %arg17[%swap3A_209, %swap3A_210] {strides = array<i32>} : memref<480x80xf32, #tpu.memory_space<vmem>>, vector<16xf32>,
          tpu.vector_store %arg17[%swap3A_209, %swap3A_210], %mul3A_208 {strides = array<i32>} : memref<480x80xf32, #tpu.memory_space<vmem>>, vector<16xf32>,
          %get3A_212 = arith.index_cast %add3A_197 : i32 to index
          %get3A_213 = arith.constant 32 : index
          %get3A_214 = tpu.vector_load %arg17[%get3A_212, %get3A_213] {strides = array<i32>} : memref<480x80xf32, #tpu.memory_space<vmem>>, vector<16xf32>,
          %mul3A_215 = arith.mulf %get3A_214, %broadcast_in_dim3A_193 : vector<16xf32>
          %swap3A_216 = arith.index_cast %add3A_197 : i32 to index
          %swap3A_217 = arith.constant 32 : index
          %swap3A_218 = tpu.vector_load %arg17[%swap3A_216, %swap3A_217] {strides = array<i32>} : memref<480x80xf32, #tpu.memory_space<vmem>>, vector<16xf32>,
          tpu.vector_store %arg17[%swap3A_216, %swap3A_217], %mul3A_215 {strides = array<i32>} : memref<480x80xf32, #tpu.memory_space<vmem>>, vector<16xf32>,
          %get3A_219 = arith.index_cast %add3A_197 : i32 to index
          %get3A_220 = arith.constant 48 : index
          %get3A_221 = tpu.vector_load %arg17[%get3A_219, %get3A_220] {strides = array<i32>} : memref<480x80xf32, #tpu.memory_space<vmem>>, vector<16xf32>,
          %mul3A_222 = arith.mulf %get3A_221, %broadcast_in_dim3A_193 : vector<16xf32>
          %swap3A_223 = arith.index_cast %add3A_197 : i32 to index
          %swap3A_224 = arith.constant 48 : index
          %swap3A_225 = tpu.vector_load %arg17[%swap3A_223, %swap3A_224] {strides = array<i32>} : memref<480x80xf32, #tpu.memory_space<vmem>>, vector<16xf32>,
          tpu.vector_store %arg17[%swap3A_223, %swap3A_224], %mul3A_222 {strides = array<i32>} : memref<480x80xf32, #tpu.memory_space<vmem>>, vector<16xf32>,
          %get3A_226 = arith.index_cast %add3A_197 : i32 to index
          %get3A_227 = arith.constant 64 : index
          %get3A_228 = tpu.vector_load %arg17[%get3A_226, %get3A_227] {strides = array<i32>} : memref<480x80xf32, #tpu.memory_space<vmem>>, vector<16xf32>,
          %mul3A_229 = arith.mulf %get3A_228, %broadcast_in_dim3A_193 : vector<16xf32>
          %swap3A_230 = arith.index_cast %add3A_197 : i32 to index
          %swap3A_231 = arith.constant 64 : index
          %swap3A_232 = tpu.vector_load %arg17[%swap3A_230, %swap3A_231] {strides = array<i32>} : memref<480x80xf32, #tpu.memory_space<vmem>>, vector<16xf32>,
          tpu.vector_store %arg17[%swap3A_230, %swap3A_231], %mul3A_229 {strides = array<i32>} : memref<480x80xf32, #tpu.memory_space<vmem>>, vector<16xf32>,
          %slice3A_233 = vector.extract_strided_slice %get3A_110 {offsets = [3], sizes = [1], strides = [1]} : vector<16xf32> to vector<1xf32>
          %squeeze3A_234 = vector.extract %slice3A_233[0] : f32 from vector<1xf32>
          %broadcast_in_dim3A_235 = vector.broadcast %squeeze3A_234 : f32 to vector<16xf32>
          %mul3A_236 = arith.constant 16 : i32
          %mul3A_237 = arith.muli %scan3A_107, %mul3A_236 : i32
          %add3A_238 = arith.constant 3 : i32
          %add3A_239 = arith.addi %mul3A_237, %add3A_238 : i32
          %get3A_240 = arith.index_cast %add3A_239 : i32 to index
          %get3A_241 = arith.constant 0 : index
          %get3A_242 = tpu.vector_load %arg17[%get3A_240, %get3A_241] {strides = array<i32>} : memref<480x80xf32, #tpu.memory_space<vmem>>, vector<16xf32>,
          %mul3A_243 = arith.mulf %get3A_242, %broadcast_in_dim3A_235 : vector<16xf32>
          %swap3A_244 = arith.index_cast %add3A_239 : i32 to index
          %swap3A_245 = arith.constant 0 : index
          %swap3A_246 = tpu.vector_load %arg17[%swap3A_244, %swap3A_245] {strides = array<i32>} : memref<480x80xf32, #tpu.memory_space<vmem>>, vector<16xf32>,
          tpu.vector_store %arg17[%swap3A_244, %swap3A_245], %mul3A_243 {strides = array<i32>} : memref<480x80xf32, #tpu.memory_space<vmem>>, vector<16xf32>,
          %get3A_247 = arith.index_cast %add3A_239 : i32 to index
          %get3A_248 = arith.constant 16 : index
          %get3A_249 = tpu.vector_load %arg17[%get3A_247, %get3A_248] {strides = array<i32>} : memref<480x80xf32, #tpu.memory_space<vmem>>, vector<16xf32>,
          %mul3A_250 = arith.mulf %get3A_249, %broadcast_in_dim3A_235 : vector<16xf32>
          %swap3A_251 = arith.index_cast %add3A_239 : i32 to index
          %swap3A_252 = arith.constant 16 : index
          %swap3A_253 = tpu.vector_load %arg17[%swap3A_251, %swap3A_252] {strides = array<i32>} : memref<480x80xf32, #tpu.memory_space<vmem>>, vector<16xf32>,
          tpu.vector_store %arg17[%swap3A_251, %swap3A_252], %mul3A_250 {strides = array<i32>} : memref<480x80xf32, #tpu.memory_space<vmem>>, vector<16xf32>,
          %get3A_254 = arith.index_cast %add3A_239 : i32 to index
          %get3A_255 = arith.constant 32 : index
          %get3A_256 = tpu.vector_load %arg17[%get3A_254, %get3A_255] {strides = array<i32>} : memref<480x80xf32, #tpu.memory_space<vmem>>, vector<16xf32>,
          %mul3A_257 = arith.mulf %get3A_256, %broadcast_in_dim3A_235 : vector<16xf32>
          %swap3A_258 = arith.index_cast %add3A_239 : i32 to index
          %swap3A_259 = arith.constant 32 : index
          %swap3A_260 = tpu.vector_load %arg17[%swap3A_258, %swap3A_259] {strides = array<i32>} : memref<480x80xf32, #tpu.memory_space<vmem>>, vector<16xf32>,
          tpu.vector_store %arg17[%swap3A_258, %swap3A_259], %mul3A_257 {strides = array<i32>} : memref<480x80xf32, #tpu.memory_space<vmem>>, vector<16xf32>,
          %get3A_261 = arith.index_cast %add3A_239 : i32 to index
          %get3A_262 = arith.constant 48 : index
          %get3A_263 = tpu.vector_load %arg17[%get3A_261, %get3A_262] {strides = array<i32>} : memref<480x80xf32, #tpu.memory_space<vmem>>, vector<16xf32>,
          %mul3A_264 = arith.mulf %get3A_263, %broadcast_in_dim3A_235 : vector<16xf32>
          %swap3A_265 = arith.index_cast %add3A_239 : i32 to index
          %swap3A_266 = arith.constant 48 : index
          %swap3A_267 = tpu.vector_load %arg17[%swap3A_265, %swap3A_266] {strides = array<i32>} : memref<480x80xf32, #tpu.memory_space<vmem>>, vector<16xf32>,
          tpu.vector_store %arg17[%swap3A_265, %swap3A_266], %mul3A_264 {strides = array<i32>} : memref<480x80xf32, #tpu.memory_space<vmem>>, vector<16xf32>,
          %get3A_268 = arith.index_cast %add3A_239 : i32 to index
          %get3A_269 = arith.constant 64 : index
          %get3A_270 = tpu.vector_load %arg17[%get3A_268, %get3A_269] {strides = array<i32>} : memref<480x80xf32, #tpu.memory_space<vmem>>, vector<16xf32>,
          %mul3A_271 = arith.mulf %get3A_270, %broadcast_in_dim3A_235 : vector<16xf32>
          %swap3A_272 = arith.index_cast %add3A_239 : i32 to index
          %swap3A_273 = arith.constant 64 : index
          %swap3A_274 = tpu.vector_load %arg17[%swap3A_272, %swap3A_273] {strides = array<i32>} : memref<480x80xf32, #tpu.memory_space<vmem>>, vector<16xf32>,
          tpu.vector_store %arg17[%swap3A_272, %swap3A_273], %mul3A_271 {strides = array<i32>} : memref<480x80xf32, #tpu.memory_space<vmem>>, vector<16xf32>,
          %slice3A_275 = vector.extract_strided_slice %get3A_110 {offsets = [4], sizes = [1], strides = [1]} : vector<16xf32> to vector<1xf32>
          %squeeze3A_276 = vector.extract %slice3A_275[0] : f32 from vector<1xf32>
          %broadcast_in_dim3A_277 = vector.broadcast %squeeze3A_276 : f32 to vector<16xf32>
          %mul3A_278 = arith.constant 16 : i32
          %mul3A_279 = arith.muli %scan3A_107, %mul3A_278 : i32
          %add3A_280 = arith.constant 4 : i32
          %add3A_281 = arith.addi %mul3A_279, %add3A_280 : i32
          %get3A_282 = arith.index_cast %add3A_281 : i32 to index
          %get3A_283 = arith.constant 0 : index
          %get3A_284 = tpu.vector_load %arg17[%get3A_282, %get3A_283] {strides = array<i32>} : memref<480x80xf32, #tpu.memory_space<vmem>>, vector<16xf32>,
          %mul3A_285 = arith.mulf %get3A_284, %broadcast_in_dim3A_277 : vector<16xf32>
          %swap3A_286 = arith.index_cast %add3A_281 : i32 to index
          %swap3A_287 = arith.constant 0 : index
          %swap3A_288 = tpu.vector_load %arg17[%swap3A_286, %swap3A_287] {strides = array<i32>} : memref<480x80xf32, #tpu.memory_space<vmem>>, vector<16xf32>,
          tpu.vector_store %arg17[%swap3A_286, %swap3A_287], %mul3A_285 {strides = array<i32>} : memref<480x80xf32, #tpu.memory_space<vmem>>, vector<16xf32>,
          %get3A_289 = arith.index_cast %add3A_281 : i32 to index
          %get3A_290 = arith.constant 16 : index
          %get3A_291 = tpu.vector_load %arg17[%get3A_289, %get3A_290] {strides = array<i32>} : memref<480x80xf32, #tpu.memory_space<vmem>>, vector<16xf32>,
          %mul3A_292 = arith.mulf %get3A_291, %broadcast_in_dim3A_277 : vector<16xf32>
          %swap3A_293 = arith.index_cast %add3A_281 : i32 to index
          %swap3A_294 = arith.constant 16 : index
          %swap3A_295 = tpu.vector_load %arg17[%swap3A_293, %swap3A_294] {strides = array<i32>} : memref<480x80xf32, #tpu.memory_space<vmem>>, vector<16xf32>,
          tpu.vector_store %arg17[%swap3A_293, %swap3A_294], %mul3A_292 {strides = array<i32>} : memref<480x80xf32, #tpu.memory_space<vmem>>, vector<16xf32>,
          %get3A_296 = arith.index_cast %add3A_281 : i32 to index
          %get3A_297 = arith.constant 32 : index
          %get3A_298 = tpu.vector_load %arg17[%get3A_296, %get3A_297] {strides = array<i32>} : memref<480x80xf32, #tpu.memory_space<vmem>>, vector<16xf32>,
          %mul3A_299 = arith.mulf %get3A_298, %broadcast_in_dim3A_277 : vector<16xf32>
          %swap3A_300 = arith.index_cast %add3A_281 : i32 to index
          %swap3A_301 = arith.constant 32 : index
          %swap3A_302 = tpu.vector_load %arg17[%swap3A_300, %swap3A_301] {strides = array<i32>} : memref<480x80xf32, #tpu.memory_space<vmem>>, vector<16xf32>,
          tpu.vector_store %arg17[%swap3A_300, %swap3A_301], %mul3A_299 {strides = array<i32>} : memref<480x80xf32, #tpu.memory_space<vmem>>, vector<16xf32>,
          %get3A_303 = arith.index_cast %add3A_281 : i32 to index
          %get3A_304 = arith.constant 48 : index
          %get3A_305 = tpu.vector_load %arg17[%get3A_303, %get3A_304] {strides = array<i32>} : memref<480x80xf32, #tpu.memory_space<vmem>>, vector<16xf32>,
          %mul3A_306 = arith.mulf %get3A_305, %broadcast_in_dim3A_277 : vector<16xf32>
          %swap3A_307 = arith.index_cast %add3A_281 : i32 to index
          %swap3A_308 = arith.constant 48 : index
          %swap3A_309 = tpu.vector_load %arg17[%swap3A_307, %swap3A_308] {strides = array<i32>} : memref<480x80xf32, #tpu.memory_space<vmem>>, vector<16xf32>,
          tpu.vector_store %arg17[%swap3A_307, %swap3A_308], %mul3A_306 {strides = array<i32>} : memref<480x80xf32, #tpu.memory_space<vmem>>, vector<16xf32>,
          %get3A_310 = arith.index_cast %add3A_281 : i32 to index
          %get3A_311 = arith.constant 64 : index
          %get3A_312 = tpu.vector_load %arg17[%get3A_310, %get3A_311] {strides = array<i32>} : memref<480x80xf32, #tpu.memory_space<vmem>>, vector<16xf32>,
          %mul3A_313 = arith.mulf %get3A_312, %broadcast_in_dim3A_277 : vector<16xf32>
          %swap3A_314 = arith.index_cast %add3A_281 : i32 to index
          %swap3A_315 = arith.constant 64 : index
          %swap3A_316 = tpu.vector_load %arg17[%swap3A_314, %swap3A_315] {strides = array<i32>} : memref<480x80xf32, #tpu.memory_space<vmem>>, vector<16xf32>,
          tpu.vector_store %arg17[%swap3A_314, %swap3A_315], %mul3A_313 {strides = array<i32>} : memref<480x80xf32, #tpu.memory_space<vmem>>, vector<16xf32>,
          %slice3A_317 = vector.extract_strided_slice %get3A_110 {offsets = [5], sizes = [1], strides = [1]} : vector<16xf32> to vector<1xf32>
          %squeeze3A_318 = vector.extract %slice3A_317[0] : f32 from vector<1xf32>
          %broadcast_in_dim3A_319 = vector.broadcast %squeeze3A_318 : f32 to vector<16xf32>
          %mul3A_320 = arith.constant 16 : i32
          %mul3A_321 = arith.muli %scan3A_107, %mul3A_320 : i32
          %add3A_322 = arith.constant 5 : i32
          %add3A_323 = arith.addi %mul3A_321, %add3A_322 : i32
          %get3A_324 = arith.index_cast %add3A_323 : i32 to index
          %get3A_325 = arith.constant 0 : index
          %get3A_326 = tpu.vector_load %arg17[%get3A_324, %get3A_325] {strides = array<i32>} : memref<480x80xf32, #tpu.memory_space<vmem>>, vector<16xf32>,
          %mul3A_327 = arith.mulf %get3A_326, %broadcast_in_dim3A_319 : vector<16xf32>
          %swap3A_328 = arith.index_cast %add3A_323 : i32 to index
          %swap3A_329 = arith.constant 0 : index
          %swap3A_330 = tpu.vector_load %arg17[%swap3A_328, %swap3A_329] {strides = array<i32>} : memref<480x80xf32, #tpu.memory_space<vmem>>, vector<16xf32>,
          tpu.vector_store %arg17[%swap3A_328, %swap3A_329], %mul3A_327 {strides = array<i32>} : memref<480x80xf32, #tpu.memory_space<vmem>>, vector<16xf32>,
          %get3A_331 = arith.index_cast %add3A_323 : i32 to index
          %get3A_332 = arith.constant 16 : index
          %get3A_333 = tpu.vector_load %arg17[%get3A_331, %get3A_332] {strides = array<i32>} : memref<480x80xf32, #tpu.memory_space<vmem>>, vector<16xf32>,
          %mul3A_334 = arith.mulf %get3A_333, %broadcast_in_dim3A_319 : vector<16xf32>
          %swap3A_335 = arith.index_cast %add3A_323 : i32 to index
          %swap3A_336 = arith.constant 16 : index
          %swap3A_337 = tpu.vector_load %arg17[%swap3A_335, %swap3A_336] {strides = array<i32>} : memref<480x80xf32, #tpu.memory_space<vmem>>, vector<16xf32>,
          tpu.vector_store %arg17[%swap3A_335, %swap3A_336], %mul3A_334 {strides = array<i32>} : memref<480x80xf32, #tpu.memory_space<vmem>>, vector<16xf32>,
          %get3A_338 = arith.index_cast %add3A_323 : i32 to index
          %get3A_339 = arith.constant 32 : index
          %get3A_340 = tpu.vector_load %arg17[%get3A_338, %get3A_339] {strides = array<i32>} : memref<480x80xf32, #tpu.memory_space<vmem>>, vector<16xf32>,
          %mul3A_341 = arith.mulf %get3A_340, %broadcast_in_dim3A_319 : vector<16xf32>
          %swap3A_342 = arith.index_cast %add3A_323 : i32 to index
          %swap3A_343 = arith.constant 32 : index
          %swap3A_344 = tpu.vector_load %arg17[%swap3A_342, %swap3A_343] {strides = array<i32>} : memref<480x80xf32, #tpu.memory_space<vmem>>, vector<16xf32>,
          tpu.vector_store %arg17[%swap3A_342, %swap3A_343], %mul3A_341 {strides = array<i32>} : memref<480x80xf32, #tpu.memory_space<vmem>>, vector<16xf32>,
          %get3A_345 = arith.index_cast %add3A_323 : i32 to index
          %get3A_346 = arith.constant 48 : index
          %get3A_347 = tpu.vector_load %arg17[%get3A_345, %get3A_346] {strides = array<i32>} : memref<480x80xf32, #tpu.memory_space<vmem>>, vector<16xf32>,
          %mul3A_348 = arith.mulf %get3A_347, %broadcast_in_dim3A_319 : vector<16xf32>
          %swap3A_349 = arith.index_cast %add3A_323 : i32 to index
          %swap3A_350 = arith.constant 48 : index
          %swap3A_351 = tpu.vector_load %arg17[%swap3A_349, %swap3A_350] {strides = array<i32>} : memref<480x80xf32, #tpu.memory_space<vmem>>, vector<16xf32>,
          tpu.vector_store %arg17[%swap3A_349, %swap3A_350], %mul3A_348 {strides = array<i32>} : memref<480x80xf32, #tpu.memory_space<vmem>>, vector<16xf32>,
          %get3A_352 = arith.index_cast %add3A_323 : i32 to index
          %get3A_353 = arith.constant 64 : index
          %get3A_354 = tpu.vector_load %arg17[%get3A_352, %get3A_353] {strides = array<i32>} : memref<480x80xf32, #tpu.memory_space<vmem>>, vector<16xf32>,
          %mul3A_355 = arith.mulf %get3A_354, %broadcast_in_dim3A_319 : vector<16xf32>
          %swap3A_356 = arith.index_cast %add3A_323 : i32 to index
          %swap3A_357 = arith.constant 64 : index
          %swap3A_358 = tpu.vector_load %arg17[%swap3A_356, %swap3A_357] {strides = array<i32>} : memref<480x80xf32, #tpu.memory_space<vmem>>, vector<16xf32>,
          tpu.vector_store %arg17[%swap3A_356, %swap3A_357], %mul3A_355 {strides = array<i32>} : memref<480x80xf32, #tpu.memory_space<vmem>>, vector<16xf32>,
          %slice3A_359 = vector.extract_strided_slice %get3A_110 {offsets = [6], sizes = [1], strides = [1]} : vector<16xf32> to vector<1xf32>
          %squeeze3A_360 = vector.extract %slice3A_359[0] : f32 from vector<1xf32>
          %broadcast_in_dim3A_361 = vector.broadcast %squeeze3A_360 : f32 to vector<16xf32>
          %mul3A_362 = arith.constant 16 : i32
          %mul3A_363 = arith.muli %scan3A_107, %mul3A_362 : i32
          %add3A_364 = arith.constant 6 : i32
          %add3A_365 = arith.addi %mul3A_363, %add3A_364 : i32
          %get3A_366 = arith.index_cast %add3A_365 : i32 to index
          %get3A_367 = arith.constant 0 : index
          %get3A_368 = tpu.vector_load %arg17[%get3A_366, %get3A_367] {strides = array<i32>} : memref<480x80xf32, #tpu.memory_space<vmem>>, vector<16xf32>,
          %mul3A_369 = arith.mulf %get3A_368, %broadcast_in_dim3A_361 : vector<16xf32>
          %swap3A_370 = arith.index_cast %add3A_365 : i32 to index
          %swap3A_371 = arith.constant 0 : index
          %swap3A_372 = tpu.vector_load %arg17[%swap3A_370, %swap3A_371] {strides = array<i32>} : memref<480x80xf32, #tpu.memory_space<vmem>>, vector<16xf32>,
          tpu.vector_store %arg17[%swap3A_370, %swap3A_371], %mul3A_369 {strides = array<i32>} : memref<480x80xf32, #tpu.memory_space<vmem>>, vector<16xf32>,
          %get3A_373 = arith.index_cast %add3A_365 : i32 to index
          %get3A_374 = arith.constant 16 : index
          %get3A_375 = tpu.vector_load %arg17[%get3A_373, %get3A_374] {strides = array<i32>} : memref<480x80xf32, #tpu.memory_space<vmem>>, vector<16xf32>,
          %mul3A_376 = arith.mulf %get3A_375, %broadcast_in_dim3A_361 : vector<16xf32>
          %swap3A_377 = arith.index_cast %add3A_365 : i32 to index
          %swap3A_378 = arith.constant 16 : index
          %swap3A_379 = tpu.vector_load %arg17[%swap3A_377, %swap3A_378] {strides = array<i32>} : memref<480x80xf32, #tpu.memory_space<vmem>>, vector<16xf32>,
          tpu.vector_store %arg17[%swap3A_377, %swap3A_378], %mul3A_376 {strides = array<i32>} : memref<480x80xf32, #tpu.memory_space<vmem>>, vector<16xf32>,
          %get3A_380 = arith.index_cast %add3A_365 : i32 to index
          %get3A_381 = arith.constant 32 : index
          %get3A_382 = tpu.vector_load %arg17[%get3A_380, %get3A_381] {strides = array<i32>} : memref<480x80xf32, #tpu.memory_space<vmem>>, vector<16xf32>,
          %mul3A_383 = arith.mulf %get3A_382, %broadcast_in_dim3A_361 : vector<16xf32>
          %swap3A_384 = arith.index_cast %add3A_365 : i32 to index
          %swap3A_385 = arith.constant 32 : index
          %swap3A_386 = tpu.vector_load %arg17[%swap3A_384, %swap3A_385] {strides = array<i32>} : memref<480x80xf32, #tpu.memory_space<vmem>>, vector<16xf32>,
          tpu.vector_store %arg17[%swap3A_384, %swap3A_385], %mul3A_383 {strides = array<i32>} : memref<480x80xf32, #tpu.memory_space<vmem>>, vector<16xf32>,
          %get3A_387 = arith.index_cast %add3A_365 : i32 to index
          %get3A_388 = arith.constant 48 : index
          %get3A_389 = tpu.vector_load %arg17[%get3A_387, %get3A_388] {strides = array<i32>} : memref<480x80xf32, #tpu.memory_space<vmem>>, vector<16xf32>,
          %mul3A_390 = arith.mulf %get3A_389, %broadcast_in_dim3A_361 : vector<16xf32>
          %swap3A_391 = arith.index_cast %add3A_365 : i32 to index
          %swap3A_392 = arith.constant 48 : index
          %swap3A_393 = tpu.vector_load %arg17[%swap3A_391, %swap3A_392] {strides = array<i32>} : memref<480x80xf32, #tpu.memory_space<vmem>>, vector<16xf32>,
          tpu.vector_store %arg17[%swap3A_391, %swap3A_392], %mul3A_390 {strides = array<i32>} : memref<480x80xf32, #tpu.memory_space<vmem>>, vector<16xf32>,
          %get3A_394 = arith.index_cast %add3A_365 : i32 to index
          %get3A_395 = arith.constant 64 : index
          %get3A_396 = tpu.vector_load %arg17[%get3A_394, %get3A_395] {strides = array<i32>} : memref<480x80xf32, #tpu.memory_space<vmem>>, vector<16xf32>,
          %mul3A_397 = arith.mulf %get3A_396, %broadcast_in_dim3A_361 : vector<16xf32>
          %swap3A_398 = arith.index_cast %add3A_365 : i32 to index
          %swap3A_399 = arith.constant 64 : index
          %swap3A_400 = tpu.vector_load %arg17[%swap3A_398, %swap3A_399] {strides = array<i32>} : memref<480x80xf32, #tpu.memory_space<vmem>>, vector<16xf32>,
          tpu.vector_store %arg17[%swap3A_398, %swap3A_399], %mul3A_397 {strides = array<i32>} : memref<480x80xf32, #tpu.memory_space<vmem>>, vector<16xf32>,
          %slice3A_401 = vector.extract_strided_slice %get3A_110 {offsets = [7], sizes = [1], strides = [1]} : vector<16xf32> to vector<1xf32>
          %squeeze3A_402 = vector.extract %slice3A_401[0] : f32 from vector<1xf32>
          %broadcast_in_dim3A_403 = vector.broadcast %squeeze3A_402 : f32 to vector<16xf32>
          %mul3A_404 = arith.constant 16 : i32
          %mul3A_405 = arith.muli %scan3A_107, %mul3A_404 : i32
          %add3A_406 = arith.constant 7 : i32
          %add3A_407 = arith.addi %mul3A_405, %add3A_406 : i32
          %get3A_408 = arith.index_cast %add3A_407 : i32 to index
          %get3A_409 = arith.constant 0 : index
          %get3A_410 = tpu.vector_load %arg17[%get3A_408, %get3A_409] {strides = array<i32>} : memref<480x80xf32, #tpu.memory_space<vmem>>, vector<16xf32>,
          %mul3A_411 = arith.mulf %get3A_410, %broadcast_in_dim3A_403 : vector<16xf32>
          %swap3A_412 = arith.index_cast %add3A_407 : i32 to index
          %swap3A_413 = arith.constant 0 : index
          %swap3A_414 = tpu.vector_load %arg17[%swap3A_412, %swap3A_413] {strides = array<i32>} : memref<480x80xf32, #tpu.memory_space<vmem>>, vector<16xf32>,
          tpu.vector_store %arg17[%swap3A_412, %swap3A_413], %mul3A_411 {strides = array<i32>} : memref<480x80xf32, #tpu.memory_space<vmem>>, vector<16xf32>,
          %get3A_415 = arith.index_cast %add3A_407 : i32 to index
          %get3A_416 = arith.constant 16 : index
          %get3A_417 = tpu.vector_load %arg17[%get3A_415, %get3A_416] {strides = array<i32>} : memref<480x80xf32, #tpu.memory_space<vmem>>, vector<16xf32>,
          %mul3A_418 = arith.mulf %get3A_417, %broadcast_in_dim3A_403 : vector<16xf32>
          %swap3A_419 = arith.index_cast %add3A_407 : i32 to index
          %swap3A_420 = arith.constant 16 : index
          %swap3A_421 = tpu.vector_load %arg17[%swap3A_419, %swap3A_420] {strides = array<i32>} : memref<480x80xf32, #tpu.memory_space<vmem>>, vector<16xf32>,
          tpu.vector_store %arg17[%swap3A_419, %swap3A_420], %mul3A_418 {strides = array<i32>} : memref<480x80xf32, #tpu.memory_space<vmem>>, vector<16xf32>,
          %get3A_422 = arith.index_cast %add3A_407 : i32 to index
          %get3A_423 = arith.constant 32 : index
          %get3A_424 = tpu.vector_load %arg17[%get3A_422, %get3A_423] {strides = array<i32>} : memref<480x80xf32, #tpu.memory_space<vmem>>, vector<16xf32>,
          %mul3A_425 = arith.mulf %get3A_424, %broadcast_in_dim3A_403 : vector<16xf32>
          %swap3A_426 = arith.index_cast %add3A_407 : i32 to index
          %swap3A_427 = arith.constant 32 : index
          %swap3A_428 = tpu.vector_load %arg17[%swap3A_426, %swap3A_427] {strides = array<i32>} : memref<480x80xf32, #tpu.memory_space<vmem>>, vector<16xf32>,
          tpu.vector_store %arg17[%swap3A_426, %swap3A_427], %mul3A_425 {strides = array<i32>} : memref<480x80xf32, #tpu.memory_space<vmem>>, vector<16xf32>,
          %get3A_429 = arith.index_cast %add3A_407 : i32 to index
          %get3A_430 = arith.constant 48 : index
          %get3A_431 = tpu.vector_load %arg17[%get3A_429, %get3A_430] {strides = array<i32>} : memref<480x80xf32, #tpu.memory_space<vmem>>, vector<16xf32>,
          %mul3A_432 = arith.mulf %get3A_431, %broadcast_in_dim3A_403 : vector<16xf32>
          %swap3A_433 = arith.index_cast %add3A_407 : i32 to index
          %swap3A_434 = arith.constant 48 : index
          %swap3A_435 = tpu.vector_load %arg17[%swap3A_433, %swap3A_434] {strides = array<i32>} : memref<480x80xf32, #tpu.memory_space<vmem>>, vector<16xf32>,
          tpu.vector_store %arg17[%swap3A_433, %swap3A_434], %mul3A_432 {strides = array<i32>} : memref<480x80xf32, #tpu.memory_space<vmem>>, vector<16xf32>,
          %get3A_436 = arith.index_cast %add3A_407 : i32 to index
          %get3A_437 = arith.constant 64 : index
          %get3A_438 = tpu.vector_load %arg17[%get3A_436, %get3A_437] {strides = array<i32>} : memref<480x80xf32, #tpu.memory_space<vmem>>, vector<16xf32>,
          %mul3A_439 = arith.mulf %get3A_438, %broadcast_in_dim3A_403 : vector<16xf32>
          %swap3A_440 = arith.index_cast %add3A_407 : i32 to index
          %swap3A_441 = arith.constant 64 : index
          %swap3A_442 = tpu.vector_load %arg17[%swap3A_440, %swap3A_441] {strides = array<i32>} : memref<480x80xf32, #tpu.memory_space<vmem>>, vector<16xf32>,
          tpu.vector_store %arg17[%swap3A_440, %swap3A_441], %mul3A_439 {strides = array<i32>} : memref<480x80xf32, #tpu.memory_space<vmem>>, vector<16xf32>,
          %slice3A_443 = vector.extract_strided_slice %get3A_110 {offsets = [8], sizes = [1], strides = [1]} : vector<16xf32> to vector<1xf32>
          %squeeze3A_444 = vector.extract %slice3A_443[0] : f32 from vector<1xf32>
          %broadcast_in_dim3A_445 = vector.broadcast %squeeze3A_444 : f32 to vector<16xf32>
          %mul3A_446 = arith.constant 16 : i32
          %mul3A_447 = arith.muli %scan3A_107, %mul3A_446 : i32
          %add3A_448 = arith.constant 8 : i32
          %add3A_449 = arith.addi %mul3A_447, %add3A_448 : i32
          %get3A_450 = arith.index_cast %add3A_449 : i32 to index
          %get3A_451 = arith.constant 0 : index
          %get3A_452 = tpu.vector_load %arg17[%get3A_450, %get3A_451] {strides = array<i32>} : memref<480x80xf32, #tpu.memory_space<vmem>>, vector<16xf32>,
          %mul3A_453 = arith.mulf %get3A_452, %broadcast_in_dim3A_445 : vector<16xf32>
          %swap3A_454 = arith.index_cast %add3A_449 : i32 to index
          %swap3A_455 = arith.constant 0 : index
          %swap3A_456 = tpu.vector_load %arg17[%swap3A_454, %swap3A_455] {strides = array<i32>} : memref<480x80xf32, #tpu.memory_space<vmem>>, vector<16xf32>,
          tpu.vector_store %arg17[%swap3A_454, %swap3A_455], %mul3A_453 {strides = array<i32>} : memref<480x80xf32, #tpu.memory_space<vmem>>, vector<16xf32>,
          %get3A_457 = arith.index_cast %add3A_449 : i32 to index
          %get3A_458 = arith.constant 16 : index
          %get3A_459 = tpu.vector_load %arg17[%get3A_457, %get3A_458] {strides = array<i32>} : memref<480x80xf32, #tpu.memory_space<vmem>>, vector<16xf32>,
          %mul3A_460 = arith.mulf %get3A_459, %broadcast_in_dim3A_445 : vector<16xf32>
          %swap3A_461 = arith.index_cast %add3A_449 : i32 to index
          %swap3A_462 = arith.constant 16 : index
          %swap3A_463 = tpu.vector_load %arg17[%swap3A_461, %swap3A_462] {strides = array<i32>} : memref<480x80xf32, #tpu.memory_space<vmem>>, vector<16xf32>,
          tpu.vector_store %arg17[%swap3A_461, %swap3A_462], %mul3A_460 {strides = array<i32>} : memref<480x80xf32, #tpu.memory_space<vmem>>, vector<16xf32>,
          %get3A_464 = arith.index_cast %add3A_449 : i32 to index
          %get3A_465 = arith.constant 32 : index
          %get3A_466 = tpu.vector_load %arg17[%get3A_464, %get3A_465] {strides = array<i32>} : memref<480x80xf32, #tpu.memory_space<vmem>>, vector<16xf32>,
          %mul3A_467 = arith.mulf %get3A_466, %broadcast_in_dim3A_445 : vector<16xf32>
          %swap3A_468 = arith.index_cast %add3A_449 : i32 to index
          %swap3A_469 = arith.constant 32 : index
          %swap3A_470 = tpu.vector_load %arg17[%swap3A_468, %swap3A_469] {strides = array<i32>} : memref<480x80xf32, #tpu.memory_space<vmem>>, vector<16xf32>,
          tpu.vector_store %arg17[%swap3A_468, %swap3A_469], %mul3A_467 {strides = array<i32>} : memref<480x80xf32, #tpu.memory_space<vmem>>, vector<16xf32>,
          %get3A_471 = arith.index_cast %add3A_449 : i32 to index
          %get3A_472 = arith.constant 48 : index
          %get3A_473 = tpu.vector_load %arg17[%get3A_471, %get3A_472] {strides = array<i32>} : memref<480x80xf32, #tpu.memory_space<vmem>>, vector<16xf32>,
          %mul3A_474 = arith.mulf %get3A_473, %broadcast_in_dim3A_445 : vector<16xf32>
          %swap3A_475 = arith.index_cast %add3A_449 : i32 to index
          %swap3A_476 = arith.constant 48 : index
          %swap3A_477 = tpu.vector_load %arg17[%swap3A_475, %swap3A_476] {strides = array<i32>} : memref<480x80xf32, #tpu.memory_space<vmem>>, vector<16xf32>,
          tpu.vector_store %arg17[%swap3A_475, %swap3A_476], %mul3A_474 {strides = array<i32>} : memref<480x80xf32, #tpu.memory_space<vmem>>, vector<16xf32>,
          %get3A_478 = arith.index_cast %add3A_449 : i32 to index
          %get3A_479 = arith.constant 64 : index
          %get3A_480 = tpu.vector_load %arg17[%get3A_478, %get3A_479] {strides = array<i32>} : memref<480x80xf32, #tpu.memory_space<vmem>>, vector<16xf32>,
          %mul3A_481 = arith.mulf %get3A_480, %broadcast_in_dim3A_445 : vector<16xf32>
          %swap3A_482 = arith.index_cast %add3A_449 : i32 to index
          %swap3A_483 = arith.constant 64 : index
          %swap3A_484 = tpu.vector_load %arg17[%swap3A_482, %swap3A_483] {strides = array<i32>} : memref<480x80xf32, #tpu.memory_space<vmem>>, vector<16xf32>,
          tpu.vector_store %arg17[%swap3A_482, %swap3A_483], %mul3A_481 {strides = array<i32>} : memref<480x80xf32, #tpu.memory_space<vmem>>, vector<16xf32>,
          %slice3A_485 = vector.extract_strided_slice %get3A_110 {offsets = [9], sizes = [1], strides = [1]} : vector<16xf32> to vector<1xf32>
          %squeeze3A_486 = vector.extract %slice3A_485[0] : f32 from vector<1xf32>
          %broadcast_in_dim3A_487 = vector.broadcast %squeeze3A_486 : f32 to vector<16xf32>
          %mul3A_488 = arith.constant 16 : i32
          %mul3A_489 = arith.muli %scan3A_107, %mul3A_488 : i32
          %add3A_490 = arith.constant 9 : i32
          %add3A_491 = arith.addi %mul3A_489, %add3A_490 : i32
          %get3A_492 = arith.index_cast %add3A_491 : i32 to index
          %get3A_493 = arith.constant 0 : index
          %get3A_494 = tpu.vector_load %arg17[%get3A_492, %get3A_493] {strides = array<i32>} : memref<480x80xf32, #tpu.memory_space<vmem>>, vector<16xf32>,
          %mul3A_495 = arith.mulf %get3A_494, %broadcast_in_dim3A_487 : vector<16xf32>
          %swap3A_496 = arith.index_cast %add3A_491 : i32 to index
          %swap3A_497 = arith.constant 0 : index
          %swap3A_498 = tpu.vector_load %arg17[%swap3A_496, %swap3A_497] {strides = array<i32>} : memref<480x80xf32, #tpu.memory_space<vmem>>, vector<16xf32>,
          tpu.vector_store %arg17[%swap3A_496, %swap3A_497], %mul3A_495 {strides = array<i32>} : memref<480x80xf32, #tpu.memory_space<vmem>>, vector<16xf32>,
          %get3A_499 = arith.index_cast %add3A_491 : i32 to index
          %get3A_500 = arith.constant 16 : index
          %get3A_501 = tpu.vector_load %arg17[%get3A_499, %get3A_500] {strides = array<i32>} : memref<480x80xf32, #tpu.memory_space<vmem>>, vector<16xf32>,
          %mul3A_502 = arith.mulf %get3A_501, %broadcast_in_dim3A_487 : vector<16xf32>
          %swap3A_503 = arith.index_cast %add3A_491 : i32 to index
          %swap3A_504 = arith.constant 16 : index
          %swap3A_505 = tpu.vector_load %arg17[%swap3A_503, %swap3A_504] {strides = array<i32>} : memref<480x80xf32, #tpu.memory_space<vmem>>, vector<16xf32>,
          tpu.vector_store %arg17[%swap3A_503, %swap3A_504], %mul3A_502 {strides = array<i32>} : memref<480x80xf32, #tpu.memory_space<vmem>>, vector<16xf32>,
          %get3A_506 = arith.index_cast %add3A_491 : i32 to index
          %get3A_507 = arith.constant 32 : index
          %get3A_508 = tpu.vector_load %arg17[%get3A_506, %get3A_507] {strides = array<i32>} : memref<480x80xf32, #tpu.memory_space<vmem>>, vector<16xf32>,
          %mul3A_509 = arith.mulf %get3A_508, %broadcast_in_dim3A_487 : vector<16xf32>
          %swap3A_510 = arith.index_cast %add3A_491 : i32 to index
          %swap3A_511 = arith.constant 32 : index
          %swap3A_512 = tpu.vector_load %arg17[%swap3A_510, %swap3A_511] {strides = array<i32>} : memref<480x80xf32, #tpu.memory_space<vmem>>, vector<16xf32>,
          tpu.vector_store %arg17[%swap3A_510, %swap3A_511], %mul3A_509 {strides = array<i32>} : memref<480x80xf32, #tpu.memory_space<vmem>>, vector<16xf32>,
          %get3A_513 = arith.index_cast %add3A_491 : i32 to index
          %get3A_514 = arith.constant 48 : index
          %get3A_515 = tpu.vector_load %arg17[%get3A_513, %get3A_514] {strides = array<i32>} : memref<480x80xf32, #tpu.memory_space<vmem>>, vector<16xf32>,
          %mul3A_516 = arith.mulf %get3A_515, %broadcast_in_dim3A_487 : vector<16xf32>
          %swap3A_517 = arith.index_cast %add3A_491 : i32 to index
          %swap3A_518 = arith.constant 48 : index
          %swap3A_519 = tpu.vector_load %arg17[%swap3A_517, %swap3A_518] {strides = array<i32>} : memref<480x80xf32, #tpu.memory_space<vmem>>, vector<16xf32>,
          tpu.vector_store %arg17[%swap3A_517, %swap3A_518], %mul3A_516 {strides = array<i32>} : memref<480x80xf32, #tpu.memory_space<vmem>>, vector<16xf32>,
          %get3A_520 = arith.index_cast %add3A_491 : i32 to index
          %get3A_521 = arith.constant 64 : index
          %get3A_522 = tpu.vector_load %arg17[%get3A_520, %get3A_521] {strides = array<i32>} : memref<480x80xf32, #tpu.memory_space<vmem>>, vector<16xf32>,
          %mul3A_523 = arith.mulf %get3A_522, %broadcast_in_dim3A_487 : vector<16xf32>
          %swap3A_524 = arith.index_cast %add3A_491 : i32 to index
          %swap3A_525 = arith.constant 64 : index
          %swap3A_526 = tpu.vector_load %arg17[%swap3A_524, %swap3A_525] {strides = array<i32>} : memref<480x80xf32, #tpu.memory_space<vmem>>, vector<16xf32>,
          tpu.vector_store %arg17[%swap3A_524, %swap3A_525], %mul3A_523 {strides = array<i32>} : memref<480x80xf32, #tpu.memory_space<vmem>>, vector<16xf32>,
          %slice3A_527 = vector.extract_strided_slice %get3A_110 {offsets = [10], sizes = [1], strides = [1]} : vector<16xf32> to vector<1xf32>
          %squeeze3A_528 = vector.extract %slice3A_527[0] : f32 from vector<1xf32>
          %broadcast_in_dim3A_529 = vector.broadcast %squeeze3A_528 : f32 to vector<16xf32>
          %mul3A_530 = arith.constant 16 : i32
          %mul3A_531 = arith.muli %scan3A_107, %mul3A_530 : i32
          %add3A_532 = arith.constant 10 : i32
          %add3A_533 = arith.addi %mul3A_531, %add3A_532 : i32
          %get3A_534 = arith.index_cast %add3A_533 : i32 to index
          %get3A_535 = arith.constant 0 : index
          %get3A_536 = tpu.vector_load %arg17[%get3A_534, %get3A_535] {strides = array<i32>} : memref<480x80xf32, #tpu.memory_space<vmem>>, vector<16xf32>,
          %mul3A_537 = arith.mulf %get3A_536, %broadcast_in_dim3A_529 : vector<16xf32>
          %swap3A_538 = arith.index_cast %add3A_533 : i32 to index
          %swap3A_539 = arith.constant 0 : index
          %swap3A_540 = tpu.vector_load %arg17[%swap3A_538, %swap3A_539] {strides = array<i32>} : memref<480x80xf32, #tpu.memory_space<vmem>>, vector<16xf32>,
          tpu.vector_store %arg17[%swap3A_538, %swap3A_539], %mul3A_537 {strides = array<i32>} : memref<480x80xf32, #tpu.memory_space<vmem>>, vector<16xf32>,
          %get3A_541 = arith.index_cast %add3A_533 : i32 to index
          %get3A_542 = arith.constant 16 : index
          %get3A_543 = tpu.vector_load %arg17[%get3A_541, %get3A_542] {strides = array<i32>} : memref<480x80xf32, #tpu.memory_space<vmem>>, vector<16xf32>,
          %mul3A_544 = arith.mulf %get3A_543, %broadcast_in_dim3A_529 : vector<16xf32>
          %swap3A_545 = arith.index_cast %add3A_533 : i32 to index
          %swap3A_546 = arith.constant 16 : index
          %swap3A_547 = tpu.vector_load %arg17[%swap3A_545, %swap3A_546] {strides = array<i32>} : memref<480x80xf32, #tpu.memory_space<vmem>>, vector<16xf32>,
          tpu.vector_store %arg17[%swap3A_545, %swap3A_546], %mul3A_544 {strides = array<i32>} : memref<480x80xf32, #tpu.memory_space<vmem>>, vector<16xf32>,
          %get3A_548 = arith.index_cast %add3A_533 : i32 to index
          %get3A_549 = arith.constant 32 : index
          %get3A_550 = tpu.vector_load %arg17[%get3A_548, %get3A_549] {strides = array<i32>} : memref<480x80xf32, #tpu.memory_space<vmem>>, vector<16xf32>,
          %mul3A_551 = arith.mulf %get3A_550, %broadcast_in_dim3A_529 : vector<16xf32>
          %swap3A_552 = arith.index_cast %add3A_533 : i32 to index
          %swap3A_553 = arith.constant 32 : index
          %swap3A_554 = tpu.vector_load %arg17[%swap3A_552, %swap3A_553] {strides = array<i32>} : memref<480x80xf32, #tpu.memory_space<vmem>>, vector<16xf32>,
          tpu.vector_store %arg17[%swap3A_552, %swap3A_553], %mul3A_551 {strides = array<i32>} : memref<480x80xf32, #tpu.memory_space<vmem>>, vector<16xf32>,
          %get3A_555 = arith.index_cast %add3A_533 : i32 to index
          %get3A_556 = arith.constant 48 : index
          %get3A_557 = tpu.vector_load %arg17[%get3A_555, %get3A_556] {strides = array<i32>} : memref<480x80xf32, #tpu.memory_space<vmem>>, vector<16xf32>,
          %mul3A_558 = arith.mulf %get3A_557, %broadcast_in_dim3A_529 : vector<16xf32>
          %swap3A_559 = arith.index_cast %add3A_533 : i32 to index
          %swap3A_560 = arith.constant 48 : index
          %swap3A_561 = tpu.vector_load %arg17[%swap3A_559, %swap3A_560] {strides = array<i32>} : memref<480x80xf32, #tpu.memory_space<vmem>>, vector<16xf32>,
          tpu.vector_store %arg17[%swap3A_559, %swap3A_560], %mul3A_558 {strides = array<i32>} : memref<480x80xf32, #tpu.memory_space<vmem>>, vector<16xf32>,
          %get3A_562 = arith.index_cast %add3A_533 : i32 to index
          %get3A_563 = arith.constant 64 : index
          %get3A_564 = tpu.vector_load %arg17[%get3A_562, %get3A_563] {strides = array<i32>} : memref<480x80xf32, #tpu.memory_space<vmem>>, vector<16xf32>,
          %mul3A_565 = arith.mulf %get3A_564, %broadcast_in_dim3A_529 : vector<16xf32>
          %swap3A_566 = arith.index_cast %add3A_533 : i32 to index
          %swap3A_567 = arith.constant 64 : index
          %swap3A_568 = tpu.vector_load %arg17[%swap3A_566, %swap3A_567] {strides = array<i32>} : memref<480x80xf32, #tpu.memory_space<vmem>>, vector<16xf32>,
          tpu.vector_store %arg17[%swap3A_566, %swap3A_567], %mul3A_565 {strides = array<i32>} : memref<480x80xf32, #tpu.memory_space<vmem>>, vector<16xf32>,
          %slice3A_569 = vector.extract_strided_slice %get3A_110 {offsets = [11], sizes = [1], strides = [1]} : vector<16xf32> to vector<1xf32>
          %squeeze3A_570 = vector.extract %slice3A_569[0] : f32 from vector<1xf32>
          %broadcast_in_dim3A_571 = vector.broadcast %squeeze3A_570 : f32 to vector<16xf32>
          %mul3A_572 = arith.constant 16 : i32
          %mul3A_573 = arith.muli %scan3A_107, %mul3A_572 : i32
          %add3A_574 = arith.constant 11 : i32
          %add3A_575 = arith.addi %mul3A_573, %add3A_574 : i32
          %get3A_576 = arith.index_cast %add3A_575 : i32 to index
          %get3A_577 = arith.constant 0 : index
          %get3A_578 = tpu.vector_load %arg17[%get3A_576, %get3A_577] {strides = array<i32>} : memref<480x80xf32, #tpu.memory_space<vmem>>, vector<16xf32>,
          %mul3A_579 = arith.mulf %get3A_578, %broadcast_in_dim3A_571 : vector<16xf32>
          %swap3A_580 = arith.index_cast %add3A_575 : i32 to index
          %swap3A_581 = arith.constant 0 : index
          %swap3A_582 = tpu.vector_load %arg17[%swap3A_580, %swap3A_581] {strides = array<i32>} : memref<480x80xf32, #tpu.memory_space<vmem>>, vector<16xf32>,
          tpu.vector_store %arg17[%swap3A_580, %swap3A_581], %mul3A_579 {strides = array<i32>} : memref<480x80xf32, #tpu.memory_space<vmem>>, vector<16xf32>,
          %get3A_583 = arith.index_cast %add3A_575 : i32 to index
          %get3A_584 = arith.constant 16 : index
          %get3A_585 = tpu.vector_load %arg17[%get3A_583, %get3A_584] {strides = array<i32>} : memref<480x80xf32, #tpu.memory_space<vmem>>, vector<16xf32>,
          %mul3A_586 = arith.mulf %get3A_585, %broadcast_in_dim3A_571 : vector<16xf32>
          %swap3A_587 = arith.index_cast %add3A_575 : i32 to index
          %swap3A_588 = arith.constant 16 : index
          %swap3A_589 = tpu.vector_load %arg17[%swap3A_587, %swap3A_588] {strides = array<i32>} : memref<480x80xf32, #tpu.memory_space<vmem>>, vector<16xf32>,
          tpu.vector_store %arg17[%swap3A_587, %swap3A_588], %mul3A_586 {strides = array<i32>} : memref<480x80xf32, #tpu.memory_space<vmem>>, vector<16xf32>,
          %get3A_590 = arith.index_cast %add3A_575 : i32 to index
          %get3A_591 = arith.constant 32 : index
          %get3A_592 = tpu.vector_load %arg17[%get3A_590, %get3A_591] {strides = array<i32>} : memref<480x80xf32, #tpu.memory_space<vmem>>, vector<16xf32>,
          %mul3A_593 = arith.mulf %get3A_592, %broadcast_in_dim3A_571 : vector<16xf32>
          %swap3A_594 = arith.index_cast %add3A_575 : i32 to index
          %swap3A_595 = arith.constant 32 : index
          %swap3A_596 = tpu.vector_load %arg17[%swap3A_594, %swap3A_595] {strides = array<i32>} : memref<480x80xf32, #tpu.memory_space<vmem>>, vector<16xf32>,
          tpu.vector_store %arg17[%swap3A_594, %swap3A_595], %mul3A_593 {strides = array<i32>} : memref<480x80xf32, #tpu.memory_space<vmem>>, vector<16xf32>,
          %get3A_597 = arith.index_cast %add3A_575 : i32 to index
          %get3A_598 = arith.constant 48 : index
          %get3A_599 = tpu.vector_load %arg17[%get3A_597, %get3A_598] {strides = array<i32>} : memref<480x80xf32, #tpu.memory_space<vmem>>, vector<16xf32>,
          %mul3A_600 = arith.mulf %get3A_599, %broadcast_in_dim3A_571 : vector<16xf32>
          %swap3A_601 = arith.index_cast %add3A_575 : i32 to index
          %swap3A_602 = arith.constant 48 : index
          %swap3A_603 = tpu.vector_load %arg17[%swap3A_601, %swap3A_602] {strides = array<i32>} : memref<480x80xf32, #tpu.memory_space<vmem>>, vector<16xf32>,
          tpu.vector_store %arg17[%swap3A_601, %swap3A_602], %mul3A_600 {strides = array<i32>} : memref<480x80xf32, #tpu.memory_space<vmem>>, vector<16xf32>,
          %get3A_604 = arith.index_cast %add3A_575 : i32 to index
          %get3A_605 = arith.constant 64 : index
          %get3A_606 = tpu.vector_load %arg17[%get3A_604, %get3A_605] {strides = array<i32>} : memref<480x80xf32, #tpu.memory_space<vmem>>, vector<16xf32>,
          %mul3A_607 = arith.mulf %get3A_606, %broadcast_in_dim3A_571 : vector<16xf32>
          %swap3A_608 = arith.index_cast %add3A_575 : i32 to index
          %swap3A_609 = arith.constant 64 : index
          %swap3A_610 = tpu.vector_load %arg17[%swap3A_608, %swap3A_609] {strides = array<i32>} : memref<480x80xf32, #tpu.memory_space<vmem>>, vector<16xf32>,
          tpu.vector_store %arg17[%swap3A_608, %swap3A_609], %mul3A_607 {strides = array<i32>} : memref<480x80xf32, #tpu.memory_space<vmem>>, vector<16xf32>,
          %slice3A_611 = vector.extract_strided_slice %get3A_110 {offsets = [12], sizes = [1], strides = [1]} : vector<16xf32> to vector<1xf32>
          %squeeze3A_612 = vector.extract %slice3A_611[0] : f32 from vector<1xf32>
          %broadcast_in_dim3A_613 = vector.broadcast %squeeze3A_612 : f32 to vector<16xf32>
          %mul3A_614 = arith.constant 16 : i32
          %mul3A_615 = arith.muli %scan3A_107, %mul3A_614 : i32
          %add3A_616 = arith.constant 12 : i32
          %add3A_617 = arith.addi %mul3A_615, %add3A_616 : i32
          %get3A_618 = arith.index_cast %add3A_617 : i32 to index
          %get3A_619 = arith.constant 0 : index
          %get3A_620 = tpu.vector_load %arg17[%get3A_618, %get3A_619] {strides = array<i32>} : memref<480x80xf32, #tpu.memory_space<vmem>>, vector<16xf32>,
          %mul3A_621 = arith.mulf %get3A_620, %broadcast_in_dim3A_613 : vector<16xf32>
          %swap3A_622 = arith.index_cast %add3A_617 : i32 to index
          %swap3A_623 = arith.constant 0 : index
          %swap3A_624 = tpu.vector_load %arg17[%swap3A_622, %swap3A_623] {strides = array<i32>} : memref<480x80xf32, #tpu.memory_space<vmem>>, vector<16xf32>,
          tpu.vector_store %arg17[%swap3A_622, %swap3A_623], %mul3A_621 {strides = array<i32>} : memref<480x80xf32, #tpu.memory_space<vmem>>, vector<16xf32>,
          %get3A_625 = arith.index_cast %add3A_617 : i32 to index
          %get3A_626 = arith.constant 16 : index
          %get3A_627 = tpu.vector_load %arg17[%get3A_625, %get3A_626] {strides = array<i32>} : memref<480x80xf32, #tpu.memory_space<vmem>>, vector<16xf32>,
          %mul3A_628 = arith.mulf %get3A_627, %broadcast_in_dim3A_613 : vector<16xf32>
          %swap3A_629 = arith.index_cast %add3A_617 : i32 to index
          %swap3A_630 = arith.constant 16 : index
          %swap3A_631 = tpu.vector_load %arg17[%swap3A_629, %swap3A_630] {strides = array<i32>} : memref<480x80xf32, #tpu.memory_space<vmem>>, vector<16xf32>,
          tpu.vector_store %arg17[%swap3A_629, %swap3A_630], %mul3A_628 {strides = array<i32>} : memref<480x80xf32, #tpu.memory_space<vmem>>, vector<16xf32>,
          %get3A_632 = arith.index_cast %add3A_617 : i32 to index
          %get3A_633 = arith.constant 32 : index
          %get3A_634 = tpu.vector_load %arg17[%get3A_632, %get3A_633] {strides = array<i32>} : memref<480x80xf32, #tpu.memory_space<vmem>>, vector<16xf32>,
          %mul3A_635 = arith.mulf %get3A_634, %broadcast_in_dim3A_613 : vector<16xf32>
          %swap3A_636 = arith.index_cast %add3A_617 : i32 to index
          %swap3A_637 = arith.constant 32 : index
          %swap3A_638 = tpu.vector_load %arg17[%swap3A_636, %swap3A_637] {strides = array<i32>} : memref<480x80xf32, #tpu.memory_space<vmem>>, vector<16xf32>,
          tpu.vector_store %arg17[%swap3A_636, %swap3A_637], %mul3A_635 {strides = array<i32>} : memref<480x80xf32, #tpu.memory_space<vmem>>, vector<16xf32>,
          %get3A_639 = arith.index_cast %add3A_617 : i32 to index
          %get3A_640 = arith.constant 48 : index
          %get3A_641 = tpu.vector_load %arg17[%get3A_639, %get3A_640] {strides = array<i32>} : memref<480x80xf32, #tpu.memory_space<vmem>>, vector<16xf32>,
          %mul3A_642 = arith.mulf %get3A_641, %broadcast_in_dim3A_613 : vector<16xf32>
          %swap3A_643 = arith.index_cast %add3A_617 : i32 to index
          %swap3A_644 = arith.constant 48 : index
          %swap3A_645 = tpu.vector_load %arg17[%swap3A_643, %swap3A_644] {strides = array<i32>} : memref<480x80xf32, #tpu.memory_space<vmem>>, vector<16xf32>,
          tpu.vector_store %arg17[%swap3A_643, %swap3A_644], %mul3A_642 {strides = array<i32>} : memref<480x80xf32, #tpu.memory_space<vmem>>, vector<16xf32>,
          %get3A_646 = arith.index_cast %add3A_617 : i32 to index
          %get3A_647 = arith.constant 64 : index
          %get3A_648 = tpu.vector_load %arg17[%get3A_646, %get3A_647] {strides = array<i32>} : memref<480x80xf32, #tpu.memory_space<vmem>>, vector<16xf32>,
          %mul3A_649 = arith.mulf %get3A_648, %broadcast_in_dim3A_613 : vector<16xf32>
          %swap3A_650 = arith.index_cast %add3A_617 : i32 to index
          %swap3A_651 = arith.constant 64 : index
          %swap3A_652 = tpu.vector_load %arg17[%swap3A_650, %swap3A_651] {strides = array<i32>} : memref<480x80xf32, #tpu.memory_space<vmem>>, vector<16xf32>,
          tpu.vector_store %arg17[%swap3A_650, %swap3A_651], %mul3A_649 {strides = array<i32>} : memref<480x80xf32, #tpu.memory_space<vmem>>, vector<16xf32>,
          %slice3A_653 = vector.extract_strided_slice %get3A_110 {offsets = [13], sizes = [1], strides = [1]} : vector<16xf32> to vector<1xf32>
          %squeeze3A_654 = vector.extract %slice3A_653[0] : f32 from vector<1xf32>
          %broadcast_in_dim3A_655 = vector.broadcast %squeeze3A_654 : f32 to vector<16xf32>
          %mul3A_656 = arith.constant 16 : i32
          %mul3A_657 = arith.muli %scan3A_107, %mul3A_656 : i32
          %add3A_658 = arith.constant 13 : i32
          %add3A_659 = arith.addi %mul3A_657, %add3A_658 : i32
          %get3A_660 = arith.index_cast %add3A_659 : i32 to index
          %get3A_661 = arith.constant 0 : index
          %get3A_662 = tpu.vector_load %arg17[%get3A_660, %get3A_661] {strides = array<i32>} : memref<480x80xf32, #tpu.memory_space<vmem>>, vector<16xf32>,
          %mul3A_663 = arith.mulf %get3A_662, %broadcast_in_dim3A_655 : vector<16xf32>
          %swap3A_664 = arith.index_cast %add3A_659 : i32 to index
          %swap3A_665 = arith.constant 0 : index
          %swap3A_666 = tpu.vector_load %arg17[%swap3A_664, %swap3A_665] {strides = array<i32>} : memref<480x80xf32, #tpu.memory_space<vmem>>, vector<16xf32>,
          tpu.vector_store %arg17[%swap3A_664, %swap3A_665], %mul3A_663 {strides = array<i32>} : memref<480x80xf32, #tpu.memory_space<vmem>>, vector<16xf32>,
          %get3A_667 = arith.index_cast %add3A_659 : i32 to index
          %get3A_668 = arith.constant 16 : index
          %get3A_669 = tpu.vector_load %arg17[%get3A_667, %get3A_668] {strides = array<i32>} : memref<480x80xf32, #tpu.memory_space<vmem>>, vector<16xf32>,
          %mul3A_670 = arith.mulf %get3A_669, %broadcast_in_dim3A_655 : vector<16xf32>
          %swap3A_671 = arith.index_cast %add3A_659 : i32 to index
          %swap3A_672 = arith.constant 16 : index
          %swap3A_673 = tpu.vector_load %arg17[%swap3A_671, %swap3A_672] {strides = array<i32>} : memref<480x80xf32, #tpu.memory_space<vmem>>, vector<16xf32>,
          tpu.vector_store %arg17[%swap3A_671, %swap3A_672], %mul3A_670 {strides = array<i32>} : memref<480x80xf32, #tpu.memory_space<vmem>>, vector<16xf32>,
          %get3A_674 = arith.index_cast %add3A_659 : i32 to index
          %get3A_675 = arith.constant 32 : index
          %get3A_676 = tpu.vector_load %arg17[%get3A_674, %get3A_675] {strides = array<i32>} : memref<480x80xf32, #tpu.memory_space<vmem>>, vector<16xf32>,
          %mul3A_677 = arith.mulf %get3A_676, %broadcast_in_dim3A_655 : vector<16xf32>
          %swap3A_678 = arith.index_cast %add3A_659 : i32 to index
          %swap3A_679 = arith.constant 32 : index
          %swap3A_680 = tpu.vector_load %arg17[%swap3A_678, %swap3A_679] {strides = array<i32>} : memref<480x80xf32, #tpu.memory_space<vmem>>, vector<16xf32>,
          tpu.vector_store %arg17[%swap3A_678, %swap3A_679], %mul3A_677 {strides = array<i32>} : memref<480x80xf32, #tpu.memory_space<vmem>>, vector<16xf32>,
          %get3A_681 = arith.index_cast %add3A_659 : i32 to index
          %get3A_682 = arith.constant 48 : index
          %get3A_683 = tpu.vector_load %arg17[%get3A_681, %get3A_682] {strides = array<i32>} : memref<480x80xf32, #tpu.memory_space<vmem>>, vector<16xf32>,
          %mul3A_684 = arith.mulf %get3A_683, %broadcast_in_dim3A_655 : vector<16xf32>
          %swap3A_685 = arith.index_cast %add3A_659 : i32 to index
          %swap3A_686 = arith.constant 48 : index
          %swap3A_687 = tpu.vector_load %arg17[%swap3A_685, %swap3A_686] {strides = array<i32>} : memref<480x80xf32, #tpu.memory_space<vmem>>, vector<16xf32>,
          tpu.vector_store %arg17[%swap3A_685, %swap3A_686], %mul3A_684 {strides = array<i32>} : memref<480x80xf32, #tpu.memory_space<vmem>>, vector<16xf32>,
          %get3A_688 = arith.index_cast %add3A_659 : i32 to index
          %get3A_689 = arith.constant 64 : index
          %get3A_690 = tpu.vector_load %arg17[%get3A_688, %get3A_689] {strides = array<i32>} : memref<480x80xf32, #tpu.memory_space<vmem>>, vector<16xf32>,
          %mul3A_691 = arith.mulf %get3A_690, %broadcast_in_dim3A_655 : vector<16xf32>
          %swap3A_692 = arith.index_cast %add3A_659 : i32 to index
          %swap3A_693 = arith.constant 64 : index
          %swap3A_694 = tpu.vector_load %arg17[%swap3A_692, %swap3A_693] {strides = array<i32>} : memref<480x80xf32, #tpu.memory_space<vmem>>, vector<16xf32>,
          tpu.vector_store %arg17[%swap3A_692, %swap3A_693], %mul3A_691 {strides = array<i32>} : memref<480x80xf32, #tpu.memory_space<vmem>>, vector<16xf32>,
          %slice3A_695 = vector.extract_strided_slice %get3A_110 {offsets = [14], sizes = [1], strides = [1]} : vector<16xf32> to vector<1xf32>
          %squeeze3A_696 = vector.extract %slice3A_695[0] : f32 from vector<1xf32>
          %broadcast_in_dim3A_697 = vector.broadcast %squeeze3A_696 : f32 to vector<16xf32>
          %mul3A_698 = arith.constant 16 : i32
          %mul3A_699 = arith.muli %scan3A_107, %mul3A_698 : i32
          %add3A_700 = arith.constant 14 : i32
          %add3A_701 = arith.addi %mul3A_699, %add3A_700 : i32
          %get3A_702 = arith.index_cast %add3A_701 : i32 to index
          %get3A_703 = arith.constant 0 : index
          %get3A_704 = tpu.vector_load %arg17[%get3A_702, %get3A_703] {strides = array<i32>} : memref<480x80xf32, #tpu.memory_space<vmem>>, vector<16xf32>,
          %mul3A_705 = arith.mulf %get3A_704, %broadcast_in_dim3A_697 : vector<16xf32>
          %swap3A_706 = arith.index_cast %add3A_701 : i32 to index
          %swap3A_707 = arith.constant 0 : index
          %swap3A_708 = tpu.vector_load %arg17[%swap3A_706, %swap3A_707] {strides = array<i32>} : memref<480x80xf32, #tpu.memory_space<vmem>>, vector<16xf32>,
          tpu.vector_store %arg17[%swap3A_706, %swap3A_707], %mul3A_705 {strides = array<i32>} : memref<480x80xf32, #tpu.memory_space<vmem>>, vector<16xf32>,
          %get3A_709 = arith.index_cast %add3A_701 : i32 to index
          %get3A_710 = arith.constant 16 : index
          %get3A_711 = tpu.vector_load %arg17[%get3A_709, %get3A_710] {strides = array<i32>} : memref<480x80xf32, #tpu.memory_space<vmem>>, vector<16xf32>,
          %mul3A_712 = arith.mulf %get3A_711, %broadcast_in_dim3A_697 : vector<16xf32>
          %swap3A_713 = arith.index_cast %add3A_701 : i32 to index
          %swap3A_714 = arith.constant 16 : index
          %swap3A_715 = tpu.vector_load %arg17[%swap3A_713, %swap3A_714] {strides = array<i32>} : memref<480x80xf32, #tpu.memory_space<vmem>>, vector<16xf32>,
          tpu.vector_store %arg17[%swap3A_713, %swap3A_714], %mul3A_712 {strides = array<i32>} : memref<480x80xf32, #tpu.memory_space<vmem>>, vector<16xf32>,
          %get3A_716 = arith.index_cast %add3A_701 : i32 to index
          %get3A_717 = arith.constant 32 : index
          %get3A_718 = tpu.vector_load %arg17[%get3A_716, %get3A_717] {strides = array<i32>} : memref<480x80xf32, #tpu.memory_space<vmem>>, vector<16xf32>,
          %mul3A_719 = arith.mulf %get3A_718, %broadcast_in_dim3A_697 : vector<16xf32>
          %swap3A_720 = arith.index_cast %add3A_701 : i32 to index
          %swap3A_721 = arith.constant 32 : index
          %swap3A_722 = tpu.vector_load %arg17[%swap3A_720, %swap3A_721] {strides = array<i32>} : memref<480x80xf32, #tpu.memory_space<vmem>>, vector<16xf32>,
          tpu.vector_store %arg17[%swap3A_720, %swap3A_721], %mul3A_719 {strides = array<i32>} : memref<480x80xf32, #tpu.memory_space<vmem>>, vector<16xf32>,
          %get3A_723 = arith.index_cast %add3A_701 : i32 to index
          %get3A_724 = arith.constant 48 : index
          %get3A_725 = tpu.vector_load %arg17[%get3A_723, %get3A_724] {strides = array<i32>} : memref<480x80xf32, #tpu.memory_space<vmem>>, vector<16xf32>,
          %mul3A_726 = arith.mulf %get3A_725, %broadcast_in_dim3A_697 : vector<16xf32>
          %swap3A_727 = arith.index_cast %add3A_701 : i32 to index
          %swap3A_728 = arith.constant 48 : index
          %swap3A_729 = tpu.vector_load %arg17[%swap3A_727, %swap3A_728] {strides = array<i32>} : memref<480x80xf32, #tpu.memory_space<vmem>>, vector<16xf32>,
          tpu.vector_store %arg17[%swap3A_727, %swap3A_728], %mul3A_726 {strides = array<i32>} : memref<480x80xf32, #tpu.memory_space<vmem>>, vector<16xf32>,
          %get3A_730 = arith.index_cast %add3A_701 : i32 to index
          %get3A_731 = arith.constant 64 : index
          %get3A_732 = tpu.vector_load %arg17[%get3A_730, %get3A_731] {strides = array<i32>} : memref<480x80xf32, #tpu.memory_space<vmem>>, vector<16xf32>,
          %mul3A_733 = arith.mulf %get3A_732, %broadcast_in_dim3A_697 : vector<16xf32>
          %swap3A_734 = arith.index_cast %add3A_701 : i32 to index
          %swap3A_735 = arith.constant 64 : index
          %swap3A_736 = tpu.vector_load %arg17[%swap3A_734, %swap3A_735] {strides = array<i32>} : memref<480x80xf32, #tpu.memory_space<vmem>>, vector<16xf32>,
          tpu.vector_store %arg17[%swap3A_734, %swap3A_735], %mul3A_733 {strides = array<i32>} : memref<480x80xf32, #tpu.memory_space<vmem>>, vector<16xf32>,
          %slice3A_737 = vector.extract_strided_slice %get3A_110 {offsets = [15], sizes = [1], strides = [1]} : vector<16xf32> to vector<1xf32>
          %squeeze3A_738 = vector.extract %slice3A_737[0] : f32 from vector<1xf32>
          %broadcast_in_dim3A_739 = vector.broadcast %squeeze3A_738 : f32 to vector<16xf32>
          %mul3A_740 = arith.constant 16 : i32
          %mul3A_741 = arith.muli %scan3A_107, %mul3A_740 : i32
          %add3A_742 = arith.constant 15 : i32
          %add3A_743 = arith.addi %mul3A_741, %add3A_742 : i32
          %get3A_744 = arith.index_cast %add3A_743 : i32 to index
          %get3A_745 = arith.constant 0 : index
          %get3A_746 = tpu.vector_load %arg17[%get3A_744, %get3A_745] {strides = array<i32>} : memref<480x80xf32, #tpu.memory_space<vmem>>, vector<16xf32>,
          %mul3A_747 = arith.mulf %get3A_746, %broadcast_in_dim3A_739 : vector<16xf32>
          %swap3A_748 = arith.index_cast %add3A_743 : i32 to index
          %swap3A_749 = arith.constant 0 : index
          %swap3A_750 = tpu.vector_load %arg17[%swap3A_748, %swap3A_749] {strides = array<i32>} : memref<480x80xf32, #tpu.memory_space<vmem>>, vector<16xf32>,
          tpu.vector_store %arg17[%swap3A_748, %swap3A_749], %mul3A_747 {strides = array<i32>} : memref<480x80xf32, #tpu.memory_space<vmem>>, vector<16xf32>,
          %get3A_751 = arith.index_cast %add3A_743 : i32 to index
          %get3A_752 = arith.constant 16 : index
          %get3A_753 = tpu.vector_load %arg17[%get3A_751, %get3A_752] {strides = array<i32>} : memref<480x80xf32, #tpu.memory_space<vmem>>, vector<16xf32>,
          %mul3A_754 = arith.mulf %get3A_753, %broadcast_in_dim3A_739 : vector<16xf32>
          %swap3A_755 = arith.index_cast %add3A_743 : i32 to index
          %swap3A_756 = arith.constant 16 : index
          %swap3A_757 = tpu.vector_load %arg17[%swap3A_755, %swap3A_756] {strides = array<i32>} : memref<480x80xf32, #tpu.memory_space<vmem>>, vector<16xf32>,
          tpu.vector_store %arg17[%swap3A_755, %swap3A_756], %mul3A_754 {strides = array<i32>} : memref<480x80xf32, #tpu.memory_space<vmem>>, vector<16xf32>,
          %get3A_758 = arith.index_cast %add3A_743 : i32 to index
          %get3A_759 = arith.constant 32 : index
          %get3A_760 = tpu.vector_load %arg17[%get3A_758, %get3A_759] {strides = array<i32>} : memref<480x80xf32, #tpu.memory_space<vmem>>, vector<16xf32>,
          %mul3A_761 = arith.mulf %get3A_760, %broadcast_in_dim3A_739 : vector<16xf32>
          %swap3A_762 = arith.index_cast %add3A_743 : i32 to index
          %swap3A_763 = arith.constant 32 : index
          %swap3A_764 = tpu.vector_load %arg17[%swap3A_762, %swap3A_763] {strides = array<i32>} : memref<480x80xf32, #tpu.memory_space<vmem>>, vector<16xf32>,
          tpu.vector_store %arg17[%swap3A_762, %swap3A_763], %mul3A_761 {strides = array<i32>} : memref<480x80xf32, #tpu.memory_space<vmem>>, vector<16xf32>,
          %get3A_765 = arith.index_cast %add3A_743 : i32 to index
          %get3A_766 = arith.constant 48 : index
          %get3A_767 = tpu.vector_load %arg17[%get3A_765, %get3A_766] {strides = array<i32>} : memref<480x80xf32, #tpu.memory_space<vmem>>, vector<16xf32>,
          %mul3A_768 = arith.mulf %get3A_767, %broadcast_in_dim3A_739 : vector<16xf32>
          %swap3A_769 = arith.index_cast %add3A_743 : i32 to index
          %swap3A_770 = arith.constant 48 : index
          %swap3A_771 = tpu.vector_load %arg17[%swap3A_769, %swap3A_770] {strides = array<i32>} : memref<480x80xf32, #tpu.memory_space<vmem>>, vector<16xf32>,
          tpu.vector_store %arg17[%swap3A_769, %swap3A_770], %mul3A_768 {strides = array<i32>} : memref<480x80xf32, #tpu.memory_space<vmem>>, vector<16xf32>,
          %get3A_772 = arith.index_cast %add3A_743 : i32 to index
          %get3A_773 = arith.constant 64 : index
          %get3A_774 = tpu.vector_load %arg17[%get3A_772, %get3A_773] {strides = array<i32>} : memref<480x80xf32, #tpu.memory_space<vmem>>, vector<16xf32>,
          %mul3A_775 = arith.mulf %get3A_774, %broadcast_in_dim3A_739 : vector<16xf32>
          %swap3A_776 = arith.index_cast %add3A_743 : i32 to index
          %swap3A_777 = arith.constant 64 : index
          %swap3A_778 = tpu.vector_load %arg17[%swap3A_776, %swap3A_777] {strides = array<i32>} : memref<480x80xf32, #tpu.memory_space<vmem>>, vector<16xf32>,
          tpu.vector_store %arg17[%swap3A_776, %swap3A_777], %mul3A_775 {strides = array<i32>} : memref<480x80xf32, #tpu.memory_space<vmem>>, vector<16xf32>,
        }
        %scan3A_85 = arith.constant 30 : i32
        "tpu.region"() ({
          %run_scoped3A = tpu.sem_alloc : memref<!tpu.dma_semaphore, #tpu.memory_space<semaphore_mem>>
          %dma_start3A = arith.constant 0 : i32
          %dma_start3A_107 = arith.constant 0 : i32
          %dma_start3A_108 = tpu.memref_slice %arg19[%dma_start3A, %dma_start3A_107] : memref<10000x80xf32, #tpu.memory_space<vmem_shared>> -> memref<10000x80xf32, #tpu.memory_space<vmem_shared>>
          tpu.enqueue_indirect_dma source(%arg17 : memref<480x80xf32, #tpu.memory_space<vmem>>) target(%dma_start3A_108 : memref<10000x80xf32, #tpu.memory_space<vmem_shared>>) offsets(%arg13 : memref<480xi32, #tpu.memory_space<vmem>>) semaphore(%run_scoped3A : memref<!tpu.dma_semaphore, #tpu.memory_space<semaphore_mem>>) {add = true}
          %dma_wait3A = arith.constant 0 : i32
          %dma_wait3A_109 = arith.constant 0 : i32
          %dma_wait3A_110 = tpu.memref_slice %arg19[%dma_wait3A, %dma_wait3A_109] : memref<10000x80xf32, #tpu.memory_space<vmem_shared>> -> memref<10000x80xf32, #tpu.memory_space<vmem_shared>>
          tpu.wait_indirect_dma semaphore(%run_scoped3A : memref<!tpu.dma_semaphore, #tpu.memory_space<semaphore_mem>>) src(%arg17 : memref<480x80xf32, #tpu.memory_space<vmem>>) dst(%dma_wait3A_110 : memref<10000x80xf32, #tpu.memory_space<vmem_shared>>)
          tpu.yield
        }) : () -> ()
        %jit3A_86 = arith.constant 43 : i32
        %eq3A_87 = arith.constant 0 : i32
        %eq3A_88 = arith.cmpi eq, %jit3A_86, %eq3A_87 : i32
        %jit3A_89 = arith.constant 1 : i32
        %select_n3A_90 = arith.select %eq3A_88, %jit3A_89, %jit3A_86 : i32
        %rem3A_91 = arith.remsi %scan3A_28, %select_n3A_90 : i32
        %ne3A_92 = arith.constant 0 : i32
        %ne3A_93 = arith.cmpi ne, %rem3A_91, %ne3A_92 : i32
        %lt3A_94 = arith.constant 0 : i32
        %lt3A_95 = arith.cmpi slt, %rem3A_91, %lt3A_94 : i32
        %lt3A_96 = arith.constant 0 : i32
        %lt3A_97 = arith.cmpi slt, %select_n3A_90, %lt3A_96 : i32
        %ne3A_98 = arith.xori %lt3A_95, %lt3A_97 : i1
        %and3A_99 = arith.andi %ne3A_98, %ne3A_93 : i1
        %add3A_100 = arith.addi %rem3A_91, %select_n3A_90 : i32
        %select_n3A_101 = arith.select %and3A_99, %add3A_100, %rem3A_91 : i32
        %eq3A_102 = arith.constant 42 : i32
        %eq3A_103 = arith.cmpi eq, %select_n3A_101, %eq3A_102 : i32
        %convert_element_type3A_104 = arith.extui %eq3A_103 : i1 to i32
        %cond3A_105 = arith.constant 0 : i32
        %cond3A_106 = arith.cmpi ne, %convert_element_type3A_104, %cond3A_105 : i32
        scf.if %cond3A_106 {
          %jit3A_107 = arith.constant 43 : i32
          %div3A = arith.divsi %scan3A_28, %jit3A_107 : i32
          %sign3A = arith.constant 0 : i32
          %sign3A_108 = arith.cmpi sgt, %scan3A_28, %sign3A : i32
          %sign3A_109 = arith.extui %sign3A_108 : i1 to i32
          %sign3A_110 = arith.constant 0 : i32
          %sign3A_111 = arith.cmpi slt, %scan3A_28, %sign3A_110 : i32
          %sign3A_112 = arith.extui %sign3A_111 : i1 to i32
          %sign3A_113 = arith.subi %sign3A_109, %sign3A_112 : i32
          %sign3A_114 = arith.constant 0 : i32
          %sign3A_115 = arith.cmpi sgt, %jit3A_107, %sign3A_114 : i32
          %sign3A_116 = arith.extui %sign3A_115 : i1 to i32
          %sign3A_117 = arith.constant 0 : i32
          %sign3A_118 = arith.cmpi slt, %jit3A_107, %sign3A_117 : i32
          %sign3A_119 = arith.extui %sign3A_118 : i1 to i32
          %sign3A_120 = arith.subi %sign3A_116, %sign3A_119 : i32
          %ne3A_121 = arith.cmpi ne, %sign3A_113, %sign3A_120 : i32
          %rem3A_122 = arith.remsi %scan3A_28, %jit3A_107 : i32
          %ne3A_123 = arith.constant 0 : i32
          %ne3A_124 = arith.cmpi ne, %rem3A_122, %ne3A_123 : i32
          %and3A_125 = arith.andi %ne3A_121, %ne3A_124 : i1
          %sub3A = arith.constant 1 : i32
          %sub3A_126 = arith.subi %div3A, %sub3A : i32
          %select_n3A_127 = arith.select %and3A_125, %sub3A_126, %div3A : i32
          %barrier3A_128 = arith.constant 0 : index
          tpu.barrier barrier_id(%barrier3A_128)
          %eq3A_129 = arith.constant 0 : i32
          %eq3A_130 = arith.cmpi eq, %arg0, %eq3A_129 : i32
          %convert_element_type3A_131 = arith.extui %eq3A_130 : i1 to i32
          %cond3A_132 = arith.constant 0 : i32
          %cond3A_133 = arith.cmpi ne, %convert_element_type3A_131, %cond3A_132 : i32
          scf.if %cond3A_133 {
            %mul3A_144 = arith.constant 625 : i32
            %mul3A_145 = arith.muli %arg1, %mul3A_144 : i32
            %mul3A_146 = arith.constant 10000 : i32
            %mul3A_147 = arith.muli %select_n3A_127, %mul3A_146 : i32
            %mul3A_148 = arith.constant 625 : i32
            %mul3A_149 = arith.muli %arg1, %mul3A_148 : i32
            %add3A_150 = arith.addi %mul3A_147, %mul3A_149 : i32
            "tpu.region"() ({
              %run_scoped3A = tpu.sem_alloc : memref<!tpu.dma_semaphore, #tpu.memory_space<semaphore_mem>>
              %dma_start3A = arith.constant 0 : i32
              %dma_start3A_151 = tpu.memref_slice %arg9[%add3A_150, %dma_start3A] : memref<80000x80xf32, #tpu.memory_space<hbm>> -> memref<625x80xf32, #tpu.memory_space<hbm>>
              %dma_start3A_152 = arith.constant 0 : i32
              %dma_start3A_153 = tpu.memref_slice %arg19[%mul3A_145, %dma_start3A_152] : memref<10000x80xf32, #tpu.memory_space<vmem_shared>> -> memref<625x80xf32, #tpu.memory_space<vmem_shared>>
              tpu.enqueue_dma source(%dma_start3A_153 : memref<625x80xf32, #tpu.memory_space<vmem_shared>>) target(%dma_start3A_151 : memref<625x80xf32, #tpu.memory_space<hbm>>) target_semaphore(%run_scoped3A : memref<!tpu.dma_semaphore, #tpu.memory_space<semaphore_mem>>)
              %dma_wait3A = arith.constant 0 : i32
              %dma_wait3A_154 = tpu.memref_slice %arg9[%add3A_150, %dma_wait3A] : memref<80000x80xf32, #tpu.memory_space<hbm>> -> memref<625x80xf32, #tpu.memory_space<hbm>>
              %dma_wait3A_155 = arith.constant 0 : i32
              %dma_wait3A_156 = tpu.memref_slice %arg19[%mul3A_145, %dma_wait3A_155] : memref<10000x80xf32, #tpu.memory_space<vmem_shared>> -> memref<625x80xf32, #tpu.memory_space<vmem_shared>>
              tpu.wait_dma2 semaphore(%run_scoped3A : memref<!tpu.dma_semaphore, #tpu.memory_space<semaphore_mem>>) src(%dma_wait3A_156 : memref<625x80xf32, #tpu.memory_space<vmem_shared>>) dst(%dma_wait3A_154 : memref<625x80xf32, #tpu.memory_space<hbm>>)
              tpu.yield
            }) : () -> ()
          } else {
          }
          %eq3A_134 = arith.constant 1 : i32
          %eq3A_135 = arith.cmpi eq, %arg0, %eq3A_134 : i32
          %convert_element_type3A_136 = arith.extui %eq3A_135 : i1 to i32
          %cond3A_137 = arith.constant 0 : i32
          %cond3A_138 = arith.cmpi ne, %convert_element_type3A_136, %cond3A_137 : i32
          scf.if %cond3A_138 {
            %mul3A_144 = arith.constant 625 : i32
            %mul3A_145 = arith.muli %arg1, %mul3A_144 : i32
            %mul3A_146 = arith.constant 10000 : i32
            %mul3A_147 = arith.muli %select_n3A_127, %mul3A_146 : i32
            %mul3A_148 = arith.constant 625 : i32
            %mul3A_149 = arith.muli %arg1, %mul3A_148 : i32
            %add3A_150 = arith.addi %mul3A_147, %mul3A_149 : i32
            "tpu.region"() ({
              %run_scoped3A = tpu.sem_alloc : memref<!tpu.dma_semaphore, #tpu.memory_space<semaphore_mem>>
              %dma_start3A = arith.constant 0 : i32
              %dma_start3A_151 = tpu.memref_slice %arg10[%add3A_150, %dma_start3A] : memref<80000x80xf32, #tpu.memory_space<hbm>> -> memref<625x80xf32, #tpu.memory_space<hbm>>
              %dma_start3A_152 = arith.constant 0 : i32
              %dma_start3A_153 = tpu.memref_slice %arg19[%mul3A_145, %dma_start3A_152] : memref<10000x80xf32, #tpu.memory_space<vmem_shared>> -> memref<625x80xf32, #tpu.memory_space<vmem_shared>>
              tpu.enqueue_dma source(%dma_start3A_153 : memref<625x80xf32, #tpu.memory_space<vmem_shared>>) target(%dma_start3A_151 : memref<625x80xf32, #tpu.memory_space<hbm>>) target_semaphore(%run_scoped3A : memref<!tpu.dma_semaphore, #tpu.memory_space<semaphore_mem>>)
              %dma_wait3A = arith.constant 0 : i32
              %dma_wait3A_154 = tpu.memref_slice %arg10[%add3A_150, %dma_wait3A] : memref<80000x80xf32, #tpu.memory_space<hbm>> -> memref<625x80xf32, #tpu.memory_space<hbm>>
              %dma_wait3A_155 = arith.constant 0 : i32
              %dma_wait3A_156 = tpu.memref_slice %arg19[%mul3A_145, %dma_wait3A_155] : memref<10000x80xf32, #tpu.memory_space<vmem_shared>> -> memref<625x80xf32, #tpu.memory_space<vmem_shared>>
              tpu.wait_dma2 semaphore(%run_scoped3A : memref<!tpu.dma_semaphore, #tpu.memory_space<semaphore_mem>>) src(%dma_wait3A_156 : memref<625x80xf32, #tpu.memory_space<vmem_shared>>) dst(%dma_wait3A_154 : memref<625x80xf32, #tpu.memory_space<hbm>>)
              tpu.yield
            }) : () -> ()
          } else {
          }
          %mul3A_139 = arith.constant 625 : i32
          %mul3A_140 = arith.muli %arg1, %mul3A_139 : i32
          %mul3A_141 = arith.constant 625 : i32
          %mul3A_142 = arith.muli %arg1, %mul3A_141 : i32
          "tpu.region"() ({
            %run_scoped3A = tpu.sem_alloc : memref<!tpu.dma_semaphore, #tpu.memory_space<semaphore_mem>>
            %dma_start3A = arith.constant 0 : i32
            %dma_start3A_144 = tpu.memref_slice %arg19[%mul3A_142, %dma_start3A] : memref<10000x80xf32, #tpu.memory_space<vmem_shared>> -> memref<625x80xf32, #tpu.memory_space<vmem_shared>>
            %dma_start3A_145 = arith.constant 0 : i32
            %dma_start3A_146 = tpu.memref_slice %arg5[%mul3A_140, %dma_start3A_145] : memref<10000x80xf32, #tpu.memory_space<hbm>> -> memref<625x80xf32, #tpu.memory_space<hbm>>
            tpu.enqueue_dma source(%dma_start3A_146 : memref<625x80xf32, #tpu.memory_space<hbm>>) target(%dma_start3A_144 : memref<625x80xf32, #tpu.memory_space<vmem_shared>>) target_semaphore(%run_scoped3A : memref<!tpu.dma_semaphore, #tpu.memory_space<semaphore_mem>>)
            %dma_wait3A = arith.constant 0 : i32
            %dma_wait3A_147 = tpu.memref_slice %arg19[%mul3A_142, %dma_wait3A] : memref<10000x80xf32, #tpu.memory_space<vmem_shared>> -> memref<625x80xf32, #tpu.memory_space<vmem_shared>>
            %dma_wait3A_148 = arith.constant 0 : i32
            %dma_wait3A_149 = tpu.memref_slice %arg5[%mul3A_140, %dma_wait3A_148] : memref<10000x80xf32, #tpu.memory_space<hbm>> -> memref<625x80xf32, #tpu.memory_space<hbm>>
            tpu.wait_dma2 semaphore(%run_scoped3A : memref<!tpu.dma_semaphore, #tpu.memory_space<semaphore_mem>>) src(%dma_wait3A_149 : memref<625x80xf32, #tpu.memory_space<hbm>>) dst(%dma_wait3A_147 : memref<625x80xf32, #tpu.memory_space<vmem_shared>>)
            tpu.yield
          }) : () -> ()
          %barrier3A_143 = arith.constant 0 : index
          tpu.barrier barrier_id(%barrier3A_143)
        } else {
        }
      } else {
      }
      %jit3A_44 = arith.constant 2 : i32
      %eq3A_45 = arith.constant 0 : i32
      %eq3A_46 = arith.cmpi eq, %jit3A_44, %eq3A_45 : i32
      %jit3A_47 = arith.constant 1 : i32
      %select_n3A_48 = arith.select %eq3A_46, %jit3A_47, %jit3A_44 : i32
      %rem3A_49 = arith.remsi %scan3A_28, %select_n3A_48 : i32
      %ne3A_50 = arith.constant 0 : i32
      %ne3A_51 = arith.cmpi ne, %rem3A_49, %ne3A_50 : i32
      %lt3A_52 = arith.constant 0 : i32
      %lt3A_53 = arith.cmpi slt, %rem3A_49, %lt3A_52 : i32
      %lt3A_54 = arith.constant 0 : i32
      %lt3A_55 = arith.cmpi slt, %select_n3A_48, %lt3A_54 : i32
      %ne3A_56 = arith.xori %lt3A_53, %lt3A_55 : i1
      %and3A_57 = arith.andi %ne3A_56, %ne3A_51 : i1
      %add3A_58 = arith.addi %rem3A_49, %select_n3A_48 : i32
      %select_n3A_59 = arith.select %and3A_57, %add3A_58, %rem3A_49 : i32
      %eq3A_60 = arith.constant 1 : i32
      %eq3A_61 = arith.cmpi eq, %select_n3A_59, %eq3A_60 : i32
      %convert_element_type3A_62 = arith.extui %eq3A_61 : i1 to i32
      %cond3A_63 = arith.constant 0 : i32
      %cond3A_64 = arith.cmpi ne, %convert_element_type3A_62, %cond3A_63 : i32
      scf.if %cond3A_64 {
        %add3A_65 = arith.constant 1 : i32
        %add3A_66 = arith.addi %scan3A_28, %add3A_65 : i32
        %lt3A_67 = arith.constant 344 : i32
        %lt3A_68 = arith.cmpi slt, %add3A_66, %lt3A_67 : i32
        %convert_element_type3A_69 = arith.extui %lt3A_68 : i1 to i32
        %cond3A_70 = arith.constant 0 : i32
        %cond3A_71 = arith.cmpi ne, %convert_element_type3A_69, %cond3A_70 : i32
        scf.if %cond3A_71 {
          %add3A_107 = arith.constant 1 : i32
          %add3A_108 = arith.addi %scan3A_28, %add3A_107 : i32
          %jit3A_109 = arith.constant 43 : i32
          %div3A = arith.divsi %add3A_108, %jit3A_109 : i32
          %sign3A = arith.constant 0 : i32
          %sign3A_110 = arith.cmpi sgt, %add3A_108, %sign3A : i32
          %sign3A_111 = arith.extui %sign3A_110 : i1 to i32
          %sign3A_112 = arith.constant 0 : i32
          %sign3A_113 = arith.cmpi slt, %add3A_108, %sign3A_112 : i32
          %sign3A_114 = arith.extui %sign3A_113 : i1 to i32
          %sign3A_115 = arith.subi %sign3A_111, %sign3A_114 : i32
          %sign3A_116 = arith.constant 0 : i32
          %sign3A_117 = arith.cmpi sgt, %jit3A_109, %sign3A_116 : i32
          %sign3A_118 = arith.extui %sign3A_117 : i1 to i32
          %sign3A_119 = arith.constant 0 : i32
          %sign3A_120 = arith.cmpi slt, %jit3A_109, %sign3A_119 : i32
          %sign3A_121 = arith.extui %sign3A_120 : i1 to i32
          %sign3A_122 = arith.subi %sign3A_118, %sign3A_121 : i32
          %ne3A_123 = arith.cmpi ne, %sign3A_115, %sign3A_122 : i32
          %rem3A_124 = arith.remsi %add3A_108, %jit3A_109 : i32
          %ne3A_125 = arith.constant 0 : i32
          %ne3A_126 = arith.cmpi ne, %rem3A_124, %ne3A_125 : i32
          %and3A_127 = arith.andi %ne3A_123, %ne3A_126 : i1
          %sub3A = arith.constant 1 : i32
          %sub3A_128 = arith.subi %div3A, %sub3A : i32
          %select_n3A_129 = arith.select %and3A_127, %sub3A_128, %div3A : i32
          %jit3A_130 = arith.constant 43 : i32
          %eq3A_131 = arith.constant 0 : i32
          %eq3A_132 = arith.cmpi eq, %jit3A_130, %eq3A_131 : i32
          %jit3A_133 = arith.constant 1 : i32
          %select_n3A_134 = arith.select %eq3A_132, %jit3A_133, %jit3A_130 : i32
          %rem3A_135 = arith.remsi %add3A_108, %select_n3A_134 : i32
          %ne3A_136 = arith.constant 0 : i32
          %ne3A_137 = arith.cmpi ne, %rem3A_135, %ne3A_136 : i32
          %lt3A_138 = arith.constant 0 : i32
          %lt3A_139 = arith.cmpi slt, %rem3A_135, %lt3A_138 : i32
          %lt3A_140 = arith.constant 0 : i32
          %lt3A_141 = arith.cmpi slt, %select_n3A_134, %lt3A_140 : i32
          %ne3A_142 = arith.xori %lt3A_139, %lt3A_141 : i1
          %and3A_143 = arith.andi %ne3A_142, %ne3A_137 : i1
          %add3A_144 = arith.addi %rem3A_135, %select_n3A_134 : i32
          %select_n3A_145 = arith.select %and3A_143, %add3A_144, %rem3A_135 : i32
          %mul3A_146 = arith.constant 480 : i32
          %mul3A_147 = arith.muli %select_n3A_145, %mul3A_146 : i32
          %add3A_148 = arith.addi %mul3A_0, %mul3A_147 : i32
          "tpu.region"() ({
            %run_scoped3A = tpu.sem_alloc : memref<!tpu.dma_semaphore, #tpu.memory_space<semaphore_mem>>
            %dma_start3A = tpu.memref_slice %arg2[%add3A_148] : memref<330240xi32, #tpu.memory_space<hbm>> -> memref<480xi32, #tpu.memory_space<hbm>>
            %dma_start3A_181 = tpu.memref_slice %arg2[%add3A_148] : memref<330240xi32, #tpu.memory_space<hbm>> -> memref<480xi32, #tpu.memory_space<hbm>>
            tpu.enqueue_dma source(%dma_start3A_181 : memref<480xi32, #tpu.memory_space<hbm>>) target(%arg11 : memref<480xi32, #tpu.memory_space<vmem>>) target_semaphore(%run_scoped3A : memref<!tpu.dma_semaphore, #tpu.memory_space<semaphore_mem>>)
            %dma_wait3A = tpu.memref_slice %arg2[%add3A_148] : memref<330240xi32, #tpu.memory_space<hbm>> -> memref<480xi32, #tpu.memory_space<hbm>>
            %dma_wait3A_182 = tpu.memref_slice %arg2[%add3A_148] : memref<330240xi32, #tpu.memory_space<hbm>> -> memref<480xi32, #tpu.memory_space<hbm>>
            tpu.wait_dma2 semaphore(%run_scoped3A : memref<!tpu.dma_semaphore, #tpu.memory_space<semaphore_mem>>) src(%dma_wait3A_182 : memref<480xi32, #tpu.memory_space<hbm>>) dst(%arg11 : memref<480xi32, #tpu.memory_space<vmem>>)
            tpu.yield
          }) : () -> ()
          %mul3A_149 = arith.constant 330240 : i32
          %mul3A_150 = arith.muli %select_n3A_129, %mul3A_149 : i32
          %add3A_151 = arith.addi %mul3A_150, %add3A_148 : i32
          "tpu.region"() ({
            %run_scoped3A = tpu.sem_alloc : memref<!tpu.dma_semaphore, #tpu.memory_space<semaphore_mem>>
            %dma_start3A = tpu.memref_slice %arg4[%add3A_151] : memref<2641920xf32, #tpu.memory_space<hbm>> -> memref<480xf32, #tpu.memory_space<hbm>>
            %dma_start3A_181 = tpu.memref_slice %arg4[%add3A_151] : memref<2641920xf32, #tpu.memory_space<hbm>> -> memref<480xf32, #tpu.memory_space<hbm>>
            tpu.enqueue_dma source(%dma_start3A_181 : memref<480xf32, #tpu.memory_space<hbm>>) target(%arg15 : memref<480xf32, #tpu.memory_space<vmem>>) target_semaphore(%run_scoped3A : memref<!tpu.dma_semaphore, #tpu.memory_space<semaphore_mem>>)
            %dma_wait3A = tpu.memref_slice %arg4[%add3A_151] : memref<2641920xf32, #tpu.memory_space<hbm>> -> memref<480xf32, #tpu.memory_space<hbm>>
            %dma_wait3A_182 = tpu.memref_slice %arg4[%add3A_151] : memref<2641920xf32, #tpu.memory_space<hbm>> -> memref<480xf32, #tpu.memory_space<hbm>>
            tpu.wait_dma2 semaphore(%run_scoped3A : memref<!tpu.dma_semaphore, #tpu.memory_space<semaphore_mem>>) src(%dma_wait3A_182 : memref<480xf32, #tpu.memory_space<hbm>>) dst(%arg15 : memref<480xf32, #tpu.memory_space<vmem>>)
            tpu.yield
          }) : () -> ()
          %mul3A_152 = arith.constant 10000 : i32
          %mul3A_153 = arith.muli %select_n3A_129, %mul3A_152 : i32
          %scan3A_154 = arith.constant 0 : i32
          %scan3A_155 = arith.constant 0 : i32
          %scan3A_156 = arith.constant 30 : i32
          %scan3A_157 = arith.addi %scan3A_155, %scan3A_156 : i32
          %scan3A_158 = arith.constant 1 : i32
          scf.for %scan3A_181 = %scan3A_155 to %scan3A_157 step %scan3A_158  : i32 {
            %mul3A_182 = arith.constant 16 : i32
            %mul3A_183 = arith.muli %scan3A_181, %mul3A_182 : i32
            %get3A = arith.index_cast %mul3A_183 : i32 to index
            %get3A_184 = tpu.vector_load %arg11[%get3A] {strides = array<i32>} : memref<480xi32, #tpu.memory_space<vmem>>, vector<16xi32>,
            %add3A_185 = vector.broadcast %mul3A_153 : i32 to vector<16xi32>
            %add3A_186 = arith.addi %get3A_184, %add3A_185 : vector<16xi32>
            %mul3A_187 = arith.constant 16 : i32
            %mul3A_188 = arith.muli %scan3A_181, %mul3A_187 : i32
            %swap3A = arith.index_cast %mul3A_188 : i32 to index
            %swap3A_189 = tpu.vector_load %arg11[%swap3A] {strides = array<i32>} : memref<480xi32, #tpu.memory_space<vmem>>, vector<16xi32>,
            tpu.vector_store %arg11[%swap3A], %add3A_186 {strides = array<i32>} : memref<480xi32, #tpu.memory_space<vmem>>, vector<16xi32>,
          }
          %scan3A_159 = arith.constant 30 : i32
          %add3A_160 = arith.constant 1 : i32
          %add3A_161 = arith.addi %scan3A_28, %add3A_160 : i32
          %jit3A_162 = arith.constant 43 : i32
          %eq3A_163 = arith.constant 0 : i32
          %eq3A_164 = arith.cmpi eq, %jit3A_162, %eq3A_163 : i32
          %jit3A_165 = arith.constant 1 : i32
          %select_n3A_166 = arith.select %eq3A_164, %jit3A_165, %jit3A_162 : i32
          %rem3A_167 = arith.remsi %add3A_161, %select_n3A_166 : i32
          %ne3A_168 = arith.constant 0 : i32
          %ne3A_169 = arith.cmpi ne, %rem3A_167, %ne3A_168 : i32
          %lt3A_170 = arith.constant 0 : i32
          %lt3A_171 = arith.cmpi slt, %rem3A_167, %lt3A_170 : i32
          %lt3A_172 = arith.constant 0 : i32
          %lt3A_173 = arith.cmpi slt, %select_n3A_166, %lt3A_172 : i32
          %ne3A_174 = arith.xori %lt3A_171, %lt3A_173 : i1
          %and3A_175 = arith.andi %ne3A_174, %ne3A_169 : i1
          %add3A_176 = arith.addi %rem3A_167, %select_n3A_166 : i32
          %select_n3A_177 = arith.select %and3A_175, %add3A_176, %rem3A_167 : i32
          %mul3A_178 = arith.constant 480 : i32
          %mul3A_179 = arith.muli %select_n3A_177, %mul3A_178 : i32
          %add3A_180 = arith.addi %mul3A_0, %mul3A_179 : i32
          "tpu.region"() ({
            %run_scoped3A = tpu.sem_alloc : memref<!tpu.dma_semaphore, #tpu.memory_space<semaphore_mem>>
            %dma_start3A = tpu.memref_slice %arg3[%add3A_180] : memref<330240xi32, #tpu.memory_space<hbm>> -> memref<480xi32, #tpu.memory_space<hbm>>
            %dma_start3A_181 = tpu.memref_slice %arg3[%add3A_180] : memref<330240xi32, #tpu.memory_space<hbm>> -> memref<480xi32, #tpu.memory_space<hbm>>
            tpu.enqueue_dma source(%dma_start3A_181 : memref<480xi32, #tpu.memory_space<hbm>>) target(%arg13 : memref<480xi32, #tpu.memory_space<vmem>>) target_semaphore(%run_scoped3A : memref<!tpu.dma_semaphore, #tpu.memory_space<semaphore_mem>>)
            %dma_wait3A = tpu.memref_slice %arg3[%add3A_180] : memref<330240xi32, #tpu.memory_space<hbm>> -> memref<480xi32, #tpu.memory_space<hbm>>
            %dma_wait3A_182 = tpu.memref_slice %arg3[%add3A_180] : memref<330240xi32, #tpu.memory_space<hbm>> -> memref<480xi32, #tpu.memory_space<hbm>>
            tpu.wait_dma2 semaphore(%run_scoped3A : memref<!tpu.dma_semaphore, #tpu.memory_space<semaphore_mem>>) src(%dma_wait3A_182 : memref<480xi32, #tpu.memory_space<hbm>>) dst(%arg13 : memref<480xi32, #tpu.memory_space<vmem>>)
            tpu.yield
          }) : () -> ()
        } else {
        }
        tpu.wait_dma2 semaphore(%arg21 : memref<!tpu.dma_semaphore, #tpu.memory_space<semaphore_mem>>) src(%arg6 : memref<480x80xf32, #tpu.memory_space<hbm>>) dst(%arg18 : memref<480x80xf32, #tpu.memory_space<vmem>>)
        %add3A_72 = arith.constant 1 : i32
        %add3A_73 = arith.addi %scan3A_28, %add3A_72 : i32
        %lt3A_74 = arith.constant 344 : i32
        %lt3A_75 = arith.cmpi slt, %add3A_73, %lt3A_74 : i32
        %convert_element_type3A_76 = arith.extui %lt3A_75 : i1 to i32
        %cond3A_77 = arith.constant 0 : i32
        %cond3A_78 = arith.cmpi ne, %convert_element_type3A_76, %cond3A_77 : i32
        scf.if %cond3A_78 {
          %eq3A_107 = arith.constant 0 : i32
          %eq3A_108 = arith.cmpi eq, %arg0, %eq3A_107 : i32
          %convert_element_type3A_109 = arith.extui %eq3A_108 : i1 to i32
          %cond3A_110 = arith.constant 0 : i32
          %cond3A_111 = arith.cmpi ne, %convert_element_type3A_109, %cond3A_110 : i32
          scf.if %cond3A_111 {
            %dma_start3A = arith.constant 0 : i32
            %dma_start3A_117 = arith.constant 0 : i32
            %dma_start3A_118 = tpu.memref_slice %arg7[%dma_start3A, %dma_start3A_117] : memref<80000x80xf32, #tpu.memory_space<hbm>> -> memref<80000x80xf32, #tpu.memory_space<hbm>>
            tpu.enqueue_indirect_dma source(%dma_start3A_118 : memref<80000x80xf32, #tpu.memory_space<hbm>>) target(%arg17 : memref<480x80xf32, #tpu.memory_space<vmem>>) offsets(%arg11 : memref<480xi32, #tpu.memory_space<vmem>>) semaphore(%arg20 : memref<!tpu.dma_semaphore, #tpu.memory_space<semaphore_mem>>)
          } else {
          }
          %eq3A_112 = arith.constant 1 : i32
          %eq3A_113 = arith.cmpi eq, %arg0, %eq3A_112 : i32
          %convert_element_type3A_114 = arith.extui %eq3A_113 : i1 to i32
          %cond3A_115 = arith.constant 0 : i32
          %cond3A_116 = arith.cmpi ne, %convert_element_type3A_114, %cond3A_115 : i32
          scf.if %cond3A_116 {
            %dma_start3A = arith.constant 0 : i32
            %dma_start3A_117 = arith.constant 0 : i32
            %dma_start3A_118 = tpu.memref_slice %arg8[%dma_start3A, %dma_start3A_117] : memref<80000x80xf32, #tpu.memory_space<hbm>> -> memref<80000x80xf32, #tpu.memory_space<hbm>>
            tpu.enqueue_indirect_dma source(%dma_start3A_118 : memref<80000x80xf32, #tpu.memory_space<hbm>>) target(%arg17 : memref<480x80xf32, #tpu.memory_space<vmem>>) offsets(%arg11 : memref<480xi32, #tpu.memory_space<vmem>>) semaphore(%arg20 : memref<!tpu.dma_semaphore, #tpu.memory_space<semaphore_mem>>)
          } else {
          }
        } else {
        }
        %iota3A_79 = tpu.iota {dimensions = array<i32: 0>} : vector<16xi32>
        %scan3A_80 = arith.constant 0 : i32
        %scan3A_81 = arith.constant 0 : i32
        %scan3A_82 = arith.constant 30 : i32
        %scan3A_83 = arith.addi %scan3A_81, %scan3A_82 : i32
        %scan3A_84 = arith.constant 1 : i32
        scf.for %scan3A_107 = %scan3A_81 to %scan3A_83 step %scan3A_84  : i32 {
          %mul3A_108 = arith.constant 16 : i32
          %mul3A_109 = arith.muli %scan3A_107, %mul3A_108 : i32
          %get3A = arith.index_cast %mul3A_109 : i32 to index
          %get3A_110 = tpu.vector_load %arg16[%get3A] {strides = array<i32>} : memref<480xf32, #tpu.memory_space<vmem>>, vector<16xf32>,
          %slice3A = vector.extract_strided_slice %get3A_110 {offsets = [0], sizes = [1], strides = [1]} : vector<16xf32> to vector<1xf32>
          %squeeze3A = vector.extract %slice3A[0] : f32 from vector<1xf32>
          %broadcast_in_dim3A = vector.broadcast %squeeze3A : f32 to vector<16xf32>
          %mul3A_111 = arith.constant 16 : i32
          %mul3A_112 = arith.muli %scan3A_107, %mul3A_111 : i32
          %add3A_113 = arith.constant 0 : i32
          %add3A_114 = arith.addi %mul3A_112, %add3A_113 : i32
          %get3A_115 = arith.index_cast %add3A_114 : i32 to index
          %get3A_116 = arith.constant 0 : index
          %get3A_117 = tpu.vector_load %arg18[%get3A_115, %get3A_116] {strides = array<i32>} : memref<480x80xf32, #tpu.memory_space<vmem>>, vector<16xf32>,
          %mul3A_118 = arith.mulf %get3A_117, %broadcast_in_dim3A : vector<16xf32>
          %swap3A = arith.index_cast %add3A_114 : i32 to index
          %swap3A_119 = arith.constant 0 : index
          %swap3A_120 = tpu.vector_load %arg18[%swap3A, %swap3A_119] {strides = array<i32>} : memref<480x80xf32, #tpu.memory_space<vmem>>, vector<16xf32>,
          tpu.vector_store %arg18[%swap3A, %swap3A_119], %mul3A_118 {strides = array<i32>} : memref<480x80xf32, #tpu.memory_space<vmem>>, vector<16xf32>,
          %get3A_121 = arith.index_cast %add3A_114 : i32 to index
          %get3A_122 = arith.constant 16 : index
          %get3A_123 = tpu.vector_load %arg18[%get3A_121, %get3A_122] {strides = array<i32>} : memref<480x80xf32, #tpu.memory_space<vmem>>, vector<16xf32>,
          %mul3A_124 = arith.mulf %get3A_123, %broadcast_in_dim3A : vector<16xf32>
          %swap3A_125 = arith.index_cast %add3A_114 : i32 to index
          %swap3A_126 = arith.constant 16 : index
          %swap3A_127 = tpu.vector_load %arg18[%swap3A_125, %swap3A_126] {strides = array<i32>} : memref<480x80xf32, #tpu.memory_space<vmem>>, vector<16xf32>,
          tpu.vector_store %arg18[%swap3A_125, %swap3A_126], %mul3A_124 {strides = array<i32>} : memref<480x80xf32, #tpu.memory_space<vmem>>, vector<16xf32>,
          %get3A_128 = arith.index_cast %add3A_114 : i32 to index
          %get3A_129 = arith.constant 32 : index
          %get3A_130 = tpu.vector_load %arg18[%get3A_128, %get3A_129] {strides = array<i32>} : memref<480x80xf32, #tpu.memory_space<vmem>>, vector<16xf32>,
          %mul3A_131 = arith.mulf %get3A_130, %broadcast_in_dim3A : vector<16xf32>
          %swap3A_132 = arith.index_cast %add3A_114 : i32 to index
          %swap3A_133 = arith.constant 32 : index
          %swap3A_134 = tpu.vector_load %arg18[%swap3A_132, %swap3A_133] {strides = array<i32>} : memref<480x80xf32, #tpu.memory_space<vmem>>, vector<16xf32>,
          tpu.vector_store %arg18[%swap3A_132, %swap3A_133], %mul3A_131 {strides = array<i32>} : memref<480x80xf32, #tpu.memory_space<vmem>>, vector<16xf32>,
          %get3A_135 = arith.index_cast %add3A_114 : i32 to index
          %get3A_136 = arith.constant 48 : index
          %get3A_137 = tpu.vector_load %arg18[%get3A_135, %get3A_136] {strides = array<i32>} : memref<480x80xf32, #tpu.memory_space<vmem>>, vector<16xf32>,
          %mul3A_138 = arith.mulf %get3A_137, %broadcast_in_dim3A : vector<16xf32>
          %swap3A_139 = arith.index_cast %add3A_114 : i32 to index
          %swap3A_140 = arith.constant 48 : index
          %swap3A_141 = tpu.vector_load %arg18[%swap3A_139, %swap3A_140] {strides = array<i32>} : memref<480x80xf32, #tpu.memory_space<vmem>>, vector<16xf32>,
          tpu.vector_store %arg18[%swap3A_139, %swap3A_140], %mul3A_138 {strides = array<i32>} : memref<480x80xf32, #tpu.memory_space<vmem>>, vector<16xf32>,
          %get3A_142 = arith.index_cast %add3A_114 : i32 to index
          %get3A_143 = arith.constant 64 : index
          %get3A_144 = tpu.vector_load %arg18[%get3A_142, %get3A_143] {strides = array<i32>} : memref<480x80xf32, #tpu.memory_space<vmem>>, vector<16xf32>,
          %mul3A_145 = arith.mulf %get3A_144, %broadcast_in_dim3A : vector<16xf32>
          %swap3A_146 = arith.index_cast %add3A_114 : i32 to index
          %swap3A_147 = arith.constant 64 : index
          %swap3A_148 = tpu.vector_load %arg18[%swap3A_146, %swap3A_147] {strides = array<i32>} : memref<480x80xf32, #tpu.memory_space<vmem>>, vector<16xf32>,
          tpu.vector_store %arg18[%swap3A_146, %swap3A_147], %mul3A_145 {strides = array<i32>} : memref<480x80xf32, #tpu.memory_space<vmem>>, vector<16xf32>,
          %slice3A_149 = vector.extract_strided_slice %get3A_110 {offsets = [1], sizes = [1], strides = [1]} : vector<16xf32> to vector<1xf32>
          %squeeze3A_150 = vector.extract %slice3A_149[0] : f32 from vector<1xf32>
          %broadcast_in_dim3A_151 = vector.broadcast %squeeze3A_150 : f32 to vector<16xf32>
          %mul3A_152 = arith.constant 16 : i32
          %mul3A_153 = arith.muli %scan3A_107, %mul3A_152 : i32
          %add3A_154 = arith.constant 1 : i32
          %add3A_155 = arith.addi %mul3A_153, %add3A_154 : i32
          %get3A_156 = arith.index_cast %add3A_155 : i32 to index
          %get3A_157 = arith.constant 0 : index
          %get3A_158 = tpu.vector_load %arg18[%get3A_156, %get3A_157] {strides = array<i32>} : memref<480x80xf32, #tpu.memory_space<vmem>>, vector<16xf32>,
          %mul3A_159 = arith.mulf %get3A_158, %broadcast_in_dim3A_151 : vector<16xf32>
          %swap3A_160 = arith.index_cast %add3A_155 : i32 to index
          %swap3A_161 = arith.constant 0 : index
          %swap3A_162 = tpu.vector_load %arg18[%swap3A_160, %swap3A_161] {strides = array<i32>} : memref<480x80xf32, #tpu.memory_space<vmem>>, vector<16xf32>,
          tpu.vector_store %arg18[%swap3A_160, %swap3A_161], %mul3A_159 {strides = array<i32>} : memref<480x80xf32, #tpu.memory_space<vmem>>, vector<16xf32>,
          %get3A_163 = arith.index_cast %add3A_155 : i32 to index
          %get3A_164 = arith.constant 16 : index
          %get3A_165 = tpu.vector_load %arg18[%get3A_163, %get3A_164] {strides = array<i32>} : memref<480x80xf32, #tpu.memory_space<vmem>>, vector<16xf32>,
          %mul3A_166 = arith.mulf %get3A_165, %broadcast_in_dim3A_151 : vector<16xf32>
          %swap3A_167 = arith.index_cast %add3A_155 : i32 to index
          %swap3A_168 = arith.constant 16 : index
          %swap3A_169 = tpu.vector_load %arg18[%swap3A_167, %swap3A_168] {strides = array<i32>} : memref<480x80xf32, #tpu.memory_space<vmem>>, vector<16xf32>,
          tpu.vector_store %arg18[%swap3A_167, %swap3A_168], %mul3A_166 {strides = array<i32>} : memref<480x80xf32, #tpu.memory_space<vmem>>, vector<16xf32>,
          %get3A_170 = arith.index_cast %add3A_155 : i32 to index
          %get3A_171 = arith.constant 32 : index
          %get3A_172 = tpu.vector_load %arg18[%get3A_170, %get3A_171] {strides = array<i32>} : memref<480x80xf32, #tpu.memory_space<vmem>>, vector<16xf32>,
          %mul3A_173 = arith.mulf %get3A_172, %broadcast_in_dim3A_151 : vector<16xf32>
          %swap3A_174 = arith.index_cast %add3A_155 : i32 to index
          %swap3A_175 = arith.constant 32 : index
          %swap3A_176 = tpu.vector_load %arg18[%swap3A_174, %swap3A_175] {strides = array<i32>} : memref<480x80xf32, #tpu.memory_space<vmem>>, vector<16xf32>,
          tpu.vector_store %arg18[%swap3A_174, %swap3A_175], %mul3A_173 {strides = array<i32>} : memref<480x80xf32, #tpu.memory_space<vmem>>, vector<16xf32>,
          %get3A_177 = arith.index_cast %add3A_155 : i32 to index
          %get3A_178 = arith.constant 48 : index
          %get3A_179 = tpu.vector_load %arg18[%get3A_177, %get3A_178] {strides = array<i32>} : memref<480x80xf32, #tpu.memory_space<vmem>>, vector<16xf32>,
          %mul3A_180 = arith.mulf %get3A_179, %broadcast_in_dim3A_151 : vector<16xf32>
          %swap3A_181 = arith.index_cast %add3A_155 : i32 to index
          %swap3A_182 = arith.constant 48 : index
          %swap3A_183 = tpu.vector_load %arg18[%swap3A_181, %swap3A_182] {strides = array<i32>} : memref<480x80xf32, #tpu.memory_space<vmem>>, vector<16xf32>,
          tpu.vector_store %arg18[%swap3A_181, %swap3A_182], %mul3A_180 {strides = array<i32>} : memref<480x80xf32, #tpu.memory_space<vmem>>, vector<16xf32>,
          %get3A_184 = arith.index_cast %add3A_155 : i32 to index
          %get3A_185 = arith.constant 64 : index
          %get3A_186 = tpu.vector_load %arg18[%get3A_184, %get3A_185] {strides = array<i32>} : memref<480x80xf32, #tpu.memory_space<vmem>>, vector<16xf32>,
          %mul3A_187 = arith.mulf %get3A_186, %broadcast_in_dim3A_151 : vector<16xf32>
          %swap3A_188 = arith.index_cast %add3A_155 : i32 to index
          %swap3A_189 = arith.constant 64 : index
          %swap3A_190 = tpu.vector_load %arg18[%swap3A_188, %swap3A_189] {strides = array<i32>} : memref<480x80xf32, #tpu.memory_space<vmem>>, vector<16xf32>,
          tpu.vector_store %arg18[%swap3A_188, %swap3A_189], %mul3A_187 {strides = array<i32>} : memref<480x80xf32, #tpu.memory_space<vmem>>, vector<16xf32>,
          %slice3A_191 = vector.extract_strided_slice %get3A_110 {offsets = [2], sizes = [1], strides = [1]} : vector<16xf32> to vector<1xf32>
          %squeeze3A_192 = vector.extract %slice3A_191[0] : f32 from vector<1xf32>
          %broadcast_in_dim3A_193 = vector.broadcast %squeeze3A_192 : f32 to vector<16xf32>
          %mul3A_194 = arith.constant 16 : i32
          %mul3A_195 = arith.muli %scan3A_107, %mul3A_194 : i32
          %add3A_196 = arith.constant 2 : i32
          %add3A_197 = arith.addi %mul3A_195, %add3A_196 : i32
          %get3A_198 = arith.index_cast %add3A_197 : i32 to index
          %get3A_199 = arith.constant 0 : index
          %get3A_200 = tpu.vector_load %arg18[%get3A_198, %get3A_199] {strides = array<i32>} : memref<480x80xf32, #tpu.memory_space<vmem>>, vector<16xf32>,
          %mul3A_201 = arith.mulf %get3A_200, %broadcast_in_dim3A_193 : vector<16xf32>
          %swap3A_202 = arith.index_cast %add3A_197 : i32 to index
          %swap3A_203 = arith.constant 0 : index
          %swap3A_204 = tpu.vector_load %arg18[%swap3A_202, %swap3A_203] {strides = array<i32>} : memref<480x80xf32, #tpu.memory_space<vmem>>, vector<16xf32>,
          tpu.vector_store %arg18[%swap3A_202, %swap3A_203], %mul3A_201 {strides = array<i32>} : memref<480x80xf32, #tpu.memory_space<vmem>>, vector<16xf32>,
          %get3A_205 = arith.index_cast %add3A_197 : i32 to index
          %get3A_206 = arith.constant 16 : index
          %get3A_207 = tpu.vector_load %arg18[%get3A_205, %get3A_206] {strides = array<i32>} : memref<480x80xf32, #tpu.memory_space<vmem>>, vector<16xf32>,
          %mul3A_208 = arith.mulf %get3A_207, %broadcast_in_dim3A_193 : vector<16xf32>
          %swap3A_209 = arith.index_cast %add3A_197 : i32 to index
          %swap3A_210 = arith.constant 16 : index
          %swap3A_211 = tpu.vector_load %arg18[%swap3A_209, %swap3A_210] {strides = array<i32>} : memref<480x80xf32, #tpu.memory_space<vmem>>, vector<16xf32>,
          tpu.vector_store %arg18[%swap3A_209, %swap3A_210], %mul3A_208 {strides = array<i32>} : memref<480x80xf32, #tpu.memory_space<vmem>>, vector<16xf32>,
          %get3A_212 = arith.index_cast %add3A_197 : i32 to index
          %get3A_213 = arith.constant 32 : index
          %get3A_214 = tpu.vector_load %arg18[%get3A_212, %get3A_213] {strides = array<i32>} : memref<480x80xf32, #tpu.memory_space<vmem>>, vector<16xf32>,
          %mul3A_215 = arith.mulf %get3A_214, %broadcast_in_dim3A_193 : vector<16xf32>
          %swap3A_216 = arith.index_cast %add3A_197 : i32 to index
          %swap3A_217 = arith.constant 32 : index
          %swap3A_218 = tpu.vector_load %arg18[%swap3A_216, %swap3A_217] {strides = array<i32>} : memref<480x80xf32, #tpu.memory_space<vmem>>, vector<16xf32>,
          tpu.vector_store %arg18[%swap3A_216, %swap3A_217], %mul3A_215 {strides = array<i32>} : memref<480x80xf32, #tpu.memory_space<vmem>>, vector<16xf32>,
          %get3A_219 = arith.index_cast %add3A_197 : i32 to index
          %get3A_220 = arith.constant 48 : index
          %get3A_221 = tpu.vector_load %arg18[%get3A_219, %get3A_220] {strides = array<i32>} : memref<480x80xf32, #tpu.memory_space<vmem>>, vector<16xf32>,
          %mul3A_222 = arith.mulf %get3A_221, %broadcast_in_dim3A_193 : vector<16xf32>
          %swap3A_223 = arith.index_cast %add3A_197 : i32 to index
          %swap3A_224 = arith.constant 48 : index
          %swap3A_225 = tpu.vector_load %arg18[%swap3A_223, %swap3A_224] {strides = array<i32>} : memref<480x80xf32, #tpu.memory_space<vmem>>, vector<16xf32>,
          tpu.vector_store %arg18[%swap3A_223, %swap3A_224], %mul3A_222 {strides = array<i32>} : memref<480x80xf32, #tpu.memory_space<vmem>>, vector<16xf32>,
          %get3A_226 = arith.index_cast %add3A_197 : i32 to index
          %get3A_227 = arith.constant 64 : index
          %get3A_228 = tpu.vector_load %arg18[%get3A_226, %get3A_227] {strides = array<i32>} : memref<480x80xf32, #tpu.memory_space<vmem>>, vector<16xf32>,
          %mul3A_229 = arith.mulf %get3A_228, %broadcast_in_dim3A_193 : vector<16xf32>
          %swap3A_230 = arith.index_cast %add3A_197 : i32 to index
          %swap3A_231 = arith.constant 64 : index
          %swap3A_232 = tpu.vector_load %arg18[%swap3A_230, %swap3A_231] {strides = array<i32>} : memref<480x80xf32, #tpu.memory_space<vmem>>, vector<16xf32>,
          tpu.vector_store %arg18[%swap3A_230, %swap3A_231], %mul3A_229 {strides = array<i32>} : memref<480x80xf32, #tpu.memory_space<vmem>>, vector<16xf32>,
          %slice3A_233 = vector.extract_strided_slice %get3A_110 {offsets = [3], sizes = [1], strides = [1]} : vector<16xf32> to vector<1xf32>
          %squeeze3A_234 = vector.extract %slice3A_233[0] : f32 from vector<1xf32>
          %broadcast_in_dim3A_235 = vector.broadcast %squeeze3A_234 : f32 to vector<16xf32>
          %mul3A_236 = arith.constant 16 : i32
          %mul3A_237 = arith.muli %scan3A_107, %mul3A_236 : i32
          %add3A_238 = arith.constant 3 : i32
          %add3A_239 = arith.addi %mul3A_237, %add3A_238 : i32
          %get3A_240 = arith.index_cast %add3A_239 : i32 to index
          %get3A_241 = arith.constant 0 : index
          %get3A_242 = tpu.vector_load %arg18[%get3A_240, %get3A_241] {strides = array<i32>} : memref<480x80xf32, #tpu.memory_space<vmem>>, vector<16xf32>,
          %mul3A_243 = arith.mulf %get3A_242, %broadcast_in_dim3A_235 : vector<16xf32>
          %swap3A_244 = arith.index_cast %add3A_239 : i32 to index
          %swap3A_245 = arith.constant 0 : index
          %swap3A_246 = tpu.vector_load %arg18[%swap3A_244, %swap3A_245] {strides = array<i32>} : memref<480x80xf32, #tpu.memory_space<vmem>>, vector<16xf32>,
          tpu.vector_store %arg18[%swap3A_244, %swap3A_245], %mul3A_243 {strides = array<i32>} : memref<480x80xf32, #tpu.memory_space<vmem>>, vector<16xf32>,
          %get3A_247 = arith.index_cast %add3A_239 : i32 to index
          %get3A_248 = arith.constant 16 : index
          %get3A_249 = tpu.vector_load %arg18[%get3A_247, %get3A_248] {strides = array<i32>} : memref<480x80xf32, #tpu.memory_space<vmem>>, vector<16xf32>,
          %mul3A_250 = arith.mulf %get3A_249, %broadcast_in_dim3A_235 : vector<16xf32>
          %swap3A_251 = arith.index_cast %add3A_239 : i32 to index
          %swap3A_252 = arith.constant 16 : index
          %swap3A_253 = tpu.vector_load %arg18[%swap3A_251, %swap3A_252] {strides = array<i32>} : memref<480x80xf32, #tpu.memory_space<vmem>>, vector<16xf32>,
          tpu.vector_store %arg18[%swap3A_251, %swap3A_252], %mul3A_250 {strides = array<i32>} : memref<480x80xf32, #tpu.memory_space<vmem>>, vector<16xf32>,
          %get3A_254 = arith.index_cast %add3A_239 : i32 to index
          %get3A_255 = arith.constant 32 : index
          %get3A_256 = tpu.vector_load %arg18[%get3A_254, %get3A_255] {strides = array<i32>} : memref<480x80xf32, #tpu.memory_space<vmem>>, vector<16xf32>,
          %mul3A_257 = arith.mulf %get3A_256, %broadcast_in_dim3A_235 : vector<16xf32>
          %swap3A_258 = arith.index_cast %add3A_239 : i32 to index
          %swap3A_259 = arith.constant 32 : index
          %swap3A_260 = tpu.vector_load %arg18[%swap3A_258, %swap3A_259] {strides = array<i32>} : memref<480x80xf32, #tpu.memory_space<vmem>>, vector<16xf32>,
          tpu.vector_store %arg18[%swap3A_258, %swap3A_259], %mul3A_257 {strides = array<i32>} : memref<480x80xf32, #tpu.memory_space<vmem>>, vector<16xf32>,
          %get3A_261 = arith.index_cast %add3A_239 : i32 to index
          %get3A_262 = arith.constant 48 : index
          %get3A_263 = tpu.vector_load %arg18[%get3A_261, %get3A_262] {strides = array<i32>} : memref<480x80xf32, #tpu.memory_space<vmem>>, vector<16xf32>,
          %mul3A_264 = arith.mulf %get3A_263, %broadcast_in_dim3A_235 : vector<16xf32>
          %swap3A_265 = arith.index_cast %add3A_239 : i32 to index
          %swap3A_266 = arith.constant 48 : index
          %swap3A_267 = tpu.vector_load %arg18[%swap3A_265, %swap3A_266] {strides = array<i32>} : memref<480x80xf32, #tpu.memory_space<vmem>>, vector<16xf32>,
          tpu.vector_store %arg18[%swap3A_265, %swap3A_266], %mul3A_264 {strides = array<i32>} : memref<480x80xf32, #tpu.memory_space<vmem>>, vector<16xf32>,
          %get3A_268 = arith.index_cast %add3A_239 : i32 to index
          %get3A_269 = arith.constant 64 : index
          %get3A_270 = tpu.vector_load %arg18[%get3A_268, %get3A_269] {strides = array<i32>} : memref<480x80xf32, #tpu.memory_space<vmem>>, vector<16xf32>,
          %mul3A_271 = arith.mulf %get3A_270, %broadcast_in_dim3A_235 : vector<16xf32>
          %swap3A_272 = arith.index_cast %add3A_239 : i32 to index
          %swap3A_273 = arith.constant 64 : index
          %swap3A_274 = tpu.vector_load %arg18[%swap3A_272, %swap3A_273] {strides = array<i32>} : memref<480x80xf32, #tpu.memory_space<vmem>>, vector<16xf32>,
          tpu.vector_store %arg18[%swap3A_272, %swap3A_273], %mul3A_271 {strides = array<i32>} : memref<480x80xf32, #tpu.memory_space<vmem>>, vector<16xf32>,
          %slice3A_275 = vector.extract_strided_slice %get3A_110 {offsets = [4], sizes = [1], strides = [1]} : vector<16xf32> to vector<1xf32>
          %squeeze3A_276 = vector.extract %slice3A_275[0] : f32 from vector<1xf32>
          %broadcast_in_dim3A_277 = vector.broadcast %squeeze3A_276 : f32 to vector<16xf32>
          %mul3A_278 = arith.constant 16 : i32
          %mul3A_279 = arith.muli %scan3A_107, %mul3A_278 : i32
          %add3A_280 = arith.constant 4 : i32
          %add3A_281 = arith.addi %mul3A_279, %add3A_280 : i32
          %get3A_282 = arith.index_cast %add3A_281 : i32 to index
          %get3A_283 = arith.constant 0 : index
          %get3A_284 = tpu.vector_load %arg18[%get3A_282, %get3A_283] {strides = array<i32>} : memref<480x80xf32, #tpu.memory_space<vmem>>, vector<16xf32>,
          %mul3A_285 = arith.mulf %get3A_284, %broadcast_in_dim3A_277 : vector<16xf32>
          %swap3A_286 = arith.index_cast %add3A_281 : i32 to index
          %swap3A_287 = arith.constant 0 : index
          %swap3A_288 = tpu.vector_load %arg18[%swap3A_286, %swap3A_287] {strides = array<i32>} : memref<480x80xf32, #tpu.memory_space<vmem>>, vector<16xf32>,
          tpu.vector_store %arg18[%swap3A_286, %swap3A_287], %mul3A_285 {strides = array<i32>} : memref<480x80xf32, #tpu.memory_space<vmem>>, vector<16xf32>,
          %get3A_289 = arith.index_cast %add3A_281 : i32 to index
          %get3A_290 = arith.constant 16 : index
          %get3A_291 = tpu.vector_load %arg18[%get3A_289, %get3A_290] {strides = array<i32>} : memref<480x80xf32, #tpu.memory_space<vmem>>, vector<16xf32>,
          %mul3A_292 = arith.mulf %get3A_291, %broadcast_in_dim3A_277 : vector<16xf32>
          %swap3A_293 = arith.index_cast %add3A_281 : i32 to index
          %swap3A_294 = arith.constant 16 : index
          %swap3A_295 = tpu.vector_load %arg18[%swap3A_293, %swap3A_294] {strides = array<i32>} : memref<480x80xf32, #tpu.memory_space<vmem>>, vector<16xf32>,
          tpu.vector_store %arg18[%swap3A_293, %swap3A_294], %mul3A_292 {strides = array<i32>} : memref<480x80xf32, #tpu.memory_space<vmem>>, vector<16xf32>,
          %get3A_296 = arith.index_cast %add3A_281 : i32 to index
          %get3A_297 = arith.constant 32 : index
          %get3A_298 = tpu.vector_load %arg18[%get3A_296, %get3A_297] {strides = array<i32>} : memref<480x80xf32, #tpu.memory_space<vmem>>, vector<16xf32>,
          %mul3A_299 = arith.mulf %get3A_298, %broadcast_in_dim3A_277 : vector<16xf32>
          %swap3A_300 = arith.index_cast %add3A_281 : i32 to index
          %swap3A_301 = arith.constant 32 : index
          %swap3A_302 = tpu.vector_load %arg18[%swap3A_300, %swap3A_301] {strides = array<i32>} : memref<480x80xf32, #tpu.memory_space<vmem>>, vector<16xf32>,
          tpu.vector_store %arg18[%swap3A_300, %swap3A_301], %mul3A_299 {strides = array<i32>} : memref<480x80xf32, #tpu.memory_space<vmem>>, vector<16xf32>,
          %get3A_303 = arith.index_cast %add3A_281 : i32 to index
          %get3A_304 = arith.constant 48 : index
          %get3A_305 = tpu.vector_load %arg18[%get3A_303, %get3A_304] {strides = array<i32>} : memref<480x80xf32, #tpu.memory_space<vmem>>, vector<16xf32>,
          %mul3A_306 = arith.mulf %get3A_305, %broadcast_in_dim3A_277 : vector<16xf32>
          %swap3A_307 = arith.index_cast %add3A_281 : i32 to index
          %swap3A_308 = arith.constant 48 : index
          %swap3A_309 = tpu.vector_load %arg18[%swap3A_307, %swap3A_308] {strides = array<i32>} : memref<480x80xf32, #tpu.memory_space<vmem>>, vector<16xf32>,
          tpu.vector_store %arg18[%swap3A_307, %swap3A_308], %mul3A_306 {strides = array<i32>} : memref<480x80xf32, #tpu.memory_space<vmem>>, vector<16xf32>,
          %get3A_310 = arith.index_cast %add3A_281 : i32 to index
          %get3A_311 = arith.constant 64 : index
          %get3A_312 = tpu.vector_load %arg18[%get3A_310, %get3A_311] {strides = array<i32>} : memref<480x80xf32, #tpu.memory_space<vmem>>, vector<16xf32>,
          %mul3A_313 = arith.mulf %get3A_312, %broadcast_in_dim3A_277 : vector<16xf32>
          %swap3A_314 = arith.index_cast %add3A_281 : i32 to index
          %swap3A_315 = arith.constant 64 : index
          %swap3A_316 = tpu.vector_load %arg18[%swap3A_314, %swap3A_315] {strides = array<i32>} : memref<480x80xf32, #tpu.memory_space<vmem>>, vector<16xf32>,
          tpu.vector_store %arg18[%swap3A_314, %swap3A_315], %mul3A_313 {strides = array<i32>} : memref<480x80xf32, #tpu.memory_space<vmem>>, vector<16xf32>,
          %slice3A_317 = vector.extract_strided_slice %get3A_110 {offsets = [5], sizes = [1], strides = [1]} : vector<16xf32> to vector<1xf32>
          %squeeze3A_318 = vector.extract %slice3A_317[0] : f32 from vector<1xf32>
          %broadcast_in_dim3A_319 = vector.broadcast %squeeze3A_318 : f32 to vector<16xf32>
          %mul3A_320 = arith.constant 16 : i32
          %mul3A_321 = arith.muli %scan3A_107, %mul3A_320 : i32
          %add3A_322 = arith.constant 5 : i32
          %add3A_323 = arith.addi %mul3A_321, %add3A_322 : i32
          %get3A_324 = arith.index_cast %add3A_323 : i32 to index
          %get3A_325 = arith.constant 0 : index
          %get3A_326 = tpu.vector_load %arg18[%get3A_324, %get3A_325] {strides = array<i32>} : memref<480x80xf32, #tpu.memory_space<vmem>>, vector<16xf32>,
          %mul3A_327 = arith.mulf %get3A_326, %broadcast_in_dim3A_319 : vector<16xf32>
          %swap3A_328 = arith.index_cast %add3A_323 : i32 to index
          %swap3A_329 = arith.constant 0 : index
          %swap3A_330 = tpu.vector_load %arg18[%swap3A_328, %swap3A_329] {strides = array<i32>} : memref<480x80xf32, #tpu.memory_space<vmem>>, vector<16xf32>,
          tpu.vector_store %arg18[%swap3A_328, %swap3A_329], %mul3A_327 {strides = array<i32>} : memref<480x80xf32, #tpu.memory_space<vmem>>, vector<16xf32>,
          %get3A_331 = arith.index_cast %add3A_323 : i32 to index
          %get3A_332 = arith.constant 16 : index
          %get3A_333 = tpu.vector_load %arg18[%get3A_331, %get3A_332] {strides = array<i32>} : memref<480x80xf32, #tpu.memory_space<vmem>>, vector<16xf32>,
          %mul3A_334 = arith.mulf %get3A_333, %broadcast_in_dim3A_319 : vector<16xf32>
          %swap3A_335 = arith.index_cast %add3A_323 : i32 to index
          %swap3A_336 = arith.constant 16 : index
          %swap3A_337 = tpu.vector_load %arg18[%swap3A_335, %swap3A_336] {strides = array<i32>} : memref<480x80xf32, #tpu.memory_space<vmem>>, vector<16xf32>,
          tpu.vector_store %arg18[%swap3A_335, %swap3A_336], %mul3A_334 {strides = array<i32>} : memref<480x80xf32, #tpu.memory_space<vmem>>, vector<16xf32>,
          %get3A_338 = arith.index_cast %add3A_323 : i32 to index
          %get3A_339 = arith.constant 32 : index
          %get3A_340 = tpu.vector_load %arg18[%get3A_338, %get3A_339] {strides = array<i32>} : memref<480x80xf32, #tpu.memory_space<vmem>>, vector<16xf32>,
          %mul3A_341 = arith.mulf %get3A_340, %broadcast_in_dim3A_319 : vector<16xf32>
          %swap3A_342 = arith.index_cast %add3A_323 : i32 to index
          %swap3A_343 = arith.constant 32 : index
          %swap3A_344 = tpu.vector_load %arg18[%swap3A_342, %swap3A_343] {strides = array<i32>} : memref<480x80xf32, #tpu.memory_space<vmem>>, vector<16xf32>,
          tpu.vector_store %arg18[%swap3A_342, %swap3A_343], %mul3A_341 {strides = array<i32>} : memref<480x80xf32, #tpu.memory_space<vmem>>, vector<16xf32>,
          %get3A_345 = arith.index_cast %add3A_323 : i32 to index
          %get3A_346 = arith.constant 48 : index
          %get3A_347 = tpu.vector_load %arg18[%get3A_345, %get3A_346] {strides = array<i32>} : memref<480x80xf32, #tpu.memory_space<vmem>>, vector<16xf32>,
          %mul3A_348 = arith.mulf %get3A_347, %broadcast_in_dim3A_319 : vector<16xf32>
          %swap3A_349 = arith.index_cast %add3A_323 : i32 to index
          %swap3A_350 = arith.constant 48 : index
          %swap3A_351 = tpu.vector_load %arg18[%swap3A_349, %swap3A_350] {strides = array<i32>} : memref<480x80xf32, #tpu.memory_space<vmem>>, vector<16xf32>,
          tpu.vector_store %arg18[%swap3A_349, %swap3A_350], %mul3A_348 {strides = array<i32>} : memref<480x80xf32, #tpu.memory_space<vmem>>, vector<16xf32>,
          %get3A_352 = arith.index_cast %add3A_323 : i32 to index
          %get3A_353 = arith.constant 64 : index
          %get3A_354 = tpu.vector_load %arg18[%get3A_352, %get3A_353] {strides = array<i32>} : memref<480x80xf32, #tpu.memory_space<vmem>>, vector<16xf32>,
          %mul3A_355 = arith.mulf %get3A_354, %broadcast_in_dim3A_319 : vector<16xf32>
          %swap3A_356 = arith.index_cast %add3A_323 : i32 to index
          %swap3A_357 = arith.constant 64 : index
          %swap3A_358 = tpu.vector_load %arg18[%swap3A_356, %swap3A_357] {strides = array<i32>} : memref<480x80xf32, #tpu.memory_space<vmem>>, vector<16xf32>,
          tpu.vector_store %arg18[%swap3A_356, %swap3A_357], %mul3A_355 {strides = array<i32>} : memref<480x80xf32, #tpu.memory_space<vmem>>, vector<16xf32>,
          %slice3A_359 = vector.extract_strided_slice %get3A_110 {offsets = [6], sizes = [1], strides = [1]} : vector<16xf32> to vector<1xf32>
          %squeeze3A_360 = vector.extract %slice3A_359[0] : f32 from vector<1xf32>
          %broadcast_in_dim3A_361 = vector.broadcast %squeeze3A_360 : f32 to vector<16xf32>
          %mul3A_362 = arith.constant 16 : i32
          %mul3A_363 = arith.muli %scan3A_107, %mul3A_362 : i32
          %add3A_364 = arith.constant 6 : i32
          %add3A_365 = arith.addi %mul3A_363, %add3A_364 : i32
          %get3A_366 = arith.index_cast %add3A_365 : i32 to index
          %get3A_367 = arith.constant 0 : index
          %get3A_368 = tpu.vector_load %arg18[%get3A_366, %get3A_367] {strides = array<i32>} : memref<480x80xf32, #tpu.memory_space<vmem>>, vector<16xf32>,
          %mul3A_369 = arith.mulf %get3A_368, %broadcast_in_dim3A_361 : vector<16xf32>
          %swap3A_370 = arith.index_cast %add3A_365 : i32 to index
          %swap3A_371 = arith.constant 0 : index
          %swap3A_372 = tpu.vector_load %arg18[%swap3A_370, %swap3A_371] {strides = array<i32>} : memref<480x80xf32, #tpu.memory_space<vmem>>, vector<16xf32>,
          tpu.vector_store %arg18[%swap3A_370, %swap3A_371], %mul3A_369 {strides = array<i32>} : memref<480x80xf32, #tpu.memory_space<vmem>>, vector<16xf32>,
          %get3A_373 = arith.index_cast %add3A_365 : i32 to index
          %get3A_374 = arith.constant 16 : index
          %get3A_375 = tpu.vector_load %arg18[%get3A_373, %get3A_374] {strides = array<i32>} : memref<480x80xf32, #tpu.memory_space<vmem>>, vector<16xf32>,
          %mul3A_376 = arith.mulf %get3A_375, %broadcast_in_dim3A_361 : vector<16xf32>
          %swap3A_377 = arith.index_cast %add3A_365 : i32 to index
          %swap3A_378 = arith.constant 16 : index
          %swap3A_379 = tpu.vector_load %arg18[%swap3A_377, %swap3A_378] {strides = array<i32>} : memref<480x80xf32, #tpu.memory_space<vmem>>, vector<16xf32>,
          tpu.vector_store %arg18[%swap3A_377, %swap3A_378], %mul3A_376 {strides = array<i32>} : memref<480x80xf32, #tpu.memory_space<vmem>>, vector<16xf32>,
          %get3A_380 = arith.index_cast %add3A_365 : i32 to index
          %get3A_381 = arith.constant 32 : index
          %get3A_382 = tpu.vector_load %arg18[%get3A_380, %get3A_381] {strides = array<i32>} : memref<480x80xf32, #tpu.memory_space<vmem>>, vector<16xf32>,
          %mul3A_383 = arith.mulf %get3A_382, %broadcast_in_dim3A_361 : vector<16xf32>
          %swap3A_384 = arith.index_cast %add3A_365 : i32 to index
          %swap3A_385 = arith.constant 32 : index
          %swap3A_386 = tpu.vector_load %arg18[%swap3A_384, %swap3A_385] {strides = array<i32>} : memref<480x80xf32, #tpu.memory_space<vmem>>, vector<16xf32>,
          tpu.vector_store %arg18[%swap3A_384, %swap3A_385], %mul3A_383 {strides = array<i32>} : memref<480x80xf32, #tpu.memory_space<vmem>>, vector<16xf32>,
          %get3A_387 = arith.index_cast %add3A_365 : i32 to index
          %get3A_388 = arith.constant 48 : index
          %get3A_389 = tpu.vector_load %arg18[%get3A_387, %get3A_388] {strides = array<i32>} : memref<480x80xf32, #tpu.memory_space<vmem>>, vector<16xf32>,
          %mul3A_390 = arith.mulf %get3A_389, %broadcast_in_dim3A_361 : vector<16xf32>
          %swap3A_391 = arith.index_cast %add3A_365 : i32 to index
          %swap3A_392 = arith.constant 48 : index
          %swap3A_393 = tpu.vector_load %arg18[%swap3A_391, %swap3A_392] {strides = array<i32>} : memref<480x80xf32, #tpu.memory_space<vmem>>, vector<16xf32>,
          tpu.vector_store %arg18[%swap3A_391, %swap3A_392], %mul3A_390 {strides = array<i32>} : memref<480x80xf32, #tpu.memory_space<vmem>>, vector<16xf32>,
          %get3A_394 = arith.index_cast %add3A_365 : i32 to index
          %get3A_395 = arith.constant 64 : index
          %get3A_396 = tpu.vector_load %arg18[%get3A_394, %get3A_395] {strides = array<i32>} : memref<480x80xf32, #tpu.memory_space<vmem>>, vector<16xf32>,
          %mul3A_397 = arith.mulf %get3A_396, %broadcast_in_dim3A_361 : vector<16xf32>
          %swap3A_398 = arith.index_cast %add3A_365 : i32 to index
          %swap3A_399 = arith.constant 64 : index
          %swap3A_400 = tpu.vector_load %arg18[%swap3A_398, %swap3A_399] {strides = array<i32>} : memref<480x80xf32, #tpu.memory_space<vmem>>, vector<16xf32>,
          tpu.vector_store %arg18[%swap3A_398, %swap3A_399], %mul3A_397 {strides = array<i32>} : memref<480x80xf32, #tpu.memory_space<vmem>>, vector<16xf32>,
          %slice3A_401 = vector.extract_strided_slice %get3A_110 {offsets = [7], sizes = [1], strides = [1]} : vector<16xf32> to vector<1xf32>
          %squeeze3A_402 = vector.extract %slice3A_401[0] : f32 from vector<1xf32>
          %broadcast_in_dim3A_403 = vector.broadcast %squeeze3A_402 : f32 to vector<16xf32>
          %mul3A_404 = arith.constant 16 : i32
          %mul3A_405 = arith.muli %scan3A_107, %mul3A_404 : i32
          %add3A_406 = arith.constant 7 : i32
          %add3A_407 = arith.addi %mul3A_405, %add3A_406 : i32
          %get3A_408 = arith.index_cast %add3A_407 : i32 to index
          %get3A_409 = arith.constant 0 : index
          %get3A_410 = tpu.vector_load %arg18[%get3A_408, %get3A_409] {strides = array<i32>} : memref<480x80xf32, #tpu.memory_space<vmem>>, vector<16xf32>,
          %mul3A_411 = arith.mulf %get3A_410, %broadcast_in_dim3A_403 : vector<16xf32>
          %swap3A_412 = arith.index_cast %add3A_407 : i32 to index
          %swap3A_413 = arith.constant 0 : index
          %swap3A_414 = tpu.vector_load %arg18[%swap3A_412, %swap3A_413] {strides = array<i32>} : memref<480x80xf32, #tpu.memory_space<vmem>>, vector<16xf32>,
          tpu.vector_store %arg18[%swap3A_412, %swap3A_413], %mul3A_411 {strides = array<i32>} : memref<480x80xf32, #tpu.memory_space<vmem>>, vector<16xf32>,
          %get3A_415 = arith.index_cast %add3A_407 : i32 to index
          %get3A_416 = arith.constant 16 : index
          %get3A_417 = tpu.vector_load %arg18[%get3A_415, %get3A_416] {strides = array<i32>} : memref<480x80xf32, #tpu.memory_space<vmem>>, vector<16xf32>,
          %mul3A_418 = arith.mulf %get3A_417, %broadcast_in_dim3A_403 : vector<16xf32>
          %swap3A_419 = arith.index_cast %add3A_407 : i32 to index
          %swap3A_420 = arith.constant 16 : index
          %swap3A_421 = tpu.vector_load %arg18[%swap3A_419, %swap3A_420] {strides = array<i32>} : memref<480x80xf32, #tpu.memory_space<vmem>>, vector<16xf32>,
          tpu.vector_store %arg18[%swap3A_419, %swap3A_420], %mul3A_418 {strides = array<i32>} : memref<480x80xf32, #tpu.memory_space<vmem>>, vector<16xf32>,
          %get3A_422 = arith.index_cast %add3A_407 : i32 to index
          %get3A_423 = arith.constant 32 : index
          %get3A_424 = tpu.vector_load %arg18[%get3A_422, %get3A_423] {strides = array<i32>} : memref<480x80xf32, #tpu.memory_space<vmem>>, vector<16xf32>,
          %mul3A_425 = arith.mulf %get3A_424, %broadcast_in_dim3A_403 : vector<16xf32>
          %swap3A_426 = arith.index_cast %add3A_407 : i32 to index
          %swap3A_427 = arith.constant 32 : index
          %swap3A_428 = tpu.vector_load %arg18[%swap3A_426, %swap3A_427] {strides = array<i32>} : memref<480x80xf32, #tpu.memory_space<vmem>>, vector<16xf32>,
          tpu.vector_store %arg18[%swap3A_426, %swap3A_427], %mul3A_425 {strides = array<i32>} : memref<480x80xf32, #tpu.memory_space<vmem>>, vector<16xf32>,
          %get3A_429 = arith.index_cast %add3A_407 : i32 to index
          %get3A_430 = arith.constant 48 : index
          %get3A_431 = tpu.vector_load %arg18[%get3A_429, %get3A_430] {strides = array<i32>} : memref<480x80xf32, #tpu.memory_space<vmem>>, vector<16xf32>,
          %mul3A_432 = arith.mulf %get3A_431, %broadcast_in_dim3A_403 : vector<16xf32>
          %swap3A_433 = arith.index_cast %add3A_407 : i32 to index
          %swap3A_434 = arith.constant 48 : index
          %swap3A_435 = tpu.vector_load %arg18[%swap3A_433, %swap3A_434] {strides = array<i32>} : memref<480x80xf32, #tpu.memory_space<vmem>>, vector<16xf32>,
          tpu.vector_store %arg18[%swap3A_433, %swap3A_434], %mul3A_432 {strides = array<i32>} : memref<480x80xf32, #tpu.memory_space<vmem>>, vector<16xf32>,
          %get3A_436 = arith.index_cast %add3A_407 : i32 to index
          %get3A_437 = arith.constant 64 : index
          %get3A_438 = tpu.vector_load %arg18[%get3A_436, %get3A_437] {strides = array<i32>} : memref<480x80xf32, #tpu.memory_space<vmem>>, vector<16xf32>,
          %mul3A_439 = arith.mulf %get3A_438, %broadcast_in_dim3A_403 : vector<16xf32>
          %swap3A_440 = arith.index_cast %add3A_407 : i32 to index
          %swap3A_441 = arith.constant 64 : index
          %swap3A_442 = tpu.vector_load %arg18[%swap3A_440, %swap3A_441] {strides = array<i32>} : memref<480x80xf32, #tpu.memory_space<vmem>>, vector<16xf32>,
          tpu.vector_store %arg18[%swap3A_440, %swap3A_441], %mul3A_439 {strides = array<i32>} : memref<480x80xf32, #tpu.memory_space<vmem>>, vector<16xf32>,
          %slice3A_443 = vector.extract_strided_slice %get3A_110 {offsets = [8], sizes = [1], strides = [1]} : vector<16xf32> to vector<1xf32>
          %squeeze3A_444 = vector.extract %slice3A_443[0] : f32 from vector<1xf32>
          %broadcast_in_dim3A_445 = vector.broadcast %squeeze3A_444 : f32 to vector<16xf32>
          %mul3A_446 = arith.constant 16 : i32
          %mul3A_447 = arith.muli %scan3A_107, %mul3A_446 : i32
          %add3A_448 = arith.constant 8 : i32
          %add3A_449 = arith.addi %mul3A_447, %add3A_448 : i32
          %get3A_450 = arith.index_cast %add3A_449 : i32 to index
          %get3A_451 = arith.constant 0 : index
          %get3A_452 = tpu.vector_load %arg18[%get3A_450, %get3A_451] {strides = array<i32>} : memref<480x80xf32, #tpu.memory_space<vmem>>, vector<16xf32>,
          %mul3A_453 = arith.mulf %get3A_452, %broadcast_in_dim3A_445 : vector<16xf32>
          %swap3A_454 = arith.index_cast %add3A_449 : i32 to index
          %swap3A_455 = arith.constant 0 : index
          %swap3A_456 = tpu.vector_load %arg18[%swap3A_454, %swap3A_455] {strides = array<i32>} : memref<480x80xf32, #tpu.memory_space<vmem>>, vector<16xf32>,
          tpu.vector_store %arg18[%swap3A_454, %swap3A_455], %mul3A_453 {strides = array<i32>} : memref<480x80xf32, #tpu.memory_space<vmem>>, vector<16xf32>,
          %get3A_457 = arith.index_cast %add3A_449 : i32 to index
          %get3A_458 = arith.constant 16 : index
          %get3A_459 = tpu.vector_load %arg18[%get3A_457, %get3A_458] {strides = array<i32>} : memref<480x80xf32, #tpu.memory_space<vmem>>, vector<16xf32>,
          %mul3A_460 = arith.mulf %get3A_459, %broadcast_in_dim3A_445 : vector<16xf32>
          %swap3A_461 = arith.index_cast %add3A_449 : i32 to index
          %swap3A_462 = arith.constant 16 : index
          %swap3A_463 = tpu.vector_load %arg18[%swap3A_461, %swap3A_462] {strides = array<i32>} : memref<480x80xf32, #tpu.memory_space<vmem>>, vector<16xf32>,
          tpu.vector_store %arg18[%swap3A_461, %swap3A_462], %mul3A_460 {strides = array<i32>} : memref<480x80xf32, #tpu.memory_space<vmem>>, vector<16xf32>,
          %get3A_464 = arith.index_cast %add3A_449 : i32 to index
          %get3A_465 = arith.constant 32 : index
          %get3A_466 = tpu.vector_load %arg18[%get3A_464, %get3A_465] {strides = array<i32>} : memref<480x80xf32, #tpu.memory_space<vmem>>, vector<16xf32>,
          %mul3A_467 = arith.mulf %get3A_466, %broadcast_in_dim3A_445 : vector<16xf32>
          %swap3A_468 = arith.index_cast %add3A_449 : i32 to index
          %swap3A_469 = arith.constant 32 : index
          %swap3A_470 = tpu.vector_load %arg18[%swap3A_468, %swap3A_469] {strides = array<i32>} : memref<480x80xf32, #tpu.memory_space<vmem>>, vector<16xf32>,
          tpu.vector_store %arg18[%swap3A_468, %swap3A_469], %mul3A_467 {strides = array<i32>} : memref<480x80xf32, #tpu.memory_space<vmem>>, vector<16xf32>,
          %get3A_471 = arith.index_cast %add3A_449 : i32 to index
          %get3A_472 = arith.constant 48 : index
          %get3A_473 = tpu.vector_load %arg18[%get3A_471, %get3A_472] {strides = array<i32>} : memref<480x80xf32, #tpu.memory_space<vmem>>, vector<16xf32>,
          %mul3A_474 = arith.mulf %get3A_473, %broadcast_in_dim3A_445 : vector<16xf32>
          %swap3A_475 = arith.index_cast %add3A_449 : i32 to index
          %swap3A_476 = arith.constant 48 : index
          %swap3A_477 = tpu.vector_load %arg18[%swap3A_475, %swap3A_476] {strides = array<i32>} : memref<480x80xf32, #tpu.memory_space<vmem>>, vector<16xf32>,
          tpu.vector_store %arg18[%swap3A_475, %swap3A_476], %mul3A_474 {strides = array<i32>} : memref<480x80xf32, #tpu.memory_space<vmem>>, vector<16xf32>,
          %get3A_478 = arith.index_cast %add3A_449 : i32 to index
          %get3A_479 = arith.constant 64 : index
          %get3A_480 = tpu.vector_load %arg18[%get3A_478, %get3A_479] {strides = array<i32>} : memref<480x80xf32, #tpu.memory_space<vmem>>, vector<16xf32>,
          %mul3A_481 = arith.mulf %get3A_480, %broadcast_in_dim3A_445 : vector<16xf32>
          %swap3A_482 = arith.index_cast %add3A_449 : i32 to index
          %swap3A_483 = arith.constant 64 : index
          %swap3A_484 = tpu.vector_load %arg18[%swap3A_482, %swap3A_483] {strides = array<i32>} : memref<480x80xf32, #tpu.memory_space<vmem>>, vector<16xf32>,
          tpu.vector_store %arg18[%swap3A_482, %swap3A_483], %mul3A_481 {strides = array<i32>} : memref<480x80xf32, #tpu.memory_space<vmem>>, vector<16xf32>,
          %slice3A_485 = vector.extract_strided_slice %get3A_110 {offsets = [9], sizes = [1], strides = [1]} : vector<16xf32> to vector<1xf32>
          %squeeze3A_486 = vector.extract %slice3A_485[0] : f32 from vector<1xf32>
          %broadcast_in_dim3A_487 = vector.broadcast %squeeze3A_486 : f32 to vector<16xf32>
          %mul3A_488 = arith.constant 16 : i32
          %mul3A_489 = arith.muli %scan3A_107, %mul3A_488 : i32
          %add3A_490 = arith.constant 9 : i32
          %add3A_491 = arith.addi %mul3A_489, %add3A_490 : i32
          %get3A_492 = arith.index_cast %add3A_491 : i32 to index
          %get3A_493 = arith.constant 0 : index
          %get3A_494 = tpu.vector_load %arg18[%get3A_492, %get3A_493] {strides = array<i32>} : memref<480x80xf32, #tpu.memory_space<vmem>>, vector<16xf32>,
          %mul3A_495 = arith.mulf %get3A_494, %broadcast_in_dim3A_487 : vector<16xf32>
          %swap3A_496 = arith.index_cast %add3A_491 : i32 to index
          %swap3A_497 = arith.constant 0 : index
          %swap3A_498 = tpu.vector_load %arg18[%swap3A_496, %swap3A_497] {strides = array<i32>} : memref<480x80xf32, #tpu.memory_space<vmem>>, vector<16xf32>,
          tpu.vector_store %arg18[%swap3A_496, %swap3A_497], %mul3A_495 {strides = array<i32>} : memref<480x80xf32, #tpu.memory_space<vmem>>, vector<16xf32>,
          %get3A_499 = arith.index_cast %add3A_491 : i32 to index
          %get3A_500 = arith.constant 16 : index
          %get3A_501 = tpu.vector_load %arg18[%get3A_499, %get3A_500] {strides = array<i32>} : memref<480x80xf32, #tpu.memory_space<vmem>>, vector<16xf32>,
          %mul3A_502 = arith.mulf %get3A_501, %broadcast_in_dim3A_487 : vector<16xf32>
          %swap3A_503 = arith.index_cast %add3A_491 : i32 to index
          %swap3A_504 = arith.constant 16 : index
          %swap3A_505 = tpu.vector_load %arg18[%swap3A_503, %swap3A_504] {strides = array<i32>} : memref<480x80xf32, #tpu.memory_space<vmem>>, vector<16xf32>,
          tpu.vector_store %arg18[%swap3A_503, %swap3A_504], %mul3A_502 {strides = array<i32>} : memref<480x80xf32, #tpu.memory_space<vmem>>, vector<16xf32>,
          %get3A_506 = arith.index_cast %add3A_491 : i32 to index
          %get3A_507 = arith.constant 32 : index
          %get3A_508 = tpu.vector_load %arg18[%get3A_506, %get3A_507] {strides = array<i32>} : memref<480x80xf32, #tpu.memory_space<vmem>>, vector<16xf32>,
          %mul3A_509 = arith.mulf %get3A_508, %broadcast_in_dim3A_487 : vector<16xf32>
          %swap3A_510 = arith.index_cast %add3A_491 : i32 to index
          %swap3A_511 = arith.constant 32 : index
          %swap3A_512 = tpu.vector_load %arg18[%swap3A_510, %swap3A_511] {strides = array<i32>} : memref<480x80xf32, #tpu.memory_space<vmem>>, vector<16xf32>,
          tpu.vector_store %arg18[%swap3A_510, %swap3A_511], %mul3A_509 {strides = array<i32>} : memref<480x80xf32, #tpu.memory_space<vmem>>, vector<16xf32>,
          %get3A_513 = arith.index_cast %add3A_491 : i32 to index
          %get3A_514 = arith.constant 48 : index
          %get3A_515 = tpu.vector_load %arg18[%get3A_513, %get3A_514] {strides = array<i32>} : memref<480x80xf32, #tpu.memory_space<vmem>>, vector<16xf32>,
          %mul3A_516 = arith.mulf %get3A_515, %broadcast_in_dim3A_487 : vector<16xf32>
          %swap3A_517 = arith.index_cast %add3A_491 : i32 to index
          %swap3A_518 = arith.constant 48 : index
          %swap3A_519 = tpu.vector_load %arg18[%swap3A_517, %swap3A_518] {strides = array<i32>} : memref<480x80xf32, #tpu.memory_space<vmem>>, vector<16xf32>,
          tpu.vector_store %arg18[%swap3A_517, %swap3A_518], %mul3A_516 {strides = array<i32>} : memref<480x80xf32, #tpu.memory_space<vmem>>, vector<16xf32>,
          %get3A_520 = arith.index_cast %add3A_491 : i32 to index
          %get3A_521 = arith.constant 64 : index
          %get3A_522 = tpu.vector_load %arg18[%get3A_520, %get3A_521] {strides = array<i32>} : memref<480x80xf32, #tpu.memory_space<vmem>>, vector<16xf32>,
          %mul3A_523 = arith.mulf %get3A_522, %broadcast_in_dim3A_487 : vector<16xf32>
          %swap3A_524 = arith.index_cast %add3A_491 : i32 to index
          %swap3A_525 = arith.constant 64 : index
          %swap3A_526 = tpu.vector_load %arg18[%swap3A_524, %swap3A_525] {strides = array<i32>} : memref<480x80xf32, #tpu.memory_space<vmem>>, vector<16xf32>,
          tpu.vector_store %arg18[%swap3A_524, %swap3A_525], %mul3A_523 {strides = array<i32>} : memref<480x80xf32, #tpu.memory_space<vmem>>, vector<16xf32>,
          %slice3A_527 = vector.extract_strided_slice %get3A_110 {offsets = [10], sizes = [1], strides = [1]} : vector<16xf32> to vector<1xf32>
          %squeeze3A_528 = vector.extract %slice3A_527[0] : f32 from vector<1xf32>
          %broadcast_in_dim3A_529 = vector.broadcast %squeeze3A_528 : f32 to vector<16xf32>
          %mul3A_530 = arith.constant 16 : i32
          %mul3A_531 = arith.muli %scan3A_107, %mul3A_530 : i32
          %add3A_532 = arith.constant 10 : i32
          %add3A_533 = arith.addi %mul3A_531, %add3A_532 : i32
          %get3A_534 = arith.index_cast %add3A_533 : i32 to index
          %get3A_535 = arith.constant 0 : index
          %get3A_536 = tpu.vector_load %arg18[%get3A_534, %get3A_535] {strides = array<i32>} : memref<480x80xf32, #tpu.memory_space<vmem>>, vector<16xf32>,
          %mul3A_537 = arith.mulf %get3A_536, %broadcast_in_dim3A_529 : vector<16xf32>
          %swap3A_538 = arith.index_cast %add3A_533 : i32 to index
          %swap3A_539 = arith.constant 0 : index
          %swap3A_540 = tpu.vector_load %arg18[%swap3A_538, %swap3A_539] {strides = array<i32>} : memref<480x80xf32, #tpu.memory_space<vmem>>, vector<16xf32>,
          tpu.vector_store %arg18[%swap3A_538, %swap3A_539], %mul3A_537 {strides = array<i32>} : memref<480x80xf32, #tpu.memory_space<vmem>>, vector<16xf32>,
          %get3A_541 = arith.index_cast %add3A_533 : i32 to index
          %get3A_542 = arith.constant 16 : index
          %get3A_543 = tpu.vector_load %arg18[%get3A_541, %get3A_542] {strides = array<i32>} : memref<480x80xf32, #tpu.memory_space<vmem>>, vector<16xf32>,
          %mul3A_544 = arith.mulf %get3A_543, %broadcast_in_dim3A_529 : vector<16xf32>
          %swap3A_545 = arith.index_cast %add3A_533 : i32 to index
          %swap3A_546 = arith.constant 16 : index
          %swap3A_547 = tpu.vector_load %arg18[%swap3A_545, %swap3A_546] {strides = array<i32>} : memref<480x80xf32, #tpu.memory_space<vmem>>, vector<16xf32>,
          tpu.vector_store %arg18[%swap3A_545, %swap3A_546], %mul3A_544 {strides = array<i32>} : memref<480x80xf32, #tpu.memory_space<vmem>>, vector<16xf32>,
          %get3A_548 = arith.index_cast %add3A_533 : i32 to index
          %get3A_549 = arith.constant 32 : index
          %get3A_550 = tpu.vector_load %arg18[%get3A_548, %get3A_549] {strides = array<i32>} : memref<480x80xf32, #tpu.memory_space<vmem>>, vector<16xf32>,
          %mul3A_551 = arith.mulf %get3A_550, %broadcast_in_dim3A_529 : vector<16xf32>
          %swap3A_552 = arith.index_cast %add3A_533 : i32 to index
          %swap3A_553 = arith.constant 32 : index
          %swap3A_554 = tpu.vector_load %arg18[%swap3A_552, %swap3A_553] {strides = array<i32>} : memref<480x80xf32, #tpu.memory_space<vmem>>, vector<16xf32>,
          tpu.vector_store %arg18[%swap3A_552, %swap3A_553], %mul3A_551 {strides = array<i32>} : memref<480x80xf32, #tpu.memory_space<vmem>>, vector<16xf32>,
          %get3A_555 = arith.index_cast %add3A_533 : i32 to index
          %get3A_556 = arith.constant 48 : index
          %get3A_557 = tpu.vector_load %arg18[%get3A_555, %get3A_556] {strides = array<i32>} : memref<480x80xf32, #tpu.memory_space<vmem>>, vector<16xf32>,
          %mul3A_558 = arith.mulf %get3A_557, %broadcast_in_dim3A_529 : vector<16xf32>
          %swap3A_559 = arith.index_cast %add3A_533 : i32 to index
          %swap3A_560 = arith.constant 48 : index
          %swap3A_561 = tpu.vector_load %arg18[%swap3A_559, %swap3A_560] {strides = array<i32>} : memref<480x80xf32, #tpu.memory_space<vmem>>, vector<16xf32>,
          tpu.vector_store %arg18[%swap3A_559, %swap3A_560], %mul3A_558 {strides = array<i32>} : memref<480x80xf32, #tpu.memory_space<vmem>>, vector<16xf32>,
          %get3A_562 = arith.index_cast %add3A_533 : i32 to index
          %get3A_563 = arith.constant 64 : index
          %get3A_564 = tpu.vector_load %arg18[%get3A_562, %get3A_563] {strides = array<i32>} : memref<480x80xf32, #tpu.memory_space<vmem>>, vector<16xf32>,
          %mul3A_565 = arith.mulf %get3A_564, %broadcast_in_dim3A_529 : vector<16xf32>
          %swap3A_566 = arith.index_cast %add3A_533 : i32 to index
          %swap3A_567 = arith.constant 64 : index
          %swap3A_568 = tpu.vector_load %arg18[%swap3A_566, %swap3A_567] {strides = array<i32>} : memref<480x80xf32, #tpu.memory_space<vmem>>, vector<16xf32>,
          tpu.vector_store %arg18[%swap3A_566, %swap3A_567], %mul3A_565 {strides = array<i32>} : memref<480x80xf32, #tpu.memory_space<vmem>>, vector<16xf32>,
          %slice3A_569 = vector.extract_strided_slice %get3A_110 {offsets = [11], sizes = [1], strides = [1]} : vector<16xf32> to vector<1xf32>
          %squeeze3A_570 = vector.extract %slice3A_569[0] : f32 from vector<1xf32>
          %broadcast_in_dim3A_571 = vector.broadcast %squeeze3A_570 : f32 to vector<16xf32>
          %mul3A_572 = arith.constant 16 : i32
          %mul3A_573 = arith.muli %scan3A_107, %mul3A_572 : i32
          %add3A_574 = arith.constant 11 : i32
          %add3A_575 = arith.addi %mul3A_573, %add3A_574 : i32
          %get3A_576 = arith.index_cast %add3A_575 : i32 to index
          %get3A_577 = arith.constant 0 : index
          %get3A_578 = tpu.vector_load %arg18[%get3A_576, %get3A_577] {strides = array<i32>} : memref<480x80xf32, #tpu.memory_space<vmem>>, vector<16xf32>,
          %mul3A_579 = arith.mulf %get3A_578, %broadcast_in_dim3A_571 : vector<16xf32>
          %swap3A_580 = arith.index_cast %add3A_575 : i32 to index
          %swap3A_581 = arith.constant 0 : index
          %swap3A_582 = tpu.vector_load %arg18[%swap3A_580, %swap3A_581] {strides = array<i32>} : memref<480x80xf32, #tpu.memory_space<vmem>>, vector<16xf32>,
          tpu.vector_store %arg18[%swap3A_580, %swap3A_581], %mul3A_579 {strides = array<i32>} : memref<480x80xf32, #tpu.memory_space<vmem>>, vector<16xf32>,
          %get3A_583 = arith.index_cast %add3A_575 : i32 to index
          %get3A_584 = arith.constant 16 : index
          %get3A_585 = tpu.vector_load %arg18[%get3A_583, %get3A_584] {strides = array<i32>} : memref<480x80xf32, #tpu.memory_space<vmem>>, vector<16xf32>,
          %mul3A_586 = arith.mulf %get3A_585, %broadcast_in_dim3A_571 : vector<16xf32>
          %swap3A_587 = arith.index_cast %add3A_575 : i32 to index
          %swap3A_588 = arith.constant 16 : index
          %swap3A_589 = tpu.vector_load %arg18[%swap3A_587, %swap3A_588] {strides = array<i32>} : memref<480x80xf32, #tpu.memory_space<vmem>>, vector<16xf32>,
          tpu.vector_store %arg18[%swap3A_587, %swap3A_588], %mul3A_586 {strides = array<i32>} : memref<480x80xf32, #tpu.memory_space<vmem>>, vector<16xf32>,
          %get3A_590 = arith.index_cast %add3A_575 : i32 to index
          %get3A_591 = arith.constant 32 : index
          %get3A_592 = tpu.vector_load %arg18[%get3A_590, %get3A_591] {strides = array<i32>} : memref<480x80xf32, #tpu.memory_space<vmem>>, vector<16xf32>,
          %mul3A_593 = arith.mulf %get3A_592, %broadcast_in_dim3A_571 : vector<16xf32>
          %swap3A_594 = arith.index_cast %add3A_575 : i32 to index
          %swap3A_595 = arith.constant 32 : index
          %swap3A_596 = tpu.vector_load %arg18[%swap3A_594, %swap3A_595] {strides = array<i32>} : memref<480x80xf32, #tpu.memory_space<vmem>>, vector<16xf32>,
          tpu.vector_store %arg18[%swap3A_594, %swap3A_595], %mul3A_593 {strides = array<i32>} : memref<480x80xf32, #tpu.memory_space<vmem>>, vector<16xf32>,
          %get3A_597 = arith.index_cast %add3A_575 : i32 to index
          %get3A_598 = arith.constant 48 : index
          %get3A_599 = tpu.vector_load %arg18[%get3A_597, %get3A_598] {strides = array<i32>} : memref<480x80xf32, #tpu.memory_space<vmem>>, vector<16xf32>,
          %mul3A_600 = arith.mulf %get3A_599, %broadcast_in_dim3A_571 : vector<16xf32>
          %swap3A_601 = arith.index_cast %add3A_575 : i32 to index
          %swap3A_602 = arith.constant 48 : index
          %swap3A_603 = tpu.vector_load %arg18[%swap3A_601, %swap3A_602] {strides = array<i32>} : memref<480x80xf32, #tpu.memory_space<vmem>>, vector<16xf32>,
          tpu.vector_store %arg18[%swap3A_601, %swap3A_602], %mul3A_600 {strides = array<i32>} : memref<480x80xf32, #tpu.memory_space<vmem>>, vector<16xf32>,
          %get3A_604 = arith.index_cast %add3A_575 : i32 to index
          %get3A_605 = arith.constant 64 : index
          %get3A_606 = tpu.vector_load %arg18[%get3A_604, %get3A_605] {strides = array<i32>} : memref<480x80xf32, #tpu.memory_space<vmem>>, vector<16xf32>,
          %mul3A_607 = arith.mulf %get3A_606, %broadcast_in_dim3A_571 : vector<16xf32>
          %swap3A_608 = arith.index_cast %add3A_575 : i32 to index
          %swap3A_609 = arith.constant 64 : index
          %swap3A_610 = tpu.vector_load %arg18[%swap3A_608, %swap3A_609] {strides = array<i32>} : memref<480x80xf32, #tpu.memory_space<vmem>>, vector<16xf32>,
          tpu.vector_store %arg18[%swap3A_608, %swap3A_609], %mul3A_607 {strides = array<i32>} : memref<480x80xf32, #tpu.memory_space<vmem>>, vector<16xf32>,
          %slice3A_611 = vector.extract_strided_slice %get3A_110 {offsets = [12], sizes = [1], strides = [1]} : vector<16xf32> to vector<1xf32>
          %squeeze3A_612 = vector.extract %slice3A_611[0] : f32 from vector<1xf32>
          %broadcast_in_dim3A_613 = vector.broadcast %squeeze3A_612 : f32 to vector<16xf32>
          %mul3A_614 = arith.constant 16 : i32
          %mul3A_615 = arith.muli %scan3A_107, %mul3A_614 : i32
          %add3A_616 = arith.constant 12 : i32
          %add3A_617 = arith.addi %mul3A_615, %add3A_616 : i32
          %get3A_618 = arith.index_cast %add3A_617 : i32 to index
          %get3A_619 = arith.constant 0 : index
          %get3A_620 = tpu.vector_load %arg18[%get3A_618, %get3A_619] {strides = array<i32>} : memref<480x80xf32, #tpu.memory_space<vmem>>, vector<16xf32>,
          %mul3A_621 = arith.mulf %get3A_620, %broadcast_in_dim3A_613 : vector<16xf32>
          %swap3A_622 = arith.index_cast %add3A_617 : i32 to index
          %swap3A_623 = arith.constant 0 : index
          %swap3A_624 = tpu.vector_load %arg18[%swap3A_622, %swap3A_623] {strides = array<i32>} : memref<480x80xf32, #tpu.memory_space<vmem>>, vector<16xf32>,
          tpu.vector_store %arg18[%swap3A_622, %swap3A_623], %mul3A_621 {strides = array<i32>} : memref<480x80xf32, #tpu.memory_space<vmem>>, vector<16xf32>,
          %get3A_625 = arith.index_cast %add3A_617 : i32 to index
          %get3A_626 = arith.constant 16 : index
          %get3A_627 = tpu.vector_load %arg18[%get3A_625, %get3A_626] {strides = array<i32>} : memref<480x80xf32, #tpu.memory_space<vmem>>, vector<16xf32>,
          %mul3A_628 = arith.mulf %get3A_627, %broadcast_in_dim3A_613 : vector<16xf32>
          %swap3A_629 = arith.index_cast %add3A_617 : i32 to index
          %swap3A_630 = arith.constant 16 : index
          %swap3A_631 = tpu.vector_load %arg18[%swap3A_629, %swap3A_630] {strides = array<i32>} : memref<480x80xf32, #tpu.memory_space<vmem>>, vector<16xf32>,
          tpu.vector_store %arg18[%swap3A_629, %swap3A_630], %mul3A_628 {strides = array<i32>} : memref<480x80xf32, #tpu.memory_space<vmem>>, vector<16xf32>,
          %get3A_632 = arith.index_cast %add3A_617 : i32 to index
          %get3A_633 = arith.constant 32 : index
          %get3A_634 = tpu.vector_load %arg18[%get3A_632, %get3A_633] {strides = array<i32>} : memref<480x80xf32, #tpu.memory_space<vmem>>, vector<16xf32>,
          %mul3A_635 = arith.mulf %get3A_634, %broadcast_in_dim3A_613 : vector<16xf32>
          %swap3A_636 = arith.index_cast %add3A_617 : i32 to index
          %swap3A_637 = arith.constant 32 : index
          %swap3A_638 = tpu.vector_load %arg18[%swap3A_636, %swap3A_637] {strides = array<i32>} : memref<480x80xf32, #tpu.memory_space<vmem>>, vector<16xf32>,
          tpu.vector_store %arg18[%swap3A_636, %swap3A_637], %mul3A_635 {strides = array<i32>} : memref<480x80xf32, #tpu.memory_space<vmem>>, vector<16xf32>,
          %get3A_639 = arith.index_cast %add3A_617 : i32 to index
          %get3A_640 = arith.constant 48 : index
          %get3A_641 = tpu.vector_load %arg18[%get3A_639, %get3A_640] {strides = array<i32>} : memref<480x80xf32, #tpu.memory_space<vmem>>, vector<16xf32>,
          %mul3A_642 = arith.mulf %get3A_641, %broadcast_in_dim3A_613 : vector<16xf32>
          %swap3A_643 = arith.index_cast %add3A_617 : i32 to index
          %swap3A_644 = arith.constant 48 : index
          %swap3A_645 = tpu.vector_load %arg18[%swap3A_643, %swap3A_644] {strides = array<i32>} : memref<480x80xf32, #tpu.memory_space<vmem>>, vector<16xf32>,
          tpu.vector_store %arg18[%swap3A_643, %swap3A_644], %mul3A_642 {strides = array<i32>} : memref<480x80xf32, #tpu.memory_space<vmem>>, vector<16xf32>,
          %get3A_646 = arith.index_cast %add3A_617 : i32 to index
          %get3A_647 = arith.constant 64 : index
          %get3A_648 = tpu.vector_load %arg18[%get3A_646, %get3A_647] {strides = array<i32>} : memref<480x80xf32, #tpu.memory_space<vmem>>, vector<16xf32>,
          %mul3A_649 = arith.mulf %get3A_648, %broadcast_in_dim3A_613 : vector<16xf32>
          %swap3A_650 = arith.index_cast %add3A_617 : i32 to index
          %swap3A_651 = arith.constant 64 : index
          %swap3A_652 = tpu.vector_load %arg18[%swap3A_650, %swap3A_651] {strides = array<i32>} : memref<480x80xf32, #tpu.memory_space<vmem>>, vector<16xf32>,
          tpu.vector_store %arg18[%swap3A_650, %swap3A_651], %mul3A_649 {strides = array<i32>} : memref<480x80xf32, #tpu.memory_space<vmem>>, vector<16xf32>,
          %slice3A_653 = vector.extract_strided_slice %get3A_110 {offsets = [13], sizes = [1], strides = [1]} : vector<16xf32> to vector<1xf32>
          %squeeze3A_654 = vector.extract %slice3A_653[0] : f32 from vector<1xf32>
          %broadcast_in_dim3A_655 = vector.broadcast %squeeze3A_654 : f32 to vector<16xf32>
          %mul3A_656 = arith.constant 16 : i32
          %mul3A_657 = arith.muli %scan3A_107, %mul3A_656 : i32
          %add3A_658 = arith.constant 13 : i32
          %add3A_659 = arith.addi %mul3A_657, %add3A_658 : i32
          %get3A_660 = arith.index_cast %add3A_659 : i32 to index
          %get3A_661 = arith.constant 0 : index
          %get3A_662 = tpu.vector_load %arg18[%get3A_660, %get3A_661] {strides = array<i32>} : memref<480x80xf32, #tpu.memory_space<vmem>>, vector<16xf32>,
          %mul3A_663 = arith.mulf %get3A_662, %broadcast_in_dim3A_655 : vector<16xf32>
          %swap3A_664 = arith.index_cast %add3A_659 : i32 to index
          %swap3A_665 = arith.constant 0 : index
          %swap3A_666 = tpu.vector_load %arg18[%swap3A_664, %swap3A_665] {strides = array<i32>} : memref<480x80xf32, #tpu.memory_space<vmem>>, vector<16xf32>,
          tpu.vector_store %arg18[%swap3A_664, %swap3A_665], %mul3A_663 {strides = array<i32>} : memref<480x80xf32, #tpu.memory_space<vmem>>, vector<16xf32>,
          %get3A_667 = arith.index_cast %add3A_659 : i32 to index
          %get3A_668 = arith.constant 16 : index
          %get3A_669 = tpu.vector_load %arg18[%get3A_667, %get3A_668] {strides = array<i32>} : memref<480x80xf32, #tpu.memory_space<vmem>>, vector<16xf32>,
          %mul3A_670 = arith.mulf %get3A_669, %broadcast_in_dim3A_655 : vector<16xf32>
          %swap3A_671 = arith.index_cast %add3A_659 : i32 to index
          %swap3A_672 = arith.constant 16 : index
          %swap3A_673 = tpu.vector_load %arg18[%swap3A_671, %swap3A_672] {strides = array<i32>} : memref<480x80xf32, #tpu.memory_space<vmem>>, vector<16xf32>,
          tpu.vector_store %arg18[%swap3A_671, %swap3A_672], %mul3A_670 {strides = array<i32>} : memref<480x80xf32, #tpu.memory_space<vmem>>, vector<16xf32>,
          %get3A_674 = arith.index_cast %add3A_659 : i32 to index
          %get3A_675 = arith.constant 32 : index
          %get3A_676 = tpu.vector_load %arg18[%get3A_674, %get3A_675] {strides = array<i32>} : memref<480x80xf32, #tpu.memory_space<vmem>>, vector<16xf32>,
          %mul3A_677 = arith.mulf %get3A_676, %broadcast_in_dim3A_655 : vector<16xf32>
          %swap3A_678 = arith.index_cast %add3A_659 : i32 to index
          %swap3A_679 = arith.constant 32 : index
          %swap3A_680 = tpu.vector_load %arg18[%swap3A_678, %swap3A_679] {strides = array<i32>} : memref<480x80xf32, #tpu.memory_space<vmem>>, vector<16xf32>,
          tpu.vector_store %arg18[%swap3A_678, %swap3A_679], %mul3A_677 {strides = array<i32>} : memref<480x80xf32, #tpu.memory_space<vmem>>, vector<16xf32>,
          %get3A_681 = arith.index_cast %add3A_659 : i32 to index
          %get3A_682 = arith.constant 48 : index
          %get3A_683 = tpu.vector_load %arg18[%get3A_681, %get3A_682] {strides = array<i32>} : memref<480x80xf32, #tpu.memory_space<vmem>>, vector<16xf32>,
          %mul3A_684 = arith.mulf %get3A_683, %broadcast_in_dim3A_655 : vector<16xf32>
          %swap3A_685 = arith.index_cast %add3A_659 : i32 to index
          %swap3A_686 = arith.constant 48 : index
          %swap3A_687 = tpu.vector_load %arg18[%swap3A_685, %swap3A_686] {strides = array<i32>} : memref<480x80xf32, #tpu.memory_space<vmem>>, vector<16xf32>,
          tpu.vector_store %arg18[%swap3A_685, %swap3A_686], %mul3A_684 {strides = array<i32>} : memref<480x80xf32, #tpu.memory_space<vmem>>, vector<16xf32>,
          %get3A_688 = arith.index_cast %add3A_659 : i32 to index
          %get3A_689 = arith.constant 64 : index
          %get3A_690 = tpu.vector_load %arg18[%get3A_688, %get3A_689] {strides = array<i32>} : memref<480x80xf32, #tpu.memory_space<vmem>>, vector<16xf32>,
          %mul3A_691 = arith.mulf %get3A_690, %broadcast_in_dim3A_655 : vector<16xf32>
          %swap3A_692 = arith.index_cast %add3A_659 : i32 to index
          %swap3A_693 = arith.constant 64 : index
          %swap3A_694 = tpu.vector_load %arg18[%swap3A_692, %swap3A_693] {strides = array<i32>} : memref<480x80xf32, #tpu.memory_space<vmem>>, vector<16xf32>,
          tpu.vector_store %arg18[%swap3A_692, %swap3A_693], %mul3A_691 {strides = array<i32>} : memref<480x80xf32, #tpu.memory_space<vmem>>, vector<16xf32>,
          %slice3A_695 = vector.extract_strided_slice %get3A_110 {offsets = [14], sizes = [1], strides = [1]} : vector<16xf32> to vector<1xf32>
          %squeeze3A_696 = vector.extract %slice3A_695[0] : f32 from vector<1xf32>
          %broadcast_in_dim3A_697 = vector.broadcast %squeeze3A_696 : f32 to vector<16xf32>
          %mul3A_698 = arith.constant 16 : i32
          %mul3A_699 = arith.muli %scan3A_107, %mul3A_698 : i32
          %add3A_700 = arith.constant 14 : i32
          %add3A_701 = arith.addi %mul3A_699, %add3A_700 : i32
          %get3A_702 = arith.index_cast %add3A_701 : i32 to index
          %get3A_703 = arith.constant 0 : index
          %get3A_704 = tpu.vector_load %arg18[%get3A_702, %get3A_703] {strides = array<i32>} : memref<480x80xf32, #tpu.memory_space<vmem>>, vector<16xf32>,
          %mul3A_705 = arith.mulf %get3A_704, %broadcast_in_dim3A_697 : vector<16xf32>
          %swap3A_706 = arith.index_cast %add3A_701 : i32 to index
          %swap3A_707 = arith.constant 0 : index
          %swap3A_708 = tpu.vector_load %arg18[%swap3A_706, %swap3A_707] {strides = array<i32>} : memref<480x80xf32, #tpu.memory_space<vmem>>, vector<16xf32>,
          tpu.vector_store %arg18[%swap3A_706, %swap3A_707], %mul3A_705 {strides = array<i32>} : memref<480x80xf32, #tpu.memory_space<vmem>>, vector<16xf32>,
          %get3A_709 = arith.index_cast %add3A_701 : i32 to index
          %get3A_710 = arith.constant 16 : index
          %get3A_711 = tpu.vector_load %arg18[%get3A_709, %get3A_710] {strides = array<i32>} : memref<480x80xf32, #tpu.memory_space<vmem>>, vector<16xf32>,
          %mul3A_712 = arith.mulf %get3A_711, %broadcast_in_dim3A_697 : vector<16xf32>
          %swap3A_713 = arith.index_cast %add3A_701 : i32 to index
          %swap3A_714 = arith.constant 16 : index
          %swap3A_715 = tpu.vector_load %arg18[%swap3A_713, %swap3A_714] {strides = array<i32>} : memref<480x80xf32, #tpu.memory_space<vmem>>, vector<16xf32>,
          tpu.vector_store %arg18[%swap3A_713, %swap3A_714], %mul3A_712 {strides = array<i32>} : memref<480x80xf32, #tpu.memory_space<vmem>>, vector<16xf32>,
          %get3A_716 = arith.index_cast %add3A_701 : i32 to index
          %get3A_717 = arith.constant 32 : index
          %get3A_718 = tpu.vector_load %arg18[%get3A_716, %get3A_717] {strides = array<i32>} : memref<480x80xf32, #tpu.memory_space<vmem>>, vector<16xf32>,
          %mul3A_719 = arith.mulf %get3A_718, %broadcast_in_dim3A_697 : vector<16xf32>
          %swap3A_720 = arith.index_cast %add3A_701 : i32 to index
          %swap3A_721 = arith.constant 32 : index
          %swap3A_722 = tpu.vector_load %arg18[%swap3A_720, %swap3A_721] {strides = array<i32>} : memref<480x80xf32, #tpu.memory_space<vmem>>, vector<16xf32>,
          tpu.vector_store %arg18[%swap3A_720, %swap3A_721], %mul3A_719 {strides = array<i32>} : memref<480x80xf32, #tpu.memory_space<vmem>>, vector<16xf32>,
          %get3A_723 = arith.index_cast %add3A_701 : i32 to index
          %get3A_724 = arith.constant 48 : index
          %get3A_725 = tpu.vector_load %arg18[%get3A_723, %get3A_724] {strides = array<i32>} : memref<480x80xf32, #tpu.memory_space<vmem>>, vector<16xf32>,
          %mul3A_726 = arith.mulf %get3A_725, %broadcast_in_dim3A_697 : vector<16xf32>
          %swap3A_727 = arith.index_cast %add3A_701 : i32 to index
          %swap3A_728 = arith.constant 48 : index
          %swap3A_729 = tpu.vector_load %arg18[%swap3A_727, %swap3A_728] {strides = array<i32>} : memref<480x80xf32, #tpu.memory_space<vmem>>, vector<16xf32>,
          tpu.vector_store %arg18[%swap3A_727, %swap3A_728], %mul3A_726 {strides = array<i32>} : memref<480x80xf32, #tpu.memory_space<vmem>>, vector<16xf32>,
          %get3A_730 = arith.index_cast %add3A_701 : i32 to index
          %get3A_731 = arith.constant 64 : index
          %get3A_732 = tpu.vector_load %arg18[%get3A_730, %get3A_731] {strides = array<i32>} : memref<480x80xf32, #tpu.memory_space<vmem>>, vector<16xf32>,
          %mul3A_733 = arith.mulf %get3A_732, %broadcast_in_dim3A_697 : vector<16xf32>
          %swap3A_734 = arith.index_cast %add3A_701 : i32 to index
          %swap3A_735 = arith.constant 64 : index
          %swap3A_736 = tpu.vector_load %arg18[%swap3A_734, %swap3A_735] {strides = array<i32>} : memref<480x80xf32, #tpu.memory_space<vmem>>, vector<16xf32>,
          tpu.vector_store %arg18[%swap3A_734, %swap3A_735], %mul3A_733 {strides = array<i32>} : memref<480x80xf32, #tpu.memory_space<vmem>>, vector<16xf32>,
          %slice3A_737 = vector.extract_strided_slice %get3A_110 {offsets = [15], sizes = [1], strides = [1]} : vector<16xf32> to vector<1xf32>
          %squeeze3A_738 = vector.extract %slice3A_737[0] : f32 from vector<1xf32>
          %broadcast_in_dim3A_739 = vector.broadcast %squeeze3A_738 : f32 to vector<16xf32>
          %mul3A_740 = arith.constant 16 : i32
          %mul3A_741 = arith.muli %scan3A_107, %mul3A_740 : i32
          %add3A_742 = arith.constant 15 : i32
          %add3A_743 = arith.addi %mul3A_741, %add3A_742 : i32
          %get3A_744 = arith.index_cast %add3A_743 : i32 to index
          %get3A_745 = arith.constant 0 : index
          %get3A_746 = tpu.vector_load %arg18[%get3A_744, %get3A_745] {strides = array<i32>} : memref<480x80xf32, #tpu.memory_space<vmem>>, vector<16xf32>,
          %mul3A_747 = arith.mulf %get3A_746, %broadcast_in_dim3A_739 : vector<16xf32>
          %swap3A_748 = arith.index_cast %add3A_743 : i32 to index
          %swap3A_749 = arith.constant 0 : index
          %swap3A_750 = tpu.vector_load %arg18[%swap3A_748, %swap3A_749] {strides = array<i32>} : memref<480x80xf32, #tpu.memory_space<vmem>>, vector<16xf32>,
          tpu.vector_store %arg18[%swap3A_748, %swap3A_749], %mul3A_747 {strides = array<i32>} : memref<480x80xf32, #tpu.memory_space<vmem>>, vector<16xf32>,
          %get3A_751 = arith.index_cast %add3A_743 : i32 to index
          %get3A_752 = arith.constant 16 : index
          %get3A_753 = tpu.vector_load %arg18[%get3A_751, %get3A_752] {strides = array<i32>} : memref<480x80xf32, #tpu.memory_space<vmem>>, vector<16xf32>,
          %mul3A_754 = arith.mulf %get3A_753, %broadcast_in_dim3A_739 : vector<16xf32>
          %swap3A_755 = arith.index_cast %add3A_743 : i32 to index
          %swap3A_756 = arith.constant 16 : index
          %swap3A_757 = tpu.vector_load %arg18[%swap3A_755, %swap3A_756] {strides = array<i32>} : memref<480x80xf32, #tpu.memory_space<vmem>>, vector<16xf32>,
          tpu.vector_store %arg18[%swap3A_755, %swap3A_756], %mul3A_754 {strides = array<i32>} : memref<480x80xf32, #tpu.memory_space<vmem>>, vector<16xf32>,
          %get3A_758 = arith.index_cast %add3A_743 : i32 to index
          %get3A_759 = arith.constant 32 : index
          %get3A_760 = tpu.vector_load %arg18[%get3A_758, %get3A_759] {strides = array<i32>} : memref<480x80xf32, #tpu.memory_space<vmem>>, vector<16xf32>,
          %mul3A_761 = arith.mulf %get3A_760, %broadcast_in_dim3A_739 : vector<16xf32>
          %swap3A_762 = arith.index_cast %add3A_743 : i32 to index
          %swap3A_763 = arith.constant 32 : index
          %swap3A_764 = tpu.vector_load %arg18[%swap3A_762, %swap3A_763] {strides = array<i32>} : memref<480x80xf32, #tpu.memory_space<vmem>>, vector<16xf32>,
          tpu.vector_store %arg18[%swap3A_762, %swap3A_763], %mul3A_761 {strides = array<i32>} : memref<480x80xf32, #tpu.memory_space<vmem>>, vector<16xf32>,
          %get3A_765 = arith.index_cast %add3A_743 : i32 to index
          %get3A_766 = arith.constant 48 : index
          %get3A_767 = tpu.vector_load %arg18[%get3A_765, %get3A_766] {strides = array<i32>} : memref<480x80xf32, #tpu.memory_space<vmem>>, vector<16xf32>,
          %mul3A_768 = arith.mulf %get3A_767, %broadcast_in_dim3A_739 : vector<16xf32>
          %swap3A_769 = arith.index_cast %add3A_743 : i32 to index
          %swap3A_770 = arith.constant 48 : index
          %swap3A_771 = tpu.vector_load %arg18[%swap3A_769, %swap3A_770] {strides = array<i32>} : memref<480x80xf32, #tpu.memory_space<vmem>>, vector<16xf32>,
          tpu.vector_store %arg18[%swap3A_769, %swap3A_770], %mul3A_768 {strides = array<i32>} : memref<480x80xf32, #tpu.memory_space<vmem>>, vector<16xf32>,
          %get3A_772 = arith.index_cast %add3A_743 : i32 to index
          %get3A_773 = arith.constant 64 : index
          %get3A_774 = tpu.vector_load %arg18[%get3A_772, %get3A_773] {strides = array<i32>} : memref<480x80xf32, #tpu.memory_space<vmem>>, vector<16xf32>,
          %mul3A_775 = arith.mulf %get3A_774, %broadcast_in_dim3A_739 : vector<16xf32>
          %swap3A_776 = arith.index_cast %add3A_743 : i32 to index
          %swap3A_777 = arith.constant 64 : index
          %swap3A_778 = tpu.vector_load %arg18[%swap3A_776, %swap3A_777] {strides = array<i32>} : memref<480x80xf32, #tpu.memory_space<vmem>>, vector<16xf32>,
          tpu.vector_store %arg18[%swap3A_776, %swap3A_777], %mul3A_775 {strides = array<i32>} : memref<480x80xf32, #tpu.memory_space<vmem>>, vector<16xf32>,
        }
        %scan3A_85 = arith.constant 30 : i32
        "tpu.region"() ({
          %run_scoped3A = tpu.sem_alloc : memref<!tpu.dma_semaphore, #tpu.memory_space<semaphore_mem>>
          %dma_start3A = arith.constant 0 : i32
          %dma_start3A_107 = arith.constant 0 : i32
          %dma_start3A_108 = tpu.memref_slice %arg19[%dma_start3A, %dma_start3A_107] : memref<10000x80xf32, #tpu.memory_space<vmem_shared>> -> memref<10000x80xf32, #tpu.memory_space<vmem_shared>>
          tpu.enqueue_indirect_dma source(%arg18 : memref<480x80xf32, #tpu.memory_space<vmem>>) target(%dma_start3A_108 : memref<10000x80xf32, #tpu.memory_space<vmem_shared>>) offsets(%arg14 : memref<480xi32, #tpu.memory_space<vmem>>) semaphore(%run_scoped3A : memref<!tpu.dma_semaphore, #tpu.memory_space<semaphore_mem>>) {add = true}
          %dma_wait3A = arith.constant 0 : i32
          %dma_wait3A_109 = arith.constant 0 : i32
          %dma_wait3A_110 = tpu.memref_slice %arg19[%dma_wait3A, %dma_wait3A_109] : memref<10000x80xf32, #tpu.memory_space<vmem_shared>> -> memref<10000x80xf32, #tpu.memory_space<vmem_shared>>
          tpu.wait_indirect_dma semaphore(%run_scoped3A : memref<!tpu.dma_semaphore, #tpu.memory_space<semaphore_mem>>) src(%arg18 : memref<480x80xf32, #tpu.memory_space<vmem>>) dst(%dma_wait3A_110 : memref<10000x80xf32, #tpu.memory_space<vmem_shared>>)
          tpu.yield
        }) : () -> ()
        %jit3A_86 = arith.constant 43 : i32
        %eq3A_87 = arith.constant 0 : i32
        %eq3A_88 = arith.cmpi eq, %jit3A_86, %eq3A_87 : i32
        %jit3A_89 = arith.constant 1 : i32
        %select_n3A_90 = arith.select %eq3A_88, %jit3A_89, %jit3A_86 : i32
        %rem3A_91 = arith.remsi %scan3A_28, %select_n3A_90 : i32
        %ne3A_92 = arith.constant 0 : i32
        %ne3A_93 = arith.cmpi ne, %rem3A_91, %ne3A_92 : i32
        %lt3A_94 = arith.constant 0 : i32
        %lt3A_95 = arith.cmpi slt, %rem3A_91, %lt3A_94 : i32
        %lt3A_96 = arith.constant 0 : i32
        %lt3A_97 = arith.cmpi slt, %select_n3A_90, %lt3A_96 : i32
        %ne3A_98 = arith.xori %lt3A_95, %lt3A_97 : i1
        %and3A_99 = arith.andi %ne3A_98, %ne3A_93 : i1
        %add3A_100 = arith.addi %rem3A_91, %select_n3A_90 : i32
        %select_n3A_101 = arith.select %and3A_99, %add3A_100, %rem3A_91 : i32
        %eq3A_102 = arith.constant 42 : i32
        %eq3A_103 = arith.cmpi eq, %select_n3A_101, %eq3A_102 : i32
        %convert_element_type3A_104 = arith.extui %eq3A_103 : i1 to i32
        %cond3A_105 = arith.constant 0 : i32
        %cond3A_106 = arith.cmpi ne, %convert_element_type3A_104, %cond3A_105 : i32
        scf.if %cond3A_106 {
          %jit3A_107 = arith.constant 43 : i32
          %div3A = arith.divsi %scan3A_28, %jit3A_107 : i32
          %sign3A = arith.constant 0 : i32
          %sign3A_108 = arith.cmpi sgt, %scan3A_28, %sign3A : i32
          %sign3A_109 = arith.extui %sign3A_108 : i1 to i32
          %sign3A_110 = arith.constant 0 : i32
          %sign3A_111 = arith.cmpi slt, %scan3A_28, %sign3A_110 : i32
          %sign3A_112 = arith.extui %sign3A_111 : i1 to i32
          %sign3A_113 = arith.subi %sign3A_109, %sign3A_112 : i32
          %sign3A_114 = arith.constant 0 : i32
          %sign3A_115 = arith.cmpi sgt, %jit3A_107, %sign3A_114 : i32
          %sign3A_116 = arith.extui %sign3A_115 : i1 to i32
          %sign3A_117 = arith.constant 0 : i32
          %sign3A_118 = arith.cmpi slt, %jit3A_107, %sign3A_117 : i32
          %sign3A_119 = arith.extui %sign3A_118 : i1 to i32
          %sign3A_120 = arith.subi %sign3A_116, %sign3A_119 : i32
          %ne3A_121 = arith.cmpi ne, %sign3A_113, %sign3A_120 : i32
          %rem3A_122 = arith.remsi %scan3A_28, %jit3A_107 : i32
          %ne3A_123 = arith.constant 0 : i32
          %ne3A_124 = arith.cmpi ne, %rem3A_122, %ne3A_123 : i32
          %and3A_125 = arith.andi %ne3A_121, %ne3A_124 : i1
          %sub3A = arith.constant 1 : i32
          %sub3A_126 = arith.subi %div3A, %sub3A : i32
          %select_n3A_127 = arith.select %and3A_125, %sub3A_126, %div3A : i32
          %barrier3A_128 = arith.constant 0 : index
          tpu.barrier barrier_id(%barrier3A_128)
          %eq3A_129 = arith.constant 0 : i32
          %eq3A_130 = arith.cmpi eq, %arg0, %eq3A_129 : i32
          %convert_element_type3A_131 = arith.extui %eq3A_130 : i1 to i32
          %cond3A_132 = arith.constant 0 : i32
          %cond3A_133 = arith.cmpi ne, %convert_element_type3A_131, %cond3A_132 : i32
          scf.if %cond3A_133 {
            %mul3A_144 = arith.constant 625 : i32
            %mul3A_145 = arith.muli %arg1, %mul3A_144 : i32
            %mul3A_146 = arith.constant 10000 : i32
            %mul3A_147 = arith.muli %select_n3A_127, %mul3A_146 : i32
            %mul3A_148 = arith.constant 625 : i32
            %mul3A_149 = arith.muli %arg1, %mul3A_148 : i32
            %add3A_150 = arith.addi %mul3A_147, %mul3A_149 : i32
            "tpu.region"() ({
              %run_scoped3A = tpu.sem_alloc : memref<!tpu.dma_semaphore, #tpu.memory_space<semaphore_mem>>
              %dma_start3A = arith.constant 0 : i32
              %dma_start3A_151 = tpu.memref_slice %arg9[%add3A_150, %dma_start3A] : memref<80000x80xf32, #tpu.memory_space<hbm>> -> memref<625x80xf32, #tpu.memory_space<hbm>>
              %dma_start3A_152 = arith.constant 0 : i32
              %dma_start3A_153 = tpu.memref_slice %arg19[%mul3A_145, %dma_start3A_152] : memref<10000x80xf32, #tpu.memory_space<vmem_shared>> -> memref<625x80xf32, #tpu.memory_space<vmem_shared>>
              tpu.enqueue_dma source(%dma_start3A_153 : memref<625x80xf32, #tpu.memory_space<vmem_shared>>) target(%dma_start3A_151 : memref<625x80xf32, #tpu.memory_space<hbm>>) target_semaphore(%run_scoped3A : memref<!tpu.dma_semaphore, #tpu.memory_space<semaphore_mem>>)
              %dma_wait3A = arith.constant 0 : i32
              %dma_wait3A_154 = tpu.memref_slice %arg9[%add3A_150, %dma_wait3A] : memref<80000x80xf32, #tpu.memory_space<hbm>> -> memref<625x80xf32, #tpu.memory_space<hbm>>
              %dma_wait3A_155 = arith.constant 0 : i32
              %dma_wait3A_156 = tpu.memref_slice %arg19[%mul3A_145, %dma_wait3A_155] : memref<10000x80xf32, #tpu.memory_space<vmem_shared>> -> memref<625x80xf32, #tpu.memory_space<vmem_shared>>
              tpu.wait_dma2 semaphore(%run_scoped3A : memref<!tpu.dma_semaphore, #tpu.memory_space<semaphore_mem>>) src(%dma_wait3A_156 : memref<625x80xf32, #tpu.memory_space<vmem_shared>>) dst(%dma_wait3A_154 : memref<625x80xf32, #tpu.memory_space<hbm>>)
              tpu.yield
            }) : () -> ()
          } else {
          }
          %eq3A_134 = arith.constant 1 : i32
          %eq3A_135 = arith.cmpi eq, %arg0, %eq3A_134 : i32
          %convert_element_type3A_136 = arith.extui %eq3A_135 : i1 to i32
          %cond3A_137 = arith.constant 0 : i32
          %cond3A_138 = arith.cmpi ne, %convert_element_type3A_136, %cond3A_137 : i32
          scf.if %cond3A_138 {
            %mul3A_144 = arith.constant 625 : i32
            %mul3A_145 = arith.muli %arg1, %mul3A_144 : i32
            %mul3A_146 = arith.constant 10000 : i32
            %mul3A_147 = arith.muli %select_n3A_127, %mul3A_146 : i32
            %mul3A_148 = arith.constant 625 : i32
            %mul3A_149 = arith.muli %arg1, %mul3A_148 : i32
            %add3A_150 = arith.addi %mul3A_147, %mul3A_149 : i32
            "tpu.region"() ({
              %run_scoped3A = tpu.sem_alloc : memref<!tpu.dma_semaphore, #tpu.memory_space<semaphore_mem>>
              %dma_start3A = arith.constant 0 : i32
              %dma_start3A_151 = tpu.memref_slice %arg10[%add3A_150, %dma_start3A] : memref<80000x80xf32, #tpu.memory_space<hbm>> -> memref<625x80xf32, #tpu.memory_space<hbm>>
              %dma_start3A_152 = arith.constant 0 : i32
              %dma_start3A_153 = tpu.memref_slice %arg19[%mul3A_145, %dma_start3A_152] : memref<10000x80xf32, #tpu.memory_space<vmem_shared>> -> memref<625x80xf32, #tpu.memory_space<vmem_shared>>
              tpu.enqueue_dma source(%dma_start3A_153 : memref<625x80xf32, #tpu.memory_space<vmem_shared>>) target(%dma_start3A_151 : memref<625x80xf32, #tpu.memory_space<hbm>>) target_semaphore(%run_scoped3A : memref<!tpu.dma_semaphore, #tpu.memory_space<semaphore_mem>>)
              %dma_wait3A = arith.constant 0 : i32
              %dma_wait3A_154 = tpu.memref_slice %arg10[%add3A_150, %dma_wait3A] : memref<80000x80xf32, #tpu.memory_space<hbm>> -> memref<625x80xf32, #tpu.memory_space<hbm>>
              %dma_wait3A_155 = arith.constant 0 : i32
              %dma_wait3A_156 = tpu.memref_slice %arg19[%mul3A_145, %dma_wait3A_155] : memref<10000x80xf32, #tpu.memory_space<vmem_shared>> -> memref<625x80xf32, #tpu.memory_space<vmem_shared>>
              tpu.wait_dma2 semaphore(%run_scoped3A : memref<!tpu.dma_semaphore, #tpu.memory_space<semaphore_mem>>) src(%dma_wait3A_156 : memref<625x80xf32, #tpu.memory_space<vmem_shared>>) dst(%dma_wait3A_154 : memref<625x80xf32, #tpu.memory_space<hbm>>)
              tpu.yield
            }) : () -> ()
          } else {
          }
          %mul3A_139 = arith.constant 625 : i32
          %mul3A_140 = arith.muli %arg1, %mul3A_139 : i32
          %mul3A_141 = arith.constant 625 : i32
          %mul3A_142 = arith.muli %arg1, %mul3A_141 : i32
          "tpu.region"() ({
            %run_scoped3A = tpu.sem_alloc : memref<!tpu.dma_semaphore, #tpu.memory_space<semaphore_mem>>
            %dma_start3A = arith.constant 0 : i32
            %dma_start3A_144 = tpu.memref_slice %arg19[%mul3A_142, %dma_start3A] : memref<10000x80xf32, #tpu.memory_space<vmem_shared>> -> memref<625x80xf32, #tpu.memory_space<vmem_shared>>
            %dma_start3A_145 = arith.constant 0 : i32
            %dma_start3A_146 = tpu.memref_slice %arg5[%mul3A_140, %dma_start3A_145] : memref<10000x80xf32, #tpu.memory_space<hbm>> -> memref<625x80xf32, #tpu.memory_space<hbm>>
            tpu.enqueue_dma source(%dma_start3A_146 : memref<625x80xf32, #tpu.memory_space<hbm>>) target(%dma_start3A_144 : memref<625x80xf32, #tpu.memory_space<vmem_shared>>) target_semaphore(%run_scoped3A : memref<!tpu.dma_semaphore, #tpu.memory_space<semaphore_mem>>)
            %dma_wait3A = arith.constant 0 : i32
            %dma_wait3A_147 = tpu.memref_slice %arg19[%mul3A_142, %dma_wait3A] : memref<10000x80xf32, #tpu.memory_space<vmem_shared>> -> memref<625x80xf32, #tpu.memory_space<vmem_shared>>
            %dma_wait3A_148 = arith.constant 0 : i32
            %dma_wait3A_149 = tpu.memref_slice %arg5[%mul3A_140, %dma_wait3A_148] : memref<10000x80xf32, #tpu.memory_space<hbm>> -> memref<625x80xf32, #tpu.memory_space<hbm>>
            tpu.wait_dma2 semaphore(%run_scoped3A : memref<!tpu.dma_semaphore, #tpu.memory_space<semaphore_mem>>) src(%dma_wait3A_149 : memref<625x80xf32, #tpu.memory_space<hbm>>) dst(%dma_wait3A_147 : memref<625x80xf32, #tpu.memory_space<vmem_shared>>)
            tpu.yield
          }) : () -> ()
          %barrier3A_143 = arith.constant 0 : index
          tpu.barrier barrier_id(%barrier3A_143)
        } else {
        }
      } else {
      }
    }
    %scan3A_27 = arith.constant 344 : i32
    return
  }
}

#map = affine_map<(d0, d1) -> (0)>
#map1 = affine_map<(d0, d1) -> (0, 0)>
module attributes {stable_mosaic.version = 14 : i64} {
  func.func @_sc_b_body(%arg0: i32, %arg1: i32, %arg2: memref<330240xi32, #tpu.memory_space<hbm>>, %arg3: memref<330240xi32, #tpu.memory_space<hbm>>, %arg4: memref<10000x16xf32, #tpu.memory_space<hbm>>, %arg5: memref<8x330240xf32, #tpu.memory_space<hbm>>, %arg6: memref<688xi32, #tpu.memory_space<vmem>>, %arg7: memref<688xi32, #tpu.memory_space<vmem>>, %arg8: memref<688x16xf32, #tpu.memory_space<vmem>>, %arg9: memref<688x16xf32, #tpu.memory_space<vmem>>, %arg10: memref<688xf32, #tpu.memory_space<vmem>>) attributes {dimension_semantics = [#tpu.dimension_semantics<core_parallel>, #tpu.dimension_semantics<subcore_parallel>], iteration_bounds = array<i64: 2, 16>, scalar_prefetch = 0 : i64, scratch_operands = 5 : i64, tpu.core_type = #tpu.core_type<sc_vector_subcore>, window_params = [{transform_indices = #map}, {transform_indices = #map}, {transform_indices = #map1}, {transform_indices = #map1}]} {
    %mul3A = arith.constant 2 : i32
    %mul3A_0 = arith.muli %arg1, %mul3A : i32
    %add3A = arith.addi %mul3A_0, %arg0 : i32
    %mul3A_1 = arith.constant 10320 : i32
    %mul3A_2 = arith.muli %add3A, %mul3A_1 : i32
    %iota3A = tpu.iota {dimensions = array<i32: 0>} : vector<16xi32>
    %scan3A = arith.constant 0 : i32
    %scan3A_3 = arith.constant 0 : i32
    %scan3A_4 = arith.constant 15 : i32
    %scan3A_5 = arith.addi %scan3A_3, %scan3A_4 : i32
    %scan3A_6 = arith.constant 1 : i32
    scf.for %scan3A_8 = %scan3A_3 to %scan3A_5 step %scan3A_6  : i32 {
      %mul3A_9 = arith.constant 688 : i32
      %mul3A_10 = arith.muli %scan3A_8, %mul3A_9 : i32
      %add3A_11 = arith.addi %mul3A_2, %mul3A_10 : i32
      "tpu.region"() ({
        %run_scoped3A_67 = tpu.sem_alloc : memref<!tpu.dma_semaphore, #tpu.memory_space<semaphore_mem>>
        %dma_start3A = tpu.memref_slice %arg2[%add3A_11] : memref<330240xi32, #tpu.memory_space<hbm>> -> memref<688xi32, #tpu.memory_space<hbm>>
        %dma_start3A_68 = tpu.memref_slice %arg2[%add3A_11] : memref<330240xi32, #tpu.memory_space<hbm>> -> memref<688xi32, #tpu.memory_space<hbm>>
        tpu.enqueue_dma source(%dma_start3A_68 : memref<688xi32, #tpu.memory_space<hbm>>) target(%arg6 : memref<688xi32, #tpu.memory_space<vmem>>) target_semaphore(%run_scoped3A_67 : memref<!tpu.dma_semaphore, #tpu.memory_space<semaphore_mem>>)
        %dma_wait3A = tpu.memref_slice %arg2[%add3A_11] : memref<330240xi32, #tpu.memory_space<hbm>> -> memref<688xi32, #tpu.memory_space<hbm>>
        %dma_wait3A_69 = tpu.memref_slice %arg2[%add3A_11] : memref<330240xi32, #tpu.memory_space<hbm>> -> memref<688xi32, #tpu.memory_space<hbm>>
        tpu.wait_dma2 semaphore(%run_scoped3A_67 : memref<!tpu.dma_semaphore, #tpu.memory_space<semaphore_mem>>) src(%dma_wait3A_69 : memref<688xi32, #tpu.memory_space<hbm>>) dst(%arg6 : memref<688xi32, #tpu.memory_space<vmem>>)
        tpu.yield
      }) : () -> ()
      "tpu.region"() ({
        %run_scoped3A_67 = tpu.sem_alloc : memref<!tpu.dma_semaphore, #tpu.memory_space<semaphore_mem>>
        %dma_start3A = tpu.memref_slice %arg3[%add3A_11] : memref<330240xi32, #tpu.memory_space<hbm>> -> memref<688xi32, #tpu.memory_space<hbm>>
        %dma_start3A_68 = tpu.memref_slice %arg3[%add3A_11] : memref<330240xi32, #tpu.memory_space<hbm>> -> memref<688xi32, #tpu.memory_space<hbm>>
        tpu.enqueue_dma source(%dma_start3A_68 : memref<688xi32, #tpu.memory_space<hbm>>) target(%arg7 : memref<688xi32, #tpu.memory_space<vmem>>) target_semaphore(%run_scoped3A_67 : memref<!tpu.dma_semaphore, #tpu.memory_space<semaphore_mem>>)
        %dma_wait3A = tpu.memref_slice %arg3[%add3A_11] : memref<330240xi32, #tpu.memory_space<hbm>> -> memref<688xi32, #tpu.memory_space<hbm>>
        %dma_wait3A_69 = tpu.memref_slice %arg3[%add3A_11] : memref<330240xi32, #tpu.memory_space<hbm>> -> memref<688xi32, #tpu.memory_space<hbm>>
        tpu.wait_dma2 semaphore(%run_scoped3A_67 : memref<!tpu.dma_semaphore, #tpu.memory_space<semaphore_mem>>) src(%dma_wait3A_69 : memref<688xi32, #tpu.memory_space<hbm>>) dst(%arg7 : memref<688xi32, #tpu.memory_space<vmem>>)
        tpu.yield
      }) : () -> ()
      "tpu.region"() ({
        %run_scoped3A_67 = tpu.sem_alloc : memref<!tpu.dma_semaphore, #tpu.memory_space<semaphore_mem>>
        %dma_start3A = arith.constant 0 : i32
        %dma_start3A_68 = arith.constant 0 : i32
        %dma_start3A_69 = tpu.memref_slice %arg4[%dma_start3A, %dma_start3A_68] : memref<10000x16xf32, #tpu.memory_space<hbm>> -> memref<10000x16xf32, #tpu.memory_space<hbm>>
        tpu.enqueue_indirect_dma source(%dma_start3A_69 : memref<10000x16xf32, #tpu.memory_space<hbm>>) target(%arg8 : memref<688x16xf32, #tpu.memory_space<vmem>>) offsets(%arg6 : memref<688xi32, #tpu.memory_space<vmem>>) semaphore(%run_scoped3A_67 : memref<!tpu.dma_semaphore, #tpu.memory_space<semaphore_mem>>)
        %dma_wait3A = arith.constant 0 : i32
        %dma_wait3A_70 = arith.constant 0 : i32
        %dma_wait3A_71 = tpu.memref_slice %arg4[%dma_wait3A, %dma_wait3A_70] : memref<10000x16xf32, #tpu.memory_space<hbm>> -> memref<10000x16xf32, #tpu.memory_space<hbm>>
        tpu.wait_indirect_dma semaphore(%run_scoped3A_67 : memref<!tpu.dma_semaphore, #tpu.memory_space<semaphore_mem>>) src(%dma_wait3A_71 : memref<10000x16xf32, #tpu.memory_space<hbm>>) dst(%arg8 : memref<688x16xf32, #tpu.memory_space<vmem>>)
        tpu.yield
      }) : () -> ()
      "tpu.region"() ({
        %run_scoped3A_67 = tpu.sem_alloc : memref<!tpu.dma_semaphore, #tpu.memory_space<semaphore_mem>>
        %dma_start3A = arith.constant 0 : i32
        %dma_start3A_68 = arith.constant 0 : i32
        %dma_start3A_69 = tpu.memref_slice %arg4[%dma_start3A, %dma_start3A_68] : memref<10000x16xf32, #tpu.memory_space<hbm>> -> memref<10000x16xf32, #tpu.memory_space<hbm>>
        tpu.enqueue_indirect_dma source(%dma_start3A_69 : memref<10000x16xf32, #tpu.memory_space<hbm>>) target(%arg9 : memref<688x16xf32, #tpu.memory_space<vmem>>) offsets(%arg7 : memref<688xi32, #tpu.memory_space<vmem>>) semaphore(%run_scoped3A_67 : memref<!tpu.dma_semaphore, #tpu.memory_space<semaphore_mem>>)
        %dma_wait3A = arith.constant 0 : i32
        %dma_wait3A_70 = arith.constant 0 : i32
        %dma_wait3A_71 = tpu.memref_slice %arg4[%dma_wait3A, %dma_wait3A_70] : memref<10000x16xf32, #tpu.memory_space<hbm>> -> memref<10000x16xf32, #tpu.memory_space<hbm>>
        tpu.wait_indirect_dma semaphore(%run_scoped3A_67 : memref<!tpu.dma_semaphore, #tpu.memory_space<semaphore_mem>>) src(%dma_wait3A_71 : memref<10000x16xf32, #tpu.memory_space<hbm>>) dst(%arg9 : memref<688x16xf32, #tpu.memory_space<vmem>>)
        tpu.yield
      }) : () -> ()
      %scan3A_12 = arith.constant 0 : i32
      %scan3A_13 = arith.constant 0 : i32
      %scan3A_14 = arith.constant 43 : i32
      %scan3A_15 = arith.addi %scan3A_13, %scan3A_14 : i32
      %scan3A_16 = arith.constant 1 : i32
      scf.for %scan3A_67 = %scan3A_13 to %scan3A_15 step %scan3A_16  : i32 {
        %mul3A_68 = arith.constant 16 : i32
        %mul3A_69 = arith.muli %scan3A_67, %mul3A_68 : i32
        %add3A_70 = vector.broadcast %mul3A_69 : i32 to vector<16xi32>
        %add3A_71 = arith.addi %add3A_70, %iota3A : vector<16xi32>
        %broadcast_in_dim3A = arith.constant 0 : i32
        %broadcast_in_dim3A_72 = vector.broadcast %broadcast_in_dim3A : i32 to vector<16xi32>
        %gather3A = tpu.vector_load_idx %arg8[%add3A_71, %broadcast_in_dim3A_72] : memref<688x16xf32, #tpu.memory_space<vmem>>[vector<16xi32>, vector<16xi32>], vector<16xf32>,
        %broadcast_in_dim3A_73 = arith.constant 8 : i32
        %broadcast_in_dim3A_74 = vector.broadcast %broadcast_in_dim3A_73 : i32 to vector<16xi32>
        %gather3A_75 = tpu.vector_load_idx %arg9[%add3A_71, %broadcast_in_dim3A_74] : memref<688x16xf32, #tpu.memory_space<vmem>>[vector<16xi32>, vector<16xi32>], vector<16xf32>,
        %add3A_76 = arith.addf %gather3A, %gather3A_75 : vector<16xf32>
        %ge3A = arith.constant 0.000000e+00 : f32
        %ge3A_77 = vector.broadcast %ge3A : f32 to vector<16xf32>
        %ge3A_78 = arith.cmpf oge, %add3A_76, %ge3A_77 : vector<16xf32>
        %mul3A_79 = arith.constant 2.000000e-01 : f32
        %mul3A_80 = vector.broadcast %mul3A_79 : f32 to vector<16xf32>
        %mul3A_81 = arith.mulf %mul3A_80, %add3A_76 : vector<16xf32>
        %select_n3A = arith.select %ge3A_78, %add3A_76, %mul3A_81 : vector<16xi1>, vector<16xf32>
        %exp3A = math.exp %select_n3A : vector<16xf32>
        %add3A_82 = vector.broadcast %add3A_11 : i32 to vector<16xi32>
        %add3A_83 = arith.addi %add3A_82, %add3A_71 : vector<16xi32>
        %lt3A = arith.constant 330000 : i32
        %lt3A_84 = vector.broadcast %lt3A : i32 to vector<16xi32>
        %lt3A_85 = arith.cmpi slt, %add3A_83, %lt3A_84 : vector<16xi32>
        %broadcast_in_dim3A_86 = arith.constant 0.000000e+00 : f32
        %broadcast_in_dim3A_87 = vector.broadcast %broadcast_in_dim3A_86 : f32 to vector<16xf32>
        %select_n3A_88 = arith.select %lt3A_85, %exp3A, %broadcast_in_dim3A_87 : vector<16xi1>, vector<16xf32>
        %mul3A_89 = arith.constant 16 : i32
        %mul3A_90 = arith.muli %scan3A_67, %mul3A_89 : i32
        %swap3A = arith.index_cast %mul3A_90 : i32 to index
        %swap3A_91 = tpu.vector_load %arg10[%swap3A] {strides = array<i32>} : memref<688xf32, #tpu.memory_space<vmem>>, vector<16xf32>,
        tpu.vector_store %arg10[%swap3A], %select_n3A_88 {strides = array<i32>} : memref<688xf32, #tpu.memory_space<vmem>>, vector<16xf32>,
      }
      %scan3A_17 = arith.constant 43 : i32
      %run_scoped3A = arith.constant 0 : i32
      "tpu.region"() ({
        %run_scoped3A_67 = tpu.sem_alloc : memref<!tpu.dma_semaphore, #tpu.memory_space<semaphore_mem>>
        %dma_start3A = tpu.memref_slice %arg5[%run_scoped3A, %add3A_11] : memref<8x330240xf32, #tpu.memory_space<hbm>> -> memref<1x688xf32, #tpu.memory_space<hbm>>
        %dma_start3A_68 = tpu.memref_squeeze %dma_start3A : memref<1x688xf32, #tpu.memory_space<hbm>> -> memref<688xf32, #tpu.memory_space<hbm>>
        %dma_start3A_69 = tpu.memref_slice %arg5[%run_scoped3A, %add3A_11] : memref<8x330240xf32, #tpu.memory_space<hbm>> -> memref<1x688xf32, #tpu.memory_space<hbm>>
        %dma_start3A_70 = tpu.memref_squeeze %dma_start3A_69 : memref<1x688xf32, #tpu.memory_space<hbm>> -> memref<688xf32, #tpu.memory_space<hbm>>
        tpu.enqueue_dma source(%arg10 : memref<688xf32, #tpu.memory_space<vmem>>) target(%dma_start3A_70 : memref<688xf32, #tpu.memory_space<hbm>>) target_semaphore(%run_scoped3A_67 : memref<!tpu.dma_semaphore, #tpu.memory_space<semaphore_mem>>)
        %dma_wait3A = tpu.memref_slice %arg5[%run_scoped3A, %add3A_11] : memref<8x330240xf32, #tpu.memory_space<hbm>> -> memref<1x688xf32, #tpu.memory_space<hbm>>
        %dma_wait3A_71 = tpu.memref_squeeze %dma_wait3A : memref<1x688xf32, #tpu.memory_space<hbm>> -> memref<688xf32, #tpu.memory_space<hbm>>
        %dma_wait3A_72 = tpu.memref_slice %arg5[%run_scoped3A, %add3A_11] : memref<8x330240xf32, #tpu.memory_space<hbm>> -> memref<1x688xf32, #tpu.memory_space<hbm>>
        %dma_wait3A_73 = tpu.memref_squeeze %dma_wait3A_72 : memref<1x688xf32, #tpu.memory_space<hbm>> -> memref<688xf32, #tpu.memory_space<hbm>>
        tpu.wait_dma2 semaphore(%run_scoped3A_67 : memref<!tpu.dma_semaphore, #tpu.memory_space<semaphore_mem>>) src(%arg10 : memref<688xf32, #tpu.memory_space<vmem>>) dst(%dma_wait3A_73 : memref<688xf32, #tpu.memory_space<hbm>>)
        tpu.yield
      }) : () -> ()
      %scan3A_18 = arith.constant 0 : i32
      %scan3A_19 = arith.constant 0 : i32
      %scan3A_20 = arith.constant 43 : i32
      %scan3A_21 = arith.addi %scan3A_19, %scan3A_20 : i32
      %scan3A_22 = arith.constant 1 : i32
      scf.for %scan3A_67 = %scan3A_19 to %scan3A_21 step %scan3A_22  : i32 {
        %mul3A_68 = arith.constant 16 : i32
        %mul3A_69 = arith.muli %scan3A_67, %mul3A_68 : i32
        %add3A_70 = vector.broadcast %mul3A_69 : i32 to vector<16xi32>
        %add3A_71 = arith.addi %add3A_70, %iota3A : vector<16xi32>
        %broadcast_in_dim3A = arith.constant 1 : i32
        %broadcast_in_dim3A_72 = vector.broadcast %broadcast_in_dim3A : i32 to vector<16xi32>
        %gather3A = tpu.vector_load_idx %arg8[%add3A_71, %broadcast_in_dim3A_72] : memref<688x16xf32, #tpu.memory_space<vmem>>[vector<16xi32>, vector<16xi32>], vector<16xf32>,
        %broadcast_in_dim3A_73 = arith.constant 9 : i32
        %broadcast_in_dim3A_74 = vector.broadcast %broadcast_in_dim3A_73 : i32 to vector<16xi32>
        %gather3A_75 = tpu.vector_load_idx %arg9[%add3A_71, %broadcast_in_dim3A_74] : memref<688x16xf32, #tpu.memory_space<vmem>>[vector<16xi32>, vector<16xi32>], vector<16xf32>,
        %add3A_76 = arith.addf %gather3A, %gather3A_75 : vector<16xf32>
        %ge3A = arith.constant 0.000000e+00 : f32
        %ge3A_77 = vector.broadcast %ge3A : f32 to vector<16xf32>
        %ge3A_78 = arith.cmpf oge, %add3A_76, %ge3A_77 : vector<16xf32>
        %mul3A_79 = arith.constant 2.000000e-01 : f32
        %mul3A_80 = vector.broadcast %mul3A_79 : f32 to vector<16xf32>
        %mul3A_81 = arith.mulf %mul3A_80, %add3A_76 : vector<16xf32>
        %select_n3A = arith.select %ge3A_78, %add3A_76, %mul3A_81 : vector<16xi1>, vector<16xf32>
        %exp3A = math.exp %select_n3A : vector<16xf32>
        %add3A_82 = vector.broadcast %add3A_11 : i32 to vector<16xi32>
        %add3A_83 = arith.addi %add3A_82, %add3A_71 : vector<16xi32>
        %lt3A = arith.constant 330000 : i32
        %lt3A_84 = vector.broadcast %lt3A : i32 to vector<16xi32>
        %lt3A_85 = arith.cmpi slt, %add3A_83, %lt3A_84 : vector<16xi32>
        %broadcast_in_dim3A_86 = arith.constant 0.000000e+00 : f32
        %broadcast_in_dim3A_87 = vector.broadcast %broadcast_in_dim3A_86 : f32 to vector<16xf32>
        %select_n3A_88 = arith.select %lt3A_85, %exp3A, %broadcast_in_dim3A_87 : vector<16xi1>, vector<16xf32>
        %mul3A_89 = arith.constant 16 : i32
        %mul3A_90 = arith.muli %scan3A_67, %mul3A_89 : i32
        %swap3A = arith.index_cast %mul3A_90 : i32 to index
        %swap3A_91 = tpu.vector_load %arg10[%swap3A] {strides = array<i32>} : memref<688xf32, #tpu.memory_space<vmem>>, vector<16xf32>,
        tpu.vector_store %arg10[%swap3A], %select_n3A_88 {strides = array<i32>} : memref<688xf32, #tpu.memory_space<vmem>>, vector<16xf32>,
      }
      %scan3A_23 = arith.constant 43 : i32
      %run_scoped3A_24 = arith.constant 1 : i32
      "tpu.region"() ({
        %run_scoped3A_67 = tpu.sem_alloc : memref<!tpu.dma_semaphore, #tpu.memory_space<semaphore_mem>>
        %dma_start3A = tpu.memref_slice %arg5[%run_scoped3A_24, %add3A_11] : memref<8x330240xf32, #tpu.memory_space<hbm>> -> memref<1x688xf32, #tpu.memory_space<hbm>>
        %dma_start3A_68 = tpu.memref_squeeze %dma_start3A : memref<1x688xf32, #tpu.memory_space<hbm>> -> memref<688xf32, #tpu.memory_space<hbm>>
        %dma_start3A_69 = tpu.memref_slice %arg5[%run_scoped3A_24, %add3A_11] : memref<8x330240xf32, #tpu.memory_space<hbm>> -> memref<1x688xf32, #tpu.memory_space<hbm>>
        %dma_start3A_70 = tpu.memref_squeeze %dma_start3A_69 : memref<1x688xf32, #tpu.memory_space<hbm>> -> memref<688xf32, #tpu.memory_space<hbm>>
        tpu.enqueue_dma source(%arg10 : memref<688xf32, #tpu.memory_space<vmem>>) target(%dma_start3A_70 : memref<688xf32, #tpu.memory_space<hbm>>) target_semaphore(%run_scoped3A_67 : memref<!tpu.dma_semaphore, #tpu.memory_space<semaphore_mem>>)
        %dma_wait3A = tpu.memref_slice %arg5[%run_scoped3A_24, %add3A_11] : memref<8x330240xf32, #tpu.memory_space<hbm>> -> memref<1x688xf32, #tpu.memory_space<hbm>>
        %dma_wait3A_71 = tpu.memref_squeeze %dma_wait3A : memref<1x688xf32, #tpu.memory_space<hbm>> -> memref<688xf32, #tpu.memory_space<hbm>>
        %dma_wait3A_72 = tpu.memref_slice %arg5[%run_scoped3A_24, %add3A_11] : memref<8x330240xf32, #tpu.memory_space<hbm>> -> memref<1x688xf32, #tpu.memory_space<hbm>>
        %dma_wait3A_73 = tpu.memref_squeeze %dma_wait3A_72 : memref<1x688xf32, #tpu.memory_space<hbm>> -> memref<688xf32, #tpu.memory_space<hbm>>
        tpu.wait_dma2 semaphore(%run_scoped3A_67 : memref<!tpu.dma_semaphore, #tpu.memory_space<semaphore_mem>>) src(%arg10 : memref<688xf32, #tpu.memory_space<vmem>>) dst(%dma_wait3A_73 : memref<688xf32, #tpu.memory_space<hbm>>)
        tpu.yield
      }) : () -> ()
      %scan3A_25 = arith.constant 0 : i32
      %scan3A_26 = arith.constant 0 : i32
      %scan3A_27 = arith.constant 43 : i32
      %scan3A_28 = arith.addi %scan3A_26, %scan3A_27 : i32
      %scan3A_29 = arith.constant 1 : i32
      scf.for %scan3A_67 = %scan3A_26 to %scan3A_28 step %scan3A_29  : i32 {
        %mul3A_68 = arith.constant 16 : i32
        %mul3A_69 = arith.muli %scan3A_67, %mul3A_68 : i32
        %add3A_70 = vector.broadcast %mul3A_69 : i32 to vector<16xi32>
        %add3A_71 = arith.addi %add3A_70, %iota3A : vector<16xi32>
        %broadcast_in_dim3A = arith.constant 2 : i32
        %broadcast_in_dim3A_72 = vector.broadcast %broadcast_in_dim3A : i32 to vector<16xi32>
        %gather3A = tpu.vector_load_idx %arg8[%add3A_71, %broadcast_in_dim3A_72] : memref<688x16xf32, #tpu.memory_space<vmem>>[vector<16xi32>, vector<16xi32>], vector<16xf32>,
        %broadcast_in_dim3A_73 = arith.constant 10 : i32
        %broadcast_in_dim3A_74 = vector.broadcast %broadcast_in_dim3A_73 : i32 to vector<16xi32>
        %gather3A_75 = tpu.vector_load_idx %arg9[%add3A_71, %broadcast_in_dim3A_74] : memref<688x16xf32, #tpu.memory_space<vmem>>[vector<16xi32>, vector<16xi32>], vector<16xf32>,
        %add3A_76 = arith.addf %gather3A, %gather3A_75 : vector<16xf32>
        %ge3A = arith.constant 0.000000e+00 : f32
        %ge3A_77 = vector.broadcast %ge3A : f32 to vector<16xf32>
        %ge3A_78 = arith.cmpf oge, %add3A_76, %ge3A_77 : vector<16xf32>
        %mul3A_79 = arith.constant 2.000000e-01 : f32
        %mul3A_80 = vector.broadcast %mul3A_79 : f32 to vector<16xf32>
        %mul3A_81 = arith.mulf %mul3A_80, %add3A_76 : vector<16xf32>
        %select_n3A = arith.select %ge3A_78, %add3A_76, %mul3A_81 : vector<16xi1>, vector<16xf32>
        %exp3A = math.exp %select_n3A : vector<16xf32>
        %add3A_82 = vector.broadcast %add3A_11 : i32 to vector<16xi32>
        %add3A_83 = arith.addi %add3A_82, %add3A_71 : vector<16xi32>
        %lt3A = arith.constant 330000 : i32
        %lt3A_84 = vector.broadcast %lt3A : i32 to vector<16xi32>
        %lt3A_85 = arith.cmpi slt, %add3A_83, %lt3A_84 : vector<16xi32>
        %broadcast_in_dim3A_86 = arith.constant 0.000000e+00 : f32
        %broadcast_in_dim3A_87 = vector.broadcast %broadcast_in_dim3A_86 : f32 to vector<16xf32>
        %select_n3A_88 = arith.select %lt3A_85, %exp3A, %broadcast_in_dim3A_87 : vector<16xi1>, vector<16xf32>
        %mul3A_89 = arith.constant 16 : i32
        %mul3A_90 = arith.muli %scan3A_67, %mul3A_89 : i32
        %swap3A = arith.index_cast %mul3A_90 : i32 to index
        %swap3A_91 = tpu.vector_load %arg10[%swap3A] {strides = array<i32>} : memref<688xf32, #tpu.memory_space<vmem>>, vector<16xf32>,
        tpu.vector_store %arg10[%swap3A], %select_n3A_88 {strides = array<i32>} : memref<688xf32, #tpu.memory_space<vmem>>, vector<16xf32>,
      }
      %scan3A_30 = arith.constant 43 : i32
      %run_scoped3A_31 = arith.constant 2 : i32
      "tpu.region"() ({
        %run_scoped3A_67 = tpu.sem_alloc : memref<!tpu.dma_semaphore, #tpu.memory_space<semaphore_mem>>
        %dma_start3A = tpu.memref_slice %arg5[%run_scoped3A_31, %add3A_11] : memref<8x330240xf32, #tpu.memory_space<hbm>> -> memref<1x688xf32, #tpu.memory_space<hbm>>
        %dma_start3A_68 = tpu.memref_squeeze %dma_start3A : memref<1x688xf32, #tpu.memory_space<hbm>> -> memref<688xf32, #tpu.memory_space<hbm>>
        %dma_start3A_69 = tpu.memref_slice %arg5[%run_scoped3A_31, %add3A_11] : memref<8x330240xf32, #tpu.memory_space<hbm>> -> memref<1x688xf32, #tpu.memory_space<hbm>>
        %dma_start3A_70 = tpu.memref_squeeze %dma_start3A_69 : memref<1x688xf32, #tpu.memory_space<hbm>> -> memref<688xf32, #tpu.memory_space<hbm>>
        tpu.enqueue_dma source(%arg10 : memref<688xf32, #tpu.memory_space<vmem>>) target(%dma_start3A_70 : memref<688xf32, #tpu.memory_space<hbm>>) target_semaphore(%run_scoped3A_67 : memref<!tpu.dma_semaphore, #tpu.memory_space<semaphore_mem>>)
        %dma_wait3A = tpu.memref_slice %arg5[%run_scoped3A_31, %add3A_11] : memref<8x330240xf32, #tpu.memory_space<hbm>> -> memref<1x688xf32, #tpu.memory_space<hbm>>
        %dma_wait3A_71 = tpu.memref_squeeze %dma_wait3A : memref<1x688xf32, #tpu.memory_space<hbm>> -> memref<688xf32, #tpu.memory_space<hbm>>
        %dma_wait3A_72 = tpu.memref_slice %arg5[%run_scoped3A_31, %add3A_11] : memref<8x330240xf32, #tpu.memory_space<hbm>> -> memref<1x688xf32, #tpu.memory_space<hbm>>
        %dma_wait3A_73 = tpu.memref_squeeze %dma_wait3A_72 : memref<1x688xf32, #tpu.memory_space<hbm>> -> memref<688xf32, #tpu.memory_space<hbm>>
        tpu.wait_dma2 semaphore(%run_scoped3A_67 : memref<!tpu.dma_semaphore, #tpu.memory_space<semaphore_mem>>) src(%arg10 : memref<688xf32, #tpu.memory_space<vmem>>) dst(%dma_wait3A_73 : memref<688xf32, #tpu.memory_space<hbm>>)
        tpu.yield
      }) : () -> ()
      %scan3A_32 = arith.constant 0 : i32
      %scan3A_33 = arith.constant 0 : i32
      %scan3A_34 = arith.constant 43 : i32
      %scan3A_35 = arith.addi %scan3A_33, %scan3A_34 : i32
      %scan3A_36 = arith.constant 1 : i32
      scf.for %scan3A_67 = %scan3A_33 to %scan3A_35 step %scan3A_36  : i32 {
        %mul3A_68 = arith.constant 16 : i32
        %mul3A_69 = arith.muli %scan3A_67, %mul3A_68 : i32
        %add3A_70 = vector.broadcast %mul3A_69 : i32 to vector<16xi32>
        %add3A_71 = arith.addi %add3A_70, %iota3A : vector<16xi32>
        %broadcast_in_dim3A = arith.constant 3 : i32
        %broadcast_in_dim3A_72 = vector.broadcast %broadcast_in_dim3A : i32 to vector<16xi32>
        %gather3A = tpu.vector_load_idx %arg8[%add3A_71, %broadcast_in_dim3A_72] : memref<688x16xf32, #tpu.memory_space<vmem>>[vector<16xi32>, vector<16xi32>], vector<16xf32>,
        %broadcast_in_dim3A_73 = arith.constant 11 : i32
        %broadcast_in_dim3A_74 = vector.broadcast %broadcast_in_dim3A_73 : i32 to vector<16xi32>
        %gather3A_75 = tpu.vector_load_idx %arg9[%add3A_71, %broadcast_in_dim3A_74] : memref<688x16xf32, #tpu.memory_space<vmem>>[vector<16xi32>, vector<16xi32>], vector<16xf32>,
        %add3A_76 = arith.addf %gather3A, %gather3A_75 : vector<16xf32>
        %ge3A = arith.constant 0.000000e+00 : f32
        %ge3A_77 = vector.broadcast %ge3A : f32 to vector<16xf32>
        %ge3A_78 = arith.cmpf oge, %add3A_76, %ge3A_77 : vector<16xf32>
        %mul3A_79 = arith.constant 2.000000e-01 : f32
        %mul3A_80 = vector.broadcast %mul3A_79 : f32 to vector<16xf32>
        %mul3A_81 = arith.mulf %mul3A_80, %add3A_76 : vector<16xf32>
        %select_n3A = arith.select %ge3A_78, %add3A_76, %mul3A_81 : vector<16xi1>, vector<16xf32>
        %exp3A = math.exp %select_n3A : vector<16xf32>
        %add3A_82 = vector.broadcast %add3A_11 : i32 to vector<16xi32>
        %add3A_83 = arith.addi %add3A_82, %add3A_71 : vector<16xi32>
        %lt3A = arith.constant 330000 : i32
        %lt3A_84 = vector.broadcast %lt3A : i32 to vector<16xi32>
        %lt3A_85 = arith.cmpi slt, %add3A_83, %lt3A_84 : vector<16xi32>
        %broadcast_in_dim3A_86 = arith.constant 0.000000e+00 : f32
        %broadcast_in_dim3A_87 = vector.broadcast %broadcast_in_dim3A_86 : f32 to vector<16xf32>
        %select_n3A_88 = arith.select %lt3A_85, %exp3A, %broadcast_in_dim3A_87 : vector<16xi1>, vector<16xf32>
        %mul3A_89 = arith.constant 16 : i32
        %mul3A_90 = arith.muli %scan3A_67, %mul3A_89 : i32
        %swap3A = arith.index_cast %mul3A_90 : i32 to index
        %swap3A_91 = tpu.vector_load %arg10[%swap3A] {strides = array<i32>} : memref<688xf32, #tpu.memory_space<vmem>>, vector<16xf32>,
        tpu.vector_store %arg10[%swap3A], %select_n3A_88 {strides = array<i32>} : memref<688xf32, #tpu.memory_space<vmem>>, vector<16xf32>,
      }
      %scan3A_37 = arith.constant 43 : i32
      %run_scoped3A_38 = arith.constant 3 : i32
      "tpu.region"() ({
        %run_scoped3A_67 = tpu.sem_alloc : memref<!tpu.dma_semaphore, #tpu.memory_space<semaphore_mem>>
        %dma_start3A = tpu.memref_slice %arg5[%run_scoped3A_38, %add3A_11] : memref<8x330240xf32, #tpu.memory_space<hbm>> -> memref<1x688xf32, #tpu.memory_space<hbm>>
        %dma_start3A_68 = tpu.memref_squeeze %dma_start3A : memref<1x688xf32, #tpu.memory_space<hbm>> -> memref<688xf32, #tpu.memory_space<hbm>>
        %dma_start3A_69 = tpu.memref_slice %arg5[%run_scoped3A_38, %add3A_11] : memref<8x330240xf32, #tpu.memory_space<hbm>> -> memref<1x688xf32, #tpu.memory_space<hbm>>
        %dma_start3A_70 = tpu.memref_squeeze %dma_start3A_69 : memref<1x688xf32, #tpu.memory_space<hbm>> -> memref<688xf32, #tpu.memory_space<hbm>>
        tpu.enqueue_dma source(%arg10 : memref<688xf32, #tpu.memory_space<vmem>>) target(%dma_start3A_70 : memref<688xf32, #tpu.memory_space<hbm>>) target_semaphore(%run_scoped3A_67 : memref<!tpu.dma_semaphore, #tpu.memory_space<semaphore_mem>>)
        %dma_wait3A = tpu.memref_slice %arg5[%run_scoped3A_38, %add3A_11] : memref<8x330240xf32, #tpu.memory_space<hbm>> -> memref<1x688xf32, #tpu.memory_space<hbm>>
        %dma_wait3A_71 = tpu.memref_squeeze %dma_wait3A : memref<1x688xf32, #tpu.memory_space<hbm>> -> memref<688xf32, #tpu.memory_space<hbm>>
        %dma_wait3A_72 = tpu.memref_slice %arg5[%run_scoped3A_38, %add3A_11] : memref<8x330240xf32, #tpu.memory_space<hbm>> -> memref<1x688xf32, #tpu.memory_space<hbm>>
        %dma_wait3A_73 = tpu.memref_squeeze %dma_wait3A_72 : memref<1x688xf32, #tpu.memory_space<hbm>> -> memref<688xf32, #tpu.memory_space<hbm>>
        tpu.wait_dma2 semaphore(%run_scoped3A_67 : memref<!tpu.dma_semaphore, #tpu.memory_space<semaphore_mem>>) src(%arg10 : memref<688xf32, #tpu.memory_space<vmem>>) dst(%dma_wait3A_73 : memref<688xf32, #tpu.memory_space<hbm>>)
        tpu.yield
      }) : () -> ()
      %scan3A_39 = arith.constant 0 : i32
      %scan3A_40 = arith.constant 0 : i32
      %scan3A_41 = arith.constant 43 : i32
      %scan3A_42 = arith.addi %scan3A_40, %scan3A_41 : i32
      %scan3A_43 = arith.constant 1 : i32
      scf.for %scan3A_67 = %scan3A_40 to %scan3A_42 step %scan3A_43  : i32 {
        %mul3A_68 = arith.constant 16 : i32
        %mul3A_69 = arith.muli %scan3A_67, %mul3A_68 : i32
        %add3A_70 = vector.broadcast %mul3A_69 : i32 to vector<16xi32>
        %add3A_71 = arith.addi %add3A_70, %iota3A : vector<16xi32>
        %broadcast_in_dim3A = arith.constant 4 : i32
        %broadcast_in_dim3A_72 = vector.broadcast %broadcast_in_dim3A : i32 to vector<16xi32>
        %gather3A = tpu.vector_load_idx %arg8[%add3A_71, %broadcast_in_dim3A_72] : memref<688x16xf32, #tpu.memory_space<vmem>>[vector<16xi32>, vector<16xi32>], vector<16xf32>,
        %broadcast_in_dim3A_73 = arith.constant 12 : i32
        %broadcast_in_dim3A_74 = vector.broadcast %broadcast_in_dim3A_73 : i32 to vector<16xi32>
        %gather3A_75 = tpu.vector_load_idx %arg9[%add3A_71, %broadcast_in_dim3A_74] : memref<688x16xf32, #tpu.memory_space<vmem>>[vector<16xi32>, vector<16xi32>], vector<16xf32>,
        %add3A_76 = arith.addf %gather3A, %gather3A_75 : vector<16xf32>
        %ge3A = arith.constant 0.000000e+00 : f32
        %ge3A_77 = vector.broadcast %ge3A : f32 to vector<16xf32>
        %ge3A_78 = arith.cmpf oge, %add3A_76, %ge3A_77 : vector<16xf32>
        %mul3A_79 = arith.constant 2.000000e-01 : f32
        %mul3A_80 = vector.broadcast %mul3A_79 : f32 to vector<16xf32>
        %mul3A_81 = arith.mulf %mul3A_80, %add3A_76 : vector<16xf32>
        %select_n3A = arith.select %ge3A_78, %add3A_76, %mul3A_81 : vector<16xi1>, vector<16xf32>
        %exp3A = math.exp %select_n3A : vector<16xf32>
        %add3A_82 = vector.broadcast %add3A_11 : i32 to vector<16xi32>
        %add3A_83 = arith.addi %add3A_82, %add3A_71 : vector<16xi32>
        %lt3A = arith.constant 330000 : i32
        %lt3A_84 = vector.broadcast %lt3A : i32 to vector<16xi32>
        %lt3A_85 = arith.cmpi slt, %add3A_83, %lt3A_84 : vector<16xi32>
        %broadcast_in_dim3A_86 = arith.constant 0.000000e+00 : f32
        %broadcast_in_dim3A_87 = vector.broadcast %broadcast_in_dim3A_86 : f32 to vector<16xf32>
        %select_n3A_88 = arith.select %lt3A_85, %exp3A, %broadcast_in_dim3A_87 : vector<16xi1>, vector<16xf32>
        %mul3A_89 = arith.constant 16 : i32
        %mul3A_90 = arith.muli %scan3A_67, %mul3A_89 : i32
        %swap3A = arith.index_cast %mul3A_90 : i32 to index
        %swap3A_91 = tpu.vector_load %arg10[%swap3A] {strides = array<i32>} : memref<688xf32, #tpu.memory_space<vmem>>, vector<16xf32>,
        tpu.vector_store %arg10[%swap3A], %select_n3A_88 {strides = array<i32>} : memref<688xf32, #tpu.memory_space<vmem>>, vector<16xf32>,
      }
      %scan3A_44 = arith.constant 43 : i32
      %run_scoped3A_45 = arith.constant 4 : i32
      "tpu.region"() ({
        %run_scoped3A_67 = tpu.sem_alloc : memref<!tpu.dma_semaphore, #tpu.memory_space<semaphore_mem>>
        %dma_start3A = tpu.memref_slice %arg5[%run_scoped3A_45, %add3A_11] : memref<8x330240xf32, #tpu.memory_space<hbm>> -> memref<1x688xf32, #tpu.memory_space<hbm>>
        %dma_start3A_68 = tpu.memref_squeeze %dma_start3A : memref<1x688xf32, #tpu.memory_space<hbm>> -> memref<688xf32, #tpu.memory_space<hbm>>
        %dma_start3A_69 = tpu.memref_slice %arg5[%run_scoped3A_45, %add3A_11] : memref<8x330240xf32, #tpu.memory_space<hbm>> -> memref<1x688xf32, #tpu.memory_space<hbm>>
        %dma_start3A_70 = tpu.memref_squeeze %dma_start3A_69 : memref<1x688xf32, #tpu.memory_space<hbm>> -> memref<688xf32, #tpu.memory_space<hbm>>
        tpu.enqueue_dma source(%arg10 : memref<688xf32, #tpu.memory_space<vmem>>) target(%dma_start3A_70 : memref<688xf32, #tpu.memory_space<hbm>>) target_semaphore(%run_scoped3A_67 : memref<!tpu.dma_semaphore, #tpu.memory_space<semaphore_mem>>)
        %dma_wait3A = tpu.memref_slice %arg5[%run_scoped3A_45, %add3A_11] : memref<8x330240xf32, #tpu.memory_space<hbm>> -> memref<1x688xf32, #tpu.memory_space<hbm>>
        %dma_wait3A_71 = tpu.memref_squeeze %dma_wait3A : memref<1x688xf32, #tpu.memory_space<hbm>> -> memref<688xf32, #tpu.memory_space<hbm>>
        %dma_wait3A_72 = tpu.memref_slice %arg5[%run_scoped3A_45, %add3A_11] : memref<8x330240xf32, #tpu.memory_space<hbm>> -> memref<1x688xf32, #tpu.memory_space<hbm>>
        %dma_wait3A_73 = tpu.memref_squeeze %dma_wait3A_72 : memref<1x688xf32, #tpu.memory_space<hbm>> -> memref<688xf32, #tpu.memory_space<hbm>>
        tpu.wait_dma2 semaphore(%run_scoped3A_67 : memref<!tpu.dma_semaphore, #tpu.memory_space<semaphore_mem>>) src(%arg10 : memref<688xf32, #tpu.memory_space<vmem>>) dst(%dma_wait3A_73 : memref<688xf32, #tpu.memory_space<hbm>>)
        tpu.yield
      }) : () -> ()
      %scan3A_46 = arith.constant 0 : i32
      %scan3A_47 = arith.constant 0 : i32
      %scan3A_48 = arith.constant 43 : i32
      %scan3A_49 = arith.addi %scan3A_47, %scan3A_48 : i32
      %scan3A_50 = arith.constant 1 : i32
      scf.for %scan3A_67 = %scan3A_47 to %scan3A_49 step %scan3A_50  : i32 {
        %mul3A_68 = arith.constant 16 : i32
        %mul3A_69 = arith.muli %scan3A_67, %mul3A_68 : i32
        %add3A_70 = vector.broadcast %mul3A_69 : i32 to vector<16xi32>
        %add3A_71 = arith.addi %add3A_70, %iota3A : vector<16xi32>
        %broadcast_in_dim3A = arith.constant 5 : i32
        %broadcast_in_dim3A_72 = vector.broadcast %broadcast_in_dim3A : i32 to vector<16xi32>
        %gather3A = tpu.vector_load_idx %arg8[%add3A_71, %broadcast_in_dim3A_72] : memref<688x16xf32, #tpu.memory_space<vmem>>[vector<16xi32>, vector<16xi32>], vector<16xf32>,
        %broadcast_in_dim3A_73 = arith.constant 13 : i32
        %broadcast_in_dim3A_74 = vector.broadcast %broadcast_in_dim3A_73 : i32 to vector<16xi32>
        %gather3A_75 = tpu.vector_load_idx %arg9[%add3A_71, %broadcast_in_dim3A_74] : memref<688x16xf32, #tpu.memory_space<vmem>>[vector<16xi32>, vector<16xi32>], vector<16xf32>,
        %add3A_76 = arith.addf %gather3A, %gather3A_75 : vector<16xf32>
        %ge3A = arith.constant 0.000000e+00 : f32
        %ge3A_77 = vector.broadcast %ge3A : f32 to vector<16xf32>
        %ge3A_78 = arith.cmpf oge, %add3A_76, %ge3A_77 : vector<16xf32>
        %mul3A_79 = arith.constant 2.000000e-01 : f32
        %mul3A_80 = vector.broadcast %mul3A_79 : f32 to vector<16xf32>
        %mul3A_81 = arith.mulf %mul3A_80, %add3A_76 : vector<16xf32>
        %select_n3A = arith.select %ge3A_78, %add3A_76, %mul3A_81 : vector<16xi1>, vector<16xf32>
        %exp3A = math.exp %select_n3A : vector<16xf32>
        %add3A_82 = vector.broadcast %add3A_11 : i32 to vector<16xi32>
        %add3A_83 = arith.addi %add3A_82, %add3A_71 : vector<16xi32>
        %lt3A = arith.constant 330000 : i32
        %lt3A_84 = vector.broadcast %lt3A : i32 to vector<16xi32>
        %lt3A_85 = arith.cmpi slt, %add3A_83, %lt3A_84 : vector<16xi32>
        %broadcast_in_dim3A_86 = arith.constant 0.000000e+00 : f32
        %broadcast_in_dim3A_87 = vector.broadcast %broadcast_in_dim3A_86 : f32 to vector<16xf32>
        %select_n3A_88 = arith.select %lt3A_85, %exp3A, %broadcast_in_dim3A_87 : vector<16xi1>, vector<16xf32>
        %mul3A_89 = arith.constant 16 : i32
        %mul3A_90 = arith.muli %scan3A_67, %mul3A_89 : i32
        %swap3A = arith.index_cast %mul3A_90 : i32 to index
        %swap3A_91 = tpu.vector_load %arg10[%swap3A] {strides = array<i32>} : memref<688xf32, #tpu.memory_space<vmem>>, vector<16xf32>,
        tpu.vector_store %arg10[%swap3A], %select_n3A_88 {strides = array<i32>} : memref<688xf32, #tpu.memory_space<vmem>>, vector<16xf32>,
      }
      %scan3A_51 = arith.constant 43 : i32
      %run_scoped3A_52 = arith.constant 5 : i32
      "tpu.region"() ({
        %run_scoped3A_67 = tpu.sem_alloc : memref<!tpu.dma_semaphore, #tpu.memory_space<semaphore_mem>>
        %dma_start3A = tpu.memref_slice %arg5[%run_scoped3A_52, %add3A_11] : memref<8x330240xf32, #tpu.memory_space<hbm>> -> memref<1x688xf32, #tpu.memory_space<hbm>>
        %dma_start3A_68 = tpu.memref_squeeze %dma_start3A : memref<1x688xf32, #tpu.memory_space<hbm>> -> memref<688xf32, #tpu.memory_space<hbm>>
        %dma_start3A_69 = tpu.memref_slice %arg5[%run_scoped3A_52, %add3A_11] : memref<8x330240xf32, #tpu.memory_space<hbm>> -> memref<1x688xf32, #tpu.memory_space<hbm>>
        %dma_start3A_70 = tpu.memref_squeeze %dma_start3A_69 : memref<1x688xf32, #tpu.memory_space<hbm>> -> memref<688xf32, #tpu.memory_space<hbm>>
        tpu.enqueue_dma source(%arg10 : memref<688xf32, #tpu.memory_space<vmem>>) target(%dma_start3A_70 : memref<688xf32, #tpu.memory_space<hbm>>) target_semaphore(%run_scoped3A_67 : memref<!tpu.dma_semaphore, #tpu.memory_space<semaphore_mem>>)
        %dma_wait3A = tpu.memref_slice %arg5[%run_scoped3A_52, %add3A_11] : memref<8x330240xf32, #tpu.memory_space<hbm>> -> memref<1x688xf32, #tpu.memory_space<hbm>>
        %dma_wait3A_71 = tpu.memref_squeeze %dma_wait3A : memref<1x688xf32, #tpu.memory_space<hbm>> -> memref<688xf32, #tpu.memory_space<hbm>>
        %dma_wait3A_72 = tpu.memref_slice %arg5[%run_scoped3A_52, %add3A_11] : memref<8x330240xf32, #tpu.memory_space<hbm>> -> memref<1x688xf32, #tpu.memory_space<hbm>>
        %dma_wait3A_73 = tpu.memref_squeeze %dma_wait3A_72 : memref<1x688xf32, #tpu.memory_space<hbm>> -> memref<688xf32, #tpu.memory_space<hbm>>
        tpu.wait_dma2 semaphore(%run_scoped3A_67 : memref<!tpu.dma_semaphore, #tpu.memory_space<semaphore_mem>>) src(%arg10 : memref<688xf32, #tpu.memory_space<vmem>>) dst(%dma_wait3A_73 : memref<688xf32, #tpu.memory_space<hbm>>)
        tpu.yield
      }) : () -> ()
      %scan3A_53 = arith.constant 0 : i32
      %scan3A_54 = arith.constant 0 : i32
      %scan3A_55 = arith.constant 43 : i32
      %scan3A_56 = arith.addi %scan3A_54, %scan3A_55 : i32
      %scan3A_57 = arith.constant 1 : i32
      scf.for %scan3A_67 = %scan3A_54 to %scan3A_56 step %scan3A_57  : i32 {
        %mul3A_68 = arith.constant 16 : i32
        %mul3A_69 = arith.muli %scan3A_67, %mul3A_68 : i32
        %add3A_70 = vector.broadcast %mul3A_69 : i32 to vector<16xi32>
        %add3A_71 = arith.addi %add3A_70, %iota3A : vector<16xi32>
        %broadcast_in_dim3A = arith.constant 6 : i32
        %broadcast_in_dim3A_72 = vector.broadcast %broadcast_in_dim3A : i32 to vector<16xi32>
        %gather3A = tpu.vector_load_idx %arg8[%add3A_71, %broadcast_in_dim3A_72] : memref<688x16xf32, #tpu.memory_space<vmem>>[vector<16xi32>, vector<16xi32>], vector<16xf32>,
        %broadcast_in_dim3A_73 = arith.constant 14 : i32
        %broadcast_in_dim3A_74 = vector.broadcast %broadcast_in_dim3A_73 : i32 to vector<16xi32>
        %gather3A_75 = tpu.vector_load_idx %arg9[%add3A_71, %broadcast_in_dim3A_74] : memref<688x16xf32, #tpu.memory_space<vmem>>[vector<16xi32>, vector<16xi32>], vector<16xf32>,
        %add3A_76 = arith.addf %gather3A, %gather3A_75 : vector<16xf32>
        %ge3A = arith.constant 0.000000e+00 : f32
        %ge3A_77 = vector.broadcast %ge3A : f32 to vector<16xf32>
        %ge3A_78 = arith.cmpf oge, %add3A_76, %ge3A_77 : vector<16xf32>
        %mul3A_79 = arith.constant 2.000000e-01 : f32
        %mul3A_80 = vector.broadcast %mul3A_79 : f32 to vector<16xf32>
        %mul3A_81 = arith.mulf %mul3A_80, %add3A_76 : vector<16xf32>
        %select_n3A = arith.select %ge3A_78, %add3A_76, %mul3A_81 : vector<16xi1>, vector<16xf32>
        %exp3A = math.exp %select_n3A : vector<16xf32>
        %add3A_82 = vector.broadcast %add3A_11 : i32 to vector<16xi32>
        %add3A_83 = arith.addi %add3A_82, %add3A_71 : vector<16xi32>
        %lt3A = arith.constant 330000 : i32
        %lt3A_84 = vector.broadcast %lt3A : i32 to vector<16xi32>
        %lt3A_85 = arith.cmpi slt, %add3A_83, %lt3A_84 : vector<16xi32>
        %broadcast_in_dim3A_86 = arith.constant 0.000000e+00 : f32
        %broadcast_in_dim3A_87 = vector.broadcast %broadcast_in_dim3A_86 : f32 to vector<16xf32>
        %select_n3A_88 = arith.select %lt3A_85, %exp3A, %broadcast_in_dim3A_87 : vector<16xi1>, vector<16xf32>
        %mul3A_89 = arith.constant 16 : i32
        %mul3A_90 = arith.muli %scan3A_67, %mul3A_89 : i32
        %swap3A = arith.index_cast %mul3A_90 : i32 to index
        %swap3A_91 = tpu.vector_load %arg10[%swap3A] {strides = array<i32>} : memref<688xf32, #tpu.memory_space<vmem>>, vector<16xf32>,
        tpu.vector_store %arg10[%swap3A], %select_n3A_88 {strides = array<i32>} : memref<688xf32, #tpu.memory_space<vmem>>, vector<16xf32>,
      }
      %scan3A_58 = arith.constant 43 : i32
      %run_scoped3A_59 = arith.constant 6 : i32
      "tpu.region"() ({
        %run_scoped3A_67 = tpu.sem_alloc : memref<!tpu.dma_semaphore, #tpu.memory_space<semaphore_mem>>
        %dma_start3A = tpu.memref_slice %arg5[%run_scoped3A_59, %add3A_11] : memref<8x330240xf32, #tpu.memory_space<hbm>> -> memref<1x688xf32, #tpu.memory_space<hbm>>
        %dma_start3A_68 = tpu.memref_squeeze %dma_start3A : memref<1x688xf32, #tpu.memory_space<hbm>> -> memref<688xf32, #tpu.memory_space<hbm>>
        %dma_start3A_69 = tpu.memref_slice %arg5[%run_scoped3A_59, %add3A_11] : memref<8x330240xf32, #tpu.memory_space<hbm>> -> memref<1x688xf32, #tpu.memory_space<hbm>>
        %dma_start3A_70 = tpu.memref_squeeze %dma_start3A_69 : memref<1x688xf32, #tpu.memory_space<hbm>> -> memref<688xf32, #tpu.memory_space<hbm>>
        tpu.enqueue_dma source(%arg10 : memref<688xf32, #tpu.memory_space<vmem>>) target(%dma_start3A_70 : memref<688xf32, #tpu.memory_space<hbm>>) target_semaphore(%run_scoped3A_67 : memref<!tpu.dma_semaphore, #tpu.memory_space<semaphore_mem>>)
        %dma_wait3A = tpu.memref_slice %arg5[%run_scoped3A_59, %add3A_11] : memref<8x330240xf32, #tpu.memory_space<hbm>> -> memref<1x688xf32, #tpu.memory_space<hbm>>
        %dma_wait3A_71 = tpu.memref_squeeze %dma_wait3A : memref<1x688xf32, #tpu.memory_space<hbm>> -> memref<688xf32, #tpu.memory_space<hbm>>
        %dma_wait3A_72 = tpu.memref_slice %arg5[%run_scoped3A_59, %add3A_11] : memref<8x330240xf32, #tpu.memory_space<hbm>> -> memref<1x688xf32, #tpu.memory_space<hbm>>
        %dma_wait3A_73 = tpu.memref_squeeze %dma_wait3A_72 : memref<1x688xf32, #tpu.memory_space<hbm>> -> memref<688xf32, #tpu.memory_space<hbm>>
        tpu.wait_dma2 semaphore(%run_scoped3A_67 : memref<!tpu.dma_semaphore, #tpu.memory_space<semaphore_mem>>) src(%arg10 : memref<688xf32, #tpu.memory_space<vmem>>) dst(%dma_wait3A_73 : memref<688xf32, #tpu.memory_space<hbm>>)
        tpu.yield
      }) : () -> ()
      %scan3A_60 = arith.constant 0 : i32
      %scan3A_61 = arith.constant 0 : i32
      %scan3A_62 = arith.constant 43 : i32
      %scan3A_63 = arith.addi %scan3A_61, %scan3A_62 : i32
      %scan3A_64 = arith.constant 1 : i32
      scf.for %scan3A_67 = %scan3A_61 to %scan3A_63 step %scan3A_64  : i32 {
        %mul3A_68 = arith.constant 16 : i32
        %mul3A_69 = arith.muli %scan3A_67, %mul3A_68 : i32
        %add3A_70 = vector.broadcast %mul3A_69 : i32 to vector<16xi32>
        %add3A_71 = arith.addi %add3A_70, %iota3A : vector<16xi32>
        %broadcast_in_dim3A = arith.constant 7 : i32
        %broadcast_in_dim3A_72 = vector.broadcast %broadcast_in_dim3A : i32 to vector<16xi32>
        %gather3A = tpu.vector_load_idx %arg8[%add3A_71, %broadcast_in_dim3A_72] : memref<688x16xf32, #tpu.memory_space<vmem>>[vector<16xi32>, vector<16xi32>], vector<16xf32>,
        %broadcast_in_dim3A_73 = arith.constant 15 : i32
        %broadcast_in_dim3A_74 = vector.broadcast %broadcast_in_dim3A_73 : i32 to vector<16xi32>
        %gather3A_75 = tpu.vector_load_idx %arg9[%add3A_71, %broadcast_in_dim3A_74] : memref<688x16xf32, #tpu.memory_space<vmem>>[vector<16xi32>, vector<16xi32>], vector<16xf32>,
        %add3A_76 = arith.addf %gather3A, %gather3A_75 : vector<16xf32>
        %ge3A = arith.constant 0.000000e+00 : f32
        %ge3A_77 = vector.broadcast %ge3A : f32 to vector<16xf32>
        %ge3A_78 = arith.cmpf oge, %add3A_76, %ge3A_77 : vector<16xf32>
        %mul3A_79 = arith.constant 2.000000e-01 : f32
        %mul3A_80 = vector.broadcast %mul3A_79 : f32 to vector<16xf32>
        %mul3A_81 = arith.mulf %mul3A_80, %add3A_76 : vector<16xf32>
        %select_n3A = arith.select %ge3A_78, %add3A_76, %mul3A_81 : vector<16xi1>, vector<16xf32>
        %exp3A = math.exp %select_n3A : vector<16xf32>
        %add3A_82 = vector.broadcast %add3A_11 : i32 to vector<16xi32>
        %add3A_83 = arith.addi %add3A_82, %add3A_71 : vector<16xi32>
        %lt3A = arith.constant 330000 : i32
        %lt3A_84 = vector.broadcast %lt3A : i32 to vector<16xi32>
        %lt3A_85 = arith.cmpi slt, %add3A_83, %lt3A_84 : vector<16xi32>
        %broadcast_in_dim3A_86 = arith.constant 0.000000e+00 : f32
        %broadcast_in_dim3A_87 = vector.broadcast %broadcast_in_dim3A_86 : f32 to vector<16xf32>
        %select_n3A_88 = arith.select %lt3A_85, %exp3A, %broadcast_in_dim3A_87 : vector<16xi1>, vector<16xf32>
        %mul3A_89 = arith.constant 16 : i32
        %mul3A_90 = arith.muli %scan3A_67, %mul3A_89 : i32
        %swap3A = arith.index_cast %mul3A_90 : i32 to index
        %swap3A_91 = tpu.vector_load %arg10[%swap3A] {strides = array<i32>} : memref<688xf32, #tpu.memory_space<vmem>>, vector<16xf32>,
        tpu.vector_store %arg10[%swap3A], %select_n3A_88 {strides = array<i32>} : memref<688xf32, #tpu.memory_space<vmem>>, vector<16xf32>,
      }
      %scan3A_65 = arith.constant 43 : i32
      %run_scoped3A_66 = arith.constant 7 : i32
      "tpu.region"() ({
        %run_scoped3A_67 = tpu.sem_alloc : memref<!tpu.dma_semaphore, #tpu.memory_space<semaphore_mem>>
        %dma_start3A = tpu.memref_slice %arg5[%run_scoped3A_66, %add3A_11] : memref<8x330240xf32, #tpu.memory_space<hbm>> -> memref<1x688xf32, #tpu.memory_space<hbm>>
        %dma_start3A_68 = tpu.memref_squeeze %dma_start3A : memref<1x688xf32, #tpu.memory_space<hbm>> -> memref<688xf32, #tpu.memory_space<hbm>>
        %dma_start3A_69 = tpu.memref_slice %arg5[%run_scoped3A_66, %add3A_11] : memref<8x330240xf32, #tpu.memory_space<hbm>> -> memref<1x688xf32, #tpu.memory_space<hbm>>
        %dma_start3A_70 = tpu.memref_squeeze %dma_start3A_69 : memref<1x688xf32, #tpu.memory_space<hbm>> -> memref<688xf32, #tpu.memory_space<hbm>>
        tpu.enqueue_dma source(%arg10 : memref<688xf32, #tpu.memory_space<vmem>>) target(%dma_start3A_70 : memref<688xf32, #tpu.memory_space<hbm>>) target_semaphore(%run_scoped3A_67 : memref<!tpu.dma_semaphore, #tpu.memory_space<semaphore_mem>>)
        %dma_wait3A = tpu.memref_slice %arg5[%run_scoped3A_66, %add3A_11] : memref<8x330240xf32, #tpu.memory_space<hbm>> -> memref<1x688xf32, #tpu.memory_space<hbm>>
        %dma_wait3A_71 = tpu.memref_squeeze %dma_wait3A : memref<1x688xf32, #tpu.memory_space<hbm>> -> memref<688xf32, #tpu.memory_space<hbm>>
        %dma_wait3A_72 = tpu.memref_slice %arg5[%run_scoped3A_66, %add3A_11] : memref<8x330240xf32, #tpu.memory_space<hbm>> -> memref<1x688xf32, #tpu.memory_space<hbm>>
        %dma_wait3A_73 = tpu.memref_squeeze %dma_wait3A_72 : memref<1x688xf32, #tpu.memory_space<hbm>> -> memref<688xf32, #tpu.memory_space<hbm>>
        tpu.wait_dma2 semaphore(%run_scoped3A_67 : memref<!tpu.dma_semaphore, #tpu.memory_space<semaphore_mem>>) src(%arg10 : memref<688xf32, #tpu.memory_space<vmem>>) dst(%dma_wait3A_73 : memref<688xf32, #tpu.memory_space<hbm>>)
        tpu.yield
      }) : () -> ()
    }
    %scan3A_7 = arith.constant 15 : i32
    return
  }
}

module attributes {stable_mosaic.version = 14 : i64} {
  func.func @_tc_a_body(%arg0: i32, %arg1: memref<1000x128xf32, #tpu.memory_space<vmem>>, %arg2: memref<128x1024xf32, #tpu.memory_space<vmem>>, %arg3: memref<8x128xf32, #tpu.memory_space<vmem>>, %arg4: memref<8x128xf32, #tpu.memory_space<vmem>>, %arg5: memref<8x1000x80xf32, #tpu.memory_space<vmem>>, %arg6: memref<8x1000x80xf32, #tpu.memory_space<vmem>>, %arg7: memref<1000x16xf32, #tpu.memory_space<vmem>>) attributes {dimension_semantics = [#tpu.dimension_semantics<arbitrary>], iteration_bounds = array<i64: 10>, scalar_prefetch = 0 : i64, scratch_operands = 0 : i64, tpu.core_type = #tpu.core_type<tc>, window_params = [{transform_indices = @transform_0, window_bounds = array<i64: 1000, 128>}, {pipeline_mode = #tpu.pipeline_mode<synchronous>, transform_indices = @transform_1, window_bounds = array<i64: 128, 1024>}, {pipeline_mode = #tpu.pipeline_mode<synchronous>, transform_indices = @transform_2, window_bounds = array<i64: 8, 128>}, {pipeline_mode = #tpu.pipeline_mode<synchronous>, transform_indices = @transform_3, window_bounds = array<i64: 8, 128>}, {transform_indices = @transform_4, window_bounds = array<i64: 8, 1000, 80>}, {transform_indices = @transform_5, window_bounds = array<i64: 8, 1000, 80>}, {transform_indices = @transform_6, window_bounds = array<i64: 1000, 16>}]} {
    %get3A = arith.constant 0 : index
    %get3A_0 = arith.constant 0 : index
    %get3A_1 = vector.load %arg1[%get3A, %get3A_0] : memref<1000x128xf32, #tpu.memory_space<vmem>>, vector<1000x128xf32>
    %get3A_2 = arith.constant 0 : index
    %get3A_3 = arith.constant 0 : index
    %get3A_4 = vector.load %arg2[%get3A_2, %get3A_3] : memref<128x1024xf32, #tpu.memory_space<vmem>>, vector<128x128xf32>
    %dot_general3A = arith.constant dense<0.000000e+00> : vector<1000x128xf32>
    %dot_general3A_5 = tpu.matmul %get3A_1, %get3A_4, %dot_general3A {dimension_numbers = #tpu.dot_dimension_numbers<[1], [0], [0], [1], [0, 0, 1, 1], [], []>, transpose_lhs_hint = false} : vector<1000x128xf32>, vector<128x128xf32>, vector<1000x128xf32> -> vector<1000x128xf32>
    %broadcast_in_dim3A = arith.constant 1.000000e+00 : f32
    %broadcast_in_dim3A_6 = vector.broadcast %broadcast_in_dim3A : f32 to vector<1000x1xf32>
    %broadcast_in_dim3A_7 = arith.constant 0.000000e+00 : f32
    %broadcast_in_dim3A_8 = vector.broadcast %broadcast_in_dim3A_7 : f32 to vector<1000x31xf32>
    %slice3A = vector.extract_strided_slice %dot_general3A_5 {offsets = [0, 0], sizes = [1000, 80], strides = [1, 1]} : vector<1000x128xf32> to vector<1000x80xf32>
    %broadcast_in_dim3A_9 = vector.shape_cast %slice3A : vector<1000x80xf32> to vector<1x1000x80xf32>
    %slice3A_10 = vector.extract_strided_slice %dot_general3A_5 {offsets = [0, 80], sizes = [1000, 48], strides = [1, 1]} : vector<1000x128xf32> to vector<1000x48xf32>
    %concatenate3A = tpu.concatenate %slice3A_10, %broadcast_in_dim3A_6, %broadcast_in_dim3A_8 in 1 : vector<1000x48xf32>, vector<1000x1xf32>, vector<1000x31xf32> -> vector<1000x80xf32>
    %broadcast_in_dim3A_11 = vector.shape_cast %concatenate3A : vector<1000x80xf32> to vector<1x1000x80xf32>
    %get3A_12 = arith.constant 0 : index
    %get3A_13 = arith.constant 0 : index
    %get3A_14 = vector.load %arg3[%get3A_12, %get3A_13] : memref<8x128xf32, #tpu.memory_space<vmem>>, vector<1x128xf32>
    %get3A_15 = vector.shape_cast %get3A_14 : vector<1x128xf32> to vector<128xf32>
    %broadcast_in_dim3A_16 = vector.shape_cast %get3A_15 : vector<128xf32> to vector<1x128xf32>
    %mul3A = vector.broadcast %broadcast_in_dim3A_16 : vector<1x128xf32> to vector<1000x128xf32>
    %mul3A_17 = arith.mulf %dot_general3A_5, %mul3A : vector<1000x128xf32>
    %reduce_sum3A = arith.constant dense<0.000000e+00> : vector<1000xf32>
    %reduce_sum3A_18 = vector.multi_reduction <add>, %mul3A_17, %reduce_sum3A [1] : vector<1000x128xf32> to vector<1000xf32>
    %broadcast_in_dim3A_19 = vector.shape_cast %reduce_sum3A_18 : vector<1000xf32> to vector<1000x1xf32>
    %get3A_20 = arith.constant 0 : index
    %get3A_21 = arith.constant 0 : index
    %get3A_22 = vector.load %arg4[%get3A_20, %get3A_21] : memref<8x128xf32, #tpu.memory_space<vmem>>, vector<1x128xf32>
    %get3A_23 = vector.shape_cast %get3A_22 : vector<1x128xf32> to vector<128xf32>
    %broadcast_in_dim3A_24 = vector.shape_cast %get3A_23 : vector<128xf32> to vector<1x128xf32>
    %mul3A_25 = vector.broadcast %broadcast_in_dim3A_24 : vector<1x128xf32> to vector<1000x128xf32>
    %mul3A_26 = arith.mulf %dot_general3A_5, %mul3A_25 : vector<1000x128xf32>
    %reduce_sum3A_27 = arith.constant dense<0.000000e+00> : vector<1000xf32>
    %reduce_sum3A_28 = vector.multi_reduction <add>, %mul3A_26, %reduce_sum3A_27 [1] : vector<1000x128xf32> to vector<1000xf32>
    %broadcast_in_dim3A_29 = vector.shape_cast %reduce_sum3A_28 : vector<1000xf32> to vector<1000x1xf32>
    %get3A_30 = arith.constant 0 : index
    %get3A_31 = arith.constant 128 : index
    %get3A_32 = vector.load %arg2[%get3A_30, %get3A_31] : memref<128x1024xf32, #tpu.memory_space<vmem>>, vector<128x128xf32>
    %dot_general3A_33 = arith.constant dense<0.000000e+00> : vector<1000x128xf32>
    %dot_general3A_34 = tpu.matmul %get3A_1, %get3A_32, %dot_general3A_33 {dimension_numbers = #tpu.dot_dimension_numbers<[1], [0], [0], [1], [0, 0, 1, 1], [], []>, transpose_lhs_hint = false} : vector<1000x128xf32>, vector<128x128xf32>, vector<1000x128xf32> -> vector<1000x128xf32>
    %broadcast_in_dim3A_35 = arith.constant 1.000000e+00 : f32
    %broadcast_in_dim3A_36 = vector.broadcast %broadcast_in_dim3A_35 : f32 to vector<1000x1xf32>
    %broadcast_in_dim3A_37 = arith.constant 0.000000e+00 : f32
    %broadcast_in_dim3A_38 = vector.broadcast %broadcast_in_dim3A_37 : f32 to vector<1000x31xf32>
    %slice3A_39 = vector.extract_strided_slice %dot_general3A_34 {offsets = [0, 0], sizes = [1000, 80], strides = [1, 1]} : vector<1000x128xf32> to vector<1000x80xf32>
    %broadcast_in_dim3A_40 = vector.shape_cast %slice3A_39 : vector<1000x80xf32> to vector<1x1000x80xf32>
    %slice3A_41 = vector.extract_strided_slice %dot_general3A_34 {offsets = [0, 80], sizes = [1000, 48], strides = [1, 1]} : vector<1000x128xf32> to vector<1000x48xf32>
    %concatenate3A_42 = tpu.concatenate %slice3A_41, %broadcast_in_dim3A_36, %broadcast_in_dim3A_38 in 1 : vector<1000x48xf32>, vector<1000x1xf32>, vector<1000x31xf32> -> vector<1000x80xf32>
    %broadcast_in_dim3A_43 = vector.shape_cast %concatenate3A_42 : vector<1000x80xf32> to vector<1x1000x80xf32>
    %get3A_44 = arith.constant 1 : index
    %get3A_45 = arith.constant 0 : index
    %get3A_46 = vector.load %arg3[%get3A_44, %get3A_45] : memref<8x128xf32, #tpu.memory_space<vmem>>, vector<1x128xf32>
    %get3A_47 = vector.shape_cast %get3A_46 : vector<1x128xf32> to vector<128xf32>
    %broadcast_in_dim3A_48 = vector.shape_cast %get3A_47 : vector<128xf32> to vector<1x128xf32>
    %mul3A_49 = vector.broadcast %broadcast_in_dim3A_48 : vector<1x128xf32> to vector<1000x128xf32>
    %mul3A_50 = arith.mulf %dot_general3A_34, %mul3A_49 : vector<1000x128xf32>
    %reduce_sum3A_51 = arith.constant dense<0.000000e+00> : vector<1000xf32>
    %reduce_sum3A_52 = vector.multi_reduction <add>, %mul3A_50, %reduce_sum3A_51 [1] : vector<1000x128xf32> to vector<1000xf32>
    %broadcast_in_dim3A_53 = vector.shape_cast %reduce_sum3A_52 : vector<1000xf32> to vector<1000x1xf32>
    %get3A_54 = arith.constant 1 : index
    %get3A_55 = arith.constant 0 : index
    %get3A_56 = vector.load %arg4[%get3A_54, %get3A_55] : memref<8x128xf32, #tpu.memory_space<vmem>>, vector<1x128xf32>
    %get3A_57 = vector.shape_cast %get3A_56 : vector<1x128xf32> to vector<128xf32>
    %broadcast_in_dim3A_58 = vector.shape_cast %get3A_57 : vector<128xf32> to vector<1x128xf32>
    %mul3A_59 = vector.broadcast %broadcast_in_dim3A_58 : vector<1x128xf32> to vector<1000x128xf32>
    %mul3A_60 = arith.mulf %dot_general3A_34, %mul3A_59 : vector<1000x128xf32>
    %reduce_sum3A_61 = arith.constant dense<0.000000e+00> : vector<1000xf32>
    %reduce_sum3A_62 = vector.multi_reduction <add>, %mul3A_60, %reduce_sum3A_61 [1] : vector<1000x128xf32> to vector<1000xf32>
    %broadcast_in_dim3A_63 = vector.shape_cast %reduce_sum3A_62 : vector<1000xf32> to vector<1000x1xf32>
    %get3A_64 = arith.constant 0 : index
    %get3A_65 = arith.constant 256 : index
    %get3A_66 = vector.load %arg2[%get3A_64, %get3A_65] : memref<128x1024xf32, #tpu.memory_space<vmem>>, vector<128x128xf32>
    %dot_general3A_67 = arith.constant dense<0.000000e+00> : vector<1000x128xf32>
    %dot_general3A_68 = tpu.matmul %get3A_1, %get3A_66, %dot_general3A_67 {dimension_numbers = #tpu.dot_dimension_numbers<[1], [0], [0], [1], [0, 0, 1, 1], [], []>, transpose_lhs_hint = false} : vector<1000x128xf32>, vector<128x128xf32>, vector<1000x128xf32> -> vector<1000x128xf32>
    %broadcast_in_dim3A_69 = arith.constant 1.000000e+00 : f32
    %broadcast_in_dim3A_70 = vector.broadcast %broadcast_in_dim3A_69 : f32 to vector<1000x1xf32>
    %broadcast_in_dim3A_71 = arith.constant 0.000000e+00 : f32
    %broadcast_in_dim3A_72 = vector.broadcast %broadcast_in_dim3A_71 : f32 to vector<1000x31xf32>
    %slice3A_73 = vector.extract_strided_slice %dot_general3A_68 {offsets = [0, 0], sizes = [1000, 80], strides = [1, 1]} : vector<1000x128xf32> to vector<1000x80xf32>
    %broadcast_in_dim3A_74 = vector.shape_cast %slice3A_73 : vector<1000x80xf32> to vector<1x1000x80xf32>
    %slice3A_75 = vector.extract_strided_slice %dot_general3A_68 {offsets = [0, 80], sizes = [1000, 48], strides = [1, 1]} : vector<1000x128xf32> to vector<1000x48xf32>
    %concatenate3A_76 = tpu.concatenate %slice3A_75, %broadcast_in_dim3A_70, %broadcast_in_dim3A_72 in 1 : vector<1000x48xf32>, vector<1000x1xf32>, vector<1000x31xf32> -> vector<1000x80xf32>
    %broadcast_in_dim3A_77 = vector.shape_cast %concatenate3A_76 : vector<1000x80xf32> to vector<1x1000x80xf32>
    %get3A_78 = arith.constant 2 : index
    %get3A_79 = arith.constant 0 : index
    %get3A_80 = vector.load %arg3[%get3A_78, %get3A_79] : memref<8x128xf32, #tpu.memory_space<vmem>>, vector<1x128xf32>
    %get3A_81 = vector.shape_cast %get3A_80 : vector<1x128xf32> to vector<128xf32>
    %broadcast_in_dim3A_82 = vector.shape_cast %get3A_81 : vector<128xf32> to vector<1x128xf32>
    %mul3A_83 = vector.broadcast %broadcast_in_dim3A_82 : vector<1x128xf32> to vector<1000x128xf32>
    %mul3A_84 = arith.mulf %dot_general3A_68, %mul3A_83 : vector<1000x128xf32>
    %reduce_sum3A_85 = arith.constant dense<0.000000e+00> : vector<1000xf32>
    %reduce_sum3A_86 = vector.multi_reduction <add>, %mul3A_84, %reduce_sum3A_85 [1] : vector<1000x128xf32> to vector<1000xf32>
    %broadcast_in_dim3A_87 = vector.shape_cast %reduce_sum3A_86 : vector<1000xf32> to vector<1000x1xf32>
    %get3A_88 = arith.constant 2 : index
    %get3A_89 = arith.constant 0 : index
    %get3A_90 = vector.load %arg4[%get3A_88, %get3A_89] : memref<8x128xf32, #tpu.memory_space<vmem>>, vector<1x128xf32>
    %get3A_91 = vector.shape_cast %get3A_90 : vector<1x128xf32> to vector<128xf32>
    %broadcast_in_dim3A_92 = vector.shape_cast %get3A_91 : vector<128xf32> to vector<1x128xf32>
    %mul3A_93 = vector.broadcast %broadcast_in_dim3A_92 : vector<1x128xf32> to vector<1000x128xf32>
    %mul3A_94 = arith.mulf %dot_general3A_68, %mul3A_93 : vector<1000x128xf32>
    %reduce_sum3A_95 = arith.constant dense<0.000000e+00> : vector<1000xf32>
    %reduce_sum3A_96 = vector.multi_reduction <add>, %mul3A_94, %reduce_sum3A_95 [1] : vector<1000x128xf32> to vector<1000xf32>
    %broadcast_in_dim3A_97 = vector.shape_cast %reduce_sum3A_96 : vector<1000xf32> to vector<1000x1xf32>
    %get3A_98 = arith.constant 0 : index
    %get3A_99 = arith.constant 384 : index
    %get3A_100 = vector.load %arg2[%get3A_98, %get3A_99] : memref<128x1024xf32, #tpu.memory_space<vmem>>, vector<128x128xf32>
    %dot_general3A_101 = arith.constant dense<0.000000e+00> : vector<1000x128xf32>
    %dot_general3A_102 = tpu.matmul %get3A_1, %get3A_100, %dot_general3A_101 {dimension_numbers = #tpu.dot_dimension_numbers<[1], [0], [0], [1], [0, 0, 1, 1], [], []>, transpose_lhs_hint = false} : vector<1000x128xf32>, vector<128x128xf32>, vector<1000x128xf32> -> vector<1000x128xf32>
    %broadcast_in_dim3A_103 = arith.constant 1.000000e+00 : f32
    %broadcast_in_dim3A_104 = vector.broadcast %broadcast_in_dim3A_103 : f32 to vector<1000x1xf32>
    %broadcast_in_dim3A_105 = arith.constant 0.000000e+00 : f32
    %broadcast_in_dim3A_106 = vector.broadcast %broadcast_in_dim3A_105 : f32 to vector<1000x31xf32>
    %slice3A_107 = vector.extract_strided_slice %dot_general3A_102 {offsets = [0, 0], sizes = [1000, 80], strides = [1, 1]} : vector<1000x128xf32> to vector<1000x80xf32>
    %broadcast_in_dim3A_108 = vector.shape_cast %slice3A_107 : vector<1000x80xf32> to vector<1x1000x80xf32>
    %slice3A_109 = vector.extract_strided_slice %dot_general3A_102 {offsets = [0, 80], sizes = [1000, 48], strides = [1, 1]} : vector<1000x128xf32> to vector<1000x48xf32>
    %concatenate3A_110 = tpu.concatenate %slice3A_109, %broadcast_in_dim3A_104, %broadcast_in_dim3A_106 in 1 : vector<1000x48xf32>, vector<1000x1xf32>, vector<1000x31xf32> -> vector<1000x80xf32>
    %broadcast_in_dim3A_111 = vector.shape_cast %concatenate3A_110 : vector<1000x80xf32> to vector<1x1000x80xf32>
    %get3A_112 = arith.constant 3 : index
    %get3A_113 = arith.constant 0 : index
    %get3A_114 = vector.load %arg3[%get3A_112, %get3A_113] : memref<8x128xf32, #tpu.memory_space<vmem>>, vector<1x128xf32>
    %get3A_115 = vector.shape_cast %get3A_114 : vector<1x128xf32> to vector<128xf32>
    %broadcast_in_dim3A_116 = vector.shape_cast %get3A_115 : vector<128xf32> to vector<1x128xf32>
    %mul3A_117 = vector.broadcast %broadcast_in_dim3A_116 : vector<1x128xf32> to vector<1000x128xf32>
    %mul3A_118 = arith.mulf %dot_general3A_102, %mul3A_117 : vector<1000x128xf32>
    %reduce_sum3A_119 = arith.constant dense<0.000000e+00> : vector<1000xf32>
    %reduce_sum3A_120 = vector.multi_reduction <add>, %mul3A_118, %reduce_sum3A_119 [1] : vector<1000x128xf32> to vector<1000xf32>
    %broadcast_in_dim3A_121 = vector.shape_cast %reduce_sum3A_120 : vector<1000xf32> to vector<1000x1xf32>
    %get3A_122 = arith.constant 3 : index
    %get3A_123 = arith.constant 0 : index
    %get3A_124 = vector.load %arg4[%get3A_122, %get3A_123] : memref<8x128xf32, #tpu.memory_space<vmem>>, vector<1x128xf32>
    %get3A_125 = vector.shape_cast %get3A_124 : vector<1x128xf32> to vector<128xf32>
    %broadcast_in_dim3A_126 = vector.shape_cast %get3A_125 : vector<128xf32> to vector<1x128xf32>
    %mul3A_127 = vector.broadcast %broadcast_in_dim3A_126 : vector<1x128xf32> to vector<1000x128xf32>
    %mul3A_128 = arith.mulf %dot_general3A_102, %mul3A_127 : vector<1000x128xf32>
    %reduce_sum3A_129 = arith.constant dense<0.000000e+00> : vector<1000xf32>
    %reduce_sum3A_130 = vector.multi_reduction <add>, %mul3A_128, %reduce_sum3A_129 [1] : vector<1000x128xf32> to vector<1000xf32>
    %broadcast_in_dim3A_131 = vector.shape_cast %reduce_sum3A_130 : vector<1000xf32> to vector<1000x1xf32>
    %get3A_132 = arith.constant 0 : index
    %get3A_133 = arith.constant 512 : index
    %get3A_134 = vector.load %arg2[%get3A_132, %get3A_133] : memref<128x1024xf32, #tpu.memory_space<vmem>>, vector<128x128xf32>
    %dot_general3A_135 = arith.constant dense<0.000000e+00> : vector<1000x128xf32>
    %dot_general3A_136 = tpu.matmul %get3A_1, %get3A_134, %dot_general3A_135 {dimension_numbers = #tpu.dot_dimension_numbers<[1], [0], [0], [1], [0, 0, 1, 1], [], []>, transpose_lhs_hint = false} : vector<1000x128xf32>, vector<128x128xf32>, vector<1000x128xf32> -> vector<1000x128xf32>
    %broadcast_in_dim3A_137 = arith.constant 1.000000e+00 : f32
    %broadcast_in_dim3A_138 = vector.broadcast %broadcast_in_dim3A_137 : f32 to vector<1000x1xf32>
    %broadcast_in_dim3A_139 = arith.constant 0.000000e+00 : f32
    %broadcast_in_dim3A_140 = vector.broadcast %broadcast_in_dim3A_139 : f32 to vector<1000x31xf32>
    %slice3A_141 = vector.extract_strided_slice %dot_general3A_136 {offsets = [0, 0], sizes = [1000, 80], strides = [1, 1]} : vector<1000x128xf32> to vector<1000x80xf32>
    %broadcast_in_dim3A_142 = vector.shape_cast %slice3A_141 : vector<1000x80xf32> to vector<1x1000x80xf32>
    %slice3A_143 = vector.extract_strided_slice %dot_general3A_136 {offsets = [0, 80], sizes = [1000, 48], strides = [1, 1]} : vector<1000x128xf32> to vector<1000x48xf32>
    %concatenate3A_144 = tpu.concatenate %slice3A_143, %broadcast_in_dim3A_138, %broadcast_in_dim3A_140 in 1 : vector<1000x48xf32>, vector<1000x1xf32>, vector<1000x31xf32> -> vector<1000x80xf32>
    %broadcast_in_dim3A_145 = vector.shape_cast %concatenate3A_144 : vector<1000x80xf32> to vector<1x1000x80xf32>
    %get3A_146 = arith.constant 4 : index
    %get3A_147 = arith.constant 0 : index
    %get3A_148 = vector.load %arg3[%get3A_146, %get3A_147] : memref<8x128xf32, #tpu.memory_space<vmem>>, vector<1x128xf32>
    %get3A_149 = vector.shape_cast %get3A_148 : vector<1x128xf32> to vector<128xf32>
    %broadcast_in_dim3A_150 = vector.shape_cast %get3A_149 : vector<128xf32> to vector<1x128xf32>
    %mul3A_151 = vector.broadcast %broadcast_in_dim3A_150 : vector<1x128xf32> to vector<1000x128xf32>
    %mul3A_152 = arith.mulf %dot_general3A_136, %mul3A_151 : vector<1000x128xf32>
    %reduce_sum3A_153 = arith.constant dense<0.000000e+00> : vector<1000xf32>
    %reduce_sum3A_154 = vector.multi_reduction <add>, %mul3A_152, %reduce_sum3A_153 [1] : vector<1000x128xf32> to vector<1000xf32>
    %broadcast_in_dim3A_155 = vector.shape_cast %reduce_sum3A_154 : vector<1000xf32> to vector<1000x1xf32>
    %get3A_156 = arith.constant 4 : index
    %get3A_157 = arith.constant 0 : index
    %get3A_158 = vector.load %arg4[%get3A_156, %get3A_157] : memref<8x128xf32, #tpu.memory_space<vmem>>, vector<1x128xf32>
    %get3A_159 = vector.shape_cast %get3A_158 : vector<1x128xf32> to vector<128xf32>
    %broadcast_in_dim3A_160 = vector.shape_cast %get3A_159 : vector<128xf32> to vector<1x128xf32>
    %mul3A_161 = vector.broadcast %broadcast_in_dim3A_160 : vector<1x128xf32> to vector<1000x128xf32>
    %mul3A_162 = arith.mulf %dot_general3A_136, %mul3A_161 : vector<1000x128xf32>
    %reduce_sum3A_163 = arith.constant dense<0.000000e+00> : vector<1000xf32>
    %reduce_sum3A_164 = vector.multi_reduction <add>, %mul3A_162, %reduce_sum3A_163 [1] : vector<1000x128xf32> to vector<1000xf32>
    %broadcast_in_dim3A_165 = vector.shape_cast %reduce_sum3A_164 : vector<1000xf32> to vector<1000x1xf32>
    %get3A_166 = arith.constant 0 : index
    %get3A_167 = arith.constant 640 : index
    %get3A_168 = vector.load %arg2[%get3A_166, %get3A_167] : memref<128x1024xf32, #tpu.memory_space<vmem>>, vector<128x128xf32>
    %dot_general3A_169 = arith.constant dense<0.000000e+00> : vector<1000x128xf32>
    %dot_general3A_170 = tpu.matmul %get3A_1, %get3A_168, %dot_general3A_169 {dimension_numbers = #tpu.dot_dimension_numbers<[1], [0], [0], [1], [0, 0, 1, 1], [], []>, transpose_lhs_hint = false} : vector<1000x128xf32>, vector<128x128xf32>, vector<1000x128xf32> -> vector<1000x128xf32>
    %broadcast_in_dim3A_171 = arith.constant 1.000000e+00 : f32
    %broadcast_in_dim3A_172 = vector.broadcast %broadcast_in_dim3A_171 : f32 to vector<1000x1xf32>
    %broadcast_in_dim3A_173 = arith.constant 0.000000e+00 : f32
    %broadcast_in_dim3A_174 = vector.broadcast %broadcast_in_dim3A_173 : f32 to vector<1000x31xf32>
    %slice3A_175 = vector.extract_strided_slice %dot_general3A_170 {offsets = [0, 0], sizes = [1000, 80], strides = [1, 1]} : vector<1000x128xf32> to vector<1000x80xf32>
    %broadcast_in_dim3A_176 = vector.shape_cast %slice3A_175 : vector<1000x80xf32> to vector<1x1000x80xf32>
    %slice3A_177 = vector.extract_strided_slice %dot_general3A_170 {offsets = [0, 80], sizes = [1000, 48], strides = [1, 1]} : vector<1000x128xf32> to vector<1000x48xf32>
    %concatenate3A_178 = tpu.concatenate %slice3A_177, %broadcast_in_dim3A_172, %broadcast_in_dim3A_174 in 1 : vector<1000x48xf32>, vector<1000x1xf32>, vector<1000x31xf32> -> vector<1000x80xf32>
    %broadcast_in_dim3A_179 = vector.shape_cast %concatenate3A_178 : vector<1000x80xf32> to vector<1x1000x80xf32>
    %get3A_180 = arith.constant 5 : index
    %get3A_181 = arith.constant 0 : index
    %get3A_182 = vector.load %arg3[%get3A_180, %get3A_181] : memref<8x128xf32, #tpu.memory_space<vmem>>, vector<1x128xf32>
    %get3A_183 = vector.shape_cast %get3A_182 : vector<1x128xf32> to vector<128xf32>
    %broadcast_in_dim3A_184 = vector.shape_cast %get3A_183 : vector<128xf32> to vector<1x128xf32>
    %mul3A_185 = vector.broadcast %broadcast_in_dim3A_184 : vector<1x128xf32> to vector<1000x128xf32>
    %mul3A_186 = arith.mulf %dot_general3A_170, %mul3A_185 : vector<1000x128xf32>
    %reduce_sum3A_187 = arith.constant dense<0.000000e+00> : vector<1000xf32>
    %reduce_sum3A_188 = vector.multi_reduction <add>, %mul3A_186, %reduce_sum3A_187 [1] : vector<1000x128xf32> to vector<1000xf32>
    %broadcast_in_dim3A_189 = vector.shape_cast %reduce_sum3A_188 : vector<1000xf32> to vector<1000x1xf32>
    %get3A_190 = arith.constant 5 : index
    %get3A_191 = arith.constant 0 : index
    %get3A_192 = vector.load %arg4[%get3A_190, %get3A_191] : memref<8x128xf32, #tpu.memory_space<vmem>>, vector<1x128xf32>
    %get3A_193 = vector.shape_cast %get3A_192 : vector<1x128xf32> to vector<128xf32>
    %broadcast_in_dim3A_194 = vector.shape_cast %get3A_193 : vector<128xf32> to vector<1x128xf32>
    %mul3A_195 = vector.broadcast %broadcast_in_dim3A_194 : vector<1x128xf32> to vector<1000x128xf32>
    %mul3A_196 = arith.mulf %dot_general3A_170, %mul3A_195 : vector<1000x128xf32>
    %reduce_sum3A_197 = arith.constant dense<0.000000e+00> : vector<1000xf32>
    %reduce_sum3A_198 = vector.multi_reduction <add>, %mul3A_196, %reduce_sum3A_197 [1] : vector<1000x128xf32> to vector<1000xf32>
    %broadcast_in_dim3A_199 = vector.shape_cast %reduce_sum3A_198 : vector<1000xf32> to vector<1000x1xf32>
    %get3A_200 = arith.constant 0 : index
    %get3A_201 = arith.constant 768 : index
    %get3A_202 = vector.load %arg2[%get3A_200, %get3A_201] : memref<128x1024xf32, #tpu.memory_space<vmem>>, vector<128x128xf32>
    %dot_general3A_203 = arith.constant dense<0.000000e+00> : vector<1000x128xf32>
    %dot_general3A_204 = tpu.matmul %get3A_1, %get3A_202, %dot_general3A_203 {dimension_numbers = #tpu.dot_dimension_numbers<[1], [0], [0], [1], [0, 0, 1, 1], [], []>, transpose_lhs_hint = false} : vector<1000x128xf32>, vector<128x128xf32>, vector<1000x128xf32> -> vector<1000x128xf32>
    %broadcast_in_dim3A_205 = arith.constant 1.000000e+00 : f32
    %broadcast_in_dim3A_206 = vector.broadcast %broadcast_in_dim3A_205 : f32 to vector<1000x1xf32>
    %broadcast_in_dim3A_207 = arith.constant 0.000000e+00 : f32
    %broadcast_in_dim3A_208 = vector.broadcast %broadcast_in_dim3A_207 : f32 to vector<1000x31xf32>
    %slice3A_209 = vector.extract_strided_slice %dot_general3A_204 {offsets = [0, 0], sizes = [1000, 80], strides = [1, 1]} : vector<1000x128xf32> to vector<1000x80xf32>
    %broadcast_in_dim3A_210 = vector.shape_cast %slice3A_209 : vector<1000x80xf32> to vector<1x1000x80xf32>
    %slice3A_211 = vector.extract_strided_slice %dot_general3A_204 {offsets = [0, 80], sizes = [1000, 48], strides = [1, 1]} : vector<1000x128xf32> to vector<1000x48xf32>
    %concatenate3A_212 = tpu.concatenate %slice3A_211, %broadcast_in_dim3A_206, %broadcast_in_dim3A_208 in 1 : vector<1000x48xf32>, vector<1000x1xf32>, vector<1000x31xf32> -> vector<1000x80xf32>
    %broadcast_in_dim3A_213 = vector.shape_cast %concatenate3A_212 : vector<1000x80xf32> to vector<1x1000x80xf32>
    %get3A_214 = arith.constant 6 : index
    %get3A_215 = arith.constant 0 : index
    %get3A_216 = vector.load %arg3[%get3A_214, %get3A_215] : memref<8x128xf32, #tpu.memory_space<vmem>>, vector<1x128xf32>
    %get3A_217 = vector.shape_cast %get3A_216 : vector<1x128xf32> to vector<128xf32>
    %broadcast_in_dim3A_218 = vector.shape_cast %get3A_217 : vector<128xf32> to vector<1x128xf32>
    %mul3A_219 = vector.broadcast %broadcast_in_dim3A_218 : vector<1x128xf32> to vector<1000x128xf32>
    %mul3A_220 = arith.mulf %dot_general3A_204, %mul3A_219 : vector<1000x128xf32>
    %reduce_sum3A_221 = arith.constant dense<0.000000e+00> : vector<1000xf32>
    %reduce_sum3A_222 = vector.multi_reduction <add>, %mul3A_220, %reduce_sum3A_221 [1] : vector<1000x128xf32> to vector<1000xf32>
    %broadcast_in_dim3A_223 = vector.shape_cast %reduce_sum3A_222 : vector<1000xf32> to vector<1000x1xf32>
    %get3A_224 = arith.constant 6 : index
    %get3A_225 = arith.constant 0 : index
    %get3A_226 = vector.load %arg4[%get3A_224, %get3A_225] : memref<8x128xf32, #tpu.memory_space<vmem>>, vector<1x128xf32>
    %get3A_227 = vector.shape_cast %get3A_226 : vector<1x128xf32> to vector<128xf32>
    %broadcast_in_dim3A_228 = vector.shape_cast %get3A_227 : vector<128xf32> to vector<1x128xf32>
    %mul3A_229 = vector.broadcast %broadcast_in_dim3A_228 : vector<1x128xf32> to vector<1000x128xf32>
    %mul3A_230 = arith.mulf %dot_general3A_204, %mul3A_229 : vector<1000x128xf32>
    %reduce_sum3A_231 = arith.constant dense<0.000000e+00> : vector<1000xf32>
    %reduce_sum3A_232 = vector.multi_reduction <add>, %mul3A_230, %reduce_sum3A_231 [1] : vector<1000x128xf32> to vector<1000xf32>
    %broadcast_in_dim3A_233 = vector.shape_cast %reduce_sum3A_232 : vector<1000xf32> to vector<1000x1xf32>
    %get3A_234 = arith.constant 0 : index
    %get3A_235 = arith.constant 896 : index
    %get3A_236 = vector.load %arg2[%get3A_234, %get3A_235] : memref<128x1024xf32, #tpu.memory_space<vmem>>, vector<128x128xf32>
    %dot_general3A_237 = arith.constant dense<0.000000e+00> : vector<1000x128xf32>
    %dot_general3A_238 = tpu.matmul %get3A_1, %get3A_236, %dot_general3A_237 {dimension_numbers = #tpu.dot_dimension_numbers<[1], [0], [0], [1], [0, 0, 1, 1], [], []>, transpose_lhs_hint = false} : vector<1000x128xf32>, vector<128x128xf32>, vector<1000x128xf32> -> vector<1000x128xf32>
    %broadcast_in_dim3A_239 = arith.constant 1.000000e+00 : f32
    %broadcast_in_dim3A_240 = vector.broadcast %broadcast_in_dim3A_239 : f32 to vector<1000x1xf32>
    %broadcast_in_dim3A_241 = arith.constant 0.000000e+00 : f32
    %broadcast_in_dim3A_242 = vector.broadcast %broadcast_in_dim3A_241 : f32 to vector<1000x31xf32>
    %slice3A_243 = vector.extract_strided_slice %dot_general3A_238 {offsets = [0, 0], sizes = [1000, 80], strides = [1, 1]} : vector<1000x128xf32> to vector<1000x80xf32>
    %broadcast_in_dim3A_244 = vector.shape_cast %slice3A_243 : vector<1000x80xf32> to vector<1x1000x80xf32>
    %slice3A_245 = vector.extract_strided_slice %dot_general3A_238 {offsets = [0, 80], sizes = [1000, 48], strides = [1, 1]} : vector<1000x128xf32> to vector<1000x48xf32>
    %concatenate3A_246 = tpu.concatenate %slice3A_245, %broadcast_in_dim3A_240, %broadcast_in_dim3A_242 in 1 : vector<1000x48xf32>, vector<1000x1xf32>, vector<1000x31xf32> -> vector<1000x80xf32>
    %broadcast_in_dim3A_247 = vector.shape_cast %concatenate3A_246 : vector<1000x80xf32> to vector<1x1000x80xf32>
    %get3A_248 = arith.constant 7 : index
    %get3A_249 = arith.constant 0 : index
    %get3A_250 = vector.load %arg3[%get3A_248, %get3A_249] : memref<8x128xf32, #tpu.memory_space<vmem>>, vector<1x128xf32>
    %get3A_251 = vector.shape_cast %get3A_250 : vector<1x128xf32> to vector<128xf32>
    %broadcast_in_dim3A_252 = vector.shape_cast %get3A_251 : vector<128xf32> to vector<1x128xf32>
    %mul3A_253 = vector.broadcast %broadcast_in_dim3A_252 : vector<1x128xf32> to vector<1000x128xf32>
    %mul3A_254 = arith.mulf %dot_general3A_238, %mul3A_253 : vector<1000x128xf32>
    %reduce_sum3A_255 = arith.constant dense<0.000000e+00> : vector<1000xf32>
    %reduce_sum3A_256 = vector.multi_reduction <add>, %mul3A_254, %reduce_sum3A_255 [1] : vector<1000x128xf32> to vector<1000xf32>
    %broadcast_in_dim3A_257 = vector.shape_cast %reduce_sum3A_256 : vector<1000xf32> to vector<1000x1xf32>
    %get3A_258 = arith.constant 7 : index
    %get3A_259 = arith.constant 0 : index
    %get3A_260 = vector.load %arg4[%get3A_258, %get3A_259] : memref<8x128xf32, #tpu.memory_space<vmem>>, vector<1x128xf32>
    %get3A_261 = vector.shape_cast %get3A_260 : vector<1x128xf32> to vector<128xf32>
    %broadcast_in_dim3A_262 = vector.shape_cast %get3A_261 : vector<128xf32> to vector<1x128xf32>
    %mul3A_263 = vector.broadcast %broadcast_in_dim3A_262 : vector<1x128xf32> to vector<1000x128xf32>
    %mul3A_264 = arith.mulf %dot_general3A_238, %mul3A_263 : vector<1000x128xf32>
    %reduce_sum3A_265 = arith.constant dense<0.000000e+00> : vector<1000xf32>
    %reduce_sum3A_266 = vector.multi_reduction <add>, %mul3A_264, %reduce_sum3A_265 [1] : vector<1000x128xf32> to vector<1000xf32>
    %broadcast_in_dim3A_267 = vector.shape_cast %reduce_sum3A_266 : vector<1000xf32> to vector<1000x1xf32>
    %concatenate3A_268 = tpu.concatenate %broadcast_in_dim3A_9, %broadcast_in_dim3A_40, %broadcast_in_dim3A_74, %broadcast_in_dim3A_108, %broadcast_in_dim3A_142, %broadcast_in_dim3A_176, %broadcast_in_dim3A_210, %broadcast_in_dim3A_244 in 0 : vector<1x1000x80xf32>, vector<1x1000x80xf32>, vector<1x1000x80xf32>, vector<1x1000x80xf32>, vector<1x1000x80xf32>, vector<1x1000x80xf32>, vector<1x1000x80xf32>, vector<1x1000x80xf32> -> vector<8x1000x80xf32>
    %swap3A = arith.constant 0 : index
    %swap3A_269 = arith.constant 0 : index
    %swap3A_270 = arith.constant 0 : index
    %swap3A_271 = vector.load %arg5[%swap3A, %swap3A_269, %swap3A_270] : memref<8x1000x80xf32, #tpu.memory_space<vmem>>, vector<8x1000x80xf32>
    tpu.vector_store %arg5[%swap3A, %swap3A_269, %swap3A_270], %concatenate3A_268 {strides = array<i32>} : memref<8x1000x80xf32, #tpu.memory_space<vmem>>, vector<8x1000x80xf32>,
    %concatenate3A_272 = tpu.concatenate %broadcast_in_dim3A_11, %broadcast_in_dim3A_43, %broadcast_in_dim3A_77, %broadcast_in_dim3A_111, %broadcast_in_dim3A_145, %broadcast_in_dim3A_179, %broadcast_in_dim3A_213, %broadcast_in_dim3A_247 in 0 : vector<1x1000x80xf32>, vector<1x1000x80xf32>, vector<1x1000x80xf32>, vector<1x1000x80xf32>, vector<1x1000x80xf32>, vector<1x1000x80xf32>, vector<1x1000x80xf32>, vector<1x1000x80xf32> -> vector<8x1000x80xf32>
    %swap3A_273 = arith.constant 0 : index
    %swap3A_274 = arith.constant 0 : index
    %swap3A_275 = arith.constant 0 : index
    %swap3A_276 = vector.load %arg6[%swap3A_273, %swap3A_274, %swap3A_275] : memref<8x1000x80xf32, #tpu.memory_space<vmem>>, vector<8x1000x80xf32>
    tpu.vector_store %arg6[%swap3A_273, %swap3A_274, %swap3A_275], %concatenate3A_272 {strides = array<i32>} : memref<8x1000x80xf32, #tpu.memory_space<vmem>>, vector<8x1000x80xf32>,
    %concatenate3A_277 = tpu.concatenate %broadcast_in_dim3A_19, %broadcast_in_dim3A_53, %broadcast_in_dim3A_87, %broadcast_in_dim3A_121, %broadcast_in_dim3A_155, %broadcast_in_dim3A_189, %broadcast_in_dim3A_223, %broadcast_in_dim3A_257, %broadcast_in_dim3A_29, %broadcast_in_dim3A_63, %broadcast_in_dim3A_97, %broadcast_in_dim3A_131, %broadcast_in_dim3A_165, %broadcast_in_dim3A_199, %broadcast_in_dim3A_233, %broadcast_in_dim3A_267 in 1 : vector<1000x1xf32>, vector<1000x1xf32>, vector<1000x1xf32>, vector<1000x1xf32>, vector<1000x1xf32>, vector<1000x1xf32>, vector<1000x1xf32>, vector<1000x1xf32>, vector<1000x1xf32>, vector<1000x1xf32>, vector<1000x1xf32>, vector<1000x1xf32>, vector<1000x1xf32>, vector<1000x1xf32>, vector<1000x1xf32>, vector<1000x1xf32> -> vector<1000x16xf32>
    %swap3A_278 = arith.constant 0 : index
    %swap3A_279 = arith.constant 0 : index
    %swap3A_280 = vector.load %arg7[%swap3A_278, %swap3A_279] : memref<1000x16xf32, #tpu.memory_space<vmem>>, vector<1000x16xf32>
    tpu.vector_store %arg7[%swap3A_278, %swap3A_279], %concatenate3A_277 {strides = array<i32>} : memref<1000x16xf32, #tpu.memory_space<vmem>>, vector<1000x16xf32>,
    return
  }
  func.func @transform_0(%arg0: i32) -> (i32, i32) {
    %c0_i32 = arith.constant 0 : i32
    %c0_i32_0 = arith.constant 0 : i32
    return %arg0, %c0_i32 : i32, i32
  }
  func.func @transform_1(%arg0: i32) -> (i32, i32) {
    %c0_i32 = arith.constant 0 : i32
    %c0_i32_0 = arith.constant 0 : i32
    %c0_i32_1 = arith.constant 0 : i32
    return %c0_i32, %c0_i32_0 : i32, i32
  }
  func.func @transform_2(%arg0: i32) -> (i32, i32) {
    %c0_i32 = arith.constant 0 : i32
    %c0_i32_0 = arith.constant 0 : i32
    %c0_i32_1 = arith.constant 0 : i32
    return %c0_i32, %c0_i32_0 : i32, i32
  }
  func.func @transform_3(%arg0: i32) -> (i32, i32) {
    %c0_i32 = arith.constant 0 : i32
    %c0_i32_0 = arith.constant 0 : i32
    %c0_i32_1 = arith.constant 0 : i32
    return %c0_i32, %c0_i32_0 : i32, i32
  }
  func.func @transform_4(%arg0: i32) -> (i32, i32, i32) {
    %c0_i32 = arith.constant 0 : i32
    %c0_i32_0 = arith.constant 0 : i32
    %c0_i32_1 = arith.constant 0 : i32
    return %c0_i32, %arg0, %c0_i32_0 : i32, i32, i32
  }
  func.func @transform_5(%arg0: i32) -> (i32, i32, i32) {
    %c0_i32 = arith.constant 0 : i32
    %c0_i32_0 = arith.constant 0 : i32
    %c0_i32_1 = arith.constant 0 : i32
    return %c0_i32, %arg0, %c0_i32_0 : i32, i32, i32
  }
  func.func @transform_6(%arg0: i32) -> (i32, i32) {
    %c0_i32 = arith.constant 0 : i32
    %c0_i32_0 = arith.constant 0 : i32
    return %arg0, %c0_i32 : i32, i32
  }
}

</mosaic_0001>

<sc_bundles>
// kernel: _run1.5.cloned.1.call-start
scs
__scs_entry_jumppad:
0x0: {  	(pc) =	sbr.rel $0x88, $3  }
0x1: {  	(tag) =	ssettag $0x0;
	lr =	simm.s32 $0x1  }
0x2: {  	[smem:$0x3F9C] =	sst lr;
	_ =	strace $0xD0000000  }
0x3: {  	_ = 	snop  }
0x4: {  	_ = 	snop  }
0x5: {  	_ = 	snop  }
0x6: {  	_ = 	snop  }
0x7: {  	_ = 	snop  }
__scs_overlays_trampoline_lowered:
0x8: {  	[smem:$0x3FAB] =	sst s0  }
0x9: {  	[smem:$0x3FAC] =	sst s1  }
0xa: {  	[smem:$0x3FAD] =	sst s2  }
0xb: {  	[smem:$0x3FAE] =	sst s3  }
0xc: {  	[smem:$0x3FAF] =	sst s4  }
0xd: {  	[smem:$0x3FB0] =	sst s5  }
0xe: {  	[smem:$0x3FB1] =	sst s6  }
0xf: {  	[smem:$0x3FB2] =	sst s7  }
0x10: {  	[smem:$0x3FB3] =	sst s8  }
0x11: {  	[smem:$0x3FB4] =	sst s9;
	s0 =	simm.s32 @!p0 $0x0  }
0x12: {  	s1 =	sld [smem:$0x3F9A];
	s0 =	simm.s32 @p0 $0x1  }
0x13: {  	[smem:$0x3FB5] =	sst s0;
	s0 =	simm.s32 @!p1 $0x0  }
0x14: {  	s2 =	sld [smem:$0x3F99];
	s0 =	simm.s32 @p1 $0x1  }
0x15: {  	[smem:$0x3FB6] =	sst s0;
	s0 =	simm.s32 @!p2 $0x0  }
0x16: {  	s3 =	sld [smem:$0x3FDB];
	s0 =	simm.s32 @p2 $0x1  }
0x17: {  	s4 =	simm.s32 $0x1BF5;
	[smem:$0x3FB8] =	sst s0  }
0x18: {  	s0 =	sld [smem:$0x3F9B];
	_ =	swait.ge [sflag:s4], $0x0  }
0x19: {  	s7 =	sld [smem:$0x3F9C]  }
0x1a: {  	s8 =	sadd.s32 $0xFFFFE003, lr  }
0x1b: {  	s9 =	sadd.s32 $0xFFFFFEF7, lr;
	s5 =	simm.s32 $0xFFFFFFFF;
	p2 =	slt.u32 s8, $0xFFFFF086  }
0x1c: {  	p1 =	slt.u32 s9, $0xF7A;
	s5 =	simm.s32 @!p2 $0x0  }
0x1d: {  	s5 =	simm.s32 @p1 $0x1;
	p0 =	seq.s32 s7, s2  }
0x1e: {  	s7 =	smul.u32 @!p0 $0xF7A, s2;
	p2 =	seq.s32 @!p0 s5, $0x0  }
0x1f: {  	s9 =	smul.u32 $0xF7A, s1;
	s8 =	simm.s32 @!p0 $0x1BF5;
	p2 =	por !p2, p0  }
0x20: {  	[sflag:s8] =	ssyncset.s32 @!p0 $0xFFFFF086;
	s6 =	sadd.s32 @!p0 s3, s7;
	s7 =	simm.s32 @!p0 $0x108  }
0x21: {  	s3 =	sadd.s32 s3, s9;
	s6 =	sadd.s32 @!p0 $0x88, s6;
	s7 =	simm.s32 @p2 $0x1082  }
0x22: {  	[simem:s7], [sflag:s8] =	dma.local @!p0 [hbm:s6], $0xF7A  }
0x23: {  	s9 =	sor.u32 $0xD0000000, s2;
	s6 =	simm.s32 $0x108;
	_ =	swait.ge @!p0 [sflag:s8], $0x0  }
0x24: {  	s3 =	sadd.s32 $0x88, s3;
	s6 =	simm.s32 @!p1 $0x1082;
	[sflag:s4] =	ssyncset.s32 $0xFFFFF086  }
0x25: {  	[simem:s6], [sflag:s4] =	dma.local [hbm:s3], $0xF7A  }
0x26: {  	[smem:$0x3F9C] =	sst s1;
	(tag) =	ssettag s2;
	_ =	strace s9  }
0x27: {  	s1 =	sld [smem:$0x3FAC]  }
0x28: {  	s2 =	sld [smem:$0x3FAD]  }
0x29: {  	s4 =	sld [smem:$0x3FAF]  }
0x2a: {  	p0 =	seq.s32 s5, $0x0;
	s5 =	sld [smem:$0x3FB0]  }
0x2b: {  	s6 =	sld [smem:$0x3FB1]  }
0x2c: {  	s7 =	sld [smem:$0x3FB2]  }
0x2d: {  	s3 =	simm.s32 $0x108;
	s8 =	sld [smem:$0x3FB3]  }
0x2e: {  	s3 =	simm.s32 @!p0 $0x1082;
	s9 =	sld [smem:$0x3FB4]  }
0x2f: {  	lr =	sadd.s32 s0, s3;
	s0 =	sld [smem:$0x3FAB]  }
0x30: {  	s3 =	sld [smem:$0x3FAE]  }
0x31: {  	[smem:$0x3FB7] =	sst s10  }
0x32: {  	s10 =	sld [smem:$0x3FB5];
	_ =	sdelay $0x3  }
0x33: {  	p0 =	seq.s32 s10, $0x1;
	s10 =	sld [smem:$0x3FB7];
	_ =	sdelay $0x3  }
0x34: {  	[smem:$0x3FB7] =	sst s10  }
0x35: {  	s10 =	sld [smem:$0x3FB6];
	_ =	sdelay $0x3  }
0x36: {  	p1 =	seq.s32 s10, $0x1;
	s10 =	sld [smem:$0x3FB7];
	_ =	sdelay $0x3  }
0x37: {  	[smem:$0x3FB7] =	sst s10  }
0x38: {  	s10 =	sld [smem:$0x3FB8]  }
0x39: {  	_ = 	snop;
	(pc) =	sbr.ind lr, $3  }
0x3a: {  	_ = 	snop  }
0x3b: {  	_ = 	snop  }
0x3c: {  	p2 =	seq.s32 s10, $0x1;
	s10 =	sld [smem:$0x3FB7]  }
0x3d: {  	_ =	shalt  }
0x3e: {  	_ =	shalt  }
0x3f: {  	_ =	shalt  }
0x40: {  	_ =	shalt  }
0x41: {  	_ =	shalt  }
0x42: {  	_ =	shalt  }
0x43: {  	_ =	shalt  }
0x44: {  	_ =	shalt  }
0x45: {  	_ =	shalt  }
0x46: {  	_ =	shalt  }
0x47: {  	_ =	shalt  }
0x48: {  	_ =	shalt  }
0x49: {  	_ =	shalt  }
0x4a: {  	_ =	shalt  }
0x4b: {  	_ =	shalt  }
0x4c: {  	_ =	shalt  }
0x4d: {  	_ =	shalt  }
0x4e: {  	_ =	shalt  }
0x4f: {  	_ =	shalt  }
0x50: {  	_ =	shalt  }
0x51: {  	_ =	shalt  }
0x52: {  	_ =	shalt  }
0x53: {  	_ =	shalt  }
0x54: {  	_ =	shalt  }
0x55: {  	_ =	shalt  }
0x56: {  	_ =	shalt  }
0x57: {  	_ =	shalt  }
0x58: {  	_ =	shalt  }
0x59: {  	_ =	shalt  }
0x5a: {  	_ =	shalt  }
0x5b: {  	_ =	shalt  }
0x5c: {  	_ =	shalt  }
0x5d: {  	_ =	shalt  }
0x5e: {  	_ =	shalt  }
0x5f: {  	_ =	shalt  }
0x60: {  	_ =	shalt  }
0x61: {  	_ =	shalt  }
0x62: {  	_ =	shalt  }
0x63: {  	_ =	shalt  }
0x64: {  	_ =	shalt  }
0x65: {  	_ =	shalt  }
0x66: {  	_ =	shalt  }
0x67: {  	_ =	shalt  }
0x68: {  	_ =	shalt  }
0x69: {  	_ =	shalt  }
0x6a: {  	_ =	shalt  }
0x6b: {  	_ =	shalt  }
0x6c: {  	_ =	shalt  }
0x6d: {  	_ =	shalt  }
0x6e: {  	_ =	shalt  }
0x6f: {  	_ =	shalt  }
0x70: {  	_ =	shalt  }
0x71: {  	_ =	shalt  }
0x72: {  	_ =	shalt  }
0x73: {  	_ =	shalt  }
0x74: {  	_ =	shalt  }
0x75: {  	_ =	shalt  }
0x76: {  	_ =	shalt  }
0x77: {  	_ =	shalt  }
0x78: {  	_ =	shalt  }
0x79: {  	_ =	shalt  }
0x7a: {  	_ =	shalt  }
0x7b: {  	_ =	shalt  }
0x7c: {  	_ =	shalt  }
0x7d: {  	_ =	shalt  }
0x7e: {  	_ =	shalt  }
0x7f: {  	_ =	shalt  }
0x80: {  	_ =	shalt  }
0x81: {  	_ =	shalt  }
0x82: {  	_ =	shalt  }
0x83: {  	_ =	shalt  }
0x84: {  	_ =	shalt  }
0x85: {  	_ =	shalt  }
0x86: {  	_ =	shalt  }
0x87: {  	_ =	shalt  }
.Lfunc_end0:
.L_simem_size_0:
called_computation_lowered:
.L_overlay_start_0:
0x88: {  	s2 =	sld [smem:$0x3FD9]  }
0x89: {  	s3 =	sld [smem:$0x3FFE];
	_ =	sdelay $0x1  }
0x8a: {  	s1 =	srdreg.scid  }
0x8b: {  	s0 =	sand.u32 $0x1, s1  }
0x8c: {  	s14 =	sshll.u32 s0, $0xA;
	s2 =	sadd.s32 s3, s2  }
0x8d: {  	s2 =	sadd.s32 s2, s14  }
0x8e: {  	[smem:$0x3FC3] =	sst s2  }
0x8f: {  	_ = 	snop  }
0x90: {  	s2 =	sld [smem:$0x3FD0];
	_ =	sdelay $0x2  }
0x91: {  	s15 =	simm.s32 $0xA;
	s4 =	simm.s32 $0x10  }
0x92: {  	[smem:s4], [sflag:s15] =	dma.local [hbm:s2], $0x1  }
0x93: {  	_ =	swait.eq [sflag:s15], $0x1  }
0x94: {  	s16 =	sld [smem:$0x10];
	[sflag:s15] =	ssyncset.done $0x0  }
0x95: {  	s17 =	sld [smem:$0x11];
	[sflag:s15] =	ssyncadd.s32 $0xFFFFFFFF  }
0x96: {  	s18 =	sld [smem:$0x12];
	(tm) =	ssettm $0x1  }
0x97: {  	s5 =	sld [smem:$0x3FFB];
	_ =	sdelay $0x3  }
0x98: {  	_ =	strace s5  }
0x99: {  	s5 =	sld [smem:$0x3FFC];
	_ =	sdelay $0x3  }
0x9a: {  	_ =	strace s5  }
0x9b: {  	s5 =	sld [smem:$0x3FFD];
	_ =	sdelay $0x3  }
0x9c: {  	_ =	strace s5  }
0x9d: {  	_ =	strace $0x8FFFFFFF  }
0x9e: {  	s19 =	sld [smem:$0x3FDB];
	_ =	sdelay $0x1  }
0x9f: {  	s6 =	simm.s32 $_scs_section_size  }
0xa0: {  	s7 =	simm.s32 $_size__tile_overlayer_lowered;
	s8 =	simm.s32 $_tile_overlayer_lowered  }
0xa1: {  	s22 =	simm.s32 $0x1BFF;
	s21 =	sshll.u32 s8, $0x1;
	s5 =	sadd.s32 s6, s19  }
0xa2: {  	s9 =	simm.s32 $0x0;
	s20 =	sshll.u32 s7, $0x1;
	s7 =	sadd.s32 s21, s5  }
0xa3: {  	[timem:s9], [sflag:s22] =	dma.local [hbm:s7], s20  }
0xa4: {  	_ =	swait.ge [sflag:s22], s20  }
0xa5: {  	s6 =	ssub.s32 $0x0, s20;
	[sflag:s22] =	ssyncset.done $0x0  }
0xa6: {  	[sflag:s22] =	ssyncadd.s32 s6;
	_ =	sdelay $0x1  }
0xa7: {  	s23 =	simm.s32 $0x1B8B  }
0xa8: {  	_ =	swait.ge [sflag:s23], $0x1  }
0xa9: {  	[sflag:s23] =	ssyncset.done $0x0  }
0xaa: {  	s25 =	simm.s32 $0x1B8E;
	s24 =	sld [smem:$0x3FFE];
	[sflag:s23] =	ssyncadd.s32 $0xFFFFFFFF  }
0xab: {  	s26 =	simm.s32 $execute0_lowered;
	[smem:$0x3FD2] =	sst s25  }
0xac: {  	s7 =	sshll.u32 s26, $0x1;
	_ =	strace $0x80000046;
	[dreg:$0x1] =	wrdreg $0xFFFFFFFF  }
0xad: {  	s28 =	simm.s32 $_size_execute0_lowered;
	s5 =	sadd.s32 s5, s7;
	[dreg:$0x0] =	wrdreg $0x0  }
0xae: {  	s7 =	sshll.u32 s28, $0x1;
	[dreg:$0x2] =	wrdreg s5  }
0xaf: {  	[dreg:$0x3] =	wrdreg s7  }
0xb0: {  	[dreg:$0x4] =	wrdreg $0xC0  }
0xb1: {  	_ =	task [dreg:s9], $0x5FFFF  }
0xb2: {  	[dreg:$0x1] =	wrdreg $0xFFFFFFFF  }
0xb3: {  	[dreg:$0x0] =	wrdreg $0x60  }
0xb4: {  	[dreg:$0x2] =	wrdreg s16  }
0xb5: {  	[dreg:$0x3] =	wrdreg s17  }
0xb6: {  	[dreg:$0x4] =	wrdreg s18  }
0xb7: {  	[dreg:$0x5] =	wrdreg s24  }
0xb8: {  	[dreg:$0x6] =	wrdreg $0x9  }
0xb9: {  	_ =	task.clear_ibuf [dreg:s9], $0x7FFFF;
	_ =	strace $0x90000046  }
0xba: {  	s29 =	simm.s32 $0x9;
	_ =	strace $0x80000048  }
0xbb: {  	_ =	swait.ge [sflag:s29], $0x1  }
0xbc: {  	[sflag:s29] =	ssyncadd.s32 $0xFFFFFFFF  }
0xbd: {  	_ =	strace $0x90000048  }
0xbe: {  	_ =	sfence  }
0xbf: {  	s30 =	sld [smem:$0x0];
	_ =	sdelay $0x2  }
0xc0: {  	s31 =	sshll.u32 s1, $0xD;
	s1 =	sshrl.u32 s1, $0x2  }
0xc1: {  	s3 =	sand.u32 $0x4000, s31;
	s1 =	sadd.s32 s1, s30  }
0xc2: {  	s0 =	sor.u32 s3, s0;
	s1 =	sshll.u32 s1, $0x11  }
0xc3: {  	s0 =	sor.u32 s1, s0  }
0xc4: {  	s0 =	sadd.s32 $0x8F2B, s0  }
0xc5: {  	[sflag:s0] =	ssyncadd.remote.s32 $0x1  }
0xc6: {  	_ =	sfence.sel $0xFFFF  }
0xc7: {  	[dreg:$0x0] =	wrdreg $0xFFFFFFFF;
	(pc) =	sbr.abs _section_cstart, $3  }
0xc8: {  	[dreg:$0x1] =	wrdreg $0xFFFFFFFF  }
0xc9: {  	_ =	task.clear_ibuf [dreg:s9], $0x2FFFF;
	_ =	strace $0x9FFFFFFF  }
0xca: {  	(tm) =	ssettm $0x7FFFFFFF  }
0xcb: {  	_ =	shalt  }
tec
execute0_lowered:
.L_overlay_start_1:
0x0: {  	(tag) =	ssettag $0x1  }
0x1: {  	s1 =	rddreg [dreg:$0x0]  }
0x2: {  	s2 =	rddreg [dreg:$0x1]  }
0x3: {  	s3 =	rddreg [dreg:$0x2]  }
0x4: {  	s6 =	rddreg [dreg:$0x3]  }
0x5: {  	s4 =	srdreg.scid;
	s0 =	rddreg [dreg:$0x4];
	s5 =	simm.s32 $0x0  }
0x6: {  	s11 =	simm.s32 $0x560;
	s12 =	simm.s32 $0x3060;
	s13 =	simm.s32 $0x5B60  }
0x7: {  	s14 =	simm.s32 $0x0;
	s7 =	sand.u32 $0x1, s4;
	s4 =	stileid.u32  }
0x8: {  	[smem:$0x7FF] =	sst s5;
	s6 =	sadd.s32 $0x272000, s6;
	s8 =	ssub.s32 $0x2, s7  }
0x9: {  	v0 =	vlaneseq.u32;
	s10 =	sshll.u32 s4, $0x1;
	_ =	strace $0x80000047;
	s9 =	sshrl.u32 s8, $0x1  }
0xa: {  	v0 =	vmul.u32 $0x10, v0;
	s7 =	sor.u32 s7, s10;
	s10 =	simm.s32 $0x2B0;
	s8 =	ssub.s32 s8, s9  }
0xb: {  	s7 =	smul.u32 $0x2850, s7;
	s9 =	simm.s32 $0x1;
	s8 =	smax.u32 s8, $0x1  }
.LBB2_1:
0xc: {  	s15 =	simm.s32 $0x0  }
.LBB2_2:
0xd: {  	s16 =	smul.u32 $0x2B0, s15;
	_ =	sdelay $0x1  }
0xe: {  	s16 =	sadd.s32 s7, s16  }
0xf: {  	s17 =	sshrl.u32 s16, $0x3  }
0x10: {  	s19 =	simm.s32 $0x0;
	s18 =	sadd.s32 s1, s17  }
0x11: {  	[tilespmem:s19], [sflag:$0x1] =	stream.linear.gather [hbm4b:s18+s19], $0x2B0, $0x38;
	[tilespmem:$0x5E10] =	vst v63  }
0x12: {  	_ =	swait.ge [sflag:s9], $0x2B0  }
0x13: {  	[sflag:s9] =	ssyncset.done $0x0  }
0x14: {  	s30 =	sadd.s32 s2, s17;
	[sflag:s9] =	ssyncadd.s32 $0xFFFFFD50  }
0x15: {  	[tilespmem:s10], [sflag:$0x1] =	stream.linear.gather [hbm4b:s30+s19], $0x2B0, $0x38;
	[tilespmem:$0x5E10] =	vst v63  }
0x16: {  	_ =	swait.ge [sflag:s9], $0x2B0  }
0x17: {  	[sflag:s9] =	ssyncset.done $0x0  }
0x18: {  	[sflag:s9] =	ssyncadd.s32 $0xFFFFFD50  }
0x19: {  	v1 =	vmov s19;
	[tilespmem:s11], [sflag:$0x1] =	stream.indirect.gather [hbm4b:s3+s10], $0x10, s19, s10, $0xb8;
	[tilespmem:$0x5E10] =	vst v63  }
0x1a: {  	v1 =	vshll.u32 v1, $0x4;
	_ =	swait.ge [sflag:s9], $0x2B00  }
0x1b: {  	v1 =	vor.u32 v0, v1;
	[sflag:s9] =	ssyncset.done $0x0  }
0x1c: {  	v2 =	vor.u32 $0x8, v1;
	[sflag:s9] =	ssyncadd.s32 $0xFFFFD500  }
0x1d: {  	[tilespmem:s12], [sflag:$0x1] =	stream.indirect.gather [hbm4b:s3+s10], $0x10, s10, s10, $0xb8;
	[tilespmem:$0x5E10] =	vst v63  }
0x1e: {  	_ =	swait.ge [sflag:s9], $0x2B00  }
0x1f: {  	[sflag:s9] =	ssyncset.done $0x0  }
0x20: {  	[sflag:s9] =	ssyncadd.s32 $0xFFFFD500  }
0x21: {  	v2 =	vld.idx.msk [tilespmem:v2+s12+$0x0], $0xffff  }
0x22: {  	v1 =	vld.idx.msk [tilespmem:v1+s11+$0x0], $0xffff;
	_ =	sdelay $0x4  }
0x23: {  	v1 =	vadd.f32 v2, v1;
	_ =	sdelay $0x1  }
0x24: {  	v2 =	vmul.f32 $2.000000030e-01, v1  }
0x25: {  	vm0 =	vge.f32 v1, $0.0e+00  }
0x26: {  	v1 =	vsel vm0, v1, v2  }
0x27: {  	v1 =	vmul.f32 $1.442695020e+00, v1;
	_ =	sdelay $0x1  }
0x28: {  	(erf) = vpow2.f32 v1;
	_ =	sdelay $0x2  }
0x29: {  	s18 =	simm.s32 $0x10  }
0x2a: {  	v1 =	vmov s18  }
0x2b: {  	v1 =	vshll.u32 v1, $0x4  }
0x2c: {  	v1 =	vor.u32 v0, v1  }
0x2d: {  	v2 =	vor.u32 $0x8, v1  }
0x2e: {  	s31 =	sadd.s32 $0x0, s16  }
0x2f: {  	p0 =	slt.u32 s31, $0x50910;
	v3 =	vpop (erf)  }
0x30: {  	s20 =	simm.s32 $0x5B60;
	v3 =	vpsel !p0, $0x0, v3  }
0x31: {  	[tilespmem:s20+$0x0] =	vst v3  }
0x32: {  	v2 =	vld.idx.msk [tilespmem:v2+s12+$0x0], $0xffff  }
0x33: {  	v1 =	vld.idx.msk [tilespmem:v1+s11+$0x0], $0xffff;
	_ =	sdelay $0x4  }
0x34: {  	v1 =	vadd.f32 v2, v1;
	_ =	sdelay $0x1  }
0x35: {  	v2 =	vmul.f32 $2.000000030e-01, v1  }
0x36: {  	vm15 =	vge.f32 v1, $0.0e+00  }
0x37: {  	v1 =	vsel vm15, v1, v2  }
0x38: {  	v1 =	vmul.f32 $1.442695020e+00, v1;
	_ =	sdelay $0x1  }
0x39: {  	(erf) = vpow2.f32 v1;
	_ =	sdelay $0x2  }
0x3a: {  	s19 =	simm.s32 $0x20  }
0x3b: {  	v2 =	vmov s19  }
0x3c: {  	s21 =	simm.s32 $0x30;
	v1 =	vshll.u32 v2, $0x4  }
.LBB2_3:
0x3d: {  	p0 =	sne.s32 s21, $0x2A0;
	v1 =	vor.u32 v0, v1  }
0x3e: {  	v2 =	vor.u32 $0x8, v1  }
0x3f: {  	s22 =	sadd.s32 s16, s18;
	s18 =	smov.u32 s19;
	s19 =	smov.u32 s21  }
0x40: {  	p1 =	slt.u32 s22, $0x50910;
	v3 =	vpop (erf)  }
0x41: {  	s20 =	sadd.s32 $0x10, s20;
	v3 =	vpsel !p1, $0x0, v3  }
0x42: {  	[tilespmem:s20+$0x0] =	vst v3  }
0x43: {  	v2 =	vld.idx.msk [tilespmem:v2+s12+$0x0], $0xffff  }
0x44: {  	v1 =	vld.idx.msk [tilespmem:v1+s11+$0x0], $0xffff;
	_ =	sdelay $0x5  }
0x45: {  	v1 =	vadd.f32 v2, v1;
	_ =	sdelay $0x1  }
0x46: {  	v2 =	vmul.f32 $2.000000030e-01, v1  }
0x47: {  	vm0 =	vge.f32 v1, $0.0e+00  }
0x48: {  	v1 =	vsel vm0, v1, v2  }
0x49: {  	v1 =	vmul.f32 $1.442695020e+00, v1;
	_ =	sdelay $0x1  }
0x4a: {  	(erf) = vpow2.f32 v1  }
.Ltmp0:
0x4b: {  	(pc) =	sbr.rel @p0 .LBB2_3-.Ltmp0, $3  }
0x4c: {  	_ =	sdelay $0x1  }
0x4d: {  	v1 =	vmov s21  }
0x4e: {  	s21 =	sadd.s32 $0x10, s21;
	v1 =	vshll.u32 v1, $0x4  }
0x4f: {  	v1 =	vor.u32 v0, v1  }
0x50: {  	v2 =	vor.u32 $0x8, v1  }
0x51: {  	s18 =	sadd.s32 s16, s18  }
0x52: {  	p0 =	slt.u32 s18, $0x50910;
	v3 =	vpop (erf)  }
0x53: {  	s29 =	sadd.s32 $0x10, s20;
	v3 =	vpsel !p0, $0x0, v3  }
0x54: {  	[tilespmem:s29+$0x0] =	vst v3  }
0x55: {  	v2 =	vld.idx.msk [tilespmem:v2+s12+$0x0], $0xffff  }
0x56: {  	v1 =	vld.idx.msk [tilespmem:v1+s11+$0x0], $0xffff;
	_ =	sdelay $0x4  }
0x57: {  	v1 =	vadd.f32 v2, v1;
	_ =	sdelay $0x1  }
0x58: {  	v2 =	vmul.f32 $2.000000030e-01, v1  }
0x59: {  	vm0 =	vge.f32 v1, $0.0e+00  }
0x5a: {  	v1 =	vsel vm0, v1, v2  }
0x5b: {  	v1 =	vmul.f32 $1.442695020e+00, v1;
	_ =	sdelay $0x1  }
0x5c: {  	(erf) = vpow2.f32 v1;
	_ =	sdelay $0x6  }
0x5d: {  	s30 =	simm.s32 $0x0  }
0x5e: {  	s19 =	sadd.s32 s16, s19;
	v1 =	vmov s30  }
0x5f: {  	p5 =	slt.u32 s19, $0x50910;
	v1 =	vshll.u32 v1, $0x4;
	v2 =	vpop (erf)  }
0x60: {  	s18 =	sadd.s32 $0x10, s29;
	v1 =	vor.u32 v0, v1;
	v2 =	vpsel !p5, $0x0, v2  }
0x61: {  	s17 =	sadd.s32 s6, s17;
	[tilespmem:s18+$0x0] =	vst v2;
	s18 =	simm.s32 $0x5B60;
	v2 =	vor.u32 $0x9, v1  }
0x62: {  	v1 =	vor.u32 $0x1, v1;
	[hbm4b:s17+s30] =	stream.linear.scatter [tilespmem:s18], [sflag:$0x1], $0x2B0, $0x38;
	[tilespmem:$0x5E10] =	vst v63  }
0x63: {  	_ =	swait.ge [sflag:s9], $0x2B0  }
0x64: {  	[sflag:s9] =	ssyncset.done $0x0  }
0x65: {  	[sflag:s9] =	ssyncadd.s32 $0xFFFFFD50  }
0x66: {  	v2 =	vld.idx.msk [tilespmem:v2+s12+$0x0], $0xffff  }
0x67: {  	v1 =	vld.idx.msk [tilespmem:v1+s11+$0x0], $0xffff;
	_ =	sdelay $0x4  }
0x68: {  	v1 =	vadd.f32 v2, v1;
	_ =	sdelay $0x1  }
0x69: {  	v2 =	vmul.f32 $2.000000030e-01, v1  }
0x6a: {  	vm14 =	vge.f32 v1, $0.0e+00  }
0x6b: {  	v1 =	vsel vm14, v1, v2  }
0x6c: {  	v1 =	vmul.f32 $1.442695020e+00, v1;
	_ =	sdelay $0x1  }
0x6d: {  	(erf) = vpow2.f32 v1;
	_ =	sdelay $0x2  }
0x6e: {  	s19 =	simm.s32 $0x10  }
0x6f: {  	v1 =	vmov s19  }
0x70: {  	v1 =	vshll.u32 v1, $0x4  }
0x71: {  	v1 =	vor.u32 v0, v1  }
0x72: {  	v2 =	vor.u32 $0x9, v1  }
0x73: {  	s31 =	sadd.s32 $0x0, s16;
	v1 =	vor.u32 $0x1, v1  }
0x74: {  	p6 =	slt.u32 s31, $0x50910;
	v3 =	vpop (erf)  }
0x75: {  	v3 =	vpsel !p6, $0x0, v3  }
0x76: {  	[tilespmem:s18+$0x0] =	vst v3  }
0x77: {  	v2 =	vld.idx.msk [tilespmem:v2+s12+$0x0], $0xffff  }
0x78: {  	v1 =	vld.idx.msk [tilespmem:v1+s11+$0x0], $0xffff;
	_ =	sdelay $0x4  }
0x79: {  	v1 =	vadd.f32 v2, v1;
	_ =	sdelay $0x1  }
0x7a: {  	v2 =	vmul.f32 $2.000000030e-01, v1  }
0x7b: {  	vm15 =	vge.f32 v1, $0.0e+00  }
0x7c: {  	v1 =	vsel vm15, v1, v2  }
0x7d: {  	v1 =	vmul.f32 $1.442695020e+00, v1;
	_ =	sdelay $0x1  }
0x7e: {  	(erf) = vpow2.f32 v1;
	_ =	sdelay $0x2  }
0x7f: {  	s20 =	simm.s32 $0x20  }
0x80: {  	v2 =	vmov s20  }
0x81: {  	s21 =	simm.s32 $0x30;
	v1 =	vshll.u32 v2, $0x4  }
.LBB2_5:
0x82: {  	p0 =	sne.s32 s21, $0x2A0;
	v1 =	vor.u32 v0, v1  }
0x83: {  	v2 =	vor.u32 $0x9, v1  }
0x84: {  	s22 =	sadd.s32 s16, s19;
	s19 =	smov.u32 s20;
	s20 =	smov.u32 s21;
	v1 =	vor.u32 $0x1, v1  }
0x85: {  	p1 =	slt.u32 s22, $0x50910;
	v3 =	vpop (erf)  }
0x86: {  	s18 =	sadd.s32 $0x10, s18;
	v3 =	vpsel !p1, $0x0, v3  }
0x87: {  	[tilespmem:s18+$0x0] =	vst v3  }
0x88: {  	v2 =	vld.idx.msk [tilespmem:v2+s12+$0x0], $0xffff  }
0x89: {  	v1 =	vld.idx.msk [tilespmem:v1+s11+$0x0], $0xffff;
	_ =	sdelay $0x5  }
0x8a: {  	v1 =	vadd.f32 v2, v1;
	_ =	sdelay $0x1  }
0x8b: {  	v2 =	vmul.f32 $2.000000030e-01, v1  }
0x8c: {  	vm0 =	vge.f32 v1, $0.0e+00  }
0x8d: {  	v1 =	vsel vm0, v1, v2  }
0x8e: {  	v1 =	vmul.f32 $1.442695020e+00, v1;
	_ =	sdelay $0x1  }
0x8f: {  	(erf) = vpow2.f32 v1  }
.Ltmp1:
0x90: {  	(pc) =	sbr.rel @p0 .LBB2_5-.Ltmp1, $3  }
0x91: {  	_ =	sdelay $0x1  }
0x92: {  	v1 =	vmov s21  }
0x93: {  	s21 =	sadd.s32 $0x10, s21;
	v1 =	vshll.u32 v1, $0x4  }
0x94: {  	v1 =	vor.u32 v0, v1  }
0x95: {  	v2 =	vor.u32 $0x9, v1  }
0x96: {  	s19 =	sadd.s32 s16, s19;
	v1 =	vor.u32 $0x1, v1  }
0x97: {  	p0 =	slt.u32 s19, $0x50910;
	v3 =	vpop (erf)  }
0x98: {  	s18 =	sadd.s32 $0x10, s18;
	v3 =	vpsel !p0, $0x0, v3  }
0x99: {  	[tilespmem:s18+$0x0] =	vst v3  }
0x9a: {  	v2 =	vld.idx.msk [tilespmem:v2+s12+$0x0], $0xffff  }
0x9b: {  	v1 =	vld.idx.msk [tilespmem:v1+s11+$0x0], $0xffff;
	_ =	sdelay $0x4  }
0x9c: {  	v1 =	vadd.f32 v2, v1;
	_ =	sdelay $0x1  }
0x9d: {  	v2 =	vmul.f32 $2.000000030e-01, v1  }
0x9e: {  	vm0 =	vge.f32 v1, $0.0e+00  }
0x9f: {  	v1 =	vsel vm0, v1, v2  }
0xa0: {  	v1 =	vmul.f32 $1.442695020e+00, v1;
	_ =	sdelay $0x1  }
0xa1: {  	(erf) = vpow2.f32 v1;
	_ =	sdelay $0x6  }
0xa2: {  	s29 =	simm.s32 $0x0  }
0xa3: {  	s20 =	sadd.s32 s16, s20;
	v1 =	vmov s29  }
0xa4: {  	p5 =	slt.u32 s20, $0x50910;
	v1 =	vshll.u32 v1, $0x4;
	v2 =	vpop (erf)  }
0xa5: {  	s18 =	sadd.s32 $0x10, s18;
	v1 =	vor.u32 v0, v1;
	v2 =	vpsel !p5, $0x0, v2  }
0xa6: {  	s30 =	sadd.s32 $0xA140, s17;
	[tilespmem:s18+$0x0] =	vst v2;
	s18 =	simm.s32 $0x5B60;
	v2 =	vor.u32 $0xA, v1  }
0xa7: {  	v1 =	vor.u32 $0x2, v1;
	[hbm4b:s30+s29] =	stream.linear.scatter [tilespmem:s18], [sflag:$0x1], $0x2B0, $0x38;
	[tilespmem:$0x5E10] =	vst v63  }
0xa8: {  	_ =	swait.ge [sflag:s9], $0x2B0  }
0xa9: {  	[sflag:s9] =	ssyncset.done $0x0  }
0xaa: {  	[sflag:s9] =	ssyncadd.s32 $0xFFFFFD50  }
0xab: {  	v2 =	vld.idx.msk [tilespmem:v2+s12+$0x0], $0xffff  }
0xac: {  	v1 =	vld.idx.msk [tilespmem:v1+s11+$0x0], $0xffff;
	_ =	sdelay $0x4  }
0xad: {  	v1 =	vadd.f32 v2, v1;
	_ =	sdelay $0x1  }
0xae: {  	v2 =	vmul.f32 $2.000000030e-01, v1  }
0xaf: {  	vm14 =	vge.f32 v1, $0.0e+00  }
0xb0: {  	v1 =	vsel vm14, v1, v2  }
0xb1: {  	v1 =	vmul.f32 $1.442695020e+00, v1;
	_ =	sdelay $0x1  }
0xb2: {  	(erf) = vpow2.f32 v1;
	_ =	sdelay $0x2  }
0xb3: {  	s19 =	simm.s32 $0x10  }
0xb4: {  	v1 =	vmov s19  }
0xb5: {  	v1 =	vshll.u32 v1, $0x4  }
0xb6: {  	v1 =	vor.u32 v0, v1  }
0xb7: {  	v2 =	vor.u32 $0xA, v1  }
0xb8: {  	s31 =	sadd.s32 $0x0, s16;
	v1 =	vor.u32 $0x2, v1  }
0xb9: {  	p6 =	slt.u32 s31, $0x50910;
	v3 =	vpop (erf)  }
0xba: {  	v3 =	vpsel !p6, $0x0, v3  }
0xbb: {  	[tilespmem:s18+$0x0] =	vst v3  }
0xbc: {  	v2 =	vld.idx.msk [tilespmem:v2+s12+$0x0], $0xffff  }
0xbd: {  	v1 =	vld.idx.msk [tilespmem:v1+s11+$0x0], $0xffff;
	_ =	sdelay $0x4  }
0xbe: {  	v1 =	vadd.f32 v2, v1;
	_ =	sdelay $0x1  }
0xbf: {  	v2 =	vmul.f32 $2.000000030e-01, v1  }
0xc0: {  	vm15 =	vge.f32 v1, $0.0e+00  }
0xc1: {  	v1 =	vsel vm15, v1, v2  }
0xc2: {  	v1 =	vmul.f32 $1.442695020e+00, v1;
	_ =	sdelay $0x1  }
0xc3: {  	(erf) = vpow2.f32 v1;
	_ =	sdelay $0x2  }
0xc4: {  	s20 =	simm.s32 $0x20  }
0xc5: {  	v2 =	vmov s20  }
0xc6: {  	s21 =	simm.s32 $0x30;
	v1 =	vshll.u32 v2, $0x4  }
.LBB2_7:
0xc7: {  	p0 =	sne.s32 s21, $0x2A0;
	v1 =	vor.u32 v0, v1  }
0xc8: {  	v2 =	vor.u32 $0xA, v1  }
0xc9: {  	s22 =	sadd.s32 s16, s19;
	s19 =	smov.u32 s20;
	s20 =	smov.u32 s21;
	v1 =	vor.u32 $0x2, v1  }
0xca: {  	p1 =	slt.u32 s22, $0x50910;
	v3 =	vpop (erf)  }
0xcb: {  	s18 =	sadd.s32 $0x10, s18;
	v3 =	vpsel !p1, $0x0, v3  }
0xcc: {  	[tilespmem:s18+$0x0] =	vst v3  }
0xcd: {  	v2 =	vld.idx.msk [tilespmem:v2+s12+$0x0], $0xffff  }
0xce: {  	v1 =	vld.idx.msk [tilespmem:v1+s11+$0x0], $0xffff;
	_ =	sdelay $0x5  }
0xcf: {  	v1 =	vadd.f32 v2, v1;
	_ =	sdelay $0x1  }
0xd0: {  	v2 =	vmul.f32 $2.000000030e-01, v1  }
0xd1: {  	vm0 =	vge.f32 v1, $0.0e+00  }
0xd2: {  	v1 =	vsel vm0, v1, v2  }
0xd3: {  	v1 =	vmul.f32 $1.442695020e+00, v1;
	_ =	sdelay $0x1  }
0xd4: {  	(erf) = vpow2.f32 v1  }
.Ltmp2:
0xd5: {  	(pc) =	sbr.rel @p0 .LBB2_7-.Ltmp2, $3  }
0xd6: {  	_ =	sdelay $0x1  }
0xd7: {  	v1 =	vmov s21  }
0xd8: {  	s21 =	sadd.s32 $0x10, s21;
	v1 =	vshll.u32 v1, $0x4  }
0xd9: {  	v1 =	vor.u32 v0, v1  }
0xda: {  	v2 =	vor.u32 $0xA, v1  }
0xdb: {  	s19 =	sadd.s32 s16, s19;
	v1 =	vor.u32 $0x2, v1  }
0xdc: {  	p0 =	slt.u32 s19, $0x50910;
	v3 =	vpop (erf)  }
0xdd: {  	s18 =	sadd.s32 $0x10, s18;
	v3 =	vpsel !p0, $0x0, v3  }
0xde: {  	[tilespmem:s18+$0x0] =	vst v3  }
0xdf: {  	v2 =	vld.idx.msk [tilespmem:v2+s12+$0x0], $0xffff  }
0xe0: {  	v1 =	vld.idx.msk [tilespmem:v1+s11+$0x0], $0xffff;
	_ =	sdelay $0x4  }
0xe1: {  	v1 =	vadd.f32 v2, v1;
	_ =	sdelay $0x1  }
0xe2: {  	v2 =	vmul.f32 $2.000000030e-01, v1  }
0xe3: {  	vm0 =	vge.f32 v1, $0.0e+00  }
0xe4: {  	v1 =	vsel vm0, v1, v2  }
0xe5: {  	v1 =	vmul.f32 $1.442695020e+00, v1;
	_ =	sdelay $0x1  }
0xe6: {  	(erf) = vpow2.f32 v1;
	_ =	sdelay $0x6  }
0xe7: {  	s29 =	simm.s32 $0x0  }
0xe8: {  	s20 =	sadd.s32 s16, s20;
	v1 =	vmov s29  }
0xe9: {  	p5 =	slt.u32 s20, $0x50910;
	v1 =	vshll.u32 v1, $0x4;
	v2 =	vpop (erf)  }
0xea: {  	s18 =	sadd.s32 $0x10, s18;
	v1 =	vor.u32 v0, v1;
	v2 =	vpsel !p5, $0x0, v2  }
0xeb: {  	s30 =	sadd.s32 $0x14280, s17;
	[tilespmem:s18+$0x0] =	vst v2;
	s18 =	simm.s32 $0x5B60;
	v2 =	vor.u32 $0xB, v1  }
0xec: {  	v1 =	vor.u32 $0x3, v1;
	[hbm4b:s30+s29] =	stream.linear.scatter [tilespmem:s18], [sflag:$0x1], $0x2B0, $0x38;
	[tilespmem:$0x5E10] =	vst v63  }
0xed: {  	_ =	swait.ge [sflag:s9], $0x2B0  }
0xee: {  	[sflag:s9] =	ssyncset.done $0x0  }
0xef: {  	[sflag:s9] =	ssyncadd.s32 $0xFFFFFD50  }
0xf0: {  	v2 =	vld.idx.msk [tilespmem:v2+s12+$0x0], $0xffff  }
0xf1: {  	v1 =	vld.idx.msk [tilespmem:v1+s11+$0x0], $0xffff;
	_ =	sdelay $0x4  }
0xf2: {  	v1 =	vadd.f32 v2, v1;
	_ =	sdelay $0x1  }
0xf3: {  	v2 =	vmul.f32 $2.000000030e-01, v1  }
0xf4: {  	vm14 =	vge.f32 v1, $0.0e+00  }
0xf5: {  	v1 =	vsel vm14, v1, v2  }
0xf6: {  	v1 =	vmul.f32 $1.442695020e+00, v1;
	_ =	sdelay $0x1  }
0xf7: {  	(erf) = vpow2.f32 v1;
	_ =	sdelay $0x2  }
0xf8: {  	s19 =	simm.s32 $0x10  }
0xf9: {  	v1 =	vmov s19  }
0xfa: {  	v1 =	vshll.u32 v1, $0x4  }
0xfb: {  	v1 =	vor.u32 v0, v1  }
0xfc: {  	v2 =	vor.u32 $0xB, v1  }
0xfd: {  	s31 =	sadd.s32 $0x0, s16;
	v1 =	vor.u32 $0x3, v1  }
0xfe: {  	p6 =	slt.u32 s31, $0x50910;
	v3 =	vpop (erf)  }
0xff: {  	v3 =	vpsel !p6, $0x0, v3  }
0x100: {  	[tilespmem:s18+$0x0] =	vst v3  }
0x101: {  	v2 =	vld.idx.msk [tilespmem:v2+s12+$0x0], $0xffff  }
0x102: {  	v1 =	vld.idx.msk [tilespmem:v1+s11+$0x0], $0xffff;
	_ =	sdelay $0x4  }
0x103: {  	v1 =	vadd.f32 v2, v1;
	_ =	sdelay $0x1  }
0x104: {  	v2 =	vmul.f32 $2.000000030e-01, v1  }
0x105: {  	vm15 =	vge.f32 v1, $0.0e+00  }
0x106: {  	v1 =	vsel vm15, v1, v2  }
0x107: {  	v1 =	vmul.f32 $1.442695020e+00, v1;
	_ =	sdelay $0x1  }
0x108: {  	(erf) = vpow2.f32 v1;
	_ =	sdelay $0x2  }
0x109: {  	s20 =	simm.s32 $0x20  }
0x10a: {  	v2 =	vmov s20  }
0x10b: {  	s21 =	simm.s32 $0x30;
	v1 =	vshll.u32 v2, $0x4  }
.LBB2_9:
0x10c: {  	p0 =	sne.s32 s21, $0x2A0;
	v1 =	vor.u32 v0, v1  }
0x10d: {  	v2 =	vor.u32 $0xB, v1  }
0x10e: {  	s22 =	sadd.s32 s16, s19;
	s19 =	smov.u32 s20;
	s20 =	smov.u32 s21;
	v1 =	vor.u32 $0x3, v1  }
0x10f: {  	p1 =	slt.u32 s22, $0x50910;
	v3 =	vpop (erf)  }
0x110: {  	s18 =	sadd.s32 $0x10, s18;
	v3 =	vpsel !p1, $0x0, v3  }
0x111: {  	[tilespmem:s18+$0x0] =	vst v3  }
0x112: {  	v2 =	vld.idx.msk [tilespmem:v2+s12+$0x0], $0xffff  }
0x113: {  	v1 =	vld.idx.msk [tilespmem:v1+s11+$0x0], $0xffff;
	_ =	sdelay $0x5  }
0x114: {  	v1 =	vadd.f32 v2, v1;
	_ =	sdelay $0x1  }
0x115: {  	v2 =	vmul.f32 $2.000000030e-01, v1  }
0x116: {  	vm0 =	vge.f32 v1, $0.0e+00  }
0x117: {  	v1 =	vsel vm0, v1, v2  }
0x118: {  	v1 =	vmul.f32 $1.442695020e+00, v1;
	_ =	sdelay $0x1  }
0x119: {  	(erf) = vpow2.f32 v1  }
.Ltmp3:
0x11a: {  	(pc) =	sbr.rel @p0 .LBB2_9-.Ltmp3, $3  }
0x11b: {  	_ =	sdelay $0x1  }
0x11c: {  	v1 =	vmov s21  }
0x11d: {  	s21 =	sadd.s32 $0x10, s21;
	v1 =	vshll.u32 v1, $0x4  }
0x11e: {  	v1 =	vor.u32 v0, v1  }
0x11f: {  	v2 =	vor.u32 $0xB, v1  }
0x120: {  	s19 =	sadd.s32 s16, s19;
	v1 =	vor.u32 $0x3, v1  }
0x121: {  	p0 =	slt.u32 s19, $0x50910;
	v3 =	vpop (erf)  }
0x122: {  	s18 =	sadd.s32 $0x10, s18;
	v3 =	vpsel !p0, $0x0, v3  }
0x123: {  	[tilespmem:s18+$0x0] =	vst v3  }
0x124: {  	v2 =	vld.idx.msk [tilespmem:v2+s12+$0x0], $0xffff  }
0x125: {  	v1 =	vld.idx.msk [tilespmem:v1+s11+$0x0], $0xffff;
	_ =	sdelay $0x4  }
0x126: {  	v1 =	vadd.f32 v2, v1;
	_ =	sdelay $0x1  }
0x127: {  	v2 =	vmul.f32 $2.000000030e-01, v1  }
0x128: {  	vm0 =	vge.f32 v1, $0.0e+00  }
0x129: {  	v1 =	vsel vm0, v1, v2  }
0x12a: {  	v1 =	vmul.f32 $1.442695020e+00, v1;
	_ =	sdelay $0x1  }
0x12b: {  	(erf) = vpow2.f32 v1;
	_ =	sdelay $0x6  }
0x12c: {  	s29 =	simm.s32 $0x0  }
0x12d: {  	s20 =	sadd.s32 s16, s20;
	v1 =	vmov s29  }
0x12e: {  	p5 =	slt.u32 s20, $0x50910;
	v1 =	vshll.u32 v1, $0x4;
	v2 =	vpop (erf)  }
0x12f: {  	s18 =	sadd.s32 $0x10, s18;
	v1 =	vor.u32 v0, v1;
	v2 =	vpsel !p5, $0x0, v2  }
0x130: {  	s30 =	sadd.s32 $0x1E3C0, s17;
	[tilespmem:s18+$0x0] =	vst v2;
	s18 =	simm.s32 $0x5B60;
	v2 =	vor.u32 $0xC, v1  }
0x131: {  	v1 =	vor.u32 $0x4, v1;
	[hbm4b:s30+s29] =	stream.linear.scatter [tilespmem:s18], [sflag:$0x1], $0x2B0, $0x38;
	[tilespmem:$0x5E10] =	vst v63  }
0x132: {  	_ =	swait.ge [sflag:s9], $0x2B0  }
0x133: {  	[sflag:s9] =	ssyncset.done $0x0  }
0x134: {  	[sflag:s9] =	ssyncadd.s32 $0xFFFFFD50  }
0x135: {  	v2 =	vld.idx.msk [tilespmem:v2+s12+$0x0], $0xffff  }
0x136: {  	v1 =	vld.idx.msk [tilespmem:v1+s11+$0x0], $0xffff;
	_ =	sdelay $0x4  }
0x137: {  	v1 =	vadd.f32 v2, v1;
	_ =	sdelay $0x1  }
0x138: {  	v2 =	vmul.f32 $2.000000030e-01, v1  }
0x139: {  	vm14 =	vge.f32 v1, $0.0e+00  }
0x13a: {  	v1 =	vsel vm14, v1, v2  }
0x13b: {  	v1 =	vmul.f32 $1.442695020e+00, v1;
	_ =	sdelay $0x1  }
0x13c: {  	(erf) = vpow2.f32 v1;
	_ =	sdelay $0x2  }
0x13d: {  	s19 =	simm.s32 $0x10  }
0x13e: {  	v1 =	vmov s19  }
0x13f: {  	v1 =	vshll.u32 v1, $0x4  }
0x140: {  	v1 =	vor.u32 v0, v1  }
0x141: {  	v2 =	vor.u32 $0xC, v1  }
0x142: {  	s31 =	sadd.s32 $0x0, s16;
	v1 =	vor.u32 $0x4, v1  }
0x143: {  	p6 =	slt.u32 s31, $0x50910;
	v3 =	vpop (erf)  }
0x144: {  	v3 =	vpsel !p6, $0x0, v3  }
0x145: {  	[tilespmem:s18+$0x0] =	vst v3  }
0x146: {  	v2 =	vld.idx.msk [tilespmem:v2+s12+$0x0], $0xffff  }
0x147: {  	v1 =	vld.idx.msk [tilespmem:v1+s11+$0x0], $0xffff;
	_ =	sdelay $0x4  }
0x148: {  	v1 =	vadd.f32 v2, v1;
	_ =	sdelay $0x1  }
0x149: {  	v2 =	vmul.f32 $2.000000030e-01, v1  }
0x14a: {  	vm15 =	vge.f32 v1, $0.0e+00  }
0x14b: {  	v1 =	vsel vm15, v1, v2  }
0x14c: {  	v1 =	vmul.f32 $1.442695020e+00, v1;
	_ =	sdelay $0x1  }
0x14d: {  	(erf) = vpow2.f32 v1;
	_ =	sdelay $0x2  }
0x14e: {  	s20 =	simm.s32 $0x20  }
0x14f: {  	v2 =	vmov s20  }
0x150: {  	s21 =	simm.s32 $0x30;
	v1 =	vshll.u32 v2, $0x4  }
.LBB2_11:
0x151: {  	p0 =	sne.s32 s21, $0x2A0;
	v1 =	vor.u32 v0, v1  }
0x152: {  	v2 =	vor.u32 $0xC, v1  }
0x153: {  	s22 =	sadd.s32 s16, s19;
	s19 =	smov.u32 s20;
	s20 =	smov.u32 s21;
	v1 =	vor.u32 $0x4, v1  }
0x154: {  	p1 =	slt.u32 s22, $0x50910;
	v3 =	vpop (erf)  }
0x155: {  	s18 =	sadd.s32 $0x10, s18;
	v3 =	vpsel !p1, $0x0, v3  }
0x156: {  	[tilespmem:s18+$0x0] =	vst v3  }
0x157: {  	v2 =	vld.idx.msk [tilespmem:v2+s12+$0x0], $0xffff  }
0x158: {  	v1 =	vld.idx.msk [tilespmem:v1+s11+$0x0], $0xffff;
	_ =	sdelay $0x5  }
0x159: {  	v1 =	vadd.f32 v2, v1;
	_ =	sdelay $0x1  }
0x15a: {  	v2 =	vmul.f32 $2.000000030e-01, v1  }
0x15b: {  	vm0 =	vge.f32 v1, $0.0e+00  }
0x15c: {  	v1 =	vsel vm0, v1, v2  }
0x15d: {  	v1 =	vmul.f32 $1.442695020e+00, v1;
	_ =	sdelay $0x1  }
0x15e: {  	(erf) = vpow2.f32 v1  }
.Ltmp4:
0x15f: {  	(pc) =	sbr.rel @p0 .LBB2_11-.Ltmp4, $3  }
0x160: {  	_ =	sdelay $0x1  }
0x161: {  	v1 =	vmov s21  }
0x162: {  	s21 =	sadd.s32 $0x10, s21;
	v1 =	vshll.u32 v1, $0x4  }
0x163: {  	v1 =	vor.u32 v0, v1  }
0x164: {  	v2 =	vor.u32 $0xC, v1  }
0x165: {  	s19 =	sadd.s32 s16, s19;
	v1 =	vor.u32 $0x4, v1  }
0x166: {  	p0 =	slt.u32 s19, $0x50910;
	v3 =	vpop (erf)  }
0x167: {  	s18 =	sadd.s32 $0x10, s18;
	v3 =	vpsel !p0, $0x0, v3  }
0x168: {  	[tilespmem:s18+$0x0] =	vst v3  }
0x169: {  	v2 =	vld.idx.msk [tilespmem:v2+s12+$0x0], $0xffff  }
0x16a: {  	v1 =	vld.idx.msk [tilespmem:v1+s11+$0x0], $0xffff;
	_ =	sdelay $0x4  }
0x16b: {  	v1 =	vadd.f32 v2, v1;
	_ =	sdelay $0x1  }
0x16c: {  	v2 =	vmul.f32 $2.000000030e-01, v1  }
0x16d: {  	vm0 =	vge.f32 v1, $0.0e+00  }
0x16e: {  	v1 =	vsel vm0, v1, v2  }
0x16f: {  	v1 =	vmul.f32 $1.442695020e+00, v1;
	_ =	sdelay $0x1  }
0x170: {  	(erf) = vpow2.f32 v1;
	_ =	sdelay $0x6  }
0x171: {  	s29 =	simm.s32 $0x0  }
0x172: {  	s20 =	sadd.s32 s16, s20;
	v1 =	vmov s29  }
0x173: {  	p5 =	slt.u32 s20, $0x50910;
	v1 =	vshll.u32 v1, $0x4;
	v2 =	vpop (erf)  }
0x174: {  	s18 =	sadd.s32 $0x10, s18;
	v1 =	vor.u32 v0, v1;
	v2 =	vpsel !p5, $0x0, v2  }
0x175: {  	s30 =	sadd.s32 $0x28500, s17;
	[tilespmem:s18+$0x0] =	vst v2;
	s18 =	simm.s32 $0x5B60;
	v2 =	vor.u32 $0xD, v1  }
0x176: {  	v1 =	vor.u32 $0x5, v1;
	[hbm4b:s30+s29] =	stream.linear.scatter [tilespmem:s18], [sflag:$0x1], $0x2B0, $0x38;
	[tilespmem:$0x5E10] =	vst v63  }
0x177: {  	_ =	swait.ge [sflag:s9], $0x2B0  }
0x178: {  	[sflag:s9] =	ssyncset.done $0x0  }
0x179: {  	[sflag:s9] =	ssyncadd.s32 $0xFFFFFD50  }
0x17a: {  	v2 =	vld.idx.msk [tilespmem:v2+s12+$0x0], $0xffff  }
0x17b: {  	v1 =	vld.idx.msk [tilespmem:v1+s11+$0x0], $0xffff;
	_ =	sdelay $0x4  }
0x17c: {  	v1 =	vadd.f32 v2, v1;
	_ =	sdelay $0x1  }
0x17d: {  	v2 =	vmul.f32 $2.000000030e-01, v1  }
0x17e: {  	vm14 =	vge.f32 v1, $0.0e+00  }
0x17f: {  	v1 =	vsel vm14, v1, v2  }
0x180: {  	v1 =	vmul.f32 $1.442695020e+00, v1;
	_ =	sdelay $0x1  }
0x181: {  	(erf) = vpow2.f32 v1;
	_ =	sdelay $0x2  }
0x182: {  	s19 =	simm.s32 $0x10  }
0x183: {  	v1 =	vmov s19  }
0x184: {  	v1 =	vshll.u32 v1, $0x4  }
0x185: {  	v1 =	vor.u32 v0, v1  }
0x186: {  	v2 =	vor.u32 $0xD, v1  }
0x187: {  	s31 =	sadd.s32 $0x0, s16;
	v1 =	vor.u32 $0x5, v1  }
0x188: {  	p6 =	slt.u32 s31, $0x50910;
	v3 =	vpop (erf)  }
0x189: {  	v3 =	vpsel !p6, $0x0, v3  }
0x18a: {  	[tilespmem:s18+$0x0] =	vst v3  }
0x18b: {  	v2 =	vld.idx.msk [tilespmem:v2+s12+$0x0], $0xffff  }
0x18c: {  	v1 =	vld.idx.msk [tilespmem:v1+s11+$0x0], $0xffff;
	_ =	sdelay $0x4  }
0x18d: {  	v1 =	vadd.f32 v2, v1;
	_ =	sdelay $0x1  }
0x18e: {  	v2 =	vmul.f32 $2.000000030e-01, v1  }
0x18f: {  	vm15 =	vge.f32 v1, $0.0e+00  }
0x190: {  	v1 =	vsel vm15, v1, v2  }
0x191: {  	v1 =	vmul.f32 $1.442695020e+00, v1;
	_ =	sdelay $0x1  }
0x192: {  	(erf) = vpow2.f32 v1;
	_ =	sdelay $0x2  }
0x193: {  	s20 =	simm.s32 $0x20  }
0x194: {  	v2 =	vmov s20  }
0x195: {  	s21 =	simm.s32 $0x30;
	v1 =	vshll.u32 v2, $0x4  }
.LBB2_13:
0x196: {  	p0 =	sne.s32 s21, $0x2A0;
	v1 =	vor.u32 v0, v1  }
0x197: {  	v2 =	vor.u32 $0xD, v1  }
0x198: {  	s22 =	sadd.s32 s16, s19;
	s19 =	smov.u32 s20;
	s20 =	smov.u32 s21;
	v1 =	vor.u32 $0x5, v1  }
0x199: {  	p1 =	slt.u32 s22, $0x50910;
	v3 =	vpop (erf)  }
0x19a: {  	s18 =	sadd.s32 $0x10, s18;
	v3 =	vpsel !p1, $0x0, v3  }
0x19b: {  	[tilespmem:s18+$0x0] =	vst v3  }
0x19c: {  	v2 =	vld.idx.msk [tilespmem:v2+s12+$0x0], $0xffff  }
0x19d: {  	v1 =	vld.idx.msk [tilespmem:v1+s11+$0x0], $0xffff;
	_ =	sdelay $0x5  }
0x19e: {  	v1 =	vadd.f32 v2, v1;
	_ =	sdelay $0x1  }
0x19f: {  	v2 =	vmul.f32 $2.000000030e-01, v1  }
0x1a0: {  	vm0 =	vge.f32 v1, $0.0e+00  }
0x1a1: {  	v1 =	vsel vm0, v1, v2  }
0x1a2: {  	v1 =	vmul.f32 $1.442695020e+00, v1;
	_ =	sdelay $0x1  }
0x1a3: {  	(erf) = vpow2.f32 v1  }
.Ltmp5:
0x1a4: {  	(pc) =	sbr.rel @p0 .LBB2_13-.Ltmp5, $3  }
0x1a5: {  	_ =	sdelay $0x1  }
0x1a6: {  	v1 =	vmov s21  }
0x1a7: {  	s21 =	sadd.s32 $0x10, s21;
	v1 =	vshll.u32 v1, $0x4  }
0x1a8: {  	v1 =	vor.u32 v0, v1  }
0x1a9: {  	v2 =	vor.u32 $0xD, v1  }
0x1aa: {  	s19 =	sadd.s32 s16, s19;
	v1 =	vor.u32 $0x5, v1  }
0x1ab: {  	p0 =	slt.u32 s19, $0x50910;
	v3 =	vpop (erf)  }
0x1ac: {  	s18 =	sadd.s32 $0x10, s18;
	v3 =	vpsel !p0, $0x0, v3  }
0x1ad: {  	[tilespmem:s18+$0x0] =	vst v3  }
0x1ae: {  	v2 =	vld.idx.msk [tilespmem:v2+s12+$0x0], $0xffff  }
0x1af: {  	v1 =	vld.idx.msk [tilespmem:v1+s11+$0x0], $0xffff;
	_ =	sdelay $0x4  }
0x1b0: {  	v1 =	vadd.f32 v2, v1;
	_ =	sdelay $0x1  }
0x1b1: {  	v2 =	vmul.f32 $2.000000030e-01, v1  }
0x1b2: {  	vm0 =	vge.f32 v1, $0.0e+00  }
0x1b3: {  	v1 =	vsel vm0, v1, v2  }
0x1b4: {  	v1 =	vmul.f32 $1.442695020e+00, v1;
	_ =	sdelay $0x1  }
0x1b5: {  	(erf) = vpow2.f32 v1;
	_ =	sdelay $0x6  }
0x1b6: {  	s29 =	simm.s32 $0x0  }
0x1b7: {  	s20 =	sadd.s32 s16, s20;
	v1 =	vmov s29  }
0x1b8: {  	p5 =	slt.u32 s20, $0x50910;
	v1 =	vshll.u32 v1, $0x4;
	v2 =	vpop (erf)  }
0x1b9: {  	s18 =	sadd.s32 $0x10, s18;
	v1 =	vor.u32 v0, v1;
	v2 =	vpsel !p5, $0x0, v2  }
0x1ba: {  	s30 =	sadd.s32 $0x32640, s17;
	[tilespmem:s18+$0x0] =	vst v2;
	s18 =	simm.s32 $0x5B60;
	v2 =	vor.u32 $0xE, v1  }
0x1bb: {  	v1 =	vor.u32 $0x6, v1;
	[hbm4b:s30+s29] =	stream.linear.scatter [tilespmem:s18], [sflag:$0x1], $0x2B0, $0x38;
	[tilespmem:$0x5E10] =	vst v63  }
0x1bc: {  	_ =	swait.ge [sflag:s9], $0x2B0  }
0x1bd: {  	[sflag:s9] =	ssyncset.done $0x0  }
0x1be: {  	[sflag:s9] =	ssyncadd.s32 $0xFFFFFD50  }
0x1bf: {  	v2 =	vld.idx.msk [tilespmem:v2+s12+$0x0], $0xffff  }
0x1c0: {  	v1 =	vld.idx.msk [tilespmem:v1+s11+$0x0], $0xffff;
	_ =	sdelay $0x4  }
0x1c1: {  	v1 =	vadd.f32 v2, v1;
	_ =	sdelay $0x1  }
0x1c2: {  	v2 =	vmul.f32 $2.000000030e-01, v1  }
0x1c3: {  	vm14 =	vge.f32 v1, $0.0e+00  }
0x1c4: {  	v1 =	vsel vm14, v1, v2  }
0x1c5: {  	v1 =	vmul.f32 $1.442695020e+00, v1;
	_ =	sdelay $0x1  }
0x1c6: {  	(erf) = vpow2.f32 v1;
	_ =	sdelay $0x2  }
0x1c7: {  	s19 =	simm.s32 $0x10  }
0x1c8: {  	v1 =	vmov s19  }
0x1c9: {  	v1 =	vshll.u32 v1, $0x4  }
0x1ca: {  	v1 =	vor.u32 v0, v1  }
0x1cb: {  	v2 =	vor.u32 $0xE, v1  }
0x1cc: {  	s31 =	sadd.s32 $0x0, s16;
	v1 =	vor.u32 $0x6, v1  }
0x1cd: {  	p6 =	slt.u32 s31, $0x50910;
	v3 =	vpop (erf)  }
0x1ce: {  	v3 =	vpsel !p6, $0x0, v3  }
0x1cf: {  	[tilespmem:s18+$0x0] =	vst v3  }
0x1d0: {  	v2 =	vld.idx.msk [tilespmem:v2+s12+$0x0], $0xffff  }
0x1d1: {  	v1 =	vld.idx.msk [tilespmem:v1+s11+$0x0], $0xffff;
	_ =	sdelay $0x4  }
0x1d2: {  	v1 =	vadd.f32 v2, v1;
	_ =	sdelay $0x1  }
0x1d3: {  	v2 =	vmul.f32 $2.000000030e-01, v1  }
0x1d4: {  	vm15 =	vge.f32 v1, $0.0e+00  }
0x1d5: {  	v1 =	vsel vm15, v1, v2  }
0x1d6: {  	v1 =	vmul.f32 $1.442695020e+00, v1;
	_ =	sdelay $0x1  }
0x1d7: {  	(erf) = vpow2.f32 v1;
	_ =	sdelay $0x2  }
0x1d8: {  	s20 =	simm.s32 $0x20  }
0x1d9: {  	v2 =	vmov s20  }
0x1da: {  	s21 =	simm.s32 $0x30;
	v1 =	vshll.u32 v2, $0x4  }
.LBB2_15:
0x1db: {  	p0 =	sne.s32 s21, $0x2A0;
	v1 =	vor.u32 v0, v1  }
0x1dc: {  	v2 =	vor.u32 $0xE, v1  }
0x1dd: {  	s22 =	sadd.s32 s16, s19;
	s19 =	smov.u32 s20;
	s20 =	smov.u32 s21;
	v1 =	vor.u32 $0x6, v1  }
0x1de: {  	p1 =	slt.u32 s22, $0x50910;
	v3 =	vpop (erf)  }
0x1df: {  	s18 =	sadd.s32 $0x10, s18;
	v3 =	vpsel !p1, $0x0, v3  }
0x1e0: {  	[tilespmem:s18+$0x0] =	vst v3  }
0x1e1: {  	v2 =	vld.idx.msk [tilespmem:v2+s12+$0x0], $0xffff  }
0x1e2: {  	v1 =	vld.idx.msk [tilespmem:v1+s11+$0x0], $0xffff;
	_ =	sdelay $0x5  }
0x1e3: {  	v1 =	vadd.f32 v2, v1;
	_ =	sdelay $0x1  }
0x1e4: {  	v2 =	vmul.f32 $2.000000030e-01, v1  }
0x1e5: {  	vm0 =	vge.f32 v1, $0.0e+00  }
0x1e6: {  	v1 =	vsel vm0, v1, v2  }
0x1e7: {  	v1 =	vmul.f32 $1.442695020e+00, v1;
	_ =	sdelay $0x1  }
0x1e8: {  	(erf) = vpow2.f32 v1  }
.Ltmp6:
0x1e9: {  	(pc) =	sbr.rel @p0 .LBB2_15-.Ltmp6, $3  }
0x1ea: {  	_ =	sdelay $0x1  }
0x1eb: {  	v1 =	vmov s21  }
0x1ec: {  	s21 =	sadd.s32 $0x10, s21;
	v1 =	vshll.u32 v1, $0x4  }
0x1ed: {  	v1 =	vor.u32 v0, v1  }
0x1ee: {  	v2 =	vor.u32 $0xE, v1  }
0x1ef: {  	s19 =	sadd.s32 s16, s19;
	v1 =	vor.u32 $0x6, v1  }
0x1f0: {  	p0 =	slt.u32 s19, $0x50910;
	v3 =	vpop (erf)  }
0x1f1: {  	s18 =	sadd.s32 $0x10, s18;
	v3 =	vpsel !p0, $0x0, v3  }
0x1f2: {  	[tilespmem:s18+$0x0] =	vst v3  }
0x1f3: {  	v2 =	vld.idx.msk [tilespmem:v2+s12+$0x0], $0xffff  }
0x1f4: {  	v1 =	vld.idx.msk [tilespmem:v1+s11+$0x0], $0xffff;
	_ =	sdelay $0x4  }
0x1f5: {  	v1 =	vadd.f32 v2, v1;
	_ =	sdelay $0x1  }
0x1f6: {  	v2 =	vmul.f32 $2.000000030e-01, v1  }
0x1f7: {  	vm0 =	vge.f32 v1, $0.0e+00  }
0x1f8: {  	v1 =	vsel vm0, v1, v2  }
0x1f9: {  	v1 =	vmul.f32 $1.442695020e+00, v1;
	_ =	sdelay $0x1  }
0x1fa: {  	(erf) = vpow2.f32 v1;
	_ =	sdelay $0x6  }
0x1fb: {  	s29 =	simm.s32 $0x0  }
0x1fc: {  	s20 =	sadd.s32 s16, s20;
	v1 =	vmov s29  }
0x1fd: {  	p5 =	slt.u32 s20, $0x50910;
	v1 =	vshll.u32 v1, $0x4;
	v2 =	vpop (erf)  }
0x1fe: {  	s18 =	sadd.s32 $0x10, s18;
	v1 =	vor.u32 v0, v1;
	v2 =	vpsel !p5, $0x0, v2  }
0x1ff: {  	s30 =	sadd.s32 $0x3C780, s17;
	[tilespmem:s18+$0x0] =	vst v2;
	s18 =	simm.s32 $0x5B60;
	v2 =	vor.u32 $0xF, v1  }
0x200: {  	v1 =	vor.u32 $0x7, v1;
	[hbm4b:s30+s29] =	stream.linear.scatter [tilespmem:s18], [sflag:$0x1], $0x2B0, $0x38;
	[tilespmem:$0x5E10] =	vst v63  }
0x201: {  	_ =	swait.ge [sflag:s9], $0x2B0  }
0x202: {  	[sflag:s9] =	ssyncset.done $0x0  }
0x203: {  	[sflag:s9] =	ssyncadd.s32 $0xFFFFFD50  }
0x204: {  	v2 =	vld.idx.msk [tilespmem:v2+s12+$0x0], $0xffff  }
0x205: {  	v1 =	vld.idx.msk [tilespmem:v1+s11+$0x0], $0xffff;
	_ =	sdelay $0x4  }
0x206: {  	v1 =	vadd.f32 v2, v1;
	_ =	sdelay $0x1  }
0x207: {  	v2 =	vmul.f32 $2.000000030e-01, v1  }
0x208: {  	vm14 =	vge.f32 v1, $0.0e+00  }
0x209: {  	v1 =	vsel vm14, v1, v2  }
0x20a: {  	v1 =	vmul.f32 $1.442695020e+00, v1;
	_ =	sdelay $0x1  }
0x20b: {  	(erf) = vpow2.f32 v1;
	_ =	sdelay $0x2  }
0x20c: {  	s19 =	simm.s32 $0x10  }
0x20d: {  	v1 =	vmov s19  }
0x20e: {  	v1 =	vshll.u32 v1, $0x4  }
0x20f: {  	v1 =	vor.u32 v0, v1  }
0x210: {  	v2 =	vor.u32 $0xF, v1  }
0x211: {  	s31 =	sadd.s32 $0x0, s16;
	v1 =	vor.u32 $0x7, v1  }
0x212: {  	p6 =	slt.u32 s31, $0x50910;
	v3 =	vpop (erf)  }
0x213: {  	v3 =	vpsel !p6, $0x0, v3  }
0x214: {  	[tilespmem:s18+$0x0] =	vst v3  }
0x215: {  	v2 =	vld.idx.msk [tilespmem:v2+s12+$0x0], $0xffff  }
0x216: {  	v1 =	vld.idx.msk [tilespmem:v1+s11+$0x0], $0xffff;
	_ =	sdelay $0x4  }
0x217: {  	v1 =	vadd.f32 v2, v1;
	_ =	sdelay $0x1  }
0x218: {  	v2 =	vmul.f32 $2.000000030e-01, v1  }
0x219: {  	vm15 =	vge.f32 v1, $0.0e+00  }
0x21a: {  	v1 =	vsel vm15, v1, v2  }
0x21b: {  	v1 =	vmul.f32 $1.442695020e+00, v1;
	_ =	sdelay $0x1  }
0x21c: {  	(erf) = vpow2.f32 v1;
	_ =	sdelay $0x2  }
0x21d: {  	s20 =	simm.s32 $0x20  }
0x21e: {  	v2 =	vmov s20  }
0x21f: {  	s21 =	simm.s32 $0x30;
	v1 =	vshll.u32 v2, $0x4  }
.LBB2_17:
0x220: {  	p0 =	sne.s32 s21, $0x2A0;
	v1 =	vor.u32 v0, v1  }
0x221: {  	v2 =	vor.u32 $0xF, v1  }
0x222: {  	s22 =	sadd.s32 s16, s19;
	s19 =	smov.u32 s20;
	s20 =	smov.u32 s21;
	v1 =	vor.u32 $0x7, v1  }
0x223: {  	p1 =	slt.u32 s22, $0x50910;
	v3 =	vpop (erf)  }
0x224: {  	s18 =	sadd.s32 $0x10, s18;
	v3 =	vpsel !p1, $0x0, v3  }
0x225: {  	[tilespmem:s18+$0x0] =	vst v3  }
0x226: {  	v2 =	vld.idx.msk [tilespmem:v2+s12+$0x0], $0xffff  }
0x227: {  	v1 =	vld.idx.msk [tilespmem:v1+s11+$0x0], $0xffff;
	_ =	sdelay $0x5  }
0x228: {  	v1 =	vadd.f32 v2, v1;
	_ =	sdelay $0x1  }
0x229: {  	v2 =	vmul.f32 $2.000000030e-01, v1  }
0x22a: {  	vm0 =	vge.f32 v1, $0.0e+00  }
0x22b: {  	v1 =	vsel vm0, v1, v2  }
0x22c: {  	v1 =	vmul.f32 $1.442695020e+00, v1;
	_ =	sdelay $0x1  }
0x22d: {  	(erf) = vpow2.f32 v1  }
.Ltmp7:
0x22e: {  	(pc) =	sbr.rel @p0 .LBB2_17-.Ltmp7, $3  }
0x22f: {  	_ =	sdelay $0x1  }
0x230: {  	v1 =	vmov s21  }
0x231: {  	s21 =	sadd.s32 $0x10, s21;
	v1 =	vshll.u32 v1, $0x4  }
0x232: {  	v1 =	vor.u32 v0, v1  }
0x233: {  	v2 =	vor.u32 $0xF, v1  }
0x234: {  	s19 =	sadd.s32 s16, s19;
	v1 =	vor.u32 $0x7, v1  }
0x235: {  	p0 =	slt.u32 s19, $0x50910;
	v3 =	vpop (erf)  }
0x236: {  	s18 =	sadd.s32 $0x10, s18;
	v3 =	vpsel !p0, $0x0, v3  }
0x237: {  	[tilespmem:s18+$0x0] =	vst v3  }
0x238: {  	v2 =	vld.idx.msk [tilespmem:v2+s12+$0x0], $0xffff  }
0x239: {  	v1 =	vld.idx.msk [tilespmem:v1+s11+$0x0], $0xffff;
	_ =	sdelay $0x4  }
0x23a: {  	v1 =	vadd.f32 v2, v1;
	_ =	sdelay $0x1  }
0x23b: {  	v2 =	vmul.f32 $2.000000030e-01, v1  }
0x23c: {  	vm0 =	vge.f32 v1, $0.0e+00  }
0x23d: {  	v1 =	vsel vm0, v1, v2  }
0x23e: {  	v1 =	vmul.f32 $1.442695020e+00, v1;
	_ =	sdelay $0x1  }
0x23f: {  	(erf) = vpow2.f32 v1;
	_ =	sdelay $0x7  }
0x240: {  	s29 =	sadd.s32 s16, s20  }
0x241: {  	s15 =	sadd.s32 $0x1, s15;
	p6 =	slt.u32 s29, $0x50910;
	v1 =	vpop (erf)  }
0x242: {  	s30 =	sadd.s32 $0x10, s18;
	p0 =	sne.s32 s15, $0xF;
	v1 =	vpsel !p6, $0x0, v1  }
.Ltmp8:
0x243: {  	s31 =	sadd.s32 $0x468C0, s17;
	[tilespmem:s30+$0x0] =	vst v1;
	(pc) =	sbr.rel @p0 .LBB2_2-.Ltmp8, $4  }
0x244: {  	[hbm4b:s31+s5] =	stream.linear.scatter [tilespmem:s13], [sflag:$0x1], $0x2B0, $0x38;
	[tilespmem:$0x5E10] =	vst v63  }
0x245: {  	_ =	swait.ge [sflag:s9], $0x2B0  }
0x246: {  	[sflag:s9] =	ssyncset.done $0x0  }
0x247: {  	[sflag:s9] =	ssyncadd.s32 $0xFFFFFD50  }
0x248: {  	s14 =	sadd.s32 $0x1, s14  }
0x249: {  	p0 =	sne.s32 s14, s8  }
.Ltmp9:
0x24a: {  	_ = 	snop;
	(pc) =	sbr.rel @p0 .LBB2_1-.Ltmp9, $1  }
0x24b: {  	_ =	sdelay $0x3  }
0x24c: {  	_ =	sfence.sel $0x180000  }
0x24d: {  	[bflag:$0x0] =	sbarrier.arrive $0xFFFF  }
0x24e: {  	p0 =	sne.s32 s4, $0x0;
	_ =	strace $0x90000047  }
0x24f: {  	s0 =	sadd.s32 @!p0 $0x100000, s0;
	[bflag:$0x2] =	sbarrier.arrive $0xFFFF  }
0x250: {  	[sflag:s0] =	ssyncadd.tile.s32 @!p0 $0x1;
	_ =	shalt  }
.Lfunc_end2:
_tile_overlayer_lowered:
.L_overlay_start_2:
0x251: {  	(tag) =	ssettag $0x2  }
0x252: {  	s0 =	rddreg [dreg:$0x0];
	s2 =	stileid.u32  }
0x253: {  	s1 =	rddreg [dreg:$0x1];
	p0 =	sne.s32 s2, $0x0  }
0x254: {  	s3 =	rddreg [dreg:$0x2];
	[bflag:$0x3] =	sbarrier.arrive $0xFFFF;
	s2 =	simm.s32 @!p0 $0x1C01  }
0x255: {  	[timem:s3], [sflag:s2] =	dma.local @!p0 [hbm:s0], s1  }
0x256: {  	s0 =	simm.s32 @!p0 $0x1  }
0x257: {  	_ =	swait.ge @!p0 [sflag:s0], s1  }
0x258: {  	s1 =	ssub.s32 @!p0 $0x0, s1;
	[sflag:s0] =	ssyncset.done @!p0 $0x0  }
0x259: {  	[sflag:s0] =	ssyncadd.s32 @!p0 s1  }
0x25a: {  	[bflag:$0x3] =	sbarrier.arrive $0xFFFF  }
0x25b: {  	_ =	shalt  }

// kernel: _run1.8.cloned.1.call-start
scs
__scs_entry_jumppad:
0x0: {  	(pc) =	sbr.rel $0x88, $3  }
0x1: {  	(tag) =	ssettag $0x0;
	lr =	simm.s32 $0x1  }
0x2: {  	[smem:$0x3F9C] =	sst lr;
	_ =	strace $0xD0000000  }
0x3: {  	_ = 	snop  }
0x4: {  	_ = 	snop  }
0x5: {  	_ = 	snop  }
0x6: {  	_ = 	snop  }
0x7: {  	_ = 	snop  }
__scs_overlays_trampoline_lowered:
0x8: {  	[smem:$0x3FAB] =	sst s0  }
0x9: {  	[smem:$0x3FAC] =	sst s1  }
0xa: {  	[smem:$0x3FAD] =	sst s2  }
0xb: {  	[smem:$0x3FAE] =	sst s3  }
0xc: {  	[smem:$0x3FAF] =	sst s4  }
0xd: {  	[smem:$0x3FB0] =	sst s5  }
0xe: {  	[smem:$0x3FB1] =	sst s6  }
0xf: {  	[smem:$0x3FB2] =	sst s7  }
0x10: {  	[smem:$0x3FB3] =	sst s8  }
0x11: {  	[smem:$0x3FB4] =	sst s9;
	s0 =	simm.s32 @!p0 $0x0  }
0x12: {  	s1 =	sld [smem:$0x3F9A];
	s0 =	simm.s32 @p0 $0x1  }
0x13: {  	[smem:$0x3FB5] =	sst s0;
	s0 =	simm.s32 @!p1 $0x0  }
0x14: {  	s2 =	sld [smem:$0x3F99];
	s0 =	simm.s32 @p1 $0x1  }
0x15: {  	[smem:$0x3FB6] =	sst s0;
	s0 =	simm.s32 @!p2 $0x0  }
0x16: {  	s3 =	sld [smem:$0x3FDB];
	s0 =	simm.s32 @p2 $0x1  }
0x17: {  	s4 =	simm.s32 $0x1BF5;
	[smem:$0x3FB8] =	sst s0  }
0x18: {  	s0 =	sld [smem:$0x3F9B];
	_ =	swait.ge [sflag:s4], $0x0  }
0x19: {  	s7 =	sld [smem:$0x3F9C]  }
0x1a: {  	s8 =	sadd.s32 $0xFFFFE003, lr  }
0x1b: {  	s9 =	sadd.s32 $0xFFFFFEF7, lr;
	s5 =	simm.s32 $0xFFFFFFFF;
	p2 =	slt.u32 s8, $0xFFFFF086  }
0x1c: {  	p1 =	slt.u32 s9, $0xF7A;
	s5 =	simm.s32 @!p2 $0x0  }
0x1d: {  	s5 =	simm.s32 @p1 $0x1;
	p0 =	seq.s32 s7, s2  }
0x1e: {  	s7 =	smul.u32 @!p0 $0xF7A, s2;
	p2 =	seq.s32 @!p0 s5, $0x0  }
0x1f: {  	s9 =	smul.u32 $0xF7A, s1;
	s8 =	simm.s32 @!p0 $0x1BF5;
	p2 =	por !p2, p0  }
0x20: {  	[sflag:s8] =	ssyncset.s32 @!p0 $0xFFFFF086;
	s6 =	sadd.s32 @!p0 s3, s7;
	s7 =	simm.s32 @!p0 $0x108  }
0x21: {  	s3 =	sadd.s32 s3, s9;
	s6 =	sadd.s32 @!p0 $0x88, s6;
	s7 =	simm.s32 @p2 $0x1082  }
0x22: {  	[simem:s7], [sflag:s8] =	dma.local @!p0 [hbm:s6], $0xF7A  }
0x23: {  	s9 =	sor.u32 $0xD0000000, s2;
	s6 =	simm.s32 $0x108;
	_ =	swait.ge @!p0 [sflag:s8], $0x0  }
0x24: {  	s3 =	sadd.s32 $0x88, s3;
	s6 =	simm.s32 @!p1 $0x1082;
	[sflag:s4] =	ssyncset.s32 $0xFFFFF086  }
0x25: {  	[simem:s6], [sflag:s4] =	dma.local [hbm:s3], $0xF7A  }
0x26: {  	[smem:$0x3F9C] =	sst s1;
	(tag) =	ssettag s2;
	_ =	strace s9  }
0x27: {  	s1 =	sld [smem:$0x3FAC]  }
0x28: {  	s2 =	sld [smem:$0x3FAD]  }
0x29: {  	s4 =	sld [smem:$0x3FAF]  }
0x2a: {  	p0 =	seq.s32 s5, $0x0;
	s5 =	sld [smem:$0x3FB0]  }
0x2b: {  	s6 =	sld [smem:$0x3FB1]  }
0x2c: {  	s7 =	sld [smem:$0x3FB2]  }
0x2d: {  	s3 =	simm.s32 $0x108;
	s8 =	sld [smem:$0x3FB3]  }
0x2e: {  	s3 =	simm.s32 @!p0 $0x1082;
	s9 =	sld [smem:$0x3FB4]  }
0x2f: {  	lr =	sadd.s32 s0, s3;
	s0 =	sld [smem:$0x3FAB]  }
0x30: {  	s3 =	sld [smem:$0x3FAE]  }
0x31: {  	[smem:$0x3FB7] =	sst s10  }
0x32: {  	s10 =	sld [smem:$0x3FB5];
	_ =	sdelay $0x3  }
0x33: {  	p0 =	seq.s32 s10, $0x1;
	s10 =	sld [smem:$0x3FB7];
	_ =	sdelay $0x3  }
0x34: {  	[smem:$0x3FB7] =	sst s10  }
0x35: {  	s10 =	sld [smem:$0x3FB6];
	_ =	sdelay $0x3  }
0x36: {  	p1 =	seq.s32 s10, $0x1;
	s10 =	sld [smem:$0x3FB7];
	_ =	sdelay $0x3  }
0x37: {  	[smem:$0x3FB7] =	sst s10  }
0x38: {  	s10 =	sld [smem:$0x3FB8]  }
0x39: {  	_ = 	snop;
	(pc) =	sbr.ind lr, $3  }
0x3a: {  	_ = 	snop  }
0x3b: {  	_ = 	snop  }
0x3c: {  	p2 =	seq.s32 s10, $0x1;
	s10 =	sld [smem:$0x3FB7]  }
0x3d: {  	_ =	shalt  }
0x3e: {  	_ =	shalt  }
0x3f: {  	_ =	shalt  }
0x40: {  	_ =	shalt  }
0x41: {  	_ =	shalt  }
0x42: {  	_ =	shalt  }
0x43: {  	_ =	shalt  }
0x44: {  	_ =	shalt  }
0x45: {  	_ =	shalt  }
0x46: {  	_ =	shalt  }
0x47: {  	_ =	shalt  }
0x48: {  	_ =	shalt  }
0x49: {  	_ =	shalt  }
0x4a: {  	_ =	shalt  }
0x4b: {  	_ =	shalt  }
0x4c: {  	_ =	shalt  }
0x4d: {  	_ =	shalt  }
0x4e: {  	_ =	shalt  }
0x4f: {  	_ =	shalt  }
0x50: {  	_ =	shalt  }
0x51: {  	_ =	shalt  }
0x52: {  	_ =	shalt  }
0x53: {  	_ =	shalt  }
0x54: {  	_ =	shalt  }
0x55: {  	_ =	shalt  }
0x56: {  	_ =	shalt  }
0x57: {  	_ =	shalt  }
0x58: {  	_ =	shalt  }
0x59: {  	_ =	shalt  }
0x5a: {  	_ =	shalt  }
0x5b: {  	_ =	shalt  }
0x5c: {  	_ =	shalt  }
0x5d: {  	_ =	shalt  }
0x5e: {  	_ =	shalt  }
0x5f: {  	_ =	shalt  }
0x60: {  	_ =	shalt  }
0x61: {  	_ =	shalt  }
0x62: {  	_ =	shalt  }
0x63: {  	_ =	shalt  }
0x64: {  	_ =	shalt  }
0x65: {  	_ =	shalt  }
0x66: {  	_ =	shalt  }
0x67: {  	_ =	shalt  }
0x68: {  	_ =	shalt  }
0x69: {  	_ =	shalt  }
0x6a: {  	_ =	shalt  }
0x6b: {  	_ =	shalt  }
0x6c: {  	_ =	shalt  }
0x6d: {  	_ =	shalt  }
0x6e: {  	_ =	shalt  }
0x6f: {  	_ =	shalt  }
0x70: {  	_ =	shalt  }
0x71: {  	_ =	shalt  }
0x72: {  	_ =	shalt  }
0x73: {  	_ =	shalt  }
0x74: {  	_ =	shalt  }
0x75: {  	_ =	shalt  }
0x76: {  	_ =	shalt  }
0x77: {  	_ =	shalt  }
0x78: {  	_ =	shalt  }
0x79: {  	_ =	shalt  }
0x7a: {  	_ =	shalt  }
0x7b: {  	_ =	shalt  }
0x7c: {  	_ =	shalt  }
0x7d: {  	_ =	shalt  }
0x7e: {  	_ =	shalt  }
0x7f: {  	_ =	shalt  }
0x80: {  	_ =	shalt  }
0x81: {  	_ =	shalt  }
0x82: {  	_ =	shalt  }
0x83: {  	_ =	shalt  }
0x84: {  	_ =	shalt  }
0x85: {  	_ =	shalt  }
0x86: {  	_ =	shalt  }
0x87: {  	_ =	shalt  }
.Lfunc_end0:
.L_simem_size_0:
called_computation.1_lowered:
.L_overlay_start_0:
0x88: {  	s2 =	sld [smem:$0x3FD9]  }
0x89: {  	s3 =	sld [smem:$0x3FFE];
	_ =	sdelay $0x1  }
0x8a: {  	s1 =	srdreg.scid  }
0x8b: {  	s0 =	sand.u32 $0x1, s1  }
0x8c: {  	s14 =	sshll.u32 s0, $0xA;
	s2 =	sadd.s32 s3, s2  }
0x8d: {  	s2 =	sadd.s32 s2, s14  }
0x8e: {  	[smem:$0x3FC3] =	sst s2  }
0x8f: {  	_ = 	snop  }
0x90: {  	s2 =	sld [smem:$0x3FD0];
	_ =	sdelay $0x2  }
0x91: {  	s15 =	simm.s32 $0xA;
	s4 =	simm.s32 $0x10  }
0x92: {  	[smem:s4], [sflag:s15] =	dma.local [hbm:s2], $0x1  }
0x93: {  	_ =	swait.eq [sflag:s15], $0x1  }
0x94: {  	s16 =	sld [smem:$0x10]  }
0x95: {  	s17 =	sld [smem:$0x11]  }
0x96: {  	s5 =	sld [smem:$0x12];
	[sflag:s15] =	ssyncset.done $0x0  }
0x97: {  	s6 =	sld [smem:$0x13];
	[sflag:s15] =	ssyncadd.s32 $0xFFFFFFFF  }
0x98: {  	s18 =	sld [smem:$0x14];
	(tm) =	ssettm $0x1  }
0x99: {  	s7 =	sld [smem:$0x3FFB];
	_ =	sdelay $0x3  }
0x9a: {  	_ =	strace s7  }
0x9b: {  	s7 =	sld [smem:$0x3FFC];
	_ =	sdelay $0x3  }
0x9c: {  	_ =	strace s7  }
0x9d: {  	s7 =	sld [smem:$0x3FFD];
	_ =	sdelay $0x3  }
0x9e: {  	_ =	strace s7  }
0x9f: {  	_ =	strace $0x8FFFFFFF  }
0xa0: {  	s19 =	sld [smem:$0x3FDB];
	_ =	sdelay $0x1  }
0xa1: {  	s8 =	simm.s32 $_scs_section_size  }
0xa2: {  	s9 =	simm.s32 $_size__tile_overlayer_lowered;
	s10 =	simm.s32 $_tile_overlayer_lowered  }
0xa3: {  	s22 =	simm.s32 $0x1BFF;
	s21 =	sshll.u32 s10, $0x1;
	s7 =	sadd.s32 s8, s19  }
0xa4: {  	s11 =	simm.s32 $0x0;
	s20 =	sshll.u32 s9, $0x1;
	s9 =	sadd.s32 s21, s7  }
0xa5: {  	[timem:s11], [sflag:s22] =	dma.local [hbm:s9], s20  }
0xa6: {  	_ =	swait.ge [sflag:s22], s20  }
0xa7: {  	s8 =	ssub.s32 $0x0, s20;
	[sflag:s22] =	ssyncset.done $0x0  }
0xa8: {  	[sflag:s22] =	ssyncadd.s32 s8;
	_ =	sdelay $0x1  }
0xa9: {  	s23 =	simm.s32 $0x1B8B  }
0xaa: {  	_ =	swait.ge [sflag:s23], $0x1  }
0xab: {  	[sflag:s23] =	ssyncset.done $0x0  }
0xac: {  	s25 =	simm.s32 $0x1B8E;
	s24 =	sld [smem:$0x3FFE];
	[sflag:s23] =	ssyncadd.s32 $0xFFFFFFFF  }
0xad: {  	s26 =	simm.s32 $execute0_lowered;
	[smem:$0x3FD2] =	sst s25  }
0xae: {  	s9 =	sshll.u32 s26, $0x1;
	_ =	strace $0x80000049;
	[dreg:$0x1] =	wrdreg $0xFFFFFFFF  }
0xaf: {  	s28 =	simm.s32 $_size_execute0_lowered;
	s7 =	sadd.s32 s7, s9;
	[dreg:$0x0] =	wrdreg $0x0  }
0xb0: {  	s9 =	sshll.u32 s28, $0x1;
	[dreg:$0x2] =	wrdreg s7  }
0xb1: {  	[dreg:$0x3] =	wrdreg s9  }
0xb2: {  	[dreg:$0x4] =	wrdreg $0xC0  }
0xb3: {  	_ =	task [dreg:s11], $0x5FFFF  }
0xb4: {  	[dreg:$0x1] =	wrdreg $0xFFFFFFFF  }
0xb5: {  	[dreg:$0x0] =	wrdreg $0x60  }
0xb6: {  	[dreg:$0x2] =	wrdreg s16  }
0xb7: {  	[dreg:$0x3] =	wrdreg s17  }
0xb8: {  	[dreg:$0x4] =	wrdreg s24  }
0xb9: {  	[dreg:$0x5] =	wrdreg s5  }
0xba: {  	[dreg:$0x6] =	wrdreg s18  }
0xbb: {  	[dreg:$0x7] =	wrdreg s6  }
0xbc: {  	[dreg:$0x8] =	wrdreg $0x137400  }
0xbd: {  	[dreg:$0x9] =	wrdreg $0x9  }
0xbe: {  	_ =	task.clear_ibuf [dreg:s11], $0xAFFFF;
	_ =	strace $0x90000049  }
0xbf: {  	s29 =	simm.s32 $0x9;
	_ =	strace $0x8000004B  }
0xc0: {  	_ =	swait.ge [sflag:s29], $0x1  }
0xc1: {  	[sflag:s29] =	ssyncadd.s32 $0xFFFFFFFF  }
0xc2: {  	_ =	strace $0x9000004B  }
0xc3: {  	_ =	sfence  }
0xc4: {  	s30 =	sld [smem:$0x0];
	_ =	sdelay $0x2  }
0xc5: {  	s31 =	sshll.u32 s1, $0xD;
	s1 =	sshrl.u32 s1, $0x2  }
0xc6: {  	s3 =	sand.u32 $0x4000, s31;
	s1 =	sadd.s32 s1, s30  }
0xc7: {  	s0 =	sor.u32 s3, s0;
	s1 =	sshll.u32 s1, $0x11  }
0xc8: {  	s0 =	sor.u32 s1, s0  }
0xc9: {  	s0 =	sadd.s32 $0x8F2B, s0  }
0xca: {  	[sflag:s0] =	ssyncadd.remote.s32 $0x1  }
0xcb: {  	_ =	sfence.sel $0xFFFF  }
0xcc: {  	[dreg:$0x0] =	wrdreg $0xFFFFFFFF;
	(pc) =	sbr.abs _section_cstart, $3  }
0xcd: {  	[dreg:$0x1] =	wrdreg $0xFFFFFFFF  }
0xce: {  	_ =	task.clear_ibuf [dreg:s11], $0x2FFFF;
	_ =	strace $0x9FFFFFFF  }
0xcf: {  	(tm) =	ssettm $0x7FFFFFFF  }
tec
execute0_lowered:
.L_overlay_start_1:
0x0: {  	(tag) =	ssettag $0x1  }
0x1: {  	s0 =	rddreg [dreg:$0x0]  }
0x2: {  	s2 =	rddreg [dreg:$0x1]  }
0x3: {  	s1 =	rddreg [dreg:$0x2]  }
0x4: {  	s3 =	rddreg [dreg:$0x3]  }
0x5: {  	s4 =	rddreg [dreg:$0x4]  }
0x6: {  	s19 =	rddreg [dreg:$0x5]  }
0x7: {  	s5 =	rddreg [dreg:$0x6];
	s6 =	simm.s32 $0x0;
	s7 =	srdreg.scid  }
0x8: {  	s14 =	stileid.u32;
	s28 =	simm.s32 $0x5A0;
	s29 =	simm.s32 $0xA140  }
0x9: {  	s30 =	simm.s32 $0x960;
	s31 =	simm.s32 $0x1;
	[smem:$0x7FF] =	sst s6  }
0xa: {  	s7 =	sand.u32 $0x1, s7;
	s8 =	sadd.s32 $0x272000, s1;
	s15 =	sadd.s32 $0x2400, s1  }
0xb: {  	s13 =	smul.u32 $0xC350, s14;
	s9 =	sadd.s32 $0xC5A00, s1;
	s22 =	sshll.u32 s14, $0x6  }
0xc: {  	_ =	strace $0x8000004A;
	s10 =	ssub.s32 $0x2, s7;
	p0 =	seq.s32 s7, $0x0  }
0xd: {  	s11 =	sshrl.u32 s10, $0x1;
	s12 =	sadd.s32 s13, s5;
	s13 =	sshrl.u32 s13, $0x3  }
0xe: {  	s19 =	smov.u32 @p0 s4;
	s21 =	ssub.s32 s10, s11;
	s10 =	smul.u32 $0x50A0, s14  }
0xf: {  	s9 =	smov.u32 @p0 s15;
	p0 =	sne.s32 s7, $0x0;
	s11 =	smul.u32 $0x271, s14  }
0x10: {  	s13 =	sadd.s32 s3, s13;
	s14 =	sor.u32 $0x1C03, s22;
	s26 =	sshrl.u32 s12, $0x3  }
0x11: {  	s1 =	smax.u32 s21, $0x1;
	[dreg:$0xc] =	wrdreg s26;
	s16 =	sshrl.u32 s10, $0x3  }
.Ltmp0:
0x12: {  	[dreg:$0xb] =	wrdreg s1;
	s23 =	sadd.s32 s0, s16;
	(pc) =	sbr.rel .LBB2_1-.Ltmp0, $4  }
0x13: {  	s22 =	simm.s32 $0x780;
	s24 =	sadd.s32 s8, s16;
	[dreg:$0x8] =	wrdreg s23  }
0x14: {  	s21 =	simm.s32 $0x3;
	s25 =	sadd.s32 s2, s16;
	[dreg:$0x9] =	wrdreg s24  }
0x15: {  	s26 =	simm.s32 $0x2;
	s1 =	simm.s32 $0x0;
	[dreg:$0xa] =	wrdreg s25  }
0x16: {  	s23 =	simm.s32 $0x3C0;
	s24 =	simm.s32 $0x1E0;
	s25 =	simm.s32 $0xB40  }
.LBB2_17:
0x17: {  	s1 =	sadd.s32 $0x1, s1;
	s3 =	rddreg [dreg:$0xb]  }
0x18: {  	p1 =	sne.s32 s1, s3  }
.Ltmp1:
0x19: {  	_ = 	snop;
	(pc) =	sbr.rel @!p1 .LBB2_18-.Ltmp1, $1  }
0x1a: {  	_ =	sdelay $0x3  }
.LBB2_1:
0x1b: {  	s3 =	rddreg [dreg:$0xc]  }
0x1c: {  	[spmem:s3], [sflag:s14] =	dma.local [hbm:s13], $0x186A  }
0x1d: {  	_ =	swait.ge [sflag:s21], $0x186A  }
0x1e: {  	[sflag:s21] =	ssyncset.done $0x0  }
0x1f: {  	[sflag:s21] =	ssyncadd.s32 $0xFFFFE796  }
0x20: {  	[bflag:$0x0] =	sbarrier.arrive $0xFFFF  }
0x21: {  	s17 =	rddreg [dreg:$0x8]  }
0x22: {  	[tilespmem:s6], [sflag:$0x3] =	stream.linear.gather [hbm4b:s17+s6], $0x1E0, $0x38;
	[tilespmem:$0x1FA90] =	vst v63  }
0x23: {  	_ =	swait.ge [sflag:s21], $0x1E0  }
0x24: {  	[sflag:s21] =	ssyncset.done $0x0  }
0x25: {  	s18 =	rddreg [dreg:$0x9];
	[sflag:s21] =	ssyncadd.s32 $0xFFFFFE20  }
0x26: {  	[tilespmem:s22], [sflag:$0x3] =	stream.linear.gather [hbm4b:s18+s6], $0x1E0, $0x38;
	[tilespmem:$0x1FA90] =	vst v63  }
0x27: {  	_ =	swait.ge [sflag:s21], $0x1E0  }
0x28: {  	[sflag:s21] =	ssyncset.done $0x0  }
0x29: {  	s20 =	rddreg [dreg:$0xa];
	[sflag:s21] =	ssyncadd.s32 $0xFFFFFE20  }
0x2a: {  	[tilespmem:s23], [sflag:$0x3] =	stream.linear.gather [hbm4b:s20+s6], $0x1E0, $0x38;
	[tilespmem:$0x1FA90] =	vst v63  }
.Ltmp2:
0x2b: {  	_ = 	snop;
	(pc) =	sbr.rel .LBB2_2-.Ltmp2, $4  }
0x2c: {  	_ =	swait.ge [sflag:s21], $0x1E0  }
0x2d: {  	[sflag:s21] =	ssyncset.done $0x0  }
0x2e: {  	s7 =	simm.s32 $0x0;
	[sflag:s21] =	ssyncadd.s32 $0xFFFFFE20  }
0x2f: {  	[tilespmem:s25], [sflag:$0x1] =	stream.indirect.gather [hbm4b:s19+s24], $0x50, s6, s24, $0xb8;
	[tilespmem:$0x1FA90] =	vst v63  }
.LBB2_16:
0x30: {  	s7 =	sadd.s32 $0x1, s7  }
0x31: {  	p1 =	sne.s32 s7, $0x158  }
.Ltmp3:
0x32: {  	_ = 	snop;
	(pc) =	sbr.rel @!p1 .LBB2_17-.Ltmp3, $1  }
0x33: {  	_ =	sdelay $0x3  }
.LBB2_2:
0x34: {  	s15 =	sand.u32 $0x1, s7  }
0x35: {  	p1 =	seq.s32 s15, $0x1  }
.Ltmp4:
0x36: {  	_ = 	snop;
	(pc) =	sbr.rel @p1 .LBB2_8-.Ltmp4, $1  }
0x37: {  	_ =	sdelay $0x3  }
0x38: {  	s3 =	sor.u32 $0x1, s7  }
0x39: {  	s16 =	sand.u32 $0xFFFF, s3  }
0x3a: {  	s16 =	smul.u32 $0xBE83, s16;
	_ =	sdelay $0x1  }
0x3b: {  	s17 =	sshrl.u32 s16, $0x15  }
0x3c: {  	s16 =	smul.u32 $0x2B, s17;
	_ =	sdelay $0x1  }
0x3d: {  	s3 =	ssub.s32 s3, s16  }
0x3e: {  	s3 =	smul.u32 $0x1E0, s3;
	_ =	sdelay $0x1  }
0x3f: {  	s3 =	sand.u32 $0xFFE0, s3  }
0x40: {  	s3 =	sadd.s32 s3, s10  }
0x41: {  	s16 =	sshrl.u32 s3, $0x3  }
0x42: {  	s20 =	simm.s32 $0x0;
	s4 =	smul.u32 $0x50A00, s17;
	s18 =	sadd.s32 s0, s16  }
0x43: {  	[tilespmem:s24], [sflag:$0x3] =	stream.linear.gather [hbm4b:s18+s20], $0x1E0, $0x38;
	[tilespmem:$0x1FA90] =	vst v63  }
0x44: {  	s3 =	sadd.s32 s4, s3;
	_ =	swait.ge [sflag:s21], $0x1E0  }
0x45: {  	s3 =	sshrl.u32 s3, $0x3;
	[sflag:s21] =	ssyncset.done $0x0  }
0x46: {  	s3 =	sadd.s32 s8, s3;
	[sflag:s21] =	ssyncadd.s32 $0xFFFFFE20  }
0x47: {  	[tilespmem:s30], [sflag:$0x3] =	stream.linear.gather [hbm4b:s3+s20], $0x1E0, $0x38;
	[tilespmem:$0x1FA90] =	vst v63  }
0x48: {  	s20 =	smul.u32 $0x2710, s17;
	_ =	swait.ge [sflag:s21], $0x1E0  }
0x49: {  	[sflag:s21] =	ssyncset.done $0x0  }
0x4a: {  	s17 =	simm.s32 $0x0;
	s3 =	simm.s32 $0x40;
	v0 =	vmov s20;
	[sflag:s21] =	ssyncadd.s32 $0xFFFFFE20  }
.LBB2_4:
0x4b: {  	p1 =	sne.s32 s3, $0x740;
	v1 =	vld [tilespmem:s17+$0x1E0];
	_ =	sdelay $0x1  }
.Ltmp5:
0x4c: {  	(pc) =	sbr.rel @p1 .LBB2_4-.Ltmp5, $3  }
0x4d: {  	_ =	sdelay $0x1  }
0x4e: {  	v1 =	vadd.s32 v0, v1  }
0x4f: {  	[tilespmem:s17+$0x1E0] =	vst v1;
	s17 =	sshra.s32 s3, $0x2;
	s3 =	sadd.s32 $0x40, s3  }
0x50: {  	v1 =	vld [tilespmem:s17+$0x1E0];
	_ =	sdelay $0x4  }
0x51: {  	v0 =	vadd.s32 v0, v1  }
0x52: {  	s3 =	sadd.s32 s2, s16;
	s4 =	simm.s32 $0x0;
	[tilespmem:s17+$0x1E0] =	vst v0  }
0x53: {  	[tilespmem:s28], [sflag:$0x3] =	stream.linear.gather [hbm4b:s3+s4], $0x1E0, $0x38;
	[tilespmem:$0x1FA90] =	vst v63  }
0x54: {  	_ =	swait.ge [sflag:s21], $0x1E0  }
0x55: {  	[sflag:s21] =	ssyncset.done $0x0  }
0x56: {  	[sflag:s21] =	ssyncadd.s32 $0xFFFFFE20  }
0x57: {  	_ =	swait.ge [sflag:s31], $0x9600  }
0x58: {  	[sflag:s31] =	ssyncset.done $0x0  }
0x59: {  	s16 =	simm.s32 $0xDC0;
	[sflag:s31] =	ssyncadd.s32 $0xFFFF6A00  }
0x5a: {  	[tilespmem:s29], [sflag:$0x2] =	stream.indirect.gather [hbm4b:s19+s24], $0x50, s24, s24, $0xb8;
	[tilespmem:$0x1FA90] =	vst v63  }
0x5b: {  	v1 =	vld [tilespmem:s16+$0x210]  }
0x5c: {  	v0 =	vld [tilespmem:s16+$0x140]  }
0x5d: {  	v3 =	vld [tilespmem:s16+$0x120]  }
0x5e: {  	s20 =	simm.s32 $0x0;
	v4 =	vld [tilespmem:s16+$0x110]  }
0x5f: {  	v2 =	vld [tilespmem:s20+$0x780]  }
0x60: {  	v5 =	vld [tilespmem:s16+$0x100]  }
0x61: {  	v6 =	vld [tilespmem:s16+$0xF0]  }
0x62: {  	v7 =	vld [tilespmem:s16+$0xE0]  }
0x63: {  	v8 =	vld [tilespmem:s16+$0xD0]  }
0x64: {  	v9 =	vld [tilespmem:s16+$0xC0];
	v10 =	vbroadcast v2, $0xB  }
0x65: {  	v12 =	vld [tilespmem:s16+$0xB0];
	v11 =	vbroadcast v2, $0xA  }
0x66: {  	v13 =	vld [tilespmem:s16+$0xA0];
	v6 =	vmul.f32 v6, v10  }
0x67: {  	v14 =	vld [tilespmem:s16+$0x90];
	v7 =	vmul.f32 v7, v11  }
0x68: {  	v15 =	vld [tilespmem:s16+$0x80];
	v8 =	vmul.f32 v8, v11;
	[tilespmem:s16+$0xF0] =	vst v6  }
0x69: {  	v16 =	vld [tilespmem:s16+$0x60];
	v9 =	vmul.f32 v9, v11;
	[tilespmem:s16+$0xE0] =	vst v7  }
0x6a: {  	v12 =	vmul.f32 v12, v11;
	v6 =	vld [tilespmem:s16+$0x70];
	[tilespmem:s16+$0xD0] =	vst v8  }
0x6b: {  	v11 =	vmul.f32 v13, v11;
	v8 =	vld [tilespmem:s16+$0x50];
	[tilespmem:s16+$0xC0] =	vst v9  }
0x6c: {  	v4 =	vmul.f32 v4, v10;
	v9 =	vld [tilespmem:s16+$0x130];
	[tilespmem:s16+$0xB0] =	vst v12  }
0x6d: {  	v3 =	vmul.f32 v3, v10;
	v7 =	vbroadcast v2, $0x9;
	v12 =	vld [tilespmem:s16+$0x40];
	[tilespmem:s16+$0xA0] =	vst v11  }
0x6e: {  	v11 =	vld [tilespmem:s16+$0x30];
	[tilespmem:s16+$0x110] =	vst v4;
	v4 =	vmul.f32 v5, v10  }
0x6f: {  	v5 =	vld [tilespmem:s16+$0xFFFFFFD0];
	[tilespmem:s16+$0x120] =	vst v3;
	v13 =	vmul.f32 v14, v7;
	v14 =	vmul.f32 v15, v7  }
0x70: {  	v3 =	vld [tilespmem:s16+$0xFFFFFFB0];
	[tilespmem:s16+$0x100] =	vst v4  }
0x71: {  	v15 =	vmul.f32 v16, v7;
	[tilespmem:s16+$0x80] =	vst v14;
	v14 =	vld [tilespmem:s16+$0x0]  }
0x72: {  	[tilespmem:s16+$0x90] =	vst v13;
	v13 =	vld [tilespmem:s16+$0x20];
	v6 =	vmul.f32 v6, v7  }
0x73: {  	v4 =	vld [tilespmem:s16+$0xFFFFFFA0];
	[tilespmem:s16+$0x60] =	vst v15;
	v15 =	vbroadcast v2, $0x8;
	v7 =	vmul.f32 v8, v7  }
0x74: {  	v16 =	vld [tilespmem:s16+$0xFFFFFDD0];
	v8 =	vmul.f32 v9, v10;
	[tilespmem:s16+$0x70] =	vst v6  }
0x75: {  	v9 =	vld [tilespmem:s16+$0xFFFFFFF0];
	v12 =	vmul.f32 v12, v15;
	[tilespmem:s16+$0x50] =	vst v7  }
0x76: {  	v6 =	vld [tilespmem:s16+$0x10];
	[tilespmem:s16+$0x130] =	vst v8;
	v8 =	vbroadcast v2, $0x7;
	v14 =	vmul.f32 v14, v15  }
0x77: {  	v10 =	vld [tilespmem:s16+$0xFFFFFFC0];
	[tilespmem:s16+$0x40] =	vst v12;
	v12 =	vmul.f32 v13, v15  }
0x78: {  	v7 =	vld [tilespmem:s16+$0xFFFFFFE0];
	v5 =	vmul.f32 v5, v8;
	[tilespmem:s16+$0x0] =	vst v14  }
0x79: {  	v13 =	vld [tilespmem:s16+$0xFFFFFF80];
	v3 =	vmul.f32 v3, v8;
	[tilespmem:s16+$0x20] =	vst v12  }
0x7a: {  	v9 =	vmul.f32 v9, v8;
	v14 =	vld [tilespmem:s16+$0xFFFFFF90];
	[tilespmem:s16+$0xFFFFFFD0] =	vst v5  }
0x7b: {  	v12 =	vbroadcast v2, $0x6;
	v5 =	vld [tilespmem:s16+$0xFFFFFF30];
	[tilespmem:s16+$0xFFFFFFB0] =	vst v3;
	v6 =	vmul.f32 v6, v15  }
0x7c: {  	[tilespmem:s16+$0xFFFFFFF0] =	vst v9;
	v9 =	vmul.f32 v11, v15;
	v11 =	vld [tilespmem:s16+$0xFFFFFF70]  }
0x7d: {  	v15 =	vld [tilespmem:s16+$0xFFFFFF50];
	v4 =	vmul.f32 v4, v12;
	[tilespmem:s16+$0x10] =	vst v6  }
0x7e: {  	v10 =	vmul.f32 v10, v8;
	v6 =	vld [tilespmem:s16+$0xFFFFFF60];
	[tilespmem:s16+$0x30] =	vst v9  }
0x7f: {  	v9 =	vld [tilespmem:s16+$0xFFFFFF40];
	[tilespmem:s16+$0xFFFFFFA0] =	vst v4;
	v4 =	vmul.f32 v7, v8  }
0x80: {  	[tilespmem:s16+$0xFFFFFFC0] =	vst v10;
	v7 =	vbroadcast v2, $0x5;
	v8 =	vld [tilespmem:s16+$0xFFFFFF00];
	v10 =	vmul.f32 v14, v12  }
0x81: {  	v14 =	vld [tilespmem:s16+$0xFFFFFF20];
	v3 =	vmul.f32 v11, v12;
	[tilespmem:s16+$0xFFFFFFE0] =	vst v4  }
0x82: {  	v11 =	vld [tilespmem:s16+$0xFFFFFF10];
	v5 =	vmul.f32 v5, v7;
	[tilespmem:s16+$0xFFFFFF90] =	vst v10  }
0x83: {  	v10 =	vmul.f32 v13, v12;
	v13 =	vld [tilespmem:s16+$0xFFFFFEF0];
	[tilespmem:s16+$0xFFFFFF70] =	vst v3  }
0x84: {  	v3 =	vmul.f32 v15, v7;
	v15 =	vld [tilespmem:s16+$0xFFFFFEE0];
	[tilespmem:s16+$0xFFFFFF30] =	vst v5  }
0x85: {  	v4 =	vmul.f32 v9, v7;
	v9 =	vld [tilespmem:s16+$0xFFFFFED0];
	[tilespmem:s16+$0xFFFFFF80] =	vst v10  }
0x86: {  	v10 =	vld [tilespmem:s16+$0xFFFFFEC0];
	[tilespmem:s16+$0xFFFFFF50] =	vst v3;
	v3 =	vmul.f32 v6, v12  }
0x87: {  	v6 =	vld [tilespmem:s16+$0xFFFFFEB0];
	[tilespmem:s16+$0xFFFFFF40] =	vst v4;
	v4 =	vbroadcast v2, $0x4;
	v5 =	vmul.f32 v14, v7  }
0x88: {  	v12 =	vld [tilespmem:s16+$0xFFFFFEA0];
	v11 =	vmul.f32 v11, v7;
	[tilespmem:s16+$0xFFFFFF60] =	vst v3  }
0x89: {  	v14 =	vld [tilespmem:s16+$0xFFFFFE70];
	v3 =	vmul.f32 v13, v4;
	[tilespmem:s16+$0xFFFFFF20] =	vst v5  }
0x8a: {  	v7 =	vld [tilespmem:s16+$0xFFFFFE90];
	v5 =	vmul.f32 v8, v4;
	[tilespmem:s16+$0xFFFFFF10] =	vst v11  }
0x8b: {  	v13 =	vld [tilespmem:s16+$0xFFFFFE80];
	v11 =	vmul.f32 v15, v4;
	[tilespmem:s16+$0xFFFFFEF0] =	vst v3  }
0x8c: {  	v8 =	vld [tilespmem:s16+$0xFFFFFE60];
	v3 =	vbroadcast v2, $0x3;
	v10 =	vmul.f32 v10, v4;
	[tilespmem:s16+$0xFFFFFF00] =	vst v5  }
0x8d: {  	v15 =	vld [tilespmem:s16+$0xFFFFFE50];
	v4 =	vmul.f32 v9, v4;
	[tilespmem:s16+$0xFFFFFEE0] =	vst v11  }
0x8e: {  	v9 =	vld [tilespmem:s16+$0xFFFFFE40];
	v5 =	vmul.f32 v12, v3;
	[tilespmem:s16+$0xFFFFFEC0] =	vst v10  }
0x8f: {  	v11 =	vld [tilespmem:s16+$0xFFFFFE30];
	v7 =	vmul.f32 v7, v3;
	[tilespmem:s16+$0xFFFFFED0] =	vst v4  }
0x90: {  	v10 =	vld [tilespmem:s16+$0xFFFFFE20];
	v4 =	vbroadcast v2, $0x2;
	v12 =	vmul.f32 v13, v3;
	[tilespmem:s16+$0xFFFFFEA0] =	vst v5  }
0x91: {  	v13 =	vld [tilespmem:s16+$0xFFFFFE10];
	v5 =	vmul.f32 v14, v3;
	[tilespmem:s16+$0xFFFFFE90] =	vst v7  }
0x92: {  	v14 =	vld [tilespmem:s16+$0xFFFFFE00];
	v7 =	vmul.f32 v8, v4;
	[tilespmem:s16+$0xFFFFFE80] =	vst v12  }
0x93: {  	v8 =	vld [tilespmem:s16+$0xFFFFFDF0];
	v12 =	vmul.f32 v15, v4;
	[tilespmem:s16+$0xFFFFFE70] =	vst v5  }
0x94: {  	v3 =	vmul.f32 v6, v3;
	v15 =	vld [tilespmem:s16+$0xFFFFFDE0];
	v5 =	vmul.f32 v9, v4;
	[tilespmem:s16+$0xFFFFFE60] =	vst v7  }
0x95: {  	v9 =	vbroadcast v2, $0x1;
	v6 =	vmul.f32 v11, v4;
	v7 =	vld [tilespmem:s16+$0xFFFFFDC0];
	[tilespmem:s16+$0xFFFFFE50] =	vst v12  }
0x96: {  	v18 =	vbroadcast v2, $0x0;
	v11 =	vld [tilespmem:s16+$0xFFFFFDB0];
	v4 =	vmul.f32 v10, v4;
	[tilespmem:s16+$0xFFFFFE40] =	vst v5  }
0x97: {  	v19 =	vld [tilespmem:s16+$0xFFFFFD90];
	v10 =	vmul.f32 v13, v9;
	[tilespmem:s16+$0xFFFFFE30] =	vst v6;
	v16 =	vmul.f32 v16, v9  }
0x98: {  	v6 =	vbroadcast v2, $0xF;
	v5 =	vmul.f32 v14, v9;
	v14 =	vld [tilespmem:s16+$0xFFFFFDA0];
	[tilespmem:s16+$0xFFFFFE20] =	vst v4  }
0x99: {  	v20 =	vld [tilespmem:s16+$0xFFFFFD80];
	v17 =	vmul.f32 v8, v9;
	v4 =	vbroadcast v2, $0xE;
	[tilespmem:s16+$0xFFFFFE10] =	vst v10  }
0x9a: {  	v13 =	vld [tilespmem:s16+$0x270];
	v15 =	vmul.f32 v15, v9;
	[tilespmem:s16+$0xFFFFFDD0] =	vst v16;
	v12 =	vmul.f32 v7, v18  }
0x9b: {  	[tilespmem:s16+$0xFFFFFE00] =	vst v5;
	v8 =	vmul.f32 v11, v18;
	v7 =	vld [tilespmem:s16+$0x260];
	v9 =	vmul.f32 v1, v4  }
0x9c: {  	[tilespmem:s16+$0xFFFFFDF0] =	vst v17;
	v5 =	vbroadcast v2, $0xD;
	v2 =	vbroadcast v2, $0xC;
	v1 =	vld [tilespmem:s16+$0x240]  }
0x9d: {  	v11 =	vmul.f32 v19, v18;
	[tilespmem:s16+$0xFFFFFDE0] =	vst v15;
	v10 =	vmul.f32 v14, v18;
	v14 =	vld [tilespmem:s16+$0x250]  }
0x9e: {  	s18 =	simm.s32 $0x40;
	s17 =	simm.s32 $0xDC0;
	[tilespmem:s16+$0x210] =	vst v9;
	v9 =	vmul.f32 v18, v20;
	v15 =	vmul.f32 v0, v2;
	v0 =	vld [tilespmem:s16+$0x230]  }
.LBB2_6:
0x9f: {  	s3 =	smov.u32 s18  }
0xa0: {  	s20 =	sshra.s32 s18, $0x2;
	[tilespmem:s16+$0xFFFFFDC0] =	vst v12;
	v12 =	vld [tilespmem:s16+$0x220];
	v13 =	vmul.f32 v13, v6;
	s17 =	sadd.s32 $0x500, s17;
	s3 =	sadd.s32 $0x40, s18  }
0xa1: {  	p1 =	sne.s32 s18, $0x740;
	v7 =	vmul.f32 v7, v6;
	[tilespmem:s16+$0x140] =	vst v15;
	v15 =	vld [tilespmem:s16+$0x190]  }
0xa2: {  	v14 =	vmul.f32 v14, v6;
	[tilespmem:s16+$0xFFFFFDB0] =	vst v8;
	v8 =	vld [tilespmem:s16+$0x200]  }
0xa3: {  	v1 =	vmul.f32 v1, v6;
	[tilespmem:s16+$0xFFFFFDA0] =	vst v10;
	v10 =	vld [tilespmem:s16+$0x1F0]  }
0xa4: {  	v6 =	vmul.f32 v0, v6;
	[tilespmem:s16+$0xFFFFFD90] =	vst v11;
	v11 =	vld [tilespmem:s16+$0x1E0]  }
0xa5: {  	v12 =	vmul.f32 v12, v4;
	v16 =	vld [tilespmem:s16+$0x1D0];
	[tilespmem:s16+$0x270] =	vst v13  }
0xa6: {  	[tilespmem:s16+$0xFFFFFD80] =	vst v9;
	v9 =	vmul.f32 v15, v5;
	v13 =	vld [tilespmem:s16+$0x1C0]  }
0xa7: {  	v15 =	vld [tilespmem:s16+$0x1B0];
	v8 =	vmul.f32 v8, v4;
	[tilespmem:s16+$0x250] =	vst v14  }
0xa8: {  	[tilespmem:s16+$0xFFFFFEB0] =	vst v3;
	v3 =	vld [tilespmem:s16+$0x1A0];
	v10 =	vmul.f32 v10, v4  }
0xa9: {  	v0 =	vld [tilespmem:s17+$0x210];
	v4 =	vmul.f32 v11, v4;
	[tilespmem:s16+$0x230] =	vst v6  }
0xaa: {  	v6 =	vld [tilespmem:s16+$0x180];
	v11 =	vmul.f32 v16, v5;
	[tilespmem:s16+$0x240] =	vst v1  }
0xab: {  	v1 =	vld [tilespmem:s16+$0x170];
	[tilespmem:s16+$0x190] =	vst v9;
	v9 =	vmul.f32 v13, v5  }
0xac: {  	v13 =	vld [tilespmem:s16+$0x160];
	v14 =	vmul.f32 v15, v5;
	[tilespmem:s16+$0x260] =	vst v7  }
0xad: {  	v7 =	vld [tilespmem:s16+$0x150];
	v3 =	vmul.f32 v3, v5;
	[tilespmem:s16+$0x200] =	vst v8  }
0xae: {  	[tilespmem:s16+$0x1F0] =	vst v10  }
0xaf: {  	v5 =	vmul.f32 v6, v2;
	[tilespmem:s16+$0x1E0] =	vst v4  }
0xb0: {  	v4 =	vmul.f32 v1, v2;
	[tilespmem:s16+$0x1D0] =	vst v11  }
0xb1: {  	v6 =	vmul.f32 v13, v2;
	[tilespmem:s16+$0x1C0] =	vst v9  }
0xb2: {  	v2 =	vmul.f32 v7, v2;
	[tilespmem:s16+$0x1B0] =	vst v14  }
0xb3: {  	[tilespmem:s16+$0x180] =	vst v5  }
0xb4: {  	[tilespmem:s16+$0x1A0] =	vst v3  }
0xb5: {  	v1 =	vld [tilespmem:s17+$0x140];
	[tilespmem:s16+$0x160] =	vst v6  }
0xb6: {  	v3 =	vld [tilespmem:s17+$0x130];
	[tilespmem:s16+$0x220] =	vst v12  }
0xb7: {  	v5 =	vld [tilespmem:s17+$0x120];
	[tilespmem:s16+$0x150] =	vst v2  }
0xb8: {  	v6 =	vld [tilespmem:s17+$0x110];
	[tilespmem:s16+$0x170] =	vst v4;
	s16 =	smov.u32 s17  }
0xb9: {  	v2 =	vld [tilespmem:s20+$0x780]  }
0xba: {  	v4 =	vld [tilespmem:s17+$0x100]  }
0xbb: {  	v7 =	vld [tilespmem:s17+$0xF0]  }
0xbc: {  	v8 =	vld [tilespmem:s17+$0xE0]  }
0xbd: {  	v9 =	vld [tilespmem:s17+$0xD0]  }
0xbe: {  	v10 =	vld [tilespmem:s17+$0xC0];
	v11 =	vbroadcast v2, $0xB  }
0xbf: {  	v12 =	vbroadcast v2, $0xA;
	v13 =	vld [tilespmem:s17+$0xB0]  }
0xc0: {  	v14 =	vld [tilespmem:s17+$0xA0];
	v7 =	vmul.f32 v7, v11;
	v4 =	vmul.f32 v4, v11  }
0xc1: {  	v6 =	vmul.f32 v6, v11;
	v15 =	vld [tilespmem:s17+$0x90];
	v8 =	vmul.f32 v8, v12  }
0xc2: {  	v5 =	vmul.f32 v5, v11;
	v16 =	vld [tilespmem:s17+$0x80];
	v9 =	vmul.f32 v9, v12;
	[tilespmem:s17+$0xF0] =	vst v7  }
0xc3: {  	v3 =	vmul.f32 v3, v11;
	v7 =	vld [tilespmem:s17+$0x70];
	v10 =	vmul.f32 v10, v12;
	[tilespmem:s17+$0xE0] =	vst v8  }
0xc4: {  	v8 =	vbroadcast v2, $0x9;
	v11 =	vld [tilespmem:s17+$0x60];
	v13 =	vmul.f32 v13, v12;
	[tilespmem:s17+$0xD0] =	vst v9  }
0xc5: {  	v9 =	vld [tilespmem:s17+$0x50];
	v12 =	vmul.f32 v14, v12;
	[tilespmem:s17+$0xC0] =	vst v10  }
0xc6: {  	v10 =	vld [tilespmem:s17+$0x40];
	v14 =	vmul.f32 v15, v8;
	[tilespmem:s17+$0xB0] =	vst v13  }
0xc7: {  	v13 =	vld [tilespmem:s17+$0x30];
	v15 =	vmul.f32 v16, v8;
	[tilespmem:s17+$0xA0] =	vst v12  }
0xc8: {  	v12 =	vld [tilespmem:s17+$0x20];
	v7 =	vmul.f32 v7, v8;
	[tilespmem:s17+$0x90] =	vst v14  }
0xc9: {  	v14 =	vld [tilespmem:s17+$0x10];
	v11 =	vmul.f32 v11, v8;
	[tilespmem:s17+$0x80] =	vst v15  }
0xca: {  	v15 =	vld [tilespmem:s17+$0x0];
	v8 =	vmul.f32 v9, v8;
	[tilespmem:s17+$0x70] =	vst v7  }
0xcb: {  	v7 =	vld [tilespmem:s17+$0xFFFFFFF0];
	[tilespmem:s17+$0x60] =	vst v11  }
0xcc: {  	v9 =	vld [tilespmem:s17+$0xFFFFFFE0];
	[tilespmem:s17+$0x50] =	vst v8  }
0xcd: {  	v11 =	vbroadcast v2, $0x8;
	v8 =	vld [tilespmem:s17+$0xFFFFFFD0];
	[tilespmem:s17+$0x110] =	vst v6  }
0xce: {  	v6 =	vbroadcast v2, $0x7;
	v16 =	vld [tilespmem:s17+$0xFFFFFFC0];
	[tilespmem:s17+$0x130] =	vst v3  }
0xcf: {  	v10 =	vmul.f32 v10, v11;
	v3 =	vld [tilespmem:s17+$0xFFFFFFB0];
	v15 =	vmul.f32 v15, v11;
	[tilespmem:s17+$0x120] =	vst v5  }
0xd0: {  	v14 =	vmul.f32 v14, v11;
	v5 =	vld [tilespmem:s17+$0xFFFFFFA0];
	v7 =	vmul.f32 v7, v6;
	[tilespmem:s17+$0x100] =	vst v4  }
0xd1: {  	v12 =	vmul.f32 v12, v11;
	v4 =	vld [tilespmem:s17+$0xFFFFFF90];
	v9 =	vmul.f32 v9, v6;
	[tilespmem:s17+$0x0] =	vst v15  }
0xd2: {  	v11 =	vmul.f32 v13, v11;
	v15 =	vld [tilespmem:s17+$0xFFFFFF80];
	v8 =	vmul.f32 v8, v6;
	[tilespmem:s17+$0x40] =	vst v10  }
0xd3: {  	v10 =	vbroadcast v2, $0x6;
	v13 =	vld [tilespmem:s17+$0xFFFFFF70];
	v16 =	vmul.f32 v16, v6;
	[tilespmem:s17+$0xFFFFFFF0] =	vst v7  }
0xd4: {  	v7 =	vld [tilespmem:s17+$0xFFFFFF60];
	v3 =	vmul.f32 v3, v6;
	[tilespmem:s17+$0x10] =	vst v14  }
0xd5: {  	v6 =	vld [tilespmem:s17+$0xFFFFFF50];
	v5 =	vmul.f32 v5, v10;
	[tilespmem:s17+$0x20] =	vst v12  }
0xd6: {  	v12 =	vld [tilespmem:s17+$0xFFFFFF40];
	v4 =	vmul.f32 v4, v10;
	[tilespmem:s17+$0x30] =	vst v11  }
0xd7: {  	v11 =	vld [tilespmem:s17+$0xFFFFFF30];
	v14 =	vmul.f32 v15, v10;
	[tilespmem:s17+$0xFFFFFFD0] =	vst v8  }
0xd8: {  	v8 =	vbroadcast v2, $0x5;
	v15 =	vld [tilespmem:s17+$0xFFFFFF20];
	v13 =	vmul.f32 v13, v10;
	[tilespmem:s17+$0xFFFFFFC0] =	vst v16  }
0xd9: {  	v16 =	vld [tilespmem:s17+$0xFFFFFF10];
	v7 =	vmul.f32 v7, v10;
	[tilespmem:s17+$0xFFFFFFB0] =	vst v3  }
0xda: {  	v3 =	vld [tilespmem:s17+$0xFFFFFF00];
	v6 =	vmul.f32 v6, v8;
	[tilespmem:s17+$0xFFFFFFA0] =	vst v5  }
0xdb: {  	v5 =	vld [tilespmem:s17+$0xFFFFFEF0];
	v10 =	vmul.f32 v12, v8;
	[tilespmem:s17+$0xFFFFFF90] =	vst v4  }
0xdc: {  	v4 =	vld [tilespmem:s17+$0xFFFFFEE0];
	v11 =	vmul.f32 v11, v8;
	[tilespmem:s17+$0xFFFFFF70] =	vst v13  }
0xdd: {  	v12 =	vld [tilespmem:s17+$0xFFFFFED0];
	v13 =	vmul.f32 v15, v8;
	[tilespmem:s17+$0xFFFFFFE0] =	vst v9  }
0xde: {  	v9 =	vbroadcast v2, $0x4;
	v15 =	vld [tilespmem:s17+$0xFFFFFEC0];
	v8 =	vmul.f32 v16, v8;
	[tilespmem:s17+$0xFFFFFF80] =	vst v14  }
0xdf: {  	v14 =	vld [tilespmem:s17+$0xFFFFFEB0];
	[tilespmem:s17+$0xFFFFFF50] =	vst v6  }
0xe0: {  	v16 =	vmul.f32 v3, v9;
	v6 =	vld [tilespmem:s17+$0xFFFFFEA0];
	v5 =	vmul.f32 v5, v9;
	[tilespmem:s17+$0xFFFFFF40] =	vst v10  }
0xe1: {  	v10 =	vld [tilespmem:s17+$0xFFFFFE90];
	v4 =	vmul.f32 v4, v9;
	[tilespmem:s17+$0xFFFFFF30] =	vst v11  }
0xe2: {  	v11 =	vbroadcast v2, $0x3;
	v17 =	vld [tilespmem:s17+$0xFFFFFE80];
	v12 =	vmul.f32 v12, v9;
	[tilespmem:s17+$0xFFFFFF60] =	vst v7  }
0xe3: {  	v7 =	vld [tilespmem:s17+$0xFFFFFE70];
	v9 =	vmul.f32 v15, v9;
	[tilespmem:s17+$0xFFFFFF10] =	vst v8  }
0xe4: {  	v8 =	vld [tilespmem:s17+$0xFFFFFE60];
	v3 =	vmul.f32 v14, v11;
	[tilespmem:s17+$0xFFFFFF20] =	vst v13  }
0xe5: {  	v13 =	vld [tilespmem:s17+$0xFFFFFE50];
	v6 =	vmul.f32 v6, v11;
	[tilespmem:s17+$0xFFFFFEF0] =	vst v5  }
0xe6: {  	v5 =	vld [tilespmem:s17+$0xFFFFFE40];
	v10 =	vmul.f32 v10, v11;
	[tilespmem:s17+$0xFFFFFEE0] =	vst v4  }
0xe7: {  	v4 =	vbroadcast v2, $0x2;
	v14 =	vld [tilespmem:s17+$0xFFFFFE30];
	v15 =	vmul.f32 v17, v11;
	[tilespmem:s17+$0xFFFFFF00] =	vst v16  }
0xe8: {  	v16 =	vld [tilespmem:s17+$0xFFFFFE20];
	v7 =	vmul.f32 v7, v11;
	[tilespmem:s17+$0xFFFFFEC0] =	vst v9  }
0xe9: {  	v9 =	vld [tilespmem:s17+$0xFFFFFE10];
	v8 =	vmul.f32 v8, v4;
	[tilespmem:s17+$0xFFFFFED0] =	vst v12  }
0xea: {  	v11 =	vld [tilespmem:s17+$0xFFFFFE00];
	v12 =	vmul.f32 v13, v4;
	[tilespmem:s17+$0xFFFFFEA0] =	vst v6  }
0xeb: {  	v6 =	vld [tilespmem:s17+$0xFFFFFDF0];
	v5 =	vmul.f32 v5, v4;
	[tilespmem:s17+$0xFFFFFE90] =	vst v10  }
0xec: {  	v10 =	vbroadcast v2, $0x1;
	v13 =	vld [tilespmem:s17+$0xFFFFFDE0];
	v14 =	vmul.f32 v14, v4;
	[tilespmem:s17+$0xFFFFFE80] =	vst v15  }
0xed: {  	v15 =	vld [tilespmem:s17+$0xFFFFFDD0];
	v4 =	vmul.f32 v16, v4;
	[tilespmem:s17+$0xFFFFFE70] =	vst v7  }
0xee: {  	v7 =	vld [tilespmem:s17+$0xFFFFFDC0];
	v9 =	vmul.f32 v9, v10;
	[tilespmem:s17+$0xFFFFFE60] =	vst v8  }
0xef: {  	v8 =	vld [tilespmem:s17+$0xFFFFFDB0];
	v11 =	vmul.f32 v11, v10;
	[tilespmem:s17+$0xFFFFFE50] =	vst v12  }
0xf0: {  	v16 =	vld [tilespmem:s17+$0xFFFFFDA0];
	v17 =	vmul.f32 v6, v10;
	[tilespmem:s17+$0xFFFFFE40] =	vst v5  }
0xf1: {  	v18 =	vbroadcast v2, $0x0;
	v19 =	vld [tilespmem:s17+$0xFFFFFD90];
	v20 =	vmul.f32 v13, v10;
	[tilespmem:s17+$0xFFFFFE30] =	vst v14  }
0xf2: {  	v6 =	vbroadcast v2, $0xF;
	v21 =	vld [tilespmem:s17+$0xFFFFFD80];
	v15 =	vmul.f32 v15, v10;
	[tilespmem:s17+$0xFFFFFE20] =	vst v4  }
0xf3: {  	v4 =	vbroadcast v2, $0xE;
	v12 =	vmul.f32 v7, v18;
	[tilespmem:s17+$0xFFFFFE10] =	vst v9  }
.Ltmp6:
0xf4: {  	v5 =	vbroadcast v2, $0xD;
	v8 =	vmul.f32 v8, v18;
	[tilespmem:s17+$0xFFFFFE00] =	vst v11;
	v13 =	vld [tilespmem:s17+$0x270];
	(pc) =	sbr.rel @p1 .LBB2_6-.Ltmp6, $4  }
0xf5: {  	v2 =	vbroadcast v2, $0xC;
	v10 =	vmul.f32 v16, v18;
	[tilespmem:s17+$0xFFFFFDF0] =	vst v17;
	v7 =	vld [tilespmem:s17+$0x260]  }
0xf6: {  	v0 =	vmul.f32 v0, v4;
	v11 =	vmul.f32 v19, v18;
	[tilespmem:s17+$0xFFFFFDE0] =	vst v20;
	v14 =	vld [tilespmem:s17+$0x250]  }
0xf7: {  	v9 =	vmul.f32 v18, v21;
	[tilespmem:s17+$0xFFFFFDD0] =	vst v15;
	v15 =	vmul.f32 v1, v2;
	v1 =	vld [tilespmem:s17+$0x240]  }
0xf8: {  	s18 =	smov.u32 s3;
	[tilespmem:s17+$0x210] =	vst v0;
	v0 =	vld [tilespmem:s17+$0x230]  }
0xf9: {  	[tilespmem:s16+$0xFFFFFDC0] =	vst v12  }
0xfa: {  	[tilespmem:s16+$0x140] =	vst v15  }
0xfb: {  	[tilespmem:s16+$0xFFFFFDB0] =	vst v8  }
0xfc: {  	[tilespmem:s16+$0xFFFFFDA0] =	vst v10  }
0xfd: {  	[tilespmem:s16+$0xFFFFFD90] =	vst v11  }
0xfe: {  	v42 =	vld [tilespmem:s16+$0x190];
	v13 =	vmul.f32 v13, v6;
	[tilespmem:s16+$0xFFFFFD80] =	vst v9  }
0xff: {  	v43 =	vld [tilespmem:s16+$0x200];
	[tilespmem:s16+$0xFFFFFEB0] =	vst v3;
	v51 =	vmul.f32 v7, v6  }
0x100: {  	v44 =	vld [tilespmem:s16+$0x1F0];
	v14 =	vmul.f32 v14, v6;
	[tilespmem:s16+$0x270] =	vst v13  }
0x101: {  	v45 =	vld [tilespmem:s16+$0x1E0];
	v1 =	vmul.f32 v1, v6;
	[tilespmem:s16+$0x260] =	vst v51  }
0x102: {  	v46 =	vld [tilespmem:s16+$0x1D0];
	v0 =	vmul.f32 v0, v6;
	[tilespmem:s16+$0x250] =	vst v14  }
0x103: {  	v47 =	vld [tilespmem:s16+$0x1C0];
	v15 =	vmul.f32 v42, v5;
	[tilespmem:s16+$0x240] =	vst v1  }
0x104: {  	v48 =	vld [tilespmem:s16+$0x1B0];
	v53 =	vmul.f32 v43, v4;
	[tilespmem:s16+$0x230] =	vst v0  }
0x105: {  	v49 =	vld [tilespmem:s16+$0x1A0];
	v54 =	vmul.f32 v44, v4;
	[tilespmem:s16+$0x190] =	vst v15  }
0x106: {  	v57 =	vld [tilespmem:s16+$0x160];
	v55 =	vmul.f32 v45, v4;
	[tilespmem:s16+$0x200] =	vst v53  }
0x107: {  	v41 =	vld [tilespmem:s16+$0x220];
	v56 =	vmul.f32 v46, v5;
	[tilespmem:s16+$0x1F0] =	vst v54  }
0x108: {  	v60 =	vld [tilespmem:s16+$0x150];
	v58 =	vmul.f32 v47, v5;
	[tilespmem:s16+$0x1E0] =	vst v55  }
0x109: {  	v52 =	vld [tilespmem:s16+$0x170];
	v59 =	vmul.f32 v48, v5;
	[tilespmem:s16+$0x1D0] =	vst v56  }
0x10a: {  	v50 =	vld [tilespmem:s16+$0x180];
	s3 =	smul.u32 $0x2FA0BE83, s7;
	v3 =	vmul.f32 v49, v5;
	[tilespmem:s16+$0x1C0] =	vst v58  }
0x10b: {  	v61 =	vmul.f32 v57, v2;
	[tilespmem:s16+$0x1B0] =	vst v59  }
0x10c: {  	s3 =	sadd.s32 $0x2FA0BE82, s3;
	v62 =	vmul.f32 v41, v4;
	[tilespmem:s16+$0x1A0] =	vst v3  }
0x10d: {  	p1 =	sgt.u32 s3, $0x5F417CF;
	v63 =	vmul.f32 v60, v2;
	[tilespmem:s16+$0x160] =	vst v61  }
0x10e: {  	s3 =	smulhi.u32 @!p1 $0x2FA0BE83, s7;
	v1 =	vmul.f32 v52, v2;
	[tilespmem:s16+$0x220] =	vst v62  }
0x10f: {  	v0 =	vmul.f32 v50, v2;
	[tilespmem:s16+$0x150] =	vst v63  }
0x110: {  	s3 =	sshrl.u32 @!p1 s3, $0x3;
	[tilespmem:s16+$0x170] =	vst v1  }
0x111: {  	s3 =	smul.u32 @!p1 $0x2710, s3;
	[tilespmem:s16+$0x180] =	vst v0  }
0x112: {  	[spmem:s5] =	stream.indirect.scatter.add.f32 [tilespmem:s25], [sflag:$0x3], $0x50, s23, s24, $0xb8;
	[tilespmem:$0x1FA90] =	vst v63  }
0x113: {  	s3 =	sadd.s32 @!p1 s11, s3;
	_ =	swait.ge [sflag:s21], $0x9600  }
0x114: {  	s3 =	smul.u32 @!p1 $0xA, s3;
	[sflag:s21] =	ssyncset.done $0x0  }
0x115: {  	[sflag:s21] =	ssyncadd.s32 $0xFFFF6A00  }
0x116: {  	s4 =	sshrl.u32 @!p1 s12, $0x3;
	s3 =	sadd.s32 @!p1 s9, s3;
	[bflag:$0x0] =	sbarrier.arrive @!p1 $0xFFFF  }
0x117: {  	[hbm:s3], [sflag:s14] =	dma.local @!p1 [spmem:s4], $0x186A  }
0x118: {  	s3 =	simm.s32 @!p1 $0x3  }
0x119: {  	_ =	swait.ge @!p1 [sflag:s3], $0x186A  }
0x11a: {  	[sflag:s3] =	ssyncset.done @!p1 $0x0  }
0x11b: {  	p2 =	seq.s32 s15, $0x0;
	[sflag:s3] =	ssyncadd.s32 @!p1 $0xFFFFE796  }
0x11c: {  	[spmem:s4], [sflag:s14] =	dma.local @!p1 [hbm:s13], $0x186A  }
.Ltmp7:
0x11d: {  	_ =	swait.ge @!p1 [sflag:s3], $0x186A;
	(pc) =	sbr.rel @p2 .LBB2_16-.Ltmp7, $3  }
0x11e: {  	[sflag:s3] =	ssyncset.done @!p1 $0x0  }
0x11f: {  	[sflag:s3] =	ssyncadd.s32 @!p1 $0xFFFFE796  }
0x120: {  	[bflag:$0x0] =	sbarrier.arrive @!p1 $0xFFFF;
	_ =	sdelay $0x1  }
.LBB2_8:
0x121: {  	p1 =	seq.s32 s7, $0x157  }
.Ltmp8:
0x122: {  	_ = 	snop;
	(pc) =	sbr.rel @!p1 .LBB2_9-.Ltmp8, $1  }
0x123: {  	_ =	sdelay $0x3  }
.Ltmp9:
0x124: {  	(pc) =	sbr.rel .LBB2_13-.Ltmp9, $4  }
0x125: {  	_ = 	snop  }
0x126: {  	_ =	swait.ge [sflag:s26], $0x9600  }
0x127: {  	[sflag:s26] =	ssyncset.done $0x0  }
0x128: {  	[sflag:s26] =	ssyncadd.s32 $0xFFFF6A00  }
.LBB2_9:
0x129: {  	s3 =	sadd.s32 $0x1, s7  }
0x12a: {  	s4 =	smulhi.u32 $0x2FA0BE83, s3;
	_ =	sdelay $0x1  }
0x12b: {  	s4 =	sshrl.u32 s4, $0x3  }
0x12c: {  	s15 =	smul.u32 $0x2B, s4;
	_ =	sdelay $0x1  }
0x12d: {  	s3 =	ssub.s32 s3, s15  }
0x12e: {  	s3 =	smul.u32 $0x1E0, s3;
	_ =	sdelay $0x1  }
0x12f: {  	s3 =	sadd.s32 s10, s3  }
0x130: {  	s15 =	sshrl.u32 s3, $0x3  }
0x131: {  	s17 =	simm.s32 $0x0;
	s18 =	smul.u32 $0x50A00, s4;
	s16 =	sadd.s32 s0, s15  }
0x132: {  	[tilespmem:s17], [sflag:$0x3] =	stream.linear.gather [hbm4b:s16+s17], $0x1E0, $0x38;
	[tilespmem:$0x1FA90] =	vst v63  }
0x133: {  	s3 =	sadd.s32 s18, s3;
	_ =	swait.ge [sflag:s21], $0x1E0  }
0x134: {  	s3 =	sshrl.u32 s3, $0x3;
	[sflag:s21] =	ssyncset.done $0x0  }
0x135: {  	s3 =	sadd.s32 s8, s3;
	[sflag:s21] =	ssyncadd.s32 $0xFFFFFE20  }
0x136: {  	[tilespmem:s22], [sflag:$0x3] =	stream.linear.gather [hbm4b:s3+s17], $0x1E0, $0x38;
	[tilespmem:$0x1FA90] =	vst v63  }
0x137: {  	s20 =	smul.u32 $0x2710, s4;
	_ =	swait.ge [sflag:s21], $0x1E0  }
0x138: {  	[sflag:s21] =	ssyncset.done $0x0  }
0x139: {  	v0 =	vmov s20;
	s16 =	simm.s32 $0x0;
	s3 =	simm.s32 $0x40;
	[sflag:s21] =	ssyncadd.s32 $0xFFFFFE20  }
.LBB2_10:
0x13a: {  	p1 =	sne.s32 s3, $0x740;
	v1 =	vld [tilespmem:s16+$0x0];
	_ =	sdelay $0x1  }
.Ltmp10:
0x13b: {  	(pc) =	sbr.rel @p1 .LBB2_10-.Ltmp10, $3  }
0x13c: {  	_ =	sdelay $0x1  }
0x13d: {  	v1 =	vadd.s32 v0, v1  }
0x13e: {  	[tilespmem:s16+$0x0] =	vst v1;
	s16 =	sshra.s32 s3, $0x2;
	s3 =	sadd.s32 $0x40, s3  }
0x13f: {  	v1 =	vld [tilespmem:s16+$0x0];
	_ =	sdelay $0x4  }
0x140: {  	v0 =	vadd.s32 v0, v1  }
0x141: {  	s3 =	sadd.s32 s2, s15;
	[tilespmem:s16+$0x0] =	vst v0  }
0x142: {  	[tilespmem:s23], [sflag:$0x3] =	stream.linear.gather [hbm4b:s3+s6], $0x1E0, $0x38;
	[tilespmem:$0x1FA90] =	vst v63  }
0x143: {  	_ =	swait.ge [sflag:s21], $0x1E0  }
0x144: {  	[sflag:s21] =	ssyncset.done $0x0  }
0x145: {  	[sflag:s21] =	ssyncadd.s32 $0xFFFFFE20  }
0x146: {  	_ =	swait.ge [sflag:s26], $0x9600  }
0x147: {  	[sflag:s26] =	ssyncset.done $0x0  }
0x148: {  	s4 =	simm.s32 @p0 $0x0;
	[sflag:s26] =	ssyncadd.s32 $0xFFFF6A00  }
0x149: {  	s15 =	simm.s32 @p0 $0xB40;
	s3 =	simm.s32 @p0 $0x1E0;
	s16 =	rddreg [dreg:$0x5]  }
0x14a: {  	[tilespmem:s15], [sflag:$0x1] =	stream.indirect.gather @p0 [hbm4b:s16+s3], $0x50, s4, s3, $0xb8;
	[tilespmem:$0x1FA90] =	vst v63  }
0x14b: {  	s3 =	simm.s32 @!p0 $0x1E0  }
0x14c: {  	s4 =	simm.s32 @!p0 $0x0;
	s15 =	simm.s32 @!p0 $0xB40;
	s16 =	rddreg [dreg:$0x4]  }
0x14d: {  	[tilespmem:s15], [sflag:$0x1] =	stream.indirect.gather @!p0 [hbm4b:s16+s3], $0x50, s4, s3, $0xb8;
	[tilespmem:$0x1FA90] =	vst v63  }
.LBB2_13:
0x14e: {  	s15 =	simm.s32 $0xA3C0  }
0x14f: {  	v1 =	vld [tilespmem:s15+$0x210]  }
0x150: {  	v0 =	vld [tilespmem:s15+$0x140]  }
0x151: {  	v3 =	vld [tilespmem:s15+$0x120]  }
0x152: {  	s3 =	simm.s32 $0x0;
	v4 =	vld [tilespmem:s15+$0x110]  }
0x153: {  	v2 =	vld [tilespmem:s3+$0x960]  }
0x154: {  	v5 =	vld [tilespmem:s15+$0x100]  }
0x155: {  	v6 =	vld [tilespmem:s15+$0xF0]  }
0x156: {  	v7 =	vld [tilespmem:s15+$0xE0]  }
0x157: {  	v8 =	vld [tilespmem:s15+$0xD0]  }
0x158: {  	v9 =	vld [tilespmem:s15+$0xC0];
	v10 =	vbroadcast v2, $0xB  }
0x159: {  	v12 =	vld [tilespmem:s15+$0xB0];
	v11 =	vbroadcast v2, $0xA  }
0x15a: {  	v13 =	vld [tilespmem:s15+$0xA0];
	v6 =	vmul.f32 v6, v10  }
0x15b: {  	v14 =	vld [tilespmem:s15+$0x90];
	v7 =	vmul.f32 v7, v11  }
0x15c: {  	v15 =	vld [tilespmem:s15+$0x80];
	v8 =	vmul.f32 v8, v11;
	[tilespmem:s15+$0xF0] =	vst v6  }
0x15d: {  	v16 =	vld [tilespmem:s15+$0x60];
	v9 =	vmul.f32 v9, v11;
	[tilespmem:s15+$0xE0] =	vst v7  }
0x15e: {  	v12 =	vmul.f32 v12, v11;
	v6 =	vld [tilespmem:s15+$0x70];
	[tilespmem:s15+$0xD0] =	vst v8  }
0x15f: {  	v11 =	vmul.f32 v13, v11;
	v8 =	vld [tilespmem:s15+$0x50];
	[tilespmem:s15+$0xC0] =	vst v9  }
0x160: {  	v4 =	vmul.f32 v4, v10;
	v9 =	vld [tilespmem:s15+$0x130];
	[tilespmem:s15+$0xB0] =	vst v12  }
0x161: {  	v3 =	vmul.f32 v3, v10;
	v7 =	vbroadcast v2, $0x9;
	v12 =	vld [tilespmem:s15+$0x40];
	[tilespmem:s15+$0xA0] =	vst v11  }
0x162: {  	v11 =	vld [tilespmem:s15+$0x30];
	[tilespmem:s15+$0x110] =	vst v4;
	v4 =	vmul.f32 v5, v10  }
0x163: {  	v5 =	vld [tilespmem:s15+$0xFFFFFFD0];
	[tilespmem:s15+$0x120] =	vst v3;
	v13 =	vmul.f32 v14, v7;
	v14 =	vmul.f32 v15, v7  }
0x164: {  	v3 =	vld [tilespmem:s15+$0xFFFFFFB0];
	[tilespmem:s15+$0x100] =	vst v4  }
0x165: {  	v15 =	vmul.f32 v16, v7;
	[tilespmem:s15+$0x80] =	vst v14;
	v14 =	vld [tilespmem:s15+$0x0]  }
0x166: {  	[tilespmem:s15+$0x90] =	vst v13;
	v13 =	vld [tilespmem:s15+$0x20];
	v6 =	vmul.f32 v6, v7  }
0x167: {  	v4 =	vld [tilespmem:s15+$0xFFFFFFA0];
	[tilespmem:s15+$0x60] =	vst v15;
	v15 =	vbroadcast v2, $0x8;
	v7 =	vmul.f32 v8, v7  }
0x168: {  	v16 =	vld [tilespmem:s15+$0xFFFFFDD0];
	v8 =	vmul.f32 v9, v10;
	[tilespmem:s15+$0x70] =	vst v6  }
0x169: {  	v9 =	vld [tilespmem:s15+$0xFFFFFFF0];
	v12 =	vmul.f32 v12, v15;
	[tilespmem:s15+$0x50] =	vst v7  }
0x16a: {  	v6 =	vld [tilespmem:s15+$0x10];
	[tilespmem:s15+$0x130] =	vst v8;
	v8 =	vbroadcast v2, $0x7;
	v14 =	vmul.f32 v14, v15  }
0x16b: {  	v10 =	vld [tilespmem:s15+$0xFFFFFFC0];
	[tilespmem:s15+$0x40] =	vst v12;
	v12 =	vmul.f32 v13, v15  }
0x16c: {  	v7 =	vld [tilespmem:s15+$0xFFFFFFE0];
	v5 =	vmul.f32 v5, v8;
	[tilespmem:s15+$0x0] =	vst v14  }
0x16d: {  	v13 =	vld [tilespmem:s15+$0xFFFFFF80];
	v3 =	vmul.f32 v3, v8;
	[tilespmem:s15+$0x20] =	vst v12  }
0x16e: {  	v9 =	vmul.f32 v9, v8;
	v14 =	vld [tilespmem:s15+$0xFFFFFF90];
	[tilespmem:s15+$0xFFFFFFD0] =	vst v5  }
0x16f: {  	v12 =	vbroadcast v2, $0x6;
	v5 =	vld [tilespmem:s15+$0xFFFFFF30];
	[tilespmem:s15+$0xFFFFFFB0] =	vst v3;
	v6 =	vmul.f32 v6, v15  }
0x170: {  	[tilespmem:s15+$0xFFFFFFF0] =	vst v9;
	v9 =	vmul.f32 v11, v15;
	v11 =	vld [tilespmem:s15+$0xFFFFFF70]  }
0x171: {  	v15 =	vld [tilespmem:s15+$0xFFFFFF50];
	v4 =	vmul.f32 v4, v12;
	[tilespmem:s15+$0x10] =	vst v6  }
0x172: {  	v10 =	vmul.f32 v10, v8;
	v6 =	vld [tilespmem:s15+$0xFFFFFF60];
	[tilespmem:s15+$0x30] =	vst v9  }
0x173: {  	v9 =	vld [tilespmem:s15+$0xFFFFFF40];
	[tilespmem:s15+$0xFFFFFFA0] =	vst v4;
	v4 =	vmul.f32 v7, v8  }
0x174: {  	[tilespmem:s15+$0xFFFFFFC0] =	vst v10;
	v7 =	vbroadcast v2, $0x5;
	v8 =	vld [tilespmem:s15+$0xFFFFFF00];
	v10 =	vmul.f32 v14, v12  }
0x175: {  	v14 =	vld [tilespmem:s15+$0xFFFFFF20];
	v3 =	vmul.f32 v11, v12;
	[tilespmem:s15+$0xFFFFFFE0] =	vst v4  }
0x176: {  	v11 =	vld [tilespmem:s15+$0xFFFFFF10];
	v5 =	vmul.f32 v5, v7;
	[tilespmem:s15+$0xFFFFFF90] =	vst v10  }
0x177: {  	v10 =	vmul.f32 v13, v12;
	v13 =	vld [tilespmem:s15+$0xFFFFFEF0];
	[tilespmem:s15+$0xFFFFFF70] =	vst v3  }
0x178: {  	v3 =	vmul.f32 v15, v7;
	v15 =	vld [tilespmem:s15+$0xFFFFFEE0];
	[tilespmem:s15+$0xFFFFFF30] =	vst v5  }
0x179: {  	v4 =	vmul.f32 v9, v7;
	v9 =	vld [tilespmem:s15+$0xFFFFFED0];
	[tilespmem:s15+$0xFFFFFF80] =	vst v10  }
0x17a: {  	v10 =	vld [tilespmem:s15+$0xFFFFFEC0];
	[tilespmem:s15+$0xFFFFFF50] =	vst v3;
	v3 =	vmul.f32 v6, v12  }
0x17b: {  	v6 =	vld [tilespmem:s15+$0xFFFFFEB0];
	[tilespmem:s15+$0xFFFFFF40] =	vst v4;
	v4 =	vbroadcast v2, $0x4;
	v5 =	vmul.f32 v14, v7  }
0x17c: {  	v12 =	vld [tilespmem:s15+$0xFFFFFEA0];
	v11 =	vmul.f32 v11, v7;
	[tilespmem:s15+$0xFFFFFF60] =	vst v3  }
0x17d: {  	v14 =	vld [tilespmem:s15+$0xFFFFFE70];
	v3 =	vmul.f32 v13, v4;
	[tilespmem:s15+$0xFFFFFF20] =	vst v5  }
0x17e: {  	v7 =	vld [tilespmem:s15+$0xFFFFFE90];
	v5 =	vmul.f32 v8, v4;
	[tilespmem:s15+$0xFFFFFF10] =	vst v11  }
0x17f: {  	v13 =	vld [tilespmem:s15+$0xFFFFFE80];
	v11 =	vmul.f32 v15, v4;
	[tilespmem:s15+$0xFFFFFEF0] =	vst v3  }
0x180: {  	v8 =	vld [tilespmem:s15+$0xFFFFFE60];
	v3 =	vbroadcast v2, $0x3;
	v10 =	vmul.f32 v10, v4;
	[tilespmem:s15+$0xFFFFFF00] =	vst v5  }
0x181: {  	v15 =	vld [tilespmem:s15+$0xFFFFFE50];
	v4 =	vmul.f32 v9, v4;
	[tilespmem:s15+$0xFFFFFEE0] =	vst v11  }
0x182: {  	v9 =	vld [tilespmem:s15+$0xFFFFFE40];
	v5 =	vmul.f32 v12, v3;
	[tilespmem:s15+$0xFFFFFEC0] =	vst v10  }
0x183: {  	v11 =	vld [tilespmem:s15+$0xFFFFFE30];
	v7 =	vmul.f32 v7, v3;
	[tilespmem:s15+$0xFFFFFED0] =	vst v4  }
0x184: {  	v10 =	vld [tilespmem:s15+$0xFFFFFE20];
	v4 =	vbroadcast v2, $0x2;
	v12 =	vmul.f32 v13, v3;
	[tilespmem:s15+$0xFFFFFEA0] =	vst v5  }
0x185: {  	v13 =	vld [tilespmem:s15+$0xFFFFFE10];
	v5 =	vmul.f32 v14, v3;
	[tilespmem:s15+$0xFFFFFE90] =	vst v7  }
0x186: {  	v14 =	vld [tilespmem:s15+$0xFFFFFE00];
	v7 =	vmul.f32 v8, v4;
	[tilespmem:s15+$0xFFFFFE80] =	vst v12  }
0x187: {  	v8 =	vld [tilespmem:s15+$0xFFFFFDF0];
	v12 =	vmul.f32 v15, v4;
	[tilespmem:s15+$0xFFFFFE70] =	vst v5  }
0x188: {  	v3 =	vmul.f32 v6, v3;
	v15 =	vld [tilespmem:s15+$0xFFFFFDE0];
	v5 =	vmul.f32 v9, v4;
	[tilespmem:s15+$0xFFFFFE60] =	vst v7  }
0x189: {  	v9 =	vbroadcast v2, $0x1;
	v6 =	vmul.f32 v11, v4;
	v7 =	vld [tilespmem:s15+$0xFFFFFDC0];
	[tilespmem:s15+$0xFFFFFE50] =	vst v12  }
0x18a: {  	v18 =	vbroadcast v2, $0x0;
	v11 =	vld [tilespmem:s15+$0xFFFFFDB0];
	v4 =	vmul.f32 v10, v4;
	[tilespmem:s15+$0xFFFFFE40] =	vst v5  }
0x18b: {  	v19 =	vld [tilespmem:s15+$0xFFFFFD90];
	v10 =	vmul.f32 v13, v9;
	[tilespmem:s15+$0xFFFFFE30] =	vst v6;
	v16 =	vmul.f32 v16, v9  }
0x18c: {  	v6 =	vbroadcast v2, $0xF;
	v5 =	vmul.f32 v14, v9;
	v14 =	vld [tilespmem:s15+$0xFFFFFDA0];
	[tilespmem:s15+$0xFFFFFE20] =	vst v4  }
0x18d: {  	v20 =	vld [tilespmem:s15+$0xFFFFFD80];
	v17 =	vmul.f32 v8, v9;
	v4 =	vbroadcast v2, $0xE;
	[tilespmem:s15+$0xFFFFFE10] =	vst v10  }
0x18e: {  	v13 =	vld [tilespmem:s15+$0x270];
	v15 =	vmul.f32 v15, v9;
	[tilespmem:s15+$0xFFFFFDD0] =	vst v16;
	v12 =	vmul.f32 v7, v18  }
0x18f: {  	[tilespmem:s15+$0xFFFFFE00] =	vst v5;
	v8 =	vmul.f32 v11, v18;
	v7 =	vld [tilespmem:s15+$0x260];
	v9 =	vmul.f32 v1, v4  }
0x190: {  	[tilespmem:s15+$0xFFFFFDF0] =	vst v17;
	v5 =	vbroadcast v2, $0xD;
	v2 =	vbroadcast v2, $0xC;
	v1 =	vld [tilespmem:s15+$0x240]  }
0x191: {  	v11 =	vmul.f32 v19, v18;
	[tilespmem:s15+$0xFFFFFDE0] =	vst v15;
	v10 =	vmul.f32 v14, v18;
	v14 =	vld [tilespmem:s15+$0x250]  }
0x192: {  	s16 =	simm.s32 $0xA3C0;
	s3 =	simm.s32 $0x40;
	[tilespmem:s15+$0x210] =	vst v9;
	v9 =	vmul.f32 v18, v20;
	v15 =	vmul.f32 v0, v2;
	v0 =	vld [tilespmem:s15+$0x230]  }
.LBB2_14:
0x193: {  	s18 =	sshra.s32 s3, $0x2  }
0x194: {  	[tilespmem:s15+$0xFFFFFDC0] =	vst v12;
	v12 =	vld [tilespmem:s15+$0x220];
	v13 =	vmul.f32 v13, v6;
	s16 =	sadd.s32 $0x500, s16;
	s4 =	smov.u32 s3;
	s17 =	sadd.s32 $0x40, s3  }
0x195: {  	p1 =	sne.s32 s3, $0x740;
	[tilespmem:s15+$0x140] =	vst v15;
	v15 =	vld [tilespmem:s15+$0x190];
	v7 =	vmul.f32 v7, v6  }
0x196: {  	[tilespmem:s15+$0xFFFFFDB0] =	vst v8;
	v8 =	vld [tilespmem:s15+$0x200];
	v14 =	vmul.f32 v14, v6  }
0x197: {  	[tilespmem:s15+$0xFFFFFDA0] =	vst v10;
	v10 =	vld [tilespmem:s15+$0x1F0];
	v1 =	vmul.f32 v1, v6  }
0x198: {  	[tilespmem:s15+$0xFFFFFD90] =	vst v11;
	v11 =	vld [tilespmem:s15+$0x1E0];
	v6 =	vmul.f32 v0, v6  }
0x199: {  	v16 =	vld [tilespmem:s15+$0x1D0];
	v12 =	vmul.f32 v12, v4;
	[tilespmem:s15+$0x270] =	vst v13  }
0x19a: {  	[tilespmem:s15+$0xFFFFFD80] =	vst v9;
	v9 =	vmul.f32 v15, v5;
	v13 =	vld [tilespmem:s15+$0x1C0]  }
0x19b: {  	v15 =	vld [tilespmem:s15+$0x1B0];
	v8 =	vmul.f32 v8, v4;
	[tilespmem:s15+$0x250] =	vst v14  }
0x19c: {  	[tilespmem:s15+$0xFFFFFEB0] =	vst v3;
	v3 =	vld [tilespmem:s15+$0x1A0];
	v10 =	vmul.f32 v10, v4  }
0x19d: {  	v0 =	vld [tilespmem:s16+$0x210];
	v4 =	vmul.f32 v11, v4;
	[tilespmem:s15+$0x230] =	vst v6  }
0x19e: {  	v6 =	vld [tilespmem:s15+$0x180];
	v11 =	vmul.f32 v16, v5;
	[tilespmem:s15+$0x240] =	vst v1  }
0x19f: {  	v1 =	vld [tilespmem:s15+$0x170];
	[tilespmem:s15+$0x190] =	vst v9;
	v9 =	vmul.f32 v13, v5  }
0x1a0: {  	v13 =	vld [tilespmem:s15+$0x160];
	v14 =	vmul.f32 v15, v5;
	[tilespmem:s15+$0x260] =	vst v7  }
0x1a1: {  	v7 =	vld [tilespmem:s15+$0x150];
	v3 =	vmul.f32 v3, v5;
	[tilespmem:s15+$0x200] =	vst v8  }
0x1a2: {  	[tilespmem:s15+$0x1F0] =	vst v10  }
0x1a3: {  	v5 =	vmul.f32 v6, v2;
	[tilespmem:s15+$0x1E0] =	vst v4  }
0x1a4: {  	v4 =	vmul.f32 v1, v2;
	[tilespmem:s15+$0x1D0] =	vst v11  }
0x1a5: {  	v6 =	vmul.f32 v13, v2;
	[tilespmem:s15+$0x1C0] =	vst v9  }
0x1a6: {  	v2 =	vmul.f32 v7, v2;
	[tilespmem:s15+$0x1B0] =	vst v14  }
0x1a7: {  	[tilespmem:s15+$0x180] =	vst v5  }
0x1a8: {  	[tilespmem:s15+$0x1A0] =	vst v3  }
0x1a9: {  	v1 =	vld [tilespmem:s16+$0x140];
	[tilespmem:s15+$0x160] =	vst v6  }
0x1aa: {  	v3 =	vld [tilespmem:s16+$0x130];
	[tilespmem:s15+$0x220] =	vst v12  }
0x1ab: {  	v5 =	vld [tilespmem:s16+$0x120];
	[tilespmem:s15+$0x150] =	vst v2  }
0x1ac: {  	v6 =	vld [tilespmem:s16+$0x110];
	[tilespmem:s15+$0x170] =	vst v4;
	s15 =	smov.u32 s16  }
0x1ad: {  	v2 =	vld [tilespmem:s18+$0x960]  }
0x1ae: {  	v4 =	vld [tilespmem:s16+$0x100]  }
0x1af: {  	v7 =	vld [tilespmem:s16+$0xF0]  }
0x1b0: {  	v8 =	vld [tilespmem:s16+$0xE0]  }
0x1b1: {  	v9 =	vld [tilespmem:s16+$0xD0]  }
0x1b2: {  	v10 =	vld [tilespmem:s16+$0xC0];
	v11 =	vbroadcast v2, $0xB  }
0x1b3: {  	v12 =	vbroadcast v2, $0xA;
	v13 =	vld [tilespmem:s16+$0xB0]  }
0x1b4: {  	v14 =	vld [tilespmem:s16+$0xA0];
	v7 =	vmul.f32 v7, v11;
	v4 =	vmul.f32 v4, v11  }
0x1b5: {  	v6 =	vmul.f32 v6, v11;
	v15 =	vld [tilespmem:s16+$0x90];
	v8 =	vmul.f32 v8, v12  }
0x1b6: {  	v5 =	vmul.f32 v5, v11;
	v16 =	vld [tilespmem:s16+$0x80];
	v9 =	vmul.f32 v9, v12;
	[tilespmem:s16+$0xF0] =	vst v7  }
0x1b7: {  	v3 =	vmul.f32 v3, v11;
	v7 =	vld [tilespmem:s16+$0x70];
	v10 =	vmul.f32 v10, v12;
	[tilespmem:s16+$0xE0] =	vst v8  }
0x1b8: {  	v8 =	vbroadcast v2, $0x9;
	v11 =	vld [tilespmem:s16+$0x60];
	v13 =	vmul.f32 v13, v12;
	[tilespmem:s16+$0xD0] =	vst v9  }
0x1b9: {  	v9 =	vld [tilespmem:s16+$0x50];
	v12 =	vmul.f32 v14, v12;
	[tilespmem:s16+$0xC0] =	vst v10  }
0x1ba: {  	v10 =	vld [tilespmem:s16+$0x40];
	v14 =	vmul.f32 v15, v8;
	[tilespmem:s16+$0xB0] =	vst v13  }
0x1bb: {  	v13 =	vld [tilespmem:s16+$0x30];
	v15 =	vmul.f32 v16, v8;
	[tilespmem:s16+$0xA0] =	vst v12  }
0x1bc: {  	v12 =	vld [tilespmem:s16+$0x20];
	v7 =	vmul.f32 v7, v8;
	[tilespmem:s16+$0x90] =	vst v14  }
0x1bd: {  	v14 =	vld [tilespmem:s16+$0x10];
	v11 =	vmul.f32 v11, v8;
	[tilespmem:s16+$0x80] =	vst v15  }
0x1be: {  	v15 =	vld [tilespmem:s16+$0x0];
	v8 =	vmul.f32 v9, v8;
	[tilespmem:s16+$0x70] =	vst v7  }
0x1bf: {  	v7 =	vld [tilespmem:s16+$0xFFFFFFF0];
	[tilespmem:s16+$0x60] =	vst v11  }
0x1c0: {  	v9 =	vld [tilespmem:s16+$0xFFFFFFE0];
	[tilespmem:s16+$0x50] =	vst v8  }
0x1c1: {  	v11 =	vbroadcast v2, $0x8;
	v8 =	vld [tilespmem:s16+$0xFFFFFFD0];
	[tilespmem:s16+$0x110] =	vst v6  }
0x1c2: {  	v6 =	vbroadcast v2, $0x7;
	v16 =	vld [tilespmem:s16+$0xFFFFFFC0];
	[tilespmem:s16+$0x130] =	vst v3  }
0x1c3: {  	v10 =	vmul.f32 v10, v11;
	v3 =	vld [tilespmem:s16+$0xFFFFFFB0];
	v15 =	vmul.f32 v15, v11;
	[tilespmem:s16+$0x120] =	vst v5  }
0x1c4: {  	v14 =	vmul.f32 v14, v11;
	v5 =	vld [tilespmem:s16+$0xFFFFFFA0];
	v7 =	vmul.f32 v7, v6;
	[tilespmem:s16+$0x100] =	vst v4  }
0x1c5: {  	v12 =	vmul.f32 v12, v11;
	v4 =	vld [tilespmem:s16+$0xFFFFFF90];
	v9 =	vmul.f32 v9, v6;
	[tilespmem:s16+$0x0] =	vst v15  }
0x1c6: {  	v11 =	vmul.f32 v13, v11;
	v15 =	vld [tilespmem:s16+$0xFFFFFF80];
	v8 =	vmul.f32 v8, v6;
	[tilespmem:s16+$0x40] =	vst v10  }
0x1c7: {  	v10 =	vbroadcast v2, $0x6;
	v13 =	vld [tilespmem:s16+$0xFFFFFF70];
	v16 =	vmul.f32 v16, v6;
	[tilespmem:s16+$0xFFFFFFF0] =	vst v7  }
0x1c8: {  	v7 =	vld [tilespmem:s16+$0xFFFFFF60];
	v3 =	vmul.f32 v3, v6;
	[tilespmem:s16+$0x10] =	vst v14  }
0x1c9: {  	v6 =	vld [tilespmem:s16+$0xFFFFFF50];
	v5 =	vmul.f32 v5, v10;
	[tilespmem:s16+$0x20] =	vst v12  }
0x1ca: {  	v12 =	vld [tilespmem:s16+$0xFFFFFF40];
	v4 =	vmul.f32 v4, v10;
	[tilespmem:s16+$0x30] =	vst v11  }
0x1cb: {  	v11 =	vld [tilespmem:s16+$0xFFFFFF30];
	v14 =	vmul.f32 v15, v10;
	[tilespmem:s16+$0xFFFFFFD0] =	vst v8  }
0x1cc: {  	v8 =	vbroadcast v2, $0x5;
	v15 =	vld [tilespmem:s16+$0xFFFFFF20];
	v13 =	vmul.f32 v13, v10;
	[tilespmem:s16+$0xFFFFFFC0] =	vst v16  }
0x1cd: {  	v16 =	vld [tilespmem:s16+$0xFFFFFF10];
	v7 =	vmul.f32 v7, v10;
	[tilespmem:s16+$0xFFFFFFB0] =	vst v3  }
0x1ce: {  	v3 =	vld [tilespmem:s16+$0xFFFFFF00];
	v6 =	vmul.f32 v6, v8;
	[tilespmem:s16+$0xFFFFFFA0] =	vst v5  }
0x1cf: {  	v5 =	vld [tilespmem:s16+$0xFFFFFEF0];
	v10 =	vmul.f32 v12, v8;
	[tilespmem:s16+$0xFFFFFF90] =	vst v4  }
0x1d0: {  	v4 =	vld [tilespmem:s16+$0xFFFFFEE0];
	v11 =	vmul.f32 v11, v8;
	[tilespmem:s16+$0xFFFFFF70] =	vst v13  }
0x1d1: {  	v12 =	vld [tilespmem:s16+$0xFFFFFED0];
	v13 =	vmul.f32 v15, v8;
	[tilespmem:s16+$0xFFFFFFE0] =	vst v9  }
0x1d2: {  	v9 =	vbroadcast v2, $0x4;
	v15 =	vld [tilespmem:s16+$0xFFFFFEC0];
	v8 =	vmul.f32 v16, v8;
	[tilespmem:s16+$0xFFFFFF80] =	vst v14  }
0x1d3: {  	v14 =	vld [tilespmem:s16+$0xFFFFFEB0];
	[tilespmem:s16+$0xFFFFFF50] =	vst v6  }
0x1d4: {  	v16 =	vmul.f32 v3, v9;
	v6 =	vld [tilespmem:s16+$0xFFFFFEA0];
	v5 =	vmul.f32 v5, v9;
	[tilespmem:s16+$0xFFFFFF40] =	vst v10  }
0x1d5: {  	v10 =	vld [tilespmem:s16+$0xFFFFFE90];
	v4 =	vmul.f32 v4, v9;
	[tilespmem:s16+$0xFFFFFF30] =	vst v11  }
0x1d6: {  	v11 =	vbroadcast v2, $0x3;
	v17 =	vld [tilespmem:s16+$0xFFFFFE80];
	v12 =	vmul.f32 v12, v9;
	[tilespmem:s16+$0xFFFFFF60] =	vst v7  }
0x1d7: {  	v7 =	vld [tilespmem:s16+$0xFFFFFE70];
	v9 =	vmul.f32 v15, v9;
	[tilespmem:s16+$0xFFFFFF10] =	vst v8  }
0x1d8: {  	v8 =	vld [tilespmem:s16+$0xFFFFFE60];
	v3 =	vmul.f32 v14, v11;
	[tilespmem:s16+$0xFFFFFF20] =	vst v13  }
0x1d9: {  	v13 =	vld [tilespmem:s16+$0xFFFFFE50];
	v6 =	vmul.f32 v6, v11;
	[tilespmem:s16+$0xFFFFFEF0] =	vst v5  }
0x1da: {  	v5 =	vld [tilespmem:s16+$0xFFFFFE40];
	v10 =	vmul.f32 v10, v11;
	[tilespmem:s16+$0xFFFFFEE0] =	vst v4  }
0x1db: {  	v4 =	vbroadcast v2, $0x2;
	v14 =	vld [tilespmem:s16+$0xFFFFFE30];
	v15 =	vmul.f32 v17, v11;
	[tilespmem:s16+$0xFFFFFF00] =	vst v16  }
0x1dc: {  	v16 =	vld [tilespmem:s16+$0xFFFFFE20];
	v7 =	vmul.f32 v7, v11;
	[tilespmem:s16+$0xFFFFFEC0] =	vst v9  }
0x1dd: {  	v9 =	vld [tilespmem:s16+$0xFFFFFE10];
	v8 =	vmul.f32 v8, v4;
	[tilespmem:s16+$0xFFFFFED0] =	vst v12  }
0x1de: {  	v11 =	vld [tilespmem:s16+$0xFFFFFE00];
	v12 =	vmul.f32 v13, v4;
	[tilespmem:s16+$0xFFFFFEA0] =	vst v6  }
0x1df: {  	v6 =	vld [tilespmem:s16+$0xFFFFFDF0];
	v5 =	vmul.f32 v5, v4;
	[tilespmem:s16+$0xFFFFFE90] =	vst v10  }
0x1e0: {  	v10 =	vbroadcast v2, $0x1;
	v13 =	vld [tilespmem:s16+$0xFFFFFDE0];
	v14 =	vmul.f32 v14, v4;
	[tilespmem:s16+$0xFFFFFE80] =	vst v15  }
0x1e1: {  	v15 =	vld [tilespmem:s16+$0xFFFFFDD0];
	v4 =	vmul.f32 v16, v4;
	[tilespmem:s16+$0xFFFFFE70] =	vst v7  }
0x1e2: {  	v7 =	vld [tilespmem:s16+$0xFFFFFDC0];
	v9 =	vmul.f32 v9, v10;
	[tilespmem:s16+$0xFFFFFE60] =	vst v8  }
0x1e3: {  	v8 =	vld [tilespmem:s16+$0xFFFFFDB0];
	v11 =	vmul.f32 v11, v10;
	[tilespmem:s16+$0xFFFFFE50] =	vst v12  }
0x1e4: {  	v16 =	vld [tilespmem:s16+$0xFFFFFDA0];
	v17 =	vmul.f32 v6, v10;
	[tilespmem:s16+$0xFFFFFE40] =	vst v5  }
0x1e5: {  	v18 =	vbroadcast v2, $0x0;
	v19 =	vld [tilespmem:s16+$0xFFFFFD90];
	v20 =	vmul.f32 v13, v10;
	[tilespmem:s16+$0xFFFFFE30] =	vst v14  }
0x1e6: {  	v6 =	vbroadcast v2, $0xF;
	v21 =	vld [tilespmem:s16+$0xFFFFFD80];
	v15 =	vmul.f32 v15, v10;
	[tilespmem:s16+$0xFFFFFE20] =	vst v4  }
0x1e7: {  	v4 =	vbroadcast v2, $0xE;
	v12 =	vmul.f32 v7, v18;
	[tilespmem:s16+$0xFFFFFE10] =	vst v9  }
.Ltmp11:
0x1e8: {  	v5 =	vbroadcast v2, $0xD;
	v8 =	vmul.f32 v8, v18;
	[tilespmem:s16+$0xFFFFFE00] =	vst v11;
	v13 =	vld [tilespmem:s16+$0x270];
	(pc) =	sbr.rel @p1 .LBB2_14-.Ltmp11, $4  }
0x1e9: {  	v2 =	vbroadcast v2, $0xC;
	v10 =	vmul.f32 v16, v18;
	[tilespmem:s16+$0xFFFFFDF0] =	vst v17;
	v7 =	vld [tilespmem:s16+$0x260]  }
0x1ea: {  	v0 =	vmul.f32 v0, v4;
	v11 =	vmul.f32 v19, v18;
	[tilespmem:s16+$0xFFFFFDE0] =	vst v20;
	v14 =	vld [tilespmem:s16+$0x250]  }
0x1eb: {  	v9 =	vmul.f32 v18, v21;
	[tilespmem:s16+$0xFFFFFDD0] =	vst v15;
	v15 =	vmul.f32 v1, v2;
	v1 =	vld [tilespmem:s16+$0x240]  }
0x1ec: {  	s3 =	smov.u32 s17;
	[tilespmem:s16+$0x210] =	vst v0;
	v0 =	vld [tilespmem:s16+$0x230]  }
0x1ed: {  	[tilespmem:s15+$0xFFFFFDC0] =	vst v12  }
0x1ee: {  	[tilespmem:s15+$0x140] =	vst v15  }
0x1ef: {  	[tilespmem:s15+$0xFFFFFDB0] =	vst v8  }
0x1f0: {  	[tilespmem:s15+$0xFFFFFDA0] =	vst v10  }
0x1f1: {  	[tilespmem:s15+$0xFFFFFD90] =	vst v11  }
0x1f2: {  	v42 =	vld [tilespmem:s15+$0x190];
	v13 =	vmul.f32 v13, v6;
	[tilespmem:s15+$0xFFFFFD80] =	vst v9  }
0x1f3: {  	v43 =	vld [tilespmem:s15+$0x200];
	[tilespmem:s15+$0xFFFFFEB0] =	vst v3;
	v51 =	vmul.f32 v7, v6  }
0x1f4: {  	v44 =	vld [tilespmem:s15+$0x1F0];
	v14 =	vmul.f32 v14, v6;
	[tilespmem:s15+$0x270] =	vst v13  }
0x1f5: {  	v45 =	vld [tilespmem:s15+$0x1E0];
	v1 =	vmul.f32 v1, v6;
	[tilespmem:s15+$0x260] =	vst v51  }
0x1f6: {  	v46 =	vld [tilespmem:s15+$0x1D0];
	v0 =	vmul.f32 v0, v6;
	[tilespmem:s15+$0x250] =	vst v14  }
0x1f7: {  	v47 =	vld [tilespmem:s15+$0x1C0];
	v15 =	vmul.f32 v42, v5;
	[tilespmem:s15+$0x240] =	vst v1  }
0x1f8: {  	v48 =	vld [tilespmem:s15+$0x1B0];
	v53 =	vmul.f32 v43, v4;
	[tilespmem:s15+$0x230] =	vst v0  }
0x1f9: {  	v49 =	vld [tilespmem:s15+$0x1A0];
	v54 =	vmul.f32 v44, v4;
	[tilespmem:s15+$0x190] =	vst v15  }
0x1fa: {  	v57 =	vld [tilespmem:s15+$0x160];
	v55 =	vmul.f32 v45, v4;
	[tilespmem:s15+$0x200] =	vst v53  }
0x1fb: {  	v41 =	vld [tilespmem:s15+$0x220];
	v56 =	vmul.f32 v46, v5;
	[tilespmem:s15+$0x1F0] =	vst v54  }
0x1fc: {  	v60 =	vld [tilespmem:s15+$0x150];
	v58 =	vmul.f32 v47, v5;
	[tilespmem:s15+$0x1E0] =	vst v55  }
0x1fd: {  	v52 =	vld [tilespmem:s15+$0x170];
	v59 =	vmul.f32 v48, v5;
	[tilespmem:s15+$0x1D0] =	vst v56  }
0x1fe: {  	v50 =	vld [tilespmem:s15+$0x180];
	s3 =	smul.u32 $0x2FA0BE83, s7;
	v3 =	vmul.f32 v49, v5;
	[tilespmem:s15+$0x1C0] =	vst v58  }
0x1ff: {  	v61 =	vmul.f32 v57, v2;
	[tilespmem:s15+$0x1B0] =	vst v59  }
0x200: {  	s3 =	sadd.s32 $0x2FA0BE82, s3;
	v62 =	vmul.f32 v41, v4;
	[tilespmem:s15+$0x1A0] =	vst v3  }
0x201: {  	p1 =	sgt.u32 s3, $0x5F417CF;
	v63 =	vmul.f32 v60, v2;
	[tilespmem:s15+$0x160] =	vst v61  }
0x202: {  	s3 =	smulhi.u32 @!p1 $0x2FA0BE83, s7;
	v1 =	vmul.f32 v52, v2;
	[tilespmem:s15+$0x220] =	vst v62  }
0x203: {  	v0 =	vmul.f32 v50, v2;
	[tilespmem:s15+$0x150] =	vst v63  }
0x204: {  	s3 =	sshrl.u32 @!p1 s3, $0x3;
	[tilespmem:s15+$0x170] =	vst v1  }
0x205: {  	s3 =	smul.u32 @!p1 $0x2710, s3;
	[tilespmem:s15+$0x180] =	vst v0  }
0x206: {  	[spmem:s5] =	stream.indirect.scatter.add.f32 [tilespmem:s29], [sflag:$0x3], $0x50, s28, s24, $0xb8;
	[tilespmem:$0x1FA90] =	vst v63  }
0x207: {  	s3 =	sadd.s32 @!p1 s11, s3;
	_ =	swait.ge [sflag:s21], $0x9600  }
0x208: {  	s3 =	smul.u32 @!p1 $0xA, s3;
	[sflag:s21] =	ssyncset.done $0x0  }
0x209: {  	[sflag:s21] =	ssyncadd.s32 $0xFFFF6A00  }
0x20a: {  	s4 =	sshrl.u32 @!p1 s12, $0x3;
	s3 =	sadd.s32 @!p1 s9, s3;
	[bflag:$0x0] =	sbarrier.arrive @!p1 $0xFFFF  }
0x20b: {  	[hbm:s3], [sflag:s14] =	dma.local @!p1 [spmem:s4], $0x186A  }
0x20c: {  	s3 =	simm.s32 @!p1 $0x3  }
0x20d: {  	_ =	swait.ge @!p1 [sflag:s3], $0x186A  }
0x20e: {  	[sflag:s3] =	ssyncset.done @!p1 $0x0  }
0x20f: {  	[sflag:s3] =	ssyncadd.s32 @!p1 $0xFFFFE796  }
0x210: {  	[spmem:s4], [sflag:s14] =	dma.local @!p1 [hbm:s13], $0x186A  }
.Ltmp12:
0x211: {  	_ =	swait.ge @!p1 [sflag:s3], $0x186A;
	(pc) =	sbr.rel .LBB2_16-.Ltmp12, $3  }
0x212: {  	[sflag:s3] =	ssyncset.done @!p1 $0x0  }
0x213: {  	[sflag:s3] =	ssyncadd.s32 @!p1 $0xFFFFE796  }
0x214: {  	[bflag:$0x0] =	sbarrier.arrive @!p1 $0xFFFF;
	_ =	sdelay $0x1  }
.LBB2_18:
0x215: {  	_ =	sfence.sel $0x180000  }
0x216: {  	[bflag:$0x0] =	sbarrier.arrive $0xFFFF  }
0x217: {  	_ =	strace $0x9000004A  }
0x218: {  	s0 =	stileid.u32;
	[bflag:$0x2] =	sbarrier.arrive $0xFFFF  }
0x219: {  	p0 =	sne.s32 s0, $0x0;
	s0 =	rddreg [dreg:$0x7]  }
0x21a: {  	s0 =	sadd.s32 @!p0 $0x100000, s0  }
0x21b: {  	[sflag:s0] =	ssyncadd.tile.s32 @!p0 $0x1;
	_ =	shalt  }
.Lfunc_end2:
_tile_overlayer_lowered:
.L_overlay_start_2:
0x21c: {  	(tag) =	ssettag $0x2  }
0x21d: {  	s0 =	rddreg [dreg:$0x0];
	s2 =	stileid.u32  }
0x21e: {  	s1 =	rddreg [dreg:$0x1];
	p0 =	sne.s32 s2, $0x0  }
0x21f: {  	s3 =	rddreg [dreg:$0x2];
	[bflag:$0x3] =	sbarrier.arrive $0xFFFF;
	s2 =	simm.s32 @!p0 $0x1C03  }
0x220: {  	[timem:s3], [sflag:s2] =	dma.local @!p0 [hbm:s0], s1  }
0x221: {  	s0 =	simm.s32 @!p0 $0x3  }
0x222: {  	_ =	swait.ge @!p0 [sflag:s0], s1  }
0x223: {  	s1 =	ssub.s32 @!p0 $0x0, s1;
	[sflag:s0] =	ssyncset.done @!p0 $0x0  }
0x224: {  	[sflag:s0] =	ssyncadd.s32 @!p0 s1  }
0x225: {  	[bflag:$0x3] =	sbarrier.arrive $0xFFFF  }
0x226: {  	_ =	shalt  }

</sc_bundles>
